<compile_context>
chip_gen: v7x
topology: tpu7x:2x2x1
jax: 0.10.2.dev20260603
libtpu: 0.0.44.dev20260713+nightly
codegen_flags: <defaults>
</compile_context>

<pallas_src>
import functools

import jax
import jax.numpy as jnp
from jax import lax
from jax.experimental import pallas as pl
from jax.experimental.pallas import tpu as pltpu
from jax.experimental.pallas import tpu_sc as plsc

_VOCAB = 1000000
_EMBED = 64
_BATCH = 16384
_SEQ = 50

_NC = 2
_NS = 16
_NW = _NC * _NS
_CHUNK = 128
_NBLK = _BATCH // _CHUNK
_UNITS = _SEQ * _NBLK
_UPW = _UNITS // _NW
_NBUF = 4
_NGRP = _UPW // _NBUF

_mesh = plsc.VectorSubcoreMesh(core_axis_name="c", subcore_axis_name="s")


@functools.partial(
    pl.kernel,
    mesh=_mesh,
    out_type=jax.ShapeDtypeStruct((_SEQ, 8, _NBLK, 8, _CHUNK), jnp.float32),
    scratch_types=(
        [pltpu.VMEM((_UPW, _CHUNK), jnp.int32)]
        + [pltpu.VMEM((_CHUNK, 128), jnp.float32)] * _NBUF
        + [pltpu.VMEM((_EMBED, _CHUNK), jnp.float32)] * _NBUF
        + [pltpu.SemaphoreType.DMA] * _NBUF
        + [pltpu.SemaphoreType.DMA] * _NBUF
    ),
    compiler_params=pltpu.CompilerParams(use_tc_tiling_on_sc=False,
                                         needs_layout_passes=False,
                                         disable_bounds_checks=True),
)
def _sc_gather(idx_hbm, table_hbm, out_hbm, idx_v,
               g0, g1, g2, g3, t0, t1, t2, t3,
               gs0, gs1, gs2, gs3, ss0, ss1, ss2, ss3):
    gbuf = (g0, g1, g2, g3)
    tbuf = (t0, t1, t2, t3)
    gsem = (gs0, gs1, gs2, gs3)
    ssem = (ss0, ss1, ss2, ss3)
    wid = lax.axis_index("s") * _NC + lax.axis_index("c")
    ubase = wid * _UPW

    pltpu.sync_copy(idx_hbm.at[wid], idx_v)

    iot = lax.iota(jnp.int32, 16)
    rows16 = [iot + r0 for r0 in range(0, _CHUNK, 16)]

    def _start_gather(t, b):
        pltpu.make_async_copy(table_hbm.at[idx_v.at[t]], gbuf[b],
                              gsem[b]).start()

    def _wait_gather(t, b):
        pltpu.make_async_copy(table_hbm.at[idx_v.at[t]], gbuf[b],
                              gsem[b]).wait()

    def _transpose(b):
        def _j(j, carry):
            diag = (iot + j) & 15
            cols = [diag + e0 for e0 in range(0, _EMBED, 16)]
            for blk in range(32):
                rv = rows16[blk % 8]
                cv = cols[blk // 8]
                v = plsc.load_gather(gbuf[b], [rv, cv])
                plsc.store_scatter(tbuf[b], [cv, rv], v)
            return carry

        lax.fori_loop(0, 16, _j, 0)

    def _store_parts(t, b):
        u = ubase + t
        s = u // _NBLK
        bhi = u % _NBLK
        for ehi in range(8):
            yield (tbuf[b].at[pl.ds(ehi * 8, 8)],
                   out_hbm.at[s, ehi, bhi])

    def _start_store(t, b):
        for src, dst in _store_parts(t, b):
            pltpu.make_async_copy(src, dst, ssem[b]).start()

    def _wait_store(t, b):
        for src, dst in _store_parts(t, b):
            pltpu.make_async_copy(src, dst, ssem[b]).wait()

    for b in range(_NBUF):
        _start_gather(b, b)

    def _group(g, carry):
        for b in range(_NBUF):
            t = g * _NBUF + b
            _wait_gather(t, b)

            @pl.when(g > 0)
            def _():
                _wait_store(t - _NBUF, b)

            _transpose(b)
            _start_store(t, b)

            @pl.when(g < _NGRP - 1)
            def _():
                _start_gather(t + _NBUF, b)
        return carry

    lax.fori_loop(0, _NGRP, _group, 0)

    for b in range(_NBUF):
        _wait_store((_NGRP - 1) * _NBUF + b, b)


def kernel(vocab_word_idx, vocab_embedding_table):
    idx = (vocab_word_idx.astype(jnp.int32).T
           .reshape(_SEQ, _NBLK, _CHUNK)
           .reshape(_NW, _UPW, _CHUNK))
    table_pad = jnp.pad(vocab_embedding_table, ((0, 0), (0, 64)))
    out = _sc_gather(idx, table_pad)
    return jnp.transpose(out, (2, 4, 0, 1, 3)).reshape(_BATCH, _SEQ, _EMBED)

# --- scband reference (transcript-rebuilt; emitter-appended) ---
"""Pipeline reference for scband-embedding-with-obfuscation-78872779424298 (READ-ONLY COPY).

The authoritative reference and input builder live on the scoring server;
editing this copy changes nothing except your own understanding.
"""

import jax, jax.numpy as jnp
import numpy as np

VOCAB = 1000000
EMBED_DIM = 64
BATCH = 16384
SEQ = 50
PAD_IDX = 0


def setup_inputs(seed: int = 0) -> dict:
    key = jax.random.key(seed)
    k_idx, k_tab = jax.random.split(key)
    # vocab_word_idx per input_specs: randint in [0, VOCAB)
    vocab_word_idx = jax.random.randint(k_idx, (BATCH, SEQ), 0, VOCAB)
    # learned parameter: vocab embedding table (nn.Embedding weight), padding row zeroed
    vocab_embedding_table = jax.random.normal(k_tab, (VOCAB, EMBED_DIM), dtype=jnp.float32)
    vocab_embedding_table = vocab_embedding_table.at[PAD_IDX].set(0.0)
    return {"vocab_word_idx": vocab_word_idx, "vocab_embedding_table": vocab_embedding_table}


def reference(vocab_word_idx, vocab_embedding_table):
    # Config: obfuscation_type='none', use_vocab=True, use_hashing_trick=False.
    # Forward path: vocab_words_embeddings = dropout(vocab_embedding_layer(vocab_word_idx)).
    # Eval-mode dropout is the identity, so this is a pure embedding gather.
    vocab_words_embeddings = jnp.take(vocab_embedding_table, vocab_word_idx, axis=0)
    non_obfuscated_words_embeddings = vocab_words_embeddings
    final_words_embeddings = non_obfuscated_words_embeddings
    assert final_words_embeddings.shape == vocab_word_idx.shape + (EMBED_DIM,)
    return final_words_embeddings

if __name__ == "__main__":
    import jax
    _d = setup_inputs()
    print(jax.jit(kernel)(*tuple(_d.values())))

</pallas_src>

<mosaic_0001>
#map = affine_map<(d0, d1) -> (0, 0, 0)>
#map1 = affine_map<(d0, d1) -> (0, 0)>
#map2 = affine_map<(d0, d1) -> (0, 0, 0, 0, 0)>
module attributes {stable_mosaic.version = 14 : i64} {
  func.func @_sc_gather(%arg0: i32, %arg1: i32, %arg2: memref<32x200x128xi32, #tpu.memory_space<hbm>>, %arg3: memref<1000000x128xf32, #tpu.memory_space<hbm>>, %arg4: memref<50x8x128x8x128xf32, #tpu.memory_space<hbm>>, %arg5: memref<200x128xi32, #tpu.memory_space<vmem>>, %arg6: memref<128x128xf32, #tpu.memory_space<vmem>>, %arg7: memref<128x128xf32, #tpu.memory_space<vmem>>, %arg8: memref<128x128xf32, #tpu.memory_space<vmem>>, %arg9: memref<128x128xf32, #tpu.memory_space<vmem>>, %arg10: memref<64x128xf32, #tpu.memory_space<vmem>>, %arg11: memref<64x128xf32, #tpu.memory_space<vmem>>, %arg12: memref<64x128xf32, #tpu.memory_space<vmem>>, %arg13: memref<64x128xf32, #tpu.memory_space<vmem>>, %arg14: memref<!tpu.dma_semaphore, #tpu.memory_space<semaphore_mem>>, %arg15: memref<!tpu.dma_semaphore, #tpu.memory_space<semaphore_mem>>, %arg16: memref<!tpu.dma_semaphore, #tpu.memory_space<semaphore_mem>>, %arg17: memref<!tpu.dma_semaphore, #tpu.memory_space<semaphore_mem>>, %arg18: memref<!tpu.dma_semaphore, #tpu.memory_space<semaphore_mem>>, %arg19: memref<!tpu.dma_semaphore, #tpu.memory_space<semaphore_mem>>, %arg20: memref<!tpu.dma_semaphore, #tpu.memory_space<semaphore_mem>>, %arg21: memref<!tpu.dma_semaphore, #tpu.memory_space<semaphore_mem>>) attributes {dimension_semantics = [#tpu.dimension_semantics<core_parallel>, #tpu.dimension_semantics<subcore_parallel>], iteration_bounds = array<i64: 2, 16>, scalar_prefetch = 0 : i64, scratch_operands = 17 : i64, tpu.core_type = #tpu.core_type<sc_vector_subcore>, window_params = [{transform_indices = #map}, {transform_indices = #map1}, {transform_indices = #map2}]} {
    %mul3A = arith.constant 2 : i32
    %mul3A_0 = arith.muli %arg1, %mul3A : i32
    %add3A = arith.addi %mul3A_0, %arg0 : i32
    %mul3A_1 = arith.constant 200 : i32
    %mul3A_2 = arith.muli %add3A, %mul3A_1 : i32
    "tpu.region"() ({
      %run_scoped3A = tpu.sem_alloc : memref<!tpu.dma_semaphore, #tpu.memory_space<semaphore_mem>>
      %dma_start3A_696 = arith.constant 0 : i32
      %dma_start3A_697 = arith.constant 0 : i32
      %dma_start3A_698 = tpu.memref_slice %arg2[%add3A, %dma_start3A_696, %dma_start3A_697] : memref<32x200x128xi32, #tpu.memory_space<hbm>> -> memref<1x200x128xi32, #tpu.memory_space<hbm>>
      %dma_start3A_699 = tpu.memref_squeeze %dma_start3A_698 : memref<1x200x128xi32, #tpu.memory_space<hbm>> -> memref<200x128xi32, #tpu.memory_space<hbm>>
      %dma_start3A_700 = arith.constant 0 : i32
      %dma_start3A_701 = arith.constant 0 : i32
      %dma_start3A_702 = tpu.memref_slice %arg2[%add3A, %dma_start3A_700, %dma_start3A_701] : memref<32x200x128xi32, #tpu.memory_space<hbm>> -> memref<1x200x128xi32, #tpu.memory_space<hbm>>
      %dma_start3A_703 = tpu.memref_squeeze %dma_start3A_702 : memref<1x200x128xi32, #tpu.memory_space<hbm>> -> memref<200x128xi32, #tpu.memory_space<hbm>>
      tpu.enqueue_dma source(%dma_start3A_703 : memref<200x128xi32, #tpu.memory_space<hbm>>) target(%arg5 : memref<200x128xi32, #tpu.memory_space<vmem>>) target_semaphore(%run_scoped3A : memref<!tpu.dma_semaphore, #tpu.memory_space<semaphore_mem>>)
      %dma_wait3A_704 = arith.constant 0 : i32
      %dma_wait3A_705 = arith.constant 0 : i32
      %dma_wait3A_706 = tpu.memref_slice %arg2[%add3A, %dma_wait3A_704, %dma_wait3A_705] : memref<32x200x128xi32, #tpu.memory_space<hbm>> -> memref<1x200x128xi32, #tpu.memory_space<hbm>>
      %dma_wait3A_707 = tpu.memref_squeeze %dma_wait3A_706 : memref<1x200x128xi32, #tpu.memory_space<hbm>> -> memref<200x128xi32, #tpu.memory_space<hbm>>
      %dma_wait3A_708 = arith.constant 0 : i32
      %dma_wait3A_709 = arith.constant 0 : i32
      %dma_wait3A_710 = tpu.memref_slice %arg2[%add3A, %dma_wait3A_708, %dma_wait3A_709] : memref<32x200x128xi32, #tpu.memory_space<hbm>> -> memref<1x200x128xi32, #tpu.memory_space<hbm>>
      %dma_wait3A_711 = tpu.memref_squeeze %dma_wait3A_710 : memref<1x200x128xi32, #tpu.memory_space<hbm>> -> memref<200x128xi32, #tpu.memory_space<hbm>>
      tpu.wait_dma2 semaphore(%run_scoped3A : memref<!tpu.dma_semaphore, #tpu.memory_space<semaphore_mem>>) src(%dma_wait3A_711 : memref<200x128xi32, #tpu.memory_space<hbm>>) dst(%arg5 : memref<200x128xi32, #tpu.memory_space<vmem>>)
      tpu.yield
    }) : () -> ()
    %iota3A = tpu.iota {dimensions = array<i32: 0>} : vector<16xi32>
    %add3A_3 = arith.constant 0 : i32
    %add3A_4 = vector.broadcast %add3A_3 : i32 to vector<16xi32>
    %add3A_5 = arith.addi %iota3A, %add3A_4 : vector<16xi32>
    %add3A_6 = arith.constant 16 : i32
    %add3A_7 = vector.broadcast %add3A_6 : i32 to vector<16xi32>
    %add3A_8 = arith.addi %iota3A, %add3A_7 : vector<16xi32>
    %add3A_9 = arith.constant 32 : i32
    %add3A_10 = vector.broadcast %add3A_9 : i32 to vector<16xi32>
    %add3A_11 = arith.addi %iota3A, %add3A_10 : vector<16xi32>
    %add3A_12 = arith.constant 48 : i32
    %add3A_13 = vector.broadcast %add3A_12 : i32 to vector<16xi32>
    %add3A_14 = arith.addi %iota3A, %add3A_13 : vector<16xi32>
    %add3A_15 = arith.constant 64 : i32
    %add3A_16 = vector.broadcast %add3A_15 : i32 to vector<16xi32>
    %add3A_17 = arith.addi %iota3A, %add3A_16 : vector<16xi32>
    %add3A_18 = arith.constant 80 : i32
    %add3A_19 = vector.broadcast %add3A_18 : i32 to vector<16xi32>
    %add3A_20 = arith.addi %iota3A, %add3A_19 : vector<16xi32>
    %add3A_21 = arith.constant 96 : i32
    %add3A_22 = vector.broadcast %add3A_21 : i32 to vector<16xi32>
    %add3A_23 = arith.addi %iota3A, %add3A_22 : vector<16xi32>
    %add3A_24 = arith.constant 112 : i32
    %add3A_25 = vector.broadcast %add3A_24 : i32 to vector<16xi32>
    %add3A_26 = arith.addi %iota3A, %add3A_25 : vector<16xi32>
    %dma_start3A = arith.constant 0 : i32
    %dma_start3A_27 = arith.constant 0 : i32
    %dma_start3A_28 = tpu.memref_slice %arg5[%dma_start3A, %dma_start3A_27] : memref<200x128xi32, #tpu.memory_space<vmem>> -> memref<1x128xi32, #tpu.memory_space<vmem>>
    %dma_start3A_29 = tpu.memref_squeeze %dma_start3A_28 : memref<1x128xi32, #tpu.memory_space<vmem>> -> memref<128xi32, #tpu.memory_space<vmem>>
    %dma_start3A_30 = arith.constant 0 : i32
    %dma_start3A_31 = arith.constant 0 : i32
    %dma_start3A_32 = tpu.memref_slice %arg3[%dma_start3A_30, %dma_start3A_31] : memref<1000000x128xf32, #tpu.memory_space<hbm>> -> memref<1000000x128xf32, #tpu.memory_space<hbm>>
    tpu.enqueue_indirect_dma source(%dma_start3A_32 : memref<1000000x128xf32, #tpu.memory_space<hbm>>) target(%arg6 : memref<128x128xf32, #tpu.memory_space<vmem>>) offsets(%dma_start3A_29 : memref<128xi32, #tpu.memory_space<vmem>>) semaphore(%arg14 : memref<!tpu.dma_semaphore, #tpu.memory_space<semaphore_mem>>)
    %dma_start3A_33 = arith.constant 1 : i32
    %dma_start3A_34 = arith.constant 0 : i32
    %dma_start3A_35 = tpu.memref_slice %arg5[%dma_start3A_33, %dma_start3A_34] : memref<200x128xi32, #tpu.memory_space<vmem>> -> memref<1x128xi32, #tpu.memory_space<vmem>>
    %dma_start3A_36 = tpu.memref_squeeze %dma_start3A_35 : memref<1x128xi32, #tpu.memory_space<vmem>> -> memref<128xi32, #tpu.memory_space<vmem>>
    %dma_start3A_37 = arith.constant 0 : i32
    %dma_start3A_38 = arith.constant 0 : i32
    %dma_start3A_39 = tpu.memref_slice %arg3[%dma_start3A_37, %dma_start3A_38] : memref<1000000x128xf32, #tpu.memory_space<hbm>> -> memref<1000000x128xf32, #tpu.memory_space<hbm>>
    tpu.enqueue_indirect_dma source(%dma_start3A_39 : memref<1000000x128xf32, #tpu.memory_space<hbm>>) target(%arg7 : memref<128x128xf32, #tpu.memory_space<vmem>>) offsets(%dma_start3A_36 : memref<128xi32, #tpu.memory_space<vmem>>) semaphore(%arg15 : memref<!tpu.dma_semaphore, #tpu.memory_space<semaphore_mem>>)
    %dma_start3A_40 = arith.constant 2 : i32
    %dma_start3A_41 = arith.constant 0 : i32
    %dma_start3A_42 = tpu.memref_slice %arg5[%dma_start3A_40, %dma_start3A_41] : memref<200x128xi32, #tpu.memory_space<vmem>> -> memref<1x128xi32, #tpu.memory_space<vmem>>
    %dma_start3A_43 = tpu.memref_squeeze %dma_start3A_42 : memref<1x128xi32, #tpu.memory_space<vmem>> -> memref<128xi32, #tpu.memory_space<vmem>>
    %dma_start3A_44 = arith.constant 0 : i32
    %dma_start3A_45 = arith.constant 0 : i32
    %dma_start3A_46 = tpu.memref_slice %arg3[%dma_start3A_44, %dma_start3A_45] : memref<1000000x128xf32, #tpu.memory_space<hbm>> -> memref<1000000x128xf32, #tpu.memory_space<hbm>>
    tpu.enqueue_indirect_dma source(%dma_start3A_46 : memref<1000000x128xf32, #tpu.memory_space<hbm>>) target(%arg8 : memref<128x128xf32, #tpu.memory_space<vmem>>) offsets(%dma_start3A_43 : memref<128xi32, #tpu.memory_space<vmem>>) semaphore(%arg16 : memref<!tpu.dma_semaphore, #tpu.memory_space<semaphore_mem>>)
    %dma_start3A_47 = arith.constant 3 : i32
    %dma_start3A_48 = arith.constant 0 : i32
    %dma_start3A_49 = tpu.memref_slice %arg5[%dma_start3A_47, %dma_start3A_48] : memref<200x128xi32, #tpu.memory_space<vmem>> -> memref<1x128xi32, #tpu.memory_space<vmem>>
    %dma_start3A_50 = tpu.memref_squeeze %dma_start3A_49 : memref<1x128xi32, #tpu.memory_space<vmem>> -> memref<128xi32, #tpu.memory_space<vmem>>
    %dma_start3A_51 = arith.constant 0 : i32
    %dma_start3A_52 = arith.constant 0 : i32
    %dma_start3A_53 = tpu.memref_slice %arg3[%dma_start3A_51, %dma_start3A_52] : memref<1000000x128xf32, #tpu.memory_space<hbm>> -> memref<1000000x128xf32, #tpu.memory_space<hbm>>
    tpu.enqueue_indirect_dma source(%dma_start3A_53 : memref<1000000x128xf32, #tpu.memory_space<hbm>>) target(%arg9 : memref<128x128xf32, #tpu.memory_space<vmem>>) offsets(%dma_start3A_50 : memref<128xi32, #tpu.memory_space<vmem>>) semaphore(%arg17 : memref<!tpu.dma_semaphore, #tpu.memory_space<semaphore_mem>>)
    %scan3A = arith.constant 0 : i32
    %scan3A_54 = arith.constant 0 : i32
    %scan3A_55 = arith.constant 50 : i32
    %scan3A_56 = arith.addi %scan3A_54, %scan3A_55 : i32
    %scan3A_57 = arith.constant 1 : i32
    scf.for %scan3A_696 = %scan3A_54 to %scan3A_56 step %scan3A_57  : i32 {
      %mul3A_697 = arith.constant 4 : i32
      %mul3A_698 = arith.muli %scan3A_696, %mul3A_697 : i32
      %add3A_699 = arith.constant 0 : i32
      %add3A_700 = arith.addi %mul3A_698, %add3A_699 : i32
      %dma_wait3A_701 = arith.constant 0 : i32
      %dma_wait3A_702 = tpu.memref_slice %arg5[%add3A_700, %dma_wait3A_701] : memref<200x128xi32, #tpu.memory_space<vmem>> -> memref<1x128xi32, #tpu.memory_space<vmem>>
      %dma_wait3A_703 = tpu.memref_squeeze %dma_wait3A_702 : memref<1x128xi32, #tpu.memory_space<vmem>> -> memref<128xi32, #tpu.memory_space<vmem>>
      %dma_wait3A_704 = arith.constant 0 : i32
      %dma_wait3A_705 = arith.constant 0 : i32
      %dma_wait3A_706 = tpu.memref_slice %arg3[%dma_wait3A_704, %dma_wait3A_705] : memref<1000000x128xf32, #tpu.memory_space<hbm>> -> memref<1000000x128xf32, #tpu.memory_space<hbm>>
      tpu.wait_indirect_dma semaphore(%arg14 : memref<!tpu.dma_semaphore, #tpu.memory_space<semaphore_mem>>) src(%dma_wait3A_706 : memref<1000000x128xf32, #tpu.memory_space<hbm>>) dst(%arg6 : memref<128x128xf32, #tpu.memory_space<vmem>>)
      %gt3A = arith.constant 0 : i32
      %gt3A_707 = arith.cmpi sgt, %scan3A_696, %gt3A : i32
      %convert_element_type3A = arith.extui %gt3A_707 : i1 to i32
      %cond3A = arith.constant 0 : i32
      %cond3A_708 = arith.cmpi ne, %convert_element_type3A, %cond3A : i32
      scf.if %cond3A_708 {
        %sub3A_1442 = arith.constant 4 : i32
        %sub3A_1443 = arith.subi %add3A_700, %sub3A_1442 : i32
        %add3A_1444 = arith.addi %mul3A_2, %sub3A_1443 : i32
        %jit3A_1445 = arith.constant 128 : i32
        %div3A_1446 = arith.divsi %add3A_1444, %jit3A_1445 : i32
        %sign3A_1447 = arith.constant 0 : i32
        %sign3A_1448 = arith.cmpi sgt, %add3A_1444, %sign3A_1447 : i32
        %sign3A_1449 = arith.extui %sign3A_1448 : i1 to i32
        %sign3A_1450 = arith.constant 0 : i32
        %sign3A_1451 = arith.cmpi slt, %add3A_1444, %sign3A_1450 : i32
        %sign3A_1452 = arith.extui %sign3A_1451 : i1 to i32
        %sign3A_1453 = arith.subi %sign3A_1449, %sign3A_1452 : i32
        %sign3A_1454 = arith.constant 0 : i32
        %sign3A_1455 = arith.cmpi sgt, %jit3A_1445, %sign3A_1454 : i32
        %sign3A_1456 = arith.extui %sign3A_1455 : i1 to i32
        %sign3A_1457 = arith.constant 0 : i32
        %sign3A_1458 = arith.cmpi slt, %jit3A_1445, %sign3A_1457 : i32
        %sign3A_1459 = arith.extui %sign3A_1458 : i1 to i32
        %sign3A_1460 = arith.subi %sign3A_1456, %sign3A_1459 : i32
        %ne3A_1461 = arith.cmpi ne, %sign3A_1453, %sign3A_1460 : i32
        %rem3A_1462 = arith.remsi %add3A_1444, %jit3A_1445 : i32
        %ne3A_1463 = arith.constant 0 : i32
        %ne3A_1464 = arith.cmpi ne, %rem3A_1462, %ne3A_1463 : i32
        %and3A_1465 = arith.andi %ne3A_1461, %ne3A_1464 : i1
        %sub3A_1466 = arith.constant 1 : i32
        %sub3A_1467 = arith.subi %div3A_1446, %sub3A_1466 : i32
        %select_n3A_1468 = arith.select %and3A_1465, %sub3A_1467, %div3A_1446 : i32
        %jit3A_1469 = arith.constant 128 : i32
        %eq3A_1470 = arith.constant 0 : i32
        %eq3A_1471 = arith.cmpi eq, %jit3A_1469, %eq3A_1470 : i32
        %jit3A_1472 = arith.constant 1 : i32
        %select_n3A_1473 = arith.select %eq3A_1471, %jit3A_1472, %jit3A_1469 : i32
        %rem3A_1474 = arith.remsi %add3A_1444, %select_n3A_1473 : i32
        %ne3A_1475 = arith.constant 0 : i32
        %ne3A_1476 = arith.cmpi ne, %rem3A_1474, %ne3A_1475 : i32
        %lt3A_1477 = arith.constant 0 : i32
        %lt3A_1478 = arith.cmpi slt, %rem3A_1474, %lt3A_1477 : i32
        %lt3A_1479 = arith.constant 0 : i32
        %lt3A_1480 = arith.cmpi slt, %select_n3A_1473, %lt3A_1479 : i32
        %ne3A_1481 = arith.xori %lt3A_1478, %lt3A_1480 : i1
        %and3A_1482 = arith.andi %ne3A_1481, %ne3A_1476 : i1
        %add3A_1483 = arith.addi %rem3A_1474, %select_n3A_1473 : i32
        %select_n3A_1484 = arith.select %and3A_1482, %add3A_1483, %rem3A_1474 : i32
        %dma_wait3A_1485 = arith.constant 0 : i32
        %dma_wait3A_1486 = arith.constant 0 : i32
        %dma_wait3A_1487 = arith.constant 0 : i32
        %dma_wait3A_1488 = tpu.memref_slice %arg10[%dma_wait3A_1486, %dma_wait3A_1487] : memref<64x128xf32, #tpu.memory_space<vmem>> -> memref<8x128xf32, #tpu.memory_space<vmem>>
        %dma_wait3A_1489 = arith.constant 0 : i32
        %dma_wait3A_1490 = arith.constant 0 : i32
        %dma_wait3A_1491 = tpu.memref_slice %arg4[%select_n3A_1468, %dma_wait3A_1485, %select_n3A_1484, %dma_wait3A_1489, %dma_wait3A_1490] : memref<50x8x128x8x128xf32, #tpu.memory_space<hbm>> -> memref<1x1x1x8x128xf32, #tpu.memory_space<hbm>>
        %dma_wait3A_1492 = tpu.memref_squeeze %dma_wait3A_1491 : memref<1x1x1x8x128xf32, #tpu.memory_space<hbm>> -> memref<8x128xf32, #tpu.memory_space<hbm>>
        %dma_wait3A_1493 = arith.constant 0 : i32
        %dma_wait3A_1494 = arith.constant 0 : i32
        %dma_wait3A_1495 = tpu.memref_slice %arg4[%select_n3A_1468, %dma_wait3A_1485, %select_n3A_1484, %dma_wait3A_1493, %dma_wait3A_1494] : memref<50x8x128x8x128xf32, #tpu.memory_space<hbm>> -> memref<1x1x1x8x128xf32, #tpu.memory_space<hbm>>
        %dma_wait3A_1496 = tpu.memref_squeeze %dma_wait3A_1495 : memref<1x1x1x8x128xf32, #tpu.memory_space<hbm>> -> memref<8x128xf32, #tpu.memory_space<hbm>>
        %dma_wait3A_1497 = arith.constant 0 : i32
        %dma_wait3A_1498 = arith.constant 0 : i32
        %dma_wait3A_1499 = tpu.memref_slice %arg10[%dma_wait3A_1497, %dma_wait3A_1498] : memref<64x128xf32, #tpu.memory_space<vmem>> -> memref<8x128xf32, #tpu.memory_space<vmem>>
        tpu.wait_dma2 semaphore(%arg18 : memref<!tpu.dma_semaphore, #tpu.memory_space<semaphore_mem>>) src(%dma_wait3A_1499 : memref<8x128xf32, #tpu.memory_space<vmem>>) dst(%dma_wait3A_1496 : memref<8x128xf32, #tpu.memory_space<hbm>>)
        %dma_wait3A_1500 = arith.constant 1 : i32
        %dma_wait3A_1501 = arith.constant 8 : i32
        %dma_wait3A_1502 = arith.constant 0 : i32
        %dma_wait3A_1503 = tpu.memref_slice %arg10[%dma_wait3A_1501, %dma_wait3A_1502] : memref<64x128xf32, #tpu.memory_space<vmem>> -> memref<8x128xf32, #tpu.memory_space<vmem>>
        %dma_wait3A_1504 = arith.constant 0 : i32
        %dma_wait3A_1505 = arith.constant 0 : i32
        %dma_wait3A_1506 = tpu.memref_slice %arg4[%select_n3A_1468, %dma_wait3A_1500, %select_n3A_1484, %dma_wait3A_1504, %dma_wait3A_1505] : memref<50x8x128x8x128xf32, #tpu.memory_space<hbm>> -> memref<1x1x1x8x128xf32, #tpu.memory_space<hbm>>
        %dma_wait3A_1507 = tpu.memref_squeeze %dma_wait3A_1506 : memref<1x1x1x8x128xf32, #tpu.memory_space<hbm>> -> memref<8x128xf32, #tpu.memory_space<hbm>>
        %dma_wait3A_1508 = arith.constant 0 : i32
        %dma_wait3A_1509 = arith.constant 0 : i32
        %dma_wait3A_1510 = tpu.memref_slice %arg4[%select_n3A_1468, %dma_wait3A_1500, %select_n3A_1484, %dma_wait3A_1508, %dma_wait3A_1509] : memref<50x8x128x8x128xf32, #tpu.memory_space<hbm>> -> memref<1x1x1x8x128xf32, #tpu.memory_space<hbm>>
        %dma_wait3A_1511 = tpu.memref_squeeze %dma_wait3A_1510 : memref<1x1x1x8x128xf32, #tpu.memory_space<hbm>> -> memref<8x128xf32, #tpu.memory_space<hbm>>
        %dma_wait3A_1512 = arith.constant 8 : i32
        %dma_wait3A_1513 = arith.constant 0 : i32
        %dma_wait3A_1514 = tpu.memref_slice %arg10[%dma_wait3A_1512, %dma_wait3A_1513] : memref<64x128xf32, #tpu.memory_space<vmem>> -> memref<8x128xf32, #tpu.memory_space<vmem>>
        tpu.wait_dma2 semaphore(%arg18 : memref<!tpu.dma_semaphore, #tpu.memory_space<semaphore_mem>>) src(%dma_wait3A_1514 : memref<8x128xf32, #tpu.memory_space<vmem>>) dst(%dma_wait3A_1511 : memref<8x128xf32, #tpu.memory_space<hbm>>)
        %dma_wait3A_1515 = arith.constant 2 : i32
        %dma_wait3A_1516 = arith.constant 16 : i32
        %dma_wait3A_1517 = arith.constant 0 : i32
        %dma_wait3A_1518 = tpu.memref_slice %arg10[%dma_wait3A_1516, %dma_wait3A_1517] : memref<64x128xf32, #tpu.memory_space<vmem>> -> memref<8x128xf32, #tpu.memory_space<vmem>>
        %dma_wait3A_1519 = arith.constant 0 : i32
        %dma_wait3A_1520 = arith.constant 0 : i32
        %dma_wait3A_1521 = tpu.memref_slice %arg4[%select_n3A_1468, %dma_wait3A_1515, %select_n3A_1484, %dma_wait3A_1519, %dma_wait3A_1520] : memref<50x8x128x8x128xf32, #tpu.memory_space<hbm>> -> memref<1x1x1x8x128xf32, #tpu.memory_space<hbm>>
        %dma_wait3A_1522 = tpu.memref_squeeze %dma_wait3A_1521 : memref<1x1x1x8x128xf32, #tpu.memory_space<hbm>> -> memref<8x128xf32, #tpu.memory_space<hbm>>
        %dma_wait3A_1523 = arith.constant 0 : i32
        %dma_wait3A_1524 = arith.constant 0 : i32
        %dma_wait3A_1525 = tpu.memref_slice %arg4[%select_n3A_1468, %dma_wait3A_1515, %select_n3A_1484, %dma_wait3A_1523, %dma_wait3A_1524] : memref<50x8x128x8x128xf32, #tpu.memory_space<hbm>> -> memref<1x1x1x8x128xf32, #tpu.memory_space<hbm>>
        %dma_wait3A_1526 = tpu.memref_squeeze %dma_wait3A_1525 : memref<1x1x1x8x128xf32, #tpu.memory_space<hbm>> -> memref<8x128xf32, #tpu.memory_space<hbm>>
        %dma_wait3A_1527 = arith.constant 16 : i32
        %dma_wait3A_1528 = arith.constant 0 : i32
        %dma_wait3A_1529 = tpu.memref_slice %arg10[%dma_wait3A_1527, %dma_wait3A_1528] : memref<64x128xf32, #tpu.memory_space<vmem>> -> memref<8x128xf32, #tpu.memory_space<vmem>>
        tpu.wait_dma2 semaphore(%arg18 : memref<!tpu.dma_semaphore, #tpu.memory_space<semaphore_mem>>) src(%dma_wait3A_1529 : memref<8x128xf32, #tpu.memory_space<vmem>>) dst(%dma_wait3A_1526 : memref<8x128xf32, #tpu.memory_space<hbm>>)
        %dma_wait3A_1530 = arith.constant 3 : i32
        %dma_wait3A_1531 = arith.constant 24 : i32
        %dma_wait3A_1532 = arith.constant 0 : i32
        %dma_wait3A_1533 = tpu.memref_slice %arg10[%dma_wait3A_1531, %dma_wait3A_1532] : memref<64x128xf32, #tpu.memory_space<vmem>> -> memref<8x128xf32, #tpu.memory_space<vmem>>
        %dma_wait3A_1534 = arith.constant 0 : i32
        %dma_wait3A_1535 = arith.constant 0 : i32
        %dma_wait3A_1536 = tpu.memref_slice %arg4[%select_n3A_1468, %dma_wait3A_1530, %select_n3A_1484, %dma_wait3A_1534, %dma_wait3A_1535] : memref<50x8x128x8x128xf32, #tpu.memory_space<hbm>> -> memref<1x1x1x8x128xf32, #tpu.memory_space<hbm>>
        %dma_wait3A_1537 = tpu.memref_squeeze %dma_wait3A_1536 : memref<1x1x1x8x128xf32, #tpu.memory_space<hbm>> -> memref<8x128xf32, #tpu.memory_space<hbm>>
        %dma_wait3A_1538 = arith.constant 0 : i32
        %dma_wait3A_1539 = arith.constant 0 : i32
        %dma_wait3A_1540 = tpu.memref_slice %arg4[%select_n3A_1468, %dma_wait3A_1530, %select_n3A_1484, %dma_wait3A_1538, %dma_wait3A_1539] : memref<50x8x128x8x128xf32, #tpu.memory_space<hbm>> -> memref<1x1x1x8x128xf32, #tpu.memory_space<hbm>>
        %dma_wait3A_1541 = tpu.memref_squeeze %dma_wait3A_1540 : memref<1x1x1x8x128xf32, #tpu.memory_space<hbm>> -> memref<8x128xf32, #tpu.memory_space<hbm>>
        %dma_wait3A_1542 = arith.constant 24 : i32
        %dma_wait3A_1543 = arith.constant 0 : i32
        %dma_wait3A_1544 = tpu.memref_slice %arg10[%dma_wait3A_1542, %dma_wait3A_1543] : memref<64x128xf32, #tpu.memory_space<vmem>> -> memref<8x128xf32, #tpu.memory_space<vmem>>
        tpu.wait_dma2 semaphore(%arg18 : memref<!tpu.dma_semaphore, #tpu.memory_space<semaphore_mem>>) src(%dma_wait3A_1544 : memref<8x128xf32, #tpu.memory_space<vmem>>) dst(%dma_wait3A_1541 : memref<8x128xf32, #tpu.memory_space<hbm>>)
        %dma_wait3A_1545 = arith.constant 4 : i32
        %dma_wait3A_1546 = arith.constant 32 : i32
        %dma_wait3A_1547 = arith.constant 0 : i32
        %dma_wait3A_1548 = tpu.memref_slice %arg10[%dma_wait3A_1546, %dma_wait3A_1547] : memref<64x128xf32, #tpu.memory_space<vmem>> -> memref<8x128xf32, #tpu.memory_space<vmem>>
        %dma_wait3A_1549 = arith.constant 0 : i32
        %dma_wait3A_1550 = arith.constant 0 : i32
        %dma_wait3A_1551 = tpu.memref_slice %arg4[%select_n3A_1468, %dma_wait3A_1545, %select_n3A_1484, %dma_wait3A_1549, %dma_wait3A_1550] : memref<50x8x128x8x128xf32, #tpu.memory_space<hbm>> -> memref<1x1x1x8x128xf32, #tpu.memory_space<hbm>>
        %dma_wait3A_1552 = tpu.memref_squeeze %dma_wait3A_1551 : memref<1x1x1x8x128xf32, #tpu.memory_space<hbm>> -> memref<8x128xf32, #tpu.memory_space<hbm>>
        %dma_wait3A_1553 = arith.constant 0 : i32
        %dma_wait3A_1554 = arith.constant 0 : i32
        %dma_wait3A_1555 = tpu.memref_slice %arg4[%select_n3A_1468, %dma_wait3A_1545, %select_n3A_1484, %dma_wait3A_1553, %dma_wait3A_1554] : memref<50x8x128x8x128xf32, #tpu.memory_space<hbm>> -> memref<1x1x1x8x128xf32, #tpu.memory_space<hbm>>
        %dma_wait3A_1556 = tpu.memref_squeeze %dma_wait3A_1555 : memref<1x1x1x8x128xf32, #tpu.memory_space<hbm>> -> memref<8x128xf32, #tpu.memory_space<hbm>>
        %dma_wait3A_1557 = arith.constant 32 : i32
        %dma_wait3A_1558 = arith.constant 0 : i32
        %dma_wait3A_1559 = tpu.memref_slice %arg10[%dma_wait3A_1557, %dma_wait3A_1558] : memref<64x128xf32, #tpu.memory_space<vmem>> -> memref<8x128xf32, #tpu.memory_space<vmem>>
        tpu.wait_dma2 semaphore(%arg18 : memref<!tpu.dma_semaphore, #tpu.memory_space<semaphore_mem>>) src(%dma_wait3A_1559 : memref<8x128xf32, #tpu.memory_space<vmem>>) dst(%dma_wait3A_1556 : memref<8x128xf32, #tpu.memory_space<hbm>>)
        %dma_wait3A_1560 = arith.constant 5 : i32
        %dma_wait3A_1561 = arith.constant 40 : i32
        %dma_wait3A_1562 = arith.constant 0 : i32
        %dma_wait3A_1563 = tpu.memref_slice %arg10[%dma_wait3A_1561, %dma_wait3A_1562] : memref<64x128xf32, #tpu.memory_space<vmem>> -> memref<8x128xf32, #tpu.memory_space<vmem>>
        %dma_wait3A_1564 = arith.constant 0 : i32
        %dma_wait3A_1565 = arith.constant 0 : i32
        %dma_wait3A_1566 = tpu.memref_slice %arg4[%select_n3A_1468, %dma_wait3A_1560, %select_n3A_1484, %dma_wait3A_1564, %dma_wait3A_1565] : memref<50x8x128x8x128xf32, #tpu.memory_space<hbm>> -> memref<1x1x1x8x128xf32, #tpu.memory_space<hbm>>
        %dma_wait3A_1567 = tpu.memref_squeeze %dma_wait3A_1566 : memref<1x1x1x8x128xf32, #tpu.memory_space<hbm>> -> memref<8x128xf32, #tpu.memory_space<hbm>>
        %dma_wait3A_1568 = arith.constant 0 : i32
        %dma_wait3A_1569 = arith.constant 0 : i32
        %dma_wait3A_1570 = tpu.memref_slice %arg4[%select_n3A_1468, %dma_wait3A_1560, %select_n3A_1484, %dma_wait3A_1568, %dma_wait3A_1569] : memref<50x8x128x8x128xf32, #tpu.memory_space<hbm>> -> memref<1x1x1x8x128xf32, #tpu.memory_space<hbm>>
        %dma_wait3A_1571 = tpu.memref_squeeze %dma_wait3A_1570 : memref<1x1x1x8x128xf32, #tpu.memory_space<hbm>> -> memref<8x128xf32, #tpu.memory_space<hbm>>
        %dma_wait3A_1572 = arith.constant 40 : i32
        %dma_wait3A_1573 = arith.constant 0 : i32
        %dma_wait3A_1574 = tpu.memref_slice %arg10[%dma_wait3A_1572, %dma_wait3A_1573] : memref<64x128xf32, #tpu.memory_space<vmem>> -> memref<8x128xf32, #tpu.memory_space<vmem>>
        tpu.wait_dma2 semaphore(%arg18 : memref<!tpu.dma_semaphore, #tpu.memory_space<semaphore_mem>>) src(%dma_wait3A_1574 : memref<8x128xf32, #tpu.memory_space<vmem>>) dst(%dma_wait3A_1571 : memref<8x128xf32, #tpu.memory_space<hbm>>)
        %dma_wait3A_1575 = arith.constant 6 : i32
        %dma_wait3A_1576 = arith.constant 48 : i32
        %dma_wait3A_1577 = arith.constant 0 : i32
        %dma_wait3A_1578 = tpu.memref_slice %arg10[%dma_wait3A_1576, %dma_wait3A_1577] : memref<64x128xf32, #tpu.memory_space<vmem>> -> memref<8x128xf32, #tpu.memory_space<vmem>>
        %dma_wait3A_1579 = arith.constant 0 : i32
        %dma_wait3A_1580 = arith.constant 0 : i32
        %dma_wait3A_1581 = tpu.memref_slice %arg4[%select_n3A_1468, %dma_wait3A_1575, %select_n3A_1484, %dma_wait3A_1579, %dma_wait3A_1580] : memref<50x8x128x8x128xf32, #tpu.memory_space<hbm>> -> memref<1x1x1x8x128xf32, #tpu.memory_space<hbm>>
        %dma_wait3A_1582 = tpu.memref_squeeze %dma_wait3A_1581 : memref<1x1x1x8x128xf32, #tpu.memory_space<hbm>> -> memref<8x128xf32, #tpu.memory_space<hbm>>
        %dma_wait3A_1583 = arith.constant 0 : i32
        %dma_wait3A_1584 = arith.constant 0 : i32
        %dma_wait3A_1585 = tpu.memref_slice %arg4[%select_n3A_1468, %dma_wait3A_1575, %select_n3A_1484, %dma_wait3A_1583, %dma_wait3A_1584] : memref<50x8x128x8x128xf32, #tpu.memory_space<hbm>> -> memref<1x1x1x8x128xf32, #tpu.memory_space<hbm>>
        %dma_wait3A_1586 = tpu.memref_squeeze %dma_wait3A_1585 : memref<1x1x1x8x128xf32, #tpu.memory_space<hbm>> -> memref<8x128xf32, #tpu.memory_space<hbm>>
        %dma_wait3A_1587 = arith.constant 48 : i32
        %dma_wait3A_1588 = arith.constant 0 : i32
        %dma_wait3A_1589 = tpu.memref_slice %arg10[%dma_wait3A_1587, %dma_wait3A_1588] : memref<64x128xf32, #tpu.memory_space<vmem>> -> memref<8x128xf32, #tpu.memory_space<vmem>>
        tpu.wait_dma2 semaphore(%arg18 : memref<!tpu.dma_semaphore, #tpu.memory_space<semaphore_mem>>) src(%dma_wait3A_1589 : memref<8x128xf32, #tpu.memory_space<vmem>>) dst(%dma_wait3A_1586 : memref<8x128xf32, #tpu.memory_space<hbm>>)
        %dma_wait3A_1590 = arith.constant 7 : i32
        %dma_wait3A_1591 = arith.constant 56 : i32
        %dma_wait3A_1592 = arith.constant 0 : i32
        %dma_wait3A_1593 = tpu.memref_slice %arg10[%dma_wait3A_1591, %dma_wait3A_1592] : memref<64x128xf32, #tpu.memory_space<vmem>> -> memref<8x128xf32, #tpu.memory_space<vmem>>
        %dma_wait3A_1594 = arith.constant 0 : i32
        %dma_wait3A_1595 = arith.constant 0 : i32
        %dma_wait3A_1596 = tpu.memref_slice %arg4[%select_n3A_1468, %dma_wait3A_1590, %select_n3A_1484, %dma_wait3A_1594, %dma_wait3A_1595] : memref<50x8x128x8x128xf32, #tpu.memory_space<hbm>> -> memref<1x1x1x8x128xf32, #tpu.memory_space<hbm>>
        %dma_wait3A_1597 = tpu.memref_squeeze %dma_wait3A_1596 : memref<1x1x1x8x128xf32, #tpu.memory_space<hbm>> -> memref<8x128xf32, #tpu.memory_space<hbm>>
        %dma_wait3A_1598 = arith.constant 0 : i32
        %dma_wait3A_1599 = arith.constant 0 : i32
        %dma_wait3A_1600 = tpu.memref_slice %arg4[%select_n3A_1468, %dma_wait3A_1590, %select_n3A_1484, %dma_wait3A_1598, %dma_wait3A_1599] : memref<50x8x128x8x128xf32, #tpu.memory_space<hbm>> -> memref<1x1x1x8x128xf32, #tpu.memory_space<hbm>>
        %dma_wait3A_1601 = tpu.memref_squeeze %dma_wait3A_1600 : memref<1x1x1x8x128xf32, #tpu.memory_space<hbm>> -> memref<8x128xf32, #tpu.memory_space<hbm>>
        %dma_wait3A_1602 = arith.constant 56 : i32
        %dma_wait3A_1603 = arith.constant 0 : i32
        %dma_wait3A_1604 = tpu.memref_slice %arg10[%dma_wait3A_1602, %dma_wait3A_1603] : memref<64x128xf32, #tpu.memory_space<vmem>> -> memref<8x128xf32, #tpu.memory_space<vmem>>
        tpu.wait_dma2 semaphore(%arg18 : memref<!tpu.dma_semaphore, #tpu.memory_space<semaphore_mem>>) src(%dma_wait3A_1604 : memref<8x128xf32, #tpu.memory_space<vmem>>) dst(%dma_wait3A_1601 : memref<8x128xf32, #tpu.memory_space<hbm>>)
      } else {
      }
      %scan3A_709 = arith.constant 0 : i32
      %scan3A_710 = arith.constant 0 : i32
      %scan3A_711 = arith.constant 16 : i32
      %scan3A_712 = arith.addi %scan3A_710, %scan3A_711 : i32
      %scan3A_713 = arith.constant 1 : i32
      scf.for %scan3A_1442 = %scan3A_710 to %scan3A_712 step %scan3A_713  : i32 {
        %add3A_1443 = vector.broadcast %scan3A_1442 : i32 to vector<16xi32>
        %add3A_1444 = arith.addi %iota3A, %add3A_1443 : vector<16xi32>
        %and3A_1445 = arith.constant 15 : i32
        %and3A_1446 = vector.broadcast %and3A_1445 : i32 to vector<16xi32>
        %and3A_1447 = arith.andi %add3A_1444, %and3A_1446 : vector<16xi32>
        %add3A_1448 = arith.constant 0 : i32
        %add3A_1449 = vector.broadcast %add3A_1448 : i32 to vector<16xi32>
        %add3A_1450 = arith.addi %and3A_1447, %add3A_1449 : vector<16xi32>
        %add3A_1451 = arith.constant 16 : i32
        %add3A_1452 = vector.broadcast %add3A_1451 : i32 to vector<16xi32>
        %add3A_1453 = arith.addi %and3A_1447, %add3A_1452 : vector<16xi32>
        %add3A_1454 = arith.constant 32 : i32
        %add3A_1455 = vector.broadcast %add3A_1454 : i32 to vector<16xi32>
        %add3A_1456 = arith.addi %and3A_1447, %add3A_1455 : vector<16xi32>
        %add3A_1457 = arith.constant 48 : i32
        %add3A_1458 = vector.broadcast %add3A_1457 : i32 to vector<16xi32>
        %add3A_1459 = arith.addi %and3A_1447, %add3A_1458 : vector<16xi32>
        %gather3A = tpu.vector_load_idx %arg6[%add3A_5, %add3A_1450] : memref<128x128xf32, #tpu.memory_space<vmem>>[vector<16xi32>, vector<16xi32>], vector<16xf32>,
        tpu.vector_store_idx %arg10[%add3A_1450, %add3A_5], %gather3A : memref<64x128xf32, #tpu.memory_space<vmem>>[vector<16xi32>, vector<16xi32>], vector<16xf32>,
        %gather3A_1460 = tpu.vector_load_idx %arg6[%add3A_8, %add3A_1450] : memref<128x128xf32, #tpu.memory_space<vmem>>[vector<16xi32>, vector<16xi32>], vector<16xf32>,
        tpu.vector_store_idx %arg10[%add3A_1450, %add3A_8], %gather3A_1460 : memref<64x128xf32, #tpu.memory_space<vmem>>[vector<16xi32>, vector<16xi32>], vector<16xf32>,
        %gather3A_1461 = tpu.vector_load_idx %arg6[%add3A_11, %add3A_1450] : memref<128x128xf32, #tpu.memory_space<vmem>>[vector<16xi32>, vector<16xi32>], vector<16xf32>,
        tpu.vector_store_idx %arg10[%add3A_1450, %add3A_11], %gather3A_1461 : memref<64x128xf32, #tpu.memory_space<vmem>>[vector<16xi32>, vector<16xi32>], vector<16xf32>,
        %gather3A_1462 = tpu.vector_load_idx %arg6[%add3A_14, %add3A_1450] : memref<128x128xf32, #tpu.memory_space<vmem>>[vector<16xi32>, vector<16xi32>], vector<16xf32>,
        tpu.vector_store_idx %arg10[%add3A_1450, %add3A_14], %gather3A_1462 : memref<64x128xf32, #tpu.memory_space<vmem>>[vector<16xi32>, vector<16xi32>], vector<16xf32>,
        %gather3A_1463 = tpu.vector_load_idx %arg6[%add3A_17, %add3A_1450] : memref<128x128xf32, #tpu.memory_space<vmem>>[vector<16xi32>, vector<16xi32>], vector<16xf32>,
        tpu.vector_store_idx %arg10[%add3A_1450, %add3A_17], %gather3A_1463 : memref<64x128xf32, #tpu.memory_space<vmem>>[vector<16xi32>, vector<16xi32>], vector<16xf32>,
        %gather3A_1464 = tpu.vector_load_idx %arg6[%add3A_20, %add3A_1450] : memref<128x128xf32, #tpu.memory_space<vmem>>[vector<16xi32>, vector<16xi32>], vector<16xf32>,
        tpu.vector_store_idx %arg10[%add3A_1450, %add3A_20], %gather3A_1464 : memref<64x128xf32, #tpu.memory_space<vmem>>[vector<16xi32>, vector<16xi32>], vector<16xf32>,
        %gather3A_1465 = tpu.vector_load_idx %arg6[%add3A_23, %add3A_1450] : memref<128x128xf32, #tpu.memory_space<vmem>>[vector<16xi32>, vector<16xi32>], vector<16xf32>,
        tpu.vector_store_idx %arg10[%add3A_1450, %add3A_23], %gather3A_1465 : memref<64x128xf32, #tpu.memory_space<vmem>>[vector<16xi32>, vector<16xi32>], vector<16xf32>,
        %gather3A_1466 = tpu.vector_load_idx %arg6[%add3A_26, %add3A_1450] : memref<128x128xf32, #tpu.memory_space<vmem>>[vector<16xi32>, vector<16xi32>], vector<16xf32>,
        tpu.vector_store_idx %arg10[%add3A_1450, %add3A_26], %gather3A_1466 : memref<64x128xf32, #tpu.memory_space<vmem>>[vector<16xi32>, vector<16xi32>], vector<16xf32>,
        %gather3A_1467 = tpu.vector_load_idx %arg6[%add3A_5, %add3A_1453] : memref<128x128xf32, #tpu.memory_space<vmem>>[vector<16xi32>, vector<16xi32>], vector<16xf32>,
        tpu.vector_store_idx %arg10[%add3A_1453, %add3A_5], %gather3A_1467 : memref<64x128xf32, #tpu.memory_space<vmem>>[vector<16xi32>, vector<16xi32>], vector<16xf32>,
        %gather3A_1468 = tpu.vector_load_idx %arg6[%add3A_8, %add3A_1453] : memref<128x128xf32, #tpu.memory_space<vmem>>[vector<16xi32>, vector<16xi32>], vector<16xf32>,
        tpu.vector_store_idx %arg10[%add3A_1453, %add3A_8], %gather3A_1468 : memref<64x128xf32, #tpu.memory_space<vmem>>[vector<16xi32>, vector<16xi32>], vector<16xf32>,
        %gather3A_1469 = tpu.vector_load_idx %arg6[%add3A_11, %add3A_1453] : memref<128x128xf32, #tpu.memory_space<vmem>>[vector<16xi32>, vector<16xi32>], vector<16xf32>,
        tpu.vector_store_idx %arg10[%add3A_1453, %add3A_11], %gather3A_1469 : memref<64x128xf32, #tpu.memory_space<vmem>>[vector<16xi32>, vector<16xi32>], vector<16xf32>,
        %gather3A_1470 = tpu.vector_load_idx %arg6[%add3A_14, %add3A_1453] : memref<128x128xf32, #tpu.memory_space<vmem>>[vector<16xi32>, vector<16xi32>], vector<16xf32>,
        tpu.vector_store_idx %arg10[%add3A_1453, %add3A_14], %gather3A_1470 : memref<64x128xf32, #tpu.memory_space<vmem>>[vector<16xi32>, vector<16xi32>], vector<16xf32>,
        %gather3A_1471 = tpu.vector_load_idx %arg6[%add3A_17, %add3A_1453] : memref<128x128xf32, #tpu.memory_space<vmem>>[vector<16xi32>, vector<16xi32>], vector<16xf32>,
        tpu.vector_store_idx %arg10[%add3A_1453, %add3A_17], %gather3A_1471 : memref<64x128xf32, #tpu.memory_space<vmem>>[vector<16xi32>, vector<16xi32>], vector<16xf32>,
        %gather3A_1472 = tpu.vector_load_idx %arg6[%add3A_20, %add3A_1453] : memref<128x128xf32, #tpu.memory_space<vmem>>[vector<16xi32>, vector<16xi32>], vector<16xf32>,
        tpu.vector_store_idx %arg10[%add3A_1453, %add3A_20], %gather3A_1472 : memref<64x128xf32, #tpu.memory_space<vmem>>[vector<16xi32>, vector<16xi32>], vector<16xf32>,
        %gather3A_1473 = tpu.vector_load_idx %arg6[%add3A_23, %add3A_1453] : memref<128x128xf32, #tpu.memory_space<vmem>>[vector<16xi32>, vector<16xi32>], vector<16xf32>,
        tpu.vector_store_idx %arg10[%add3A_1453, %add3A_23], %gather3A_1473 : memref<64x128xf32, #tpu.memory_space<vmem>>[vector<16xi32>, vector<16xi32>], vector<16xf32>,
        %gather3A_1474 = tpu.vector_load_idx %arg6[%add3A_26, %add3A_1453] : memref<128x128xf32, #tpu.memory_space<vmem>>[vector<16xi32>, vector<16xi32>], vector<16xf32>,
        tpu.vector_store_idx %arg10[%add3A_1453, %add3A_26], %gather3A_1474 : memref<64x128xf32, #tpu.memory_space<vmem>>[vector<16xi32>, vector<16xi32>], vector<16xf32>,
        %gather3A_1475 = tpu.vector_load_idx %arg6[%add3A_5, %add3A_1456] : memref<128x128xf32, #tpu.memory_space<vmem>>[vector<16xi32>, vector<16xi32>], vector<16xf32>,
        tpu.vector_store_idx %arg10[%add3A_1456, %add3A_5], %gather3A_1475 : memref<64x128xf32, #tpu.memory_space<vmem>>[vector<16xi32>, vector<16xi32>], vector<16xf32>,
        %gather3A_1476 = tpu.vector_load_idx %arg6[%add3A_8, %add3A_1456] : memref<128x128xf32, #tpu.memory_space<vmem>>[vector<16xi32>, vector<16xi32>], vector<16xf32>,
        tpu.vector_store_idx %arg10[%add3A_1456, %add3A_8], %gather3A_1476 : memref<64x128xf32, #tpu.memory_space<vmem>>[vector<16xi32>, vector<16xi32>], vector<16xf32>,
        %gather3A_1477 = tpu.vector_load_idx %arg6[%add3A_11, %add3A_1456] : memref<128x128xf32, #tpu.memory_space<vmem>>[vector<16xi32>, vector<16xi32>], vector<16xf32>,
        tpu.vector_store_idx %arg10[%add3A_1456, %add3A_11], %gather3A_1477 : memref<64x128xf32, #tpu.memory_space<vmem>>[vector<16xi32>, vector<16xi32>], vector<16xf32>,
        %gather3A_1478 = tpu.vector_load_idx %arg6[%add3A_14, %add3A_1456] : memref<128x128xf32, #tpu.memory_space<vmem>>[vector<16xi32>, vector<16xi32>], vector<16xf32>,
        tpu.vector_store_idx %arg10[%add3A_1456, %add3A_14], %gather3A_1478 : memref<64x128xf32, #tpu.memory_space<vmem>>[vector<16xi32>, vector<16xi32>], vector<16xf32>,
        %gather3A_1479 = tpu.vector_load_idx %arg6[%add3A_17, %add3A_1456] : memref<128x128xf32, #tpu.memory_space<vmem>>[vector<16xi32>, vector<16xi32>], vector<16xf32>,
        tpu.vector_store_idx %arg10[%add3A_1456, %add3A_17], %gather3A_1479 : memref<64x128xf32, #tpu.memory_space<vmem>>[vector<16xi32>, vector<16xi32>], vector<16xf32>,
        %gather3A_1480 = tpu.vector_load_idx %arg6[%add3A_20, %add3A_1456] : memref<128x128xf32, #tpu.memory_space<vmem>>[vector<16xi32>, vector<16xi32>], vector<16xf32>,
        tpu.vector_store_idx %arg10[%add3A_1456, %add3A_20], %gather3A_1480 : memref<64x128xf32, #tpu.memory_space<vmem>>[vector<16xi32>, vector<16xi32>], vector<16xf32>,
        %gather3A_1481 = tpu.vector_load_idx %arg6[%add3A_23, %add3A_1456] : memref<128x128xf32, #tpu.memory_space<vmem>>[vector<16xi32>, vector<16xi32>], vector<16xf32>,
        tpu.vector_store_idx %arg10[%add3A_1456, %add3A_23], %gather3A_1481 : memref<64x128xf32, #tpu.memory_space<vmem>>[vector<16xi32>, vector<16xi32>], vector<16xf32>,
        %gather3A_1482 = tpu.vector_load_idx %arg6[%add3A_26, %add3A_1456] : memref<128x128xf32, #tpu.memory_space<vmem>>[vector<16xi32>, vector<16xi32>], vector<16xf32>,
        tpu.vector_store_idx %arg10[%add3A_1456, %add3A_26], %gather3A_1482 : memref<64x128xf32, #tpu.memory_space<vmem>>[vector<16xi32>, vector<16xi32>], vector<16xf32>,
        %gather3A_1483 = tpu.vector_load_idx %arg6[%add3A_5, %add3A_1459] : memref<128x128xf32, #tpu.memory_space<vmem>>[vector<16xi32>, vector<16xi32>], vector<16xf32>,
        tpu.vector_store_idx %arg10[%add3A_1459, %add3A_5], %gather3A_1483 : memref<64x128xf32, #tpu.memory_space<vmem>>[vector<16xi32>, vector<16xi32>], vector<16xf32>,
        %gather3A_1484 = tpu.vector_load_idx %arg6[%add3A_8, %add3A_1459] : memref<128x128xf32, #tpu.memory_space<vmem>>[vector<16xi32>, vector<16xi32>], vector<16xf32>,
        tpu.vector_store_idx %arg10[%add3A_1459, %add3A_8], %gather3A_1484 : memref<64x128xf32, #tpu.memory_space<vmem>>[vector<16xi32>, vector<16xi32>], vector<16xf32>,
        %gather3A_1485 = tpu.vector_load_idx %arg6[%add3A_11, %add3A_1459] : memref<128x128xf32, #tpu.memory_space<vmem>>[vector<16xi32>, vector<16xi32>], vector<16xf32>,
        tpu.vector_store_idx %arg10[%add3A_1459, %add3A_11], %gather3A_1485 : memref<64x128xf32, #tpu.memory_space<vmem>>[vector<16xi32>, vector<16xi32>], vector<16xf32>,
        %gather3A_1486 = tpu.vector_load_idx %arg6[%add3A_14, %add3A_1459] : memref<128x128xf32, #tpu.memory_space<vmem>>[vector<16xi32>, vector<16xi32>], vector<16xf32>,
        tpu.vector_store_idx %arg10[%add3A_1459, %add3A_14], %gather3A_1486 : memref<64x128xf32, #tpu.memory_space<vmem>>[vector<16xi32>, vector<16xi32>], vector<16xf32>,
        %gather3A_1487 = tpu.vector_load_idx %arg6[%add3A_17, %add3A_1459] : memref<128x128xf32, #tpu.memory_space<vmem>>[vector<16xi32>, vector<16xi32>], vector<16xf32>,
        tpu.vector_store_idx %arg10[%add3A_1459, %add3A_17], %gather3A_1487 : memref<64x128xf32, #tpu.memory_space<vmem>>[vector<16xi32>, vector<16xi32>], vector<16xf32>,
        %gather3A_1488 = tpu.vector_load_idx %arg6[%add3A_20, %add3A_1459] : memref<128x128xf32, #tpu.memory_space<vmem>>[vector<16xi32>, vector<16xi32>], vector<16xf32>,
        tpu.vector_store_idx %arg10[%add3A_1459, %add3A_20], %gather3A_1488 : memref<64x128xf32, #tpu.memory_space<vmem>>[vector<16xi32>, vector<16xi32>], vector<16xf32>,
        %gather3A_1489 = tpu.vector_load_idx %arg6[%add3A_23, %add3A_1459] : memref<128x128xf32, #tpu.memory_space<vmem>>[vector<16xi32>, vector<16xi32>], vector<16xf32>,
        tpu.vector_store_idx %arg10[%add3A_1459, %add3A_23], %gather3A_1489 : memref<64x128xf32, #tpu.memory_space<vmem>>[vector<16xi32>, vector<16xi32>], vector<16xf32>,
        %gather3A_1490 = tpu.vector_load_idx %arg6[%add3A_26, %add3A_1459] : memref<128x128xf32, #tpu.memory_space<vmem>>[vector<16xi32>, vector<16xi32>], vector<16xf32>,
        tpu.vector_store_idx %arg10[%add3A_1459, %add3A_26], %gather3A_1490 : memref<64x128xf32, #tpu.memory_space<vmem>>[vector<16xi32>, vector<16xi32>], vector<16xf32>,
      }
      %scan3A_714 = arith.constant 16 : i32
      %add3A_715 = arith.addi %mul3A_2, %add3A_700 : i32
      %jit3A_716 = arith.constant 128 : i32
      %div3A_717 = arith.divsi %add3A_715, %jit3A_716 : i32
      %sign3A_718 = arith.constant 0 : i32
      %sign3A_719 = arith.cmpi sgt, %add3A_715, %sign3A_718 : i32
      %sign3A_720 = arith.extui %sign3A_719 : i1 to i32
      %sign3A_721 = arith.constant 0 : i32
      %sign3A_722 = arith.cmpi slt, %add3A_715, %sign3A_721 : i32
      %sign3A_723 = arith.extui %sign3A_722 : i1 to i32
      %sign3A_724 = arith.subi %sign3A_720, %sign3A_723 : i32
      %sign3A_725 = arith.constant 0 : i32
      %sign3A_726 = arith.cmpi sgt, %jit3A_716, %sign3A_725 : i32
      %sign3A_727 = arith.extui %sign3A_726 : i1 to i32
      %sign3A_728 = arith.constant 0 : i32
      %sign3A_729 = arith.cmpi slt, %jit3A_716, %sign3A_728 : i32
      %sign3A_730 = arith.extui %sign3A_729 : i1 to i32
      %sign3A_731 = arith.subi %sign3A_727, %sign3A_730 : i32
      %ne3A_732 = arith.cmpi ne, %sign3A_724, %sign3A_731 : i32
      %rem3A_733 = arith.remsi %add3A_715, %jit3A_716 : i32
      %ne3A_734 = arith.constant 0 : i32
      %ne3A_735 = arith.cmpi ne, %rem3A_733, %ne3A_734 : i32
      %and3A_736 = arith.andi %ne3A_732, %ne3A_735 : i1
      %sub3A_737 = arith.constant 1 : i32
      %sub3A_738 = arith.subi %div3A_717, %sub3A_737 : i32
      %select_n3A_739 = arith.select %and3A_736, %sub3A_738, %div3A_717 : i32
      %jit3A_740 = arith.constant 128 : i32
      %eq3A_741 = arith.constant 0 : i32
      %eq3A_742 = arith.cmpi eq, %jit3A_740, %eq3A_741 : i32
      %jit3A_743 = arith.constant 1 : i32
      %select_n3A_744 = arith.select %eq3A_742, %jit3A_743, %jit3A_740 : i32
      %rem3A_745 = arith.remsi %add3A_715, %select_n3A_744 : i32
      %ne3A_746 = arith.constant 0 : i32
      %ne3A_747 = arith.cmpi ne, %rem3A_745, %ne3A_746 : i32
      %lt3A_748 = arith.constant 0 : i32
      %lt3A_749 = arith.cmpi slt, %rem3A_745, %lt3A_748 : i32
      %lt3A_750 = arith.constant 0 : i32
      %lt3A_751 = arith.cmpi slt, %select_n3A_744, %lt3A_750 : i32
      %ne3A_752 = arith.xori %lt3A_749, %lt3A_751 : i1
      %and3A_753 = arith.andi %ne3A_752, %ne3A_747 : i1
      %add3A_754 = arith.addi %rem3A_745, %select_n3A_744 : i32
      %select_n3A_755 = arith.select %and3A_753, %add3A_754, %rem3A_745 : i32
      %dma_start3A_756 = arith.constant 0 : i32
      %dma_start3A_757 = arith.constant 0 : i32
      %dma_start3A_758 = arith.constant 0 : i32
      %dma_start3A_759 = tpu.memref_slice %arg10[%dma_start3A_757, %dma_start3A_758] : memref<64x128xf32, #tpu.memory_space<vmem>> -> memref<8x128xf32, #tpu.memory_space<vmem>>
      %dma_start3A_760 = arith.constant 0 : i32
      %dma_start3A_761 = arith.constant 0 : i32
      %dma_start3A_762 = tpu.memref_slice %arg4[%select_n3A_739, %dma_start3A_756, %select_n3A_755, %dma_start3A_760, %dma_start3A_761] : memref<50x8x128x8x128xf32, #tpu.memory_space<hbm>> -> memref<1x1x1x8x128xf32, #tpu.memory_space<hbm>>
      %dma_start3A_763 = tpu.memref_squeeze %dma_start3A_762 : memref<1x1x1x8x128xf32, #tpu.memory_space<hbm>> -> memref<8x128xf32, #tpu.memory_space<hbm>>
      %dma_start3A_764 = arith.constant 0 : i32
      %dma_start3A_765 = arith.constant 0 : i32
      %dma_start3A_766 = tpu.memref_slice %arg4[%select_n3A_739, %dma_start3A_756, %select_n3A_755, %dma_start3A_764, %dma_start3A_765] : memref<50x8x128x8x128xf32, #tpu.memory_space<hbm>> -> memref<1x1x1x8x128xf32, #tpu.memory_space<hbm>>
      %dma_start3A_767 = tpu.memref_squeeze %dma_start3A_766 : memref<1x1x1x8x128xf32, #tpu.memory_space<hbm>> -> memref<8x128xf32, #tpu.memory_space<hbm>>
      %dma_start3A_768 = arith.constant 0 : i32
      %dma_start3A_769 = arith.constant 0 : i32
      %dma_start3A_770 = tpu.memref_slice %arg10[%dma_start3A_768, %dma_start3A_769] : memref<64x128xf32, #tpu.memory_space<vmem>> -> memref<8x128xf32, #tpu.memory_space<vmem>>
      tpu.enqueue_dma source(%dma_start3A_770 : memref<8x128xf32, #tpu.memory_space<vmem>>) target(%dma_start3A_767 : memref<8x128xf32, #tpu.memory_space<hbm>>) target_semaphore(%arg18 : memref<!tpu.dma_semaphore, #tpu.memory_space<semaphore_mem>>)
      %dma_start3A_771 = arith.constant 1 : i32
      %dma_start3A_772 = arith.constant 8 : i32
      %dma_start3A_773 = arith.constant 0 : i32
      %dma_start3A_774 = tpu.memref_slice %arg10[%dma_start3A_772, %dma_start3A_773] : memref<64x128xf32, #tpu.memory_space<vmem>> -> memref<8x128xf32, #tpu.memory_space<vmem>>
      %dma_start3A_775 = arith.constant 0 : i32
      %dma_start3A_776 = arith.constant 0 : i32
      %dma_start3A_777 = tpu.memref_slice %arg4[%select_n3A_739, %dma_start3A_771, %select_n3A_755, %dma_start3A_775, %dma_start3A_776] : memref<50x8x128x8x128xf32, #tpu.memory_space<hbm>> -> memref<1x1x1x8x128xf32, #tpu.memory_space<hbm>>
      %dma_start3A_778 = tpu.memref_squeeze %dma_start3A_777 : memref<1x1x1x8x128xf32, #tpu.memory_space<hbm>> -> memref<8x128xf32, #tpu.memory_space<hbm>>
      %dma_start3A_779 = arith.constant 0 : i32
      %dma_start3A_780 = arith.constant 0 : i32
      %dma_start3A_781 = tpu.memref_slice %arg4[%select_n3A_739, %dma_start3A_771, %select_n3A_755, %dma_start3A_779, %dma_start3A_780] : memref<50x8x128x8x128xf32, #tpu.memory_space<hbm>> -> memref<1x1x1x8x128xf32, #tpu.memory_space<hbm>>
      %dma_start3A_782 = tpu.memref_squeeze %dma_start3A_781 : memref<1x1x1x8x128xf32, #tpu.memory_space<hbm>> -> memref<8x128xf32, #tpu.memory_space<hbm>>
      %dma_start3A_783 = arith.constant 8 : i32
      %dma_start3A_784 = arith.constant 0 : i32
      %dma_start3A_785 = tpu.memref_slice %arg10[%dma_start3A_783, %dma_start3A_784] : memref<64x128xf32, #tpu.memory_space<vmem>> -> memref<8x128xf32, #tpu.memory_space<vmem>>
      tpu.enqueue_dma source(%dma_start3A_785 : memref<8x128xf32, #tpu.memory_space<vmem>>) target(%dma_start3A_782 : memref<8x128xf32, #tpu.memory_space<hbm>>) target_semaphore(%arg18 : memref<!tpu.dma_semaphore, #tpu.memory_space<semaphore_mem>>)
      %dma_start3A_786 = arith.constant 2 : i32
      %dma_start3A_787 = arith.constant 16 : i32
      %dma_start3A_788 = arith.constant 0 : i32
      %dma_start3A_789 = tpu.memref_slice %arg10[%dma_start3A_787, %dma_start3A_788] : memref<64x128xf32, #tpu.memory_space<vmem>> -> memref<8x128xf32, #tpu.memory_space<vmem>>
      %dma_start3A_790 = arith.constant 0 : i32
      %dma_start3A_791 = arith.constant 0 : i32
      %dma_start3A_792 = tpu.memref_slice %arg4[%select_n3A_739, %dma_start3A_786, %select_n3A_755, %dma_start3A_790, %dma_start3A_791] : memref<50x8x128x8x128xf32, #tpu.memory_space<hbm>> -> memref<1x1x1x8x128xf32, #tpu.memory_space<hbm>>
      %dma_start3A_793 = tpu.memref_squeeze %dma_start3A_792 : memref<1x1x1x8x128xf32, #tpu.memory_space<hbm>> -> memref<8x128xf32, #tpu.memory_space<hbm>>
      %dma_start3A_794 = arith.constant 0 : i32
      %dma_start3A_795 = arith.constant 0 : i32
      %dma_start3A_796 = tpu.memref_slice %arg4[%select_n3A_739, %dma_start3A_786, %select_n3A_755, %dma_start3A_794, %dma_start3A_795] : memref<50x8x128x8x128xf32, #tpu.memory_space<hbm>> -> memref<1x1x1x8x128xf32, #tpu.memory_space<hbm>>
      %dma_start3A_797 = tpu.memref_squeeze %dma_start3A_796 : memref<1x1x1x8x128xf32, #tpu.memory_space<hbm>> -> memref<8x128xf32, #tpu.memory_space<hbm>>
      %dma_start3A_798 = arith.constant 16 : i32
      %dma_start3A_799 = arith.constant 0 : i32
      %dma_start3A_800 = tpu.memref_slice %arg10[%dma_start3A_798, %dma_start3A_799] : memref<64x128xf32, #tpu.memory_space<vmem>> -> memref<8x128xf32, #tpu.memory_space<vmem>>
      tpu.enqueue_dma source(%dma_start3A_800 : memref<8x128xf32, #tpu.memory_space<vmem>>) target(%dma_start3A_797 : memref<8x128xf32, #tpu.memory_space<hbm>>) target_semaphore(%arg18 : memref<!tpu.dma_semaphore, #tpu.memory_space<semaphore_mem>>)
      %dma_start3A_801 = arith.constant 3 : i32
      %dma_start3A_802 = arith.constant 24 : i32
      %dma_start3A_803 = arith.constant 0 : i32
      %dma_start3A_804 = tpu.memref_slice %arg10[%dma_start3A_802, %dma_start3A_803] : memref<64x128xf32, #tpu.memory_space<vmem>> -> memref<8x128xf32, #tpu.memory_space<vmem>>
      %dma_start3A_805 = arith.constant 0 : i32
      %dma_start3A_806 = arith.constant 0 : i32
      %dma_start3A_807 = tpu.memref_slice %arg4[%select_n3A_739, %dma_start3A_801, %select_n3A_755, %dma_start3A_805, %dma_start3A_806] : memref<50x8x128x8x128xf32, #tpu.memory_space<hbm>> -> memref<1x1x1x8x128xf32, #tpu.memory_space<hbm>>
      %dma_start3A_808 = tpu.memref_squeeze %dma_start3A_807 : memref<1x1x1x8x128xf32, #tpu.memory_space<hbm>> -> memref<8x128xf32, #tpu.memory_space<hbm>>
      %dma_start3A_809 = arith.constant 0 : i32
      %dma_start3A_810 = arith.constant 0 : i32
      %dma_start3A_811 = tpu.memref_slice %arg4[%select_n3A_739, %dma_start3A_801, %select_n3A_755, %dma_start3A_809, %dma_start3A_810] : memref<50x8x128x8x128xf32, #tpu.memory_space<hbm>> -> memref<1x1x1x8x128xf32, #tpu.memory_space<hbm>>
      %dma_start3A_812 = tpu.memref_squeeze %dma_start3A_811 : memref<1x1x1x8x128xf32, #tpu.memory_space<hbm>> -> memref<8x128xf32, #tpu.memory_space<hbm>>
      %dma_start3A_813 = arith.constant 24 : i32
      %dma_start3A_814 = arith.constant 0 : i32
      %dma_start3A_815 = tpu.memref_slice %arg10[%dma_start3A_813, %dma_start3A_814] : memref<64x128xf32, #tpu.memory_space<vmem>> -> memref<8x128xf32, #tpu.memory_space<vmem>>
      tpu.enqueue_dma source(%dma_start3A_815 : memref<8x128xf32, #tpu.memory_space<vmem>>) target(%dma_start3A_812 : memref<8x128xf32, #tpu.memory_space<hbm>>) target_semaphore(%arg18 : memref<!tpu.dma_semaphore, #tpu.memory_space<semaphore_mem>>)
      %dma_start3A_816 = arith.constant 4 : i32
      %dma_start3A_817 = arith.constant 32 : i32
      %dma_start3A_818 = arith.constant 0 : i32
      %dma_start3A_819 = tpu.memref_slice %arg10[%dma_start3A_817, %dma_start3A_818] : memref<64x128xf32, #tpu.memory_space<vmem>> -> memref<8x128xf32, #tpu.memory_space<vmem>>
      %dma_start3A_820 = arith.constant 0 : i32
      %dma_start3A_821 = arith.constant 0 : i32
      %dma_start3A_822 = tpu.memref_slice %arg4[%select_n3A_739, %dma_start3A_816, %select_n3A_755, %dma_start3A_820, %dma_start3A_821] : memref<50x8x128x8x128xf32, #tpu.memory_space<hbm>> -> memref<1x1x1x8x128xf32, #tpu.memory_space<hbm>>
      %dma_start3A_823 = tpu.memref_squeeze %dma_start3A_822 : memref<1x1x1x8x128xf32, #tpu.memory_space<hbm>> -> memref<8x128xf32, #tpu.memory_space<hbm>>
      %dma_start3A_824 = arith.constant 0 : i32
      %dma_start3A_825 = arith.constant 0 : i32
      %dma_start3A_826 = tpu.memref_slice %arg4[%select_n3A_739, %dma_start3A_816, %select_n3A_755, %dma_start3A_824, %dma_start3A_825] : memref<50x8x128x8x128xf32, #tpu.memory_space<hbm>> -> memref<1x1x1x8x128xf32, #tpu.memory_space<hbm>>
      %dma_start3A_827 = tpu.memref_squeeze %dma_start3A_826 : memref<1x1x1x8x128xf32, #tpu.memory_space<hbm>> -> memref<8x128xf32, #tpu.memory_space<hbm>>
      %dma_start3A_828 = arith.constant 32 : i32
      %dma_start3A_829 = arith.constant 0 : i32
      %dma_start3A_830 = tpu.memref_slice %arg10[%dma_start3A_828, %dma_start3A_829] : memref<64x128xf32, #tpu.memory_space<vmem>> -> memref<8x128xf32, #tpu.memory_space<vmem>>
      tpu.enqueue_dma source(%dma_start3A_830 : memref<8x128xf32, #tpu.memory_space<vmem>>) target(%dma_start3A_827 : memref<8x128xf32, #tpu.memory_space<hbm>>) target_semaphore(%arg18 : memref<!tpu.dma_semaphore, #tpu.memory_space<semaphore_mem>>)
      %dma_start3A_831 = arith.constant 5 : i32
      %dma_start3A_832 = arith.constant 40 : i32
      %dma_start3A_833 = arith.constant 0 : i32
      %dma_start3A_834 = tpu.memref_slice %arg10[%dma_start3A_832, %dma_start3A_833] : memref<64x128xf32, #tpu.memory_space<vmem>> -> memref<8x128xf32, #tpu.memory_space<vmem>>
      %dma_start3A_835 = arith.constant 0 : i32
      %dma_start3A_836 = arith.constant 0 : i32
      %dma_start3A_837 = tpu.memref_slice %arg4[%select_n3A_739, %dma_start3A_831, %select_n3A_755, %dma_start3A_835, %dma_start3A_836] : memref<50x8x128x8x128xf32, #tpu.memory_space<hbm>> -> memref<1x1x1x8x128xf32, #tpu.memory_space<hbm>>
      %dma_start3A_838 = tpu.memref_squeeze %dma_start3A_837 : memref<1x1x1x8x128xf32, #tpu.memory_space<hbm>> -> memref<8x128xf32, #tpu.memory_space<hbm>>
      %dma_start3A_839 = arith.constant 0 : i32
      %dma_start3A_840 = arith.constant 0 : i32
      %dma_start3A_841 = tpu.memref_slice %arg4[%select_n3A_739, %dma_start3A_831, %select_n3A_755, %dma_start3A_839, %dma_start3A_840] : memref<50x8x128x8x128xf32, #tpu.memory_space<hbm>> -> memref<1x1x1x8x128xf32, #tpu.memory_space<hbm>>
      %dma_start3A_842 = tpu.memref_squeeze %dma_start3A_841 : memref<1x1x1x8x128xf32, #tpu.memory_space<hbm>> -> memref<8x128xf32, #tpu.memory_space<hbm>>
      %dma_start3A_843 = arith.constant 40 : i32
      %dma_start3A_844 = arith.constant 0 : i32
      %dma_start3A_845 = tpu.memref_slice %arg10[%dma_start3A_843, %dma_start3A_844] : memref<64x128xf32, #tpu.memory_space<vmem>> -> memref<8x128xf32, #tpu.memory_space<vmem>>
      tpu.enqueue_dma source(%dma_start3A_845 : memref<8x128xf32, #tpu.memory_space<vmem>>) target(%dma_start3A_842 : memref<8x128xf32, #tpu.memory_space<hbm>>) target_semaphore(%arg18 : memref<!tpu.dma_semaphore, #tpu.memory_space<semaphore_mem>>)
      %dma_start3A_846 = arith.constant 6 : i32
      %dma_start3A_847 = arith.constant 48 : i32
      %dma_start3A_848 = arith.constant 0 : i32
      %dma_start3A_849 = tpu.memref_slice %arg10[%dma_start3A_847, %dma_start3A_848] : memref<64x128xf32, #tpu.memory_space<vmem>> -> memref<8x128xf32, #tpu.memory_space<vmem>>
      %dma_start3A_850 = arith.constant 0 : i32
      %dma_start3A_851 = arith.constant 0 : i32
      %dma_start3A_852 = tpu.memref_slice %arg4[%select_n3A_739, %dma_start3A_846, %select_n3A_755, %dma_start3A_850, %dma_start3A_851] : memref<50x8x128x8x128xf32, #tpu.memory_space<hbm>> -> memref<1x1x1x8x128xf32, #tpu.memory_space<hbm>>
      %dma_start3A_853 = tpu.memref_squeeze %dma_start3A_852 : memref<1x1x1x8x128xf32, #tpu.memory_space<hbm>> -> memref<8x128xf32, #tpu.memory_space<hbm>>
      %dma_start3A_854 = arith.constant 0 : i32
      %dma_start3A_855 = arith.constant 0 : i32
      %dma_start3A_856 = tpu.memref_slice %arg4[%select_n3A_739, %dma_start3A_846, %select_n3A_755, %dma_start3A_854, %dma_start3A_855] : memref<50x8x128x8x128xf32, #tpu.memory_space<hbm>> -> memref<1x1x1x8x128xf32, #tpu.memory_space<hbm>>
      %dma_start3A_857 = tpu.memref_squeeze %dma_start3A_856 : memref<1x1x1x8x128xf32, #tpu.memory_space<hbm>> -> memref<8x128xf32, #tpu.memory_space<hbm>>
      %dma_start3A_858 = arith.constant 48 : i32
      %dma_start3A_859 = arith.constant 0 : i32
      %dma_start3A_860 = tpu.memref_slice %arg10[%dma_start3A_858, %dma_start3A_859] : memref<64x128xf32, #tpu.memory_space<vmem>> -> memref<8x128xf32, #tpu.memory_space<vmem>>
      tpu.enqueue_dma source(%dma_start3A_860 : memref<8x128xf32, #tpu.memory_space<vmem>>) target(%dma_start3A_857 : memref<8x128xf32, #tpu.memory_space<hbm>>) target_semaphore(%arg18 : memref<!tpu.dma_semaphore, #tpu.memory_space<semaphore_mem>>)
      %dma_start3A_861 = arith.constant 7 : i32
      %dma_start3A_862 = arith.constant 56 : i32
      %dma_start3A_863 = arith.constant 0 : i32
      %dma_start3A_864 = tpu.memref_slice %arg10[%dma_start3A_862, %dma_start3A_863] : memref<64x128xf32, #tpu.memory_space<vmem>> -> memref<8x128xf32, #tpu.memory_space<vmem>>
      %dma_start3A_865 = arith.constant 0 : i32
      %dma_start3A_866 = arith.constant 0 : i32
      %dma_start3A_867 = tpu.memref_slice %arg4[%select_n3A_739, %dma_start3A_861, %select_n3A_755, %dma_start3A_865, %dma_start3A_866] : memref<50x8x128x8x128xf32, #tpu.memory_space<hbm>> -> memref<1x1x1x8x128xf32, #tpu.memory_space<hbm>>
      %dma_start3A_868 = tpu.memref_squeeze %dma_start3A_867 : memref<1x1x1x8x128xf32, #tpu.memory_space<hbm>> -> memref<8x128xf32, #tpu.memory_space<hbm>>
      %dma_start3A_869 = arith.constant 0 : i32
      %dma_start3A_870 = arith.constant 0 : i32
      %dma_start3A_871 = tpu.memref_slice %arg4[%select_n3A_739, %dma_start3A_861, %select_n3A_755, %dma_start3A_869, %dma_start3A_870] : memref<50x8x128x8x128xf32, #tpu.memory_space<hbm>> -> memref<1x1x1x8x128xf32, #tpu.memory_space<hbm>>
      %dma_start3A_872 = tpu.memref_squeeze %dma_start3A_871 : memref<1x1x1x8x128xf32, #tpu.memory_space<hbm>> -> memref<8x128xf32, #tpu.memory_space<hbm>>
      %dma_start3A_873 = arith.constant 56 : i32
      %dma_start3A_874 = arith.constant 0 : i32
      %dma_start3A_875 = tpu.memref_slice %arg10[%dma_start3A_873, %dma_start3A_874] : memref<64x128xf32, #tpu.memory_space<vmem>> -> memref<8x128xf32, #tpu.memory_space<vmem>>
      tpu.enqueue_dma source(%dma_start3A_875 : memref<8x128xf32, #tpu.memory_space<vmem>>) target(%dma_start3A_872 : memref<8x128xf32, #tpu.memory_space<hbm>>) target_semaphore(%arg18 : memref<!tpu.dma_semaphore, #tpu.memory_space<semaphore_mem>>)
      %lt3A_876 = arith.constant 49 : i32
      %lt3A_877 = arith.cmpi slt, %scan3A_696, %lt3A_876 : i32
      %convert_element_type3A_878 = arith.extui %lt3A_877 : i1 to i32
      %cond3A_879 = arith.constant 0 : i32
      %cond3A_880 = arith.cmpi ne, %convert_element_type3A_878, %cond3A_879 : i32
      scf.if %cond3A_880 {
        %add3A_1442 = arith.constant 4 : i32
        %add3A_1443 = arith.addi %add3A_700, %add3A_1442 : i32
        %dma_start3A_1444 = arith.constant 0 : i32
        %dma_start3A_1445 = tpu.memref_slice %arg5[%add3A_1443, %dma_start3A_1444] : memref<200x128xi32, #tpu.memory_space<vmem>> -> memref<1x128xi32, #tpu.memory_space<vmem>>
        %dma_start3A_1446 = tpu.memref_squeeze %dma_start3A_1445 : memref<1x128xi32, #tpu.memory_space<vmem>> -> memref<128xi32, #tpu.memory_space<vmem>>
        %dma_start3A_1447 = arith.constant 0 : i32
        %dma_start3A_1448 = arith.constant 0 : i32
        %dma_start3A_1449 = tpu.memref_slice %arg3[%dma_start3A_1447, %dma_start3A_1448] : memref<1000000x128xf32, #tpu.memory_space<hbm>> -> memref<1000000x128xf32, #tpu.memory_space<hbm>>
        tpu.enqueue_indirect_dma source(%dma_start3A_1449 : memref<1000000x128xf32, #tpu.memory_space<hbm>>) target(%arg6 : memref<128x128xf32, #tpu.memory_space<vmem>>) offsets(%dma_start3A_1446 : memref<128xi32, #tpu.memory_space<vmem>>) semaphore(%arg14 : memref<!tpu.dma_semaphore, #tpu.memory_space<semaphore_mem>>)
      } else {
      }
      %mul3A_881 = arith.constant 4 : i32
      %mul3A_882 = arith.muli %scan3A_696, %mul3A_881 : i32
      %add3A_883 = arith.constant 1 : i32
      %add3A_884 = arith.addi %mul3A_882, %add3A_883 : i32
      %dma_wait3A_885 = arith.constant 0 : i32
      %dma_wait3A_886 = tpu.memref_slice %arg5[%add3A_884, %dma_wait3A_885] : memref<200x128xi32, #tpu.memory_space<vmem>> -> memref<1x128xi32, #tpu.memory_space<vmem>>
      %dma_wait3A_887 = tpu.memref_squeeze %dma_wait3A_886 : memref<1x128xi32, #tpu.memory_space<vmem>> -> memref<128xi32, #tpu.memory_space<vmem>>
      %dma_wait3A_888 = arith.constant 0 : i32
      %dma_wait3A_889 = arith.constant 0 : i32
      %dma_wait3A_890 = tpu.memref_slice %arg3[%dma_wait3A_888, %dma_wait3A_889] : memref<1000000x128xf32, #tpu.memory_space<hbm>> -> memref<1000000x128xf32, #tpu.memory_space<hbm>>
      tpu.wait_indirect_dma semaphore(%arg15 : memref<!tpu.dma_semaphore, #tpu.memory_space<semaphore_mem>>) src(%dma_wait3A_890 : memref<1000000x128xf32, #tpu.memory_space<hbm>>) dst(%arg7 : memref<128x128xf32, #tpu.memory_space<vmem>>)
      %gt3A_891 = arith.constant 0 : i32
      %gt3A_892 = arith.cmpi sgt, %scan3A_696, %gt3A_891 : i32
      %convert_element_type3A_893 = arith.extui %gt3A_892 : i1 to i32
      %cond3A_894 = arith.constant 0 : i32
      %cond3A_895 = arith.cmpi ne, %convert_element_type3A_893, %cond3A_894 : i32
      scf.if %cond3A_895 {
        %sub3A_1442 = arith.constant 4 : i32
        %sub3A_1443 = arith.subi %add3A_884, %sub3A_1442 : i32
        %add3A_1444 = arith.addi %mul3A_2, %sub3A_1443 : i32
        %jit3A_1445 = arith.constant 128 : i32
        %div3A_1446 = arith.divsi %add3A_1444, %jit3A_1445 : i32
        %sign3A_1447 = arith.constant 0 : i32
        %sign3A_1448 = arith.cmpi sgt, %add3A_1444, %sign3A_1447 : i32
        %sign3A_1449 = arith.extui %sign3A_1448 : i1 to i32
        %sign3A_1450 = arith.constant 0 : i32
        %sign3A_1451 = arith.cmpi slt, %add3A_1444, %sign3A_1450 : i32
        %sign3A_1452 = arith.extui %sign3A_1451 : i1 to i32
        %sign3A_1453 = arith.subi %sign3A_1449, %sign3A_1452 : i32
        %sign3A_1454 = arith.constant 0 : i32
        %sign3A_1455 = arith.cmpi sgt, %jit3A_1445, %sign3A_1454 : i32
        %sign3A_1456 = arith.extui %sign3A_1455 : i1 to i32
        %sign3A_1457 = arith.constant 0 : i32
        %sign3A_1458 = arith.cmpi slt, %jit3A_1445, %sign3A_1457 : i32
        %sign3A_1459 = arith.extui %sign3A_1458 : i1 to i32
        %sign3A_1460 = arith.subi %sign3A_1456, %sign3A_1459 : i32
        %ne3A_1461 = arith.cmpi ne, %sign3A_1453, %sign3A_1460 : i32
        %rem3A_1462 = arith.remsi %add3A_1444, %jit3A_1445 : i32
        %ne3A_1463 = arith.constant 0 : i32
        %ne3A_1464 = arith.cmpi ne, %rem3A_1462, %ne3A_1463 : i32
        %and3A_1465 = arith.andi %ne3A_1461, %ne3A_1464 : i1
        %sub3A_1466 = arith.constant 1 : i32
        %sub3A_1467 = arith.subi %div3A_1446, %sub3A_1466 : i32
        %select_n3A_1468 = arith.select %and3A_1465, %sub3A_1467, %div3A_1446 : i32
        %jit3A_1469 = arith.constant 128 : i32
        %eq3A_1470 = arith.constant 0 : i32
        %eq3A_1471 = arith.cmpi eq, %jit3A_1469, %eq3A_1470 : i32
        %jit3A_1472 = arith.constant 1 : i32
        %select_n3A_1473 = arith.select %eq3A_1471, %jit3A_1472, %jit3A_1469 : i32
        %rem3A_1474 = arith.remsi %add3A_1444, %select_n3A_1473 : i32
        %ne3A_1475 = arith.constant 0 : i32
        %ne3A_1476 = arith.cmpi ne, %rem3A_1474, %ne3A_1475 : i32
        %lt3A_1477 = arith.constant 0 : i32
        %lt3A_1478 = arith.cmpi slt, %rem3A_1474, %lt3A_1477 : i32
        %lt3A_1479 = arith.constant 0 : i32
        %lt3A_1480 = arith.cmpi slt, %select_n3A_1473, %lt3A_1479 : i32
        %ne3A_1481 = arith.xori %lt3A_1478, %lt3A_1480 : i1
        %and3A_1482 = arith.andi %ne3A_1481, %ne3A_1476 : i1
        %add3A_1483 = arith.addi %rem3A_1474, %select_n3A_1473 : i32
        %select_n3A_1484 = arith.select %and3A_1482, %add3A_1483, %rem3A_1474 : i32
        %dma_wait3A_1485 = arith.constant 0 : i32
        %dma_wait3A_1486 = arith.constant 0 : i32
        %dma_wait3A_1487 = arith.constant 0 : i32
        %dma_wait3A_1488 = tpu.memref_slice %arg11[%dma_wait3A_1486, %dma_wait3A_1487] : memref<64x128xf32, #tpu.memory_space<vmem>> -> memref<8x128xf32, #tpu.memory_space<vmem>>
        %dma_wait3A_1489 = arith.constant 0 : i32
        %dma_wait3A_1490 = arith.constant 0 : i32
        %dma_wait3A_1491 = tpu.memref_slice %arg4[%select_n3A_1468, %dma_wait3A_1485, %select_n3A_1484, %dma_wait3A_1489, %dma_wait3A_1490] : memref<50x8x128x8x128xf32, #tpu.memory_space<hbm>> -> memref<1x1x1x8x128xf32, #tpu.memory_space<hbm>>
        %dma_wait3A_1492 = tpu.memref_squeeze %dma_wait3A_1491 : memref<1x1x1x8x128xf32, #tpu.memory_space<hbm>> -> memref<8x128xf32, #tpu.memory_space<hbm>>
        %dma_wait3A_1493 = arith.constant 0 : i32
        %dma_wait3A_1494 = arith.constant 0 : i32
        %dma_wait3A_1495 = tpu.memref_slice %arg4[%select_n3A_1468, %dma_wait3A_1485, %select_n3A_1484, %dma_wait3A_1493, %dma_wait3A_1494] : memref<50x8x128x8x128xf32, #tpu.memory_space<hbm>> -> memref<1x1x1x8x128xf32, #tpu.memory_space<hbm>>
        %dma_wait3A_1496 = tpu.memref_squeeze %dma_wait3A_1495 : memref<1x1x1x8x128xf32, #tpu.memory_space<hbm>> -> memref<8x128xf32, #tpu.memory_space<hbm>>
        %dma_wait3A_1497 = arith.constant 0 : i32
        %dma_wait3A_1498 = arith.constant 0 : i32
        %dma_wait3A_1499 = tpu.memref_slice %arg11[%dma_wait3A_1497, %dma_wait3A_1498] : memref<64x128xf32, #tpu.memory_space<vmem>> -> memref<8x128xf32, #tpu.memory_space<vmem>>
        tpu.wait_dma2 semaphore(%arg19 : memref<!tpu.dma_semaphore, #tpu.memory_space<semaphore_mem>>) src(%dma_wait3A_1499 : memref<8x128xf32, #tpu.memory_space<vmem>>) dst(%dma_wait3A_1496 : memref<8x128xf32, #tpu.memory_space<hbm>>)
        %dma_wait3A_1500 = arith.constant 1 : i32
        %dma_wait3A_1501 = arith.constant 8 : i32
        %dma_wait3A_1502 = arith.constant 0 : i32
        %dma_wait3A_1503 = tpu.memref_slice %arg11[%dma_wait3A_1501, %dma_wait3A_1502] : memref<64x128xf32, #tpu.memory_space<vmem>> -> memref<8x128xf32, #tpu.memory_space<vmem>>
        %dma_wait3A_1504 = arith.constant 0 : i32
        %dma_wait3A_1505 = arith.constant 0 : i32
        %dma_wait3A_1506 = tpu.memref_slice %arg4[%select_n3A_1468, %dma_wait3A_1500, %select_n3A_1484, %dma_wait3A_1504, %dma_wait3A_1505] : memref<50x8x128x8x128xf32, #tpu.memory_space<hbm>> -> memref<1x1x1x8x128xf32, #tpu.memory_space<hbm>>
        %dma_wait3A_1507 = tpu.memref_squeeze %dma_wait3A_1506 : memref<1x1x1x8x128xf32, #tpu.memory_space<hbm>> -> memref<8x128xf32, #tpu.memory_space<hbm>>
        %dma_wait3A_1508 = arith.constant 0 : i32
        %dma_wait3A_1509 = arith.constant 0 : i32
        %dma_wait3A_1510 = tpu.memref_slice %arg4[%select_n3A_1468, %dma_wait3A_1500, %select_n3A_1484, %dma_wait3A_1508, %dma_wait3A_1509] : memref<50x8x128x8x128xf32, #tpu.memory_space<hbm>> -> memref<1x1x1x8x128xf32, #tpu.memory_space<hbm>>
        %dma_wait3A_1511 = tpu.memref_squeeze %dma_wait3A_1510 : memref<1x1x1x8x128xf32, #tpu.memory_space<hbm>> -> memref<8x128xf32, #tpu.memory_space<hbm>>
        %dma_wait3A_1512 = arith.constant 8 : i32
        %dma_wait3A_1513 = arith.constant 0 : i32
        %dma_wait3A_1514 = tpu.memref_slice %arg11[%dma_wait3A_1512, %dma_wait3A_1513] : memref<64x128xf32, #tpu.memory_space<vmem>> -> memref<8x128xf32, #tpu.memory_space<vmem>>
        tpu.wait_dma2 semaphore(%arg19 : memref<!tpu.dma_semaphore, #tpu.memory_space<semaphore_mem>>) src(%dma_wait3A_1514 : memref<8x128xf32, #tpu.memory_space<vmem>>) dst(%dma_wait3A_1511 : memref<8x128xf32, #tpu.memory_space<hbm>>)
        %dma_wait3A_1515 = arith.constant 2 : i32
        %dma_wait3A_1516 = arith.constant 16 : i32
        %dma_wait3A_1517 = arith.constant 0 : i32
        %dma_wait3A_1518 = tpu.memref_slice %arg11[%dma_wait3A_1516, %dma_wait3A_1517] : memref<64x128xf32, #tpu.memory_space<vmem>> -> memref<8x128xf32, #tpu.memory_space<vmem>>
        %dma_wait3A_1519 = arith.constant 0 : i32
        %dma_wait3A_1520 = arith.constant 0 : i32
        %dma_wait3A_1521 = tpu.memref_slice %arg4[%select_n3A_1468, %dma_wait3A_1515, %select_n3A_1484, %dma_wait3A_1519, %dma_wait3A_1520] : memref<50x8x128x8x128xf32, #tpu.memory_space<hbm>> -> memref<1x1x1x8x128xf32, #tpu.memory_space<hbm>>
        %dma_wait3A_1522 = tpu.memref_squeeze %dma_wait3A_1521 : memref<1x1x1x8x128xf32, #tpu.memory_space<hbm>> -> memref<8x128xf32, #tpu.memory_space<hbm>>
        %dma_wait3A_1523 = arith.constant 0 : i32
        %dma_wait3A_1524 = arith.constant 0 : i32
        %dma_wait3A_1525 = tpu.memref_slice %arg4[%select_n3A_1468, %dma_wait3A_1515, %select_n3A_1484, %dma_wait3A_1523, %dma_wait3A_1524] : memref<50x8x128x8x128xf32, #tpu.memory_space<hbm>> -> memref<1x1x1x8x128xf32, #tpu.memory_space<hbm>>
        %dma_wait3A_1526 = tpu.memref_squeeze %dma_wait3A_1525 : memref<1x1x1x8x128xf32, #tpu.memory_space<hbm>> -> memref<8x128xf32, #tpu.memory_space<hbm>>
        %dma_wait3A_1527 = arith.constant 16 : i32
        %dma_wait3A_1528 = arith.constant 0 : i32
        %dma_wait3A_1529 = tpu.memref_slice %arg11[%dma_wait3A_1527, %dma_wait3A_1528] : memref<64x128xf32, #tpu.memory_space<vmem>> -> memref<8x128xf32, #tpu.memory_space<vmem>>
        tpu.wait_dma2 semaphore(%arg19 : memref<!tpu.dma_semaphore, #tpu.memory_space<semaphore_mem>>) src(%dma_wait3A_1529 : memref<8x128xf32, #tpu.memory_space<vmem>>) dst(%dma_wait3A_1526 : memref<8x128xf32, #tpu.memory_space<hbm>>)
        %dma_wait3A_1530 = arith.constant 3 : i32
        %dma_wait3A_1531 = arith.constant 24 : i32
        %dma_wait3A_1532 = arith.constant 0 : i32
        %dma_wait3A_1533 = tpu.memref_slice %arg11[%dma_wait3A_1531, %dma_wait3A_1532] : memref<64x128xf32, #tpu.memory_space<vmem>> -> memref<8x128xf32, #tpu.memory_space<vmem>>
        %dma_wait3A_1534 = arith.constant 0 : i32
        %dma_wait3A_1535 = arith.constant 0 : i32
        %dma_wait3A_1536 = tpu.memref_slice %arg4[%select_n3A_1468, %dma_wait3A_1530, %select_n3A_1484, %dma_wait3A_1534, %dma_wait3A_1535] : memref<50x8x128x8x128xf32, #tpu.memory_space<hbm>> -> memref<1x1x1x8x128xf32, #tpu.memory_space<hbm>>
        %dma_wait3A_1537 = tpu.memref_squeeze %dma_wait3A_1536 : memref<1x1x1x8x128xf32, #tpu.memory_space<hbm>> -> memref<8x128xf32, #tpu.memory_space<hbm>>
        %dma_wait3A_1538 = arith.constant 0 : i32
        %dma_wait3A_1539 = arith.constant 0 : i32
        %dma_wait3A_1540 = tpu.memref_slice %arg4[%select_n3A_1468, %dma_wait3A_1530, %select_n3A_1484, %dma_wait3A_1538, %dma_wait3A_1539] : memref<50x8x128x8x128xf32, #tpu.memory_space<hbm>> -> memref<1x1x1x8x128xf32, #tpu.memory_space<hbm>>
        %dma_wait3A_1541 = tpu.memref_squeeze %dma_wait3A_1540 : memref<1x1x1x8x128xf32, #tpu.memory_space<hbm>> -> memref<8x128xf32, #tpu.memory_space<hbm>>
        %dma_wait3A_1542 = arith.constant 24 : i32
        %dma_wait3A_1543 = arith.constant 0 : i32
        %dma_wait3A_1544 = tpu.memref_slice %arg11[%dma_wait3A_1542, %dma_wait3A_1543] : memref<64x128xf32, #tpu.memory_space<vmem>> -> memref<8x128xf32, #tpu.memory_space<vmem>>
        tpu.wait_dma2 semaphore(%arg19 : memref<!tpu.dma_semaphore, #tpu.memory_space<semaphore_mem>>) src(%dma_wait3A_1544 : memref<8x128xf32, #tpu.memory_space<vmem>>) dst(%dma_wait3A_1541 : memref<8x128xf32, #tpu.memory_space<hbm>>)
        %dma_wait3A_1545 = arith.constant 4 : i32
        %dma_wait3A_1546 = arith.constant 32 : i32
        %dma_wait3A_1547 = arith.constant 0 : i32
        %dma_wait3A_1548 = tpu.memref_slice %arg11[%dma_wait3A_1546, %dma_wait3A_1547] : memref<64x128xf32, #tpu.memory_space<vmem>> -> memref<8x128xf32, #tpu.memory_space<vmem>>
        %dma_wait3A_1549 = arith.constant 0 : i32
        %dma_wait3A_1550 = arith.constant 0 : i32
        %dma_wait3A_1551 = tpu.memref_slice %arg4[%select_n3A_1468, %dma_wait3A_1545, %select_n3A_1484, %dma_wait3A_1549, %dma_wait3A_1550] : memref<50x8x128x8x128xf32, #tpu.memory_space<hbm>> -> memref<1x1x1x8x128xf32, #tpu.memory_space<hbm>>
        %dma_wait3A_1552 = tpu.memref_squeeze %dma_wait3A_1551 : memref<1x1x1x8x128xf32, #tpu.memory_space<hbm>> -> memref<8x128xf32, #tpu.memory_space<hbm>>
        %dma_wait3A_1553 = arith.constant 0 : i32
        %dma_wait3A_1554 = arith.constant 0 : i32
        %dma_wait3A_1555 = tpu.memref_slice %arg4[%select_n3A_1468, %dma_wait3A_1545, %select_n3A_1484, %dma_wait3A_1553, %dma_wait3A_1554] : memref<50x8x128x8x128xf32, #tpu.memory_space<hbm>> -> memref<1x1x1x8x128xf32, #tpu.memory_space<hbm>>
        %dma_wait3A_1556 = tpu.memref_squeeze %dma_wait3A_1555 : memref<1x1x1x8x128xf32, #tpu.memory_space<hbm>> -> memref<8x128xf32, #tpu.memory_space<hbm>>
        %dma_wait3A_1557 = arith.constant 32 : i32
        %dma_wait3A_1558 = arith.constant 0 : i32
        %dma_wait3A_1559 = tpu.memref_slice %arg11[%dma_wait3A_1557, %dma_wait3A_1558] : memref<64x128xf32, #tpu.memory_space<vmem>> -> memref<8x128xf32, #tpu.memory_space<vmem>>
        tpu.wait_dma2 semaphore(%arg19 : memref<!tpu.dma_semaphore, #tpu.memory_space<semaphore_mem>>) src(%dma_wait3A_1559 : memref<8x128xf32, #tpu.memory_space<vmem>>) dst(%dma_wait3A_1556 : memref<8x128xf32, #tpu.memory_space<hbm>>)
        %dma_wait3A_1560 = arith.constant 5 : i32
        %dma_wait3A_1561 = arith.constant 40 : i32
        %dma_wait3A_1562 = arith.constant 0 : i32
        %dma_wait3A_1563 = tpu.memref_slice %arg11[%dma_wait3A_1561, %dma_wait3A_1562] : memref<64x128xf32, #tpu.memory_space<vmem>> -> memref<8x128xf32, #tpu.memory_space<vmem>>
        %dma_wait3A_1564 = arith.constant 0 : i32
        %dma_wait3A_1565 = arith.constant 0 : i32
        %dma_wait3A_1566 = tpu.memref_slice %arg4[%select_n3A_1468, %dma_wait3A_1560, %select_n3A_1484, %dma_wait3A_1564, %dma_wait3A_1565] : memref<50x8x128x8x128xf32, #tpu.memory_space<hbm>> -> memref<1x1x1x8x128xf32, #tpu.memory_space<hbm>>
        %dma_wait3A_1567 = tpu.memref_squeeze %dma_wait3A_1566 : memref<1x1x1x8x128xf32, #tpu.memory_space<hbm>> -> memref<8x128xf32, #tpu.memory_space<hbm>>
        %dma_wait3A_1568 = arith.constant 0 : i32
        %dma_wait3A_1569 = arith.constant 0 : i32
        %dma_wait3A_1570 = tpu.memref_slice %arg4[%select_n3A_1468, %dma_wait3A_1560, %select_n3A_1484, %dma_wait3A_1568, %dma_wait3A_1569] : memref<50x8x128x8x128xf32, #tpu.memory_space<hbm>> -> memref<1x1x1x8x128xf32, #tpu.memory_space<hbm>>
        %dma_wait3A_1571 = tpu.memref_squeeze %dma_wait3A_1570 : memref<1x1x1x8x128xf32, #tpu.memory_space<hbm>> -> memref<8x128xf32, #tpu.memory_space<hbm>>
        %dma_wait3A_1572 = arith.constant 40 : i32
        %dma_wait3A_1573 = arith.constant 0 : i32
        %dma_wait3A_1574 = tpu.memref_slice %arg11[%dma_wait3A_1572, %dma_wait3A_1573] : memref<64x128xf32, #tpu.memory_space<vmem>> -> memref<8x128xf32, #tpu.memory_space<vmem>>
        tpu.wait_dma2 semaphore(%arg19 : memref<!tpu.dma_semaphore, #tpu.memory_space<semaphore_mem>>) src(%dma_wait3A_1574 : memref<8x128xf32, #tpu.memory_space<vmem>>) dst(%dma_wait3A_1571 : memref<8x128xf32, #tpu.memory_space<hbm>>)
        %dma_wait3A_1575 = arith.constant 6 : i32
        %dma_wait3A_1576 = arith.constant 48 : i32
        %dma_wait3A_1577 = arith.constant 0 : i32
        %dma_wait3A_1578 = tpu.memref_slice %arg11[%dma_wait3A_1576, %dma_wait3A_1577] : memref<64x128xf32, #tpu.memory_space<vmem>> -> memref<8x128xf32, #tpu.memory_space<vmem>>
        %dma_wait3A_1579 = arith.constant 0 : i32
        %dma_wait3A_1580 = arith.constant 0 : i32
        %dma_wait3A_1581 = tpu.memref_slice %arg4[%select_n3A_1468, %dma_wait3A_1575, %select_n3A_1484, %dma_wait3A_1579, %dma_wait3A_1580] : memref<50x8x128x8x128xf32, #tpu.memory_space<hbm>> -> memref<1x1x1x8x128xf32, #tpu.memory_space<hbm>>
        %dma_wait3A_1582 = tpu.memref_squeeze %dma_wait3A_1581 : memref<1x1x1x8x128xf32, #tpu.memory_space<hbm>> -> memref<8x128xf32, #tpu.memory_space<hbm>>
        %dma_wait3A_1583 = arith.constant 0 : i32
        %dma_wait3A_1584 = arith.constant 0 : i32
        %dma_wait3A_1585 = tpu.memref_slice %arg4[%select_n3A_1468, %dma_wait3A_1575, %select_n3A_1484, %dma_wait3A_1583, %dma_wait3A_1584] : memref<50x8x128x8x128xf32, #tpu.memory_space<hbm>> -> memref<1x1x1x8x128xf32, #tpu.memory_space<hbm>>
        %dma_wait3A_1586 = tpu.memref_squeeze %dma_wait3A_1585 : memref<1x1x1x8x128xf32, #tpu.memory_space<hbm>> -> memref<8x128xf32, #tpu.memory_space<hbm>>
        %dma_wait3A_1587 = arith.constant 48 : i32
        %dma_wait3A_1588 = arith.constant 0 : i32
        %dma_wait3A_1589 = tpu.memref_slice %arg11[%dma_wait3A_1587, %dma_wait3A_1588] : memref<64x128xf32, #tpu.memory_space<vmem>> -> memref<8x128xf32, #tpu.memory_space<vmem>>
        tpu.wait_dma2 semaphore(%arg19 : memref<!tpu.dma_semaphore, #tpu.memory_space<semaphore_mem>>) src(%dma_wait3A_1589 : memref<8x128xf32, #tpu.memory_space<vmem>>) dst(%dma_wait3A_1586 : memref<8x128xf32, #tpu.memory_space<hbm>>)
        %dma_wait3A_1590 = arith.constant 7 : i32
        %dma_wait3A_1591 = arith.constant 56 : i32
        %dma_wait3A_1592 = arith.constant 0 : i32
        %dma_wait3A_1593 = tpu.memref_slice %arg11[%dma_wait3A_1591, %dma_wait3A_1592] : memref<64x128xf32, #tpu.memory_space<vmem>> -> memref<8x128xf32, #tpu.memory_space<vmem>>
        %dma_wait3A_1594 = arith.constant 0 : i32
        %dma_wait3A_1595 = arith.constant 0 : i32
        %dma_wait3A_1596 = tpu.memref_slice %arg4[%select_n3A_1468, %dma_wait3A_1590, %select_n3A_1484, %dma_wait3A_1594, %dma_wait3A_1595] : memref<50x8x128x8x128xf32, #tpu.memory_space<hbm>> -> memref<1x1x1x8x128xf32, #tpu.memory_space<hbm>>
        %dma_wait3A_1597 = tpu.memref_squeeze %dma_wait3A_1596 : memref<1x1x1x8x128xf32, #tpu.memory_space<hbm>> -> memref<8x128xf32, #tpu.memory_space<hbm>>
        %dma_wait3A_1598 = arith.constant 0 : i32
        %dma_wait3A_1599 = arith.constant 0 : i32
        %dma_wait3A_1600 = tpu.memref_slice %arg4[%select_n3A_1468, %dma_wait3A_1590, %select_n3A_1484, %dma_wait3A_1598, %dma_wait3A_1599] : memref<50x8x128x8x128xf32, #tpu.memory_space<hbm>> -> memref<1x1x1x8x128xf32, #tpu.memory_space<hbm>>
        %dma_wait3A_1601 = tpu.memref_squeeze %dma_wait3A_1600 : memref<1x1x1x8x128xf32, #tpu.memory_space<hbm>> -> memref<8x128xf32, #tpu.memory_space<hbm>>
        %dma_wait3A_1602 = arith.constant 56 : i32
        %dma_wait3A_1603 = arith.constant 0 : i32
        %dma_wait3A_1604 = tpu.memref_slice %arg11[%dma_wait3A_1602, %dma_wait3A_1603] : memref<64x128xf32, #tpu.memory_space<vmem>> -> memref<8x128xf32, #tpu.memory_space<vmem>>
        tpu.wait_dma2 semaphore(%arg19 : memref<!tpu.dma_semaphore, #tpu.memory_space<semaphore_mem>>) src(%dma_wait3A_1604 : memref<8x128xf32, #tpu.memory_space<vmem>>) dst(%dma_wait3A_1601 : memref<8x128xf32, #tpu.memory_space<hbm>>)
      } else {
      }
      %scan3A_896 = arith.constant 0 : i32
      %scan3A_897 = arith.constant 0 : i32
      %scan3A_898 = arith.constant 16 : i32
      %scan3A_899 = arith.addi %scan3A_897, %scan3A_898 : i32
      %scan3A_900 = arith.constant 1 : i32
      scf.for %scan3A_1442 = %scan3A_897 to %scan3A_899 step %scan3A_900  : i32 {
        %add3A_1443 = vector.broadcast %scan3A_1442 : i32 to vector<16xi32>
        %add3A_1444 = arith.addi %iota3A, %add3A_1443 : vector<16xi32>
        %and3A_1445 = arith.constant 15 : i32
        %and3A_1446 = vector.broadcast %and3A_1445 : i32 to vector<16xi32>
        %and3A_1447 = arith.andi %add3A_1444, %and3A_1446 : vector<16xi32>
        %add3A_1448 = arith.constant 0 : i32
        %add3A_1449 = vector.broadcast %add3A_1448 : i32 to vector<16xi32>
        %add3A_1450 = arith.addi %and3A_1447, %add3A_1449 : vector<16xi32>
        %add3A_1451 = arith.constant 16 : i32
        %add3A_1452 = vector.broadcast %add3A_1451 : i32 to vector<16xi32>
        %add3A_1453 = arith.addi %and3A_1447, %add3A_1452 : vector<16xi32>
        %add3A_1454 = arith.constant 32 : i32
        %add3A_1455 = vector.broadcast %add3A_1454 : i32 to vector<16xi32>
        %add3A_1456 = arith.addi %and3A_1447, %add3A_1455 : vector<16xi32>
        %add3A_1457 = arith.constant 48 : i32
        %add3A_1458 = vector.broadcast %add3A_1457 : i32 to vector<16xi32>
        %add3A_1459 = arith.addi %and3A_1447, %add3A_1458 : vector<16xi32>
        %gather3A = tpu.vector_load_idx %arg7[%add3A_5, %add3A_1450] : memref<128x128xf32, #tpu.memory_space<vmem>>[vector<16xi32>, vector<16xi32>], vector<16xf32>,
        tpu.vector_store_idx %arg11[%add3A_1450, %add3A_5], %gather3A : memref<64x128xf32, #tpu.memory_space<vmem>>[vector<16xi32>, vector<16xi32>], vector<16xf32>,
        %gather3A_1460 = tpu.vector_load_idx %arg7[%add3A_8, %add3A_1450] : memref<128x128xf32, #tpu.memory_space<vmem>>[vector<16xi32>, vector<16xi32>], vector<16xf32>,
        tpu.vector_store_idx %arg11[%add3A_1450, %add3A_8], %gather3A_1460 : memref<64x128xf32, #tpu.memory_space<vmem>>[vector<16xi32>, vector<16xi32>], vector<16xf32>,
        %gather3A_1461 = tpu.vector_load_idx %arg7[%add3A_11, %add3A_1450] : memref<128x128xf32, #tpu.memory_space<vmem>>[vector<16xi32>, vector<16xi32>], vector<16xf32>,
        tpu.vector_store_idx %arg11[%add3A_1450, %add3A_11], %gather3A_1461 : memref<64x128xf32, #tpu.memory_space<vmem>>[vector<16xi32>, vector<16xi32>], vector<16xf32>,
        %gather3A_1462 = tpu.vector_load_idx %arg7[%add3A_14, %add3A_1450] : memref<128x128xf32, #tpu.memory_space<vmem>>[vector<16xi32>, vector<16xi32>], vector<16xf32>,
        tpu.vector_store_idx %arg11[%add3A_1450, %add3A_14], %gather3A_1462 : memref<64x128xf32, #tpu.memory_space<vmem>>[vector<16xi32>, vector<16xi32>], vector<16xf32>,
        %gather3A_1463 = tpu.vector_load_idx %arg7[%add3A_17, %add3A_1450] : memref<128x128xf32, #tpu.memory_space<vmem>>[vector<16xi32>, vector<16xi32>], vector<16xf32>,
        tpu.vector_store_idx %arg11[%add3A_1450, %add3A_17], %gather3A_1463 : memref<64x128xf32, #tpu.memory_space<vmem>>[vector<16xi32>, vector<16xi32>], vector<16xf32>,
        %gather3A_1464 = tpu.vector_load_idx %arg7[%add3A_20, %add3A_1450] : memref<128x128xf32, #tpu.memory_space<vmem>>[vector<16xi32>, vector<16xi32>], vector<16xf32>,
        tpu.vector_store_idx %arg11[%add3A_1450, %add3A_20], %gather3A_1464 : memref<64x128xf32, #tpu.memory_space<vmem>>[vector<16xi32>, vector<16xi32>], vector<16xf32>,
        %gather3A_1465 = tpu.vector_load_idx %arg7[%add3A_23, %add3A_1450] : memref<128x128xf32, #tpu.memory_space<vmem>>[vector<16xi32>, vector<16xi32>], vector<16xf32>,
        tpu.vector_store_idx %arg11[%add3A_1450, %add3A_23], %gather3A_1465 : memref<64x128xf32, #tpu.memory_space<vmem>>[vector<16xi32>, vector<16xi32>], vector<16xf32>,
        %gather3A_1466 = tpu.vector_load_idx %arg7[%add3A_26, %add3A_1450] : memref<128x128xf32, #tpu.memory_space<vmem>>[vector<16xi32>, vector<16xi32>], vector<16xf32>,
        tpu.vector_store_idx %arg11[%add3A_1450, %add3A_26], %gather3A_1466 : memref<64x128xf32, #tpu.memory_space<vmem>>[vector<16xi32>, vector<16xi32>], vector<16xf32>,
        %gather3A_1467 = tpu.vector_load_idx %arg7[%add3A_5, %add3A_1453] : memref<128x128xf32, #tpu.memory_space<vmem>>[vector<16xi32>, vector<16xi32>], vector<16xf32>,
        tpu.vector_store_idx %arg11[%add3A_1453, %add3A_5], %gather3A_1467 : memref<64x128xf32, #tpu.memory_space<vmem>>[vector<16xi32>, vector<16xi32>], vector<16xf32>,
        %gather3A_1468 = tpu.vector_load_idx %arg7[%add3A_8, %add3A_1453] : memref<128x128xf32, #tpu.memory_space<vmem>>[vector<16xi32>, vector<16xi32>], vector<16xf32>,
        tpu.vector_store_idx %arg11[%add3A_1453, %add3A_8], %gather3A_1468 : memref<64x128xf32, #tpu.memory_space<vmem>>[vector<16xi32>, vector<16xi32>], vector<16xf32>,
        %gather3A_1469 = tpu.vector_load_idx %arg7[%add3A_11, %add3A_1453] : memref<128x128xf32, #tpu.memory_space<vmem>>[vector<16xi32>, vector<16xi32>], vector<16xf32>,
        tpu.vector_store_idx %arg11[%add3A_1453, %add3A_11], %gather3A_1469 : memref<64x128xf32, #tpu.memory_space<vmem>>[vector<16xi32>, vector<16xi32>], vector<16xf32>,
        %gather3A_1470 = tpu.vector_load_idx %arg7[%add3A_14, %add3A_1453] : memref<128x128xf32, #tpu.memory_space<vmem>>[vector<16xi32>, vector<16xi32>], vector<16xf32>,
        tpu.vector_store_idx %arg11[%add3A_1453, %add3A_14], %gather3A_1470 : memref<64x128xf32, #tpu.memory_space<vmem>>[vector<16xi32>, vector<16xi32>], vector<16xf32>,
        %gather3A_1471 = tpu.vector_load_idx %arg7[%add3A_17, %add3A_1453] : memref<128x128xf32, #tpu.memory_space<vmem>>[vector<16xi32>, vector<16xi32>], vector<16xf32>,
        tpu.vector_store_idx %arg11[%add3A_1453, %add3A_17], %gather3A_1471 : memref<64x128xf32, #tpu.memory_space<vmem>>[vector<16xi32>, vector<16xi32>], vector<16xf32>,
        %gather3A_1472 = tpu.vector_load_idx %arg7[%add3A_20, %add3A_1453] : memref<128x128xf32, #tpu.memory_space<vmem>>[vector<16xi32>, vector<16xi32>], vector<16xf32>,
        tpu.vector_store_idx %arg11[%add3A_1453, %add3A_20], %gather3A_1472 : memref<64x128xf32, #tpu.memory_space<vmem>>[vector<16xi32>, vector<16xi32>], vector<16xf32>,
        %gather3A_1473 = tpu.vector_load_idx %arg7[%add3A_23, %add3A_1453] : memref<128x128xf32, #tpu.memory_space<vmem>>[vector<16xi32>, vector<16xi32>], vector<16xf32>,
        tpu.vector_store_idx %arg11[%add3A_1453, %add3A_23], %gather3A_1473 : memref<64x128xf32, #tpu.memory_space<vmem>>[vector<16xi32>, vector<16xi32>], vector<16xf32>,
        %gather3A_1474 = tpu.vector_load_idx %arg7[%add3A_26, %add3A_1453] : memref<128x128xf32, #tpu.memory_space<vmem>>[vector<16xi32>, vector<16xi32>], vector<16xf32>,
        tpu.vector_store_idx %arg11[%add3A_1453, %add3A_26], %gather3A_1474 : memref<64x128xf32, #tpu.memory_space<vmem>>[vector<16xi32>, vector<16xi32>], vector<16xf32>,
        %gather3A_1475 = tpu.vector_load_idx %arg7[%add3A_5, %add3A_1456] : memref<128x128xf32, #tpu.memory_space<vmem>>[vector<16xi32>, vector<16xi32>], vector<16xf32>,
        tpu.vector_store_idx %arg11[%add3A_1456, %add3A_5], %gather3A_1475 : memref<64x128xf32, #tpu.memory_space<vmem>>[vector<16xi32>, vector<16xi32>], vector<16xf32>,
        %gather3A_1476 = tpu.vector_load_idx %arg7[%add3A_8, %add3A_1456] : memref<128x128xf32, #tpu.memory_space<vmem>>[vector<16xi32>, vector<16xi32>], vector<16xf32>,
        tpu.vector_store_idx %arg11[%add3A_1456, %add3A_8], %gather3A_1476 : memref<64x128xf32, #tpu.memory_space<vmem>>[vector<16xi32>, vector<16xi32>], vector<16xf32>,
        %gather3A_1477 = tpu.vector_load_idx %arg7[%add3A_11, %add3A_1456] : memref<128x128xf32, #tpu.memory_space<vmem>>[vector<16xi32>, vector<16xi32>], vector<16xf32>,
        tpu.vector_store_idx %arg11[%add3A_1456, %add3A_11], %gather3A_1477 : memref<64x128xf32, #tpu.memory_space<vmem>>[vector<16xi32>, vector<16xi32>], vector<16xf32>,
        %gather3A_1478 = tpu.vector_load_idx %arg7[%add3A_14, %add3A_1456] : memref<128x128xf32, #tpu.memory_space<vmem>>[vector<16xi32>, vector<16xi32>], vector<16xf32>,
        tpu.vector_store_idx %arg11[%add3A_1456, %add3A_14], %gather3A_1478 : memref<64x128xf32, #tpu.memory_space<vmem>>[vector<16xi32>, vector<16xi32>], vector<16xf32>,
        %gather3A_1479 = tpu.vector_load_idx %arg7[%add3A_17, %add3A_1456] : memref<128x128xf32, #tpu.memory_space<vmem>>[vector<16xi32>, vector<16xi32>], vector<16xf32>,
        tpu.vector_store_idx %arg11[%add3A_1456, %add3A_17], %gather3A_1479 : memref<64x128xf32, #tpu.memory_space<vmem>>[vector<16xi32>, vector<16xi32>], vector<16xf32>,
        %gather3A_1480 = tpu.vector_load_idx %arg7[%add3A_20, %add3A_1456] : memref<128x128xf32, #tpu.memory_space<vmem>>[vector<16xi32>, vector<16xi32>], vector<16xf32>,
        tpu.vector_store_idx %arg11[%add3A_1456, %add3A_20], %gather3A_1480 : memref<64x128xf32, #tpu.memory_space<vmem>>[vector<16xi32>, vector<16xi32>], vector<16xf32>,
        %gather3A_1481 = tpu.vector_load_idx %arg7[%add3A_23, %add3A_1456] : memref<128x128xf32, #tpu.memory_space<vmem>>[vector<16xi32>, vector<16xi32>], vector<16xf32>,
        tpu.vector_store_idx %arg11[%add3A_1456, %add3A_23], %gather3A_1481 : memref<64x128xf32, #tpu.memory_space<vmem>>[vector<16xi32>, vector<16xi32>], vector<16xf32>,
        %gather3A_1482 = tpu.vector_load_idx %arg7[%add3A_26, %add3A_1456] : memref<128x128xf32, #tpu.memory_space<vmem>>[vector<16xi32>, vector<16xi32>], vector<16xf32>,
        tpu.vector_store_idx %arg11[%add3A_1456, %add3A_26], %gather3A_1482 : memref<64x128xf32, #tpu.memory_space<vmem>>[vector<16xi32>, vector<16xi32>], vector<16xf32>,
        %gather3A_1483 = tpu.vector_load_idx %arg7[%add3A_5, %add3A_1459] : memref<128x128xf32, #tpu.memory_space<vmem>>[vector<16xi32>, vector<16xi32>], vector<16xf32>,
        tpu.vector_store_idx %arg11[%add3A_1459, %add3A_5], %gather3A_1483 : memref<64x128xf32, #tpu.memory_space<vmem>>[vector<16xi32>, vector<16xi32>], vector<16xf32>,
        %gather3A_1484 = tpu.vector_load_idx %arg7[%add3A_8, %add3A_1459] : memref<128x128xf32, #tpu.memory_space<vmem>>[vector<16xi32>, vector<16xi32>], vector<16xf32>,
        tpu.vector_store_idx %arg11[%add3A_1459, %add3A_8], %gather3A_1484 : memref<64x128xf32, #tpu.memory_space<vmem>>[vector<16xi32>, vector<16xi32>], vector<16xf32>,
        %gather3A_1485 = tpu.vector_load_idx %arg7[%add3A_11, %add3A_1459] : memref<128x128xf32, #tpu.memory_space<vmem>>[vector<16xi32>, vector<16xi32>], vector<16xf32>,
        tpu.vector_store_idx %arg11[%add3A_1459, %add3A_11], %gather3A_1485 : memref<64x128xf32, #tpu.memory_space<vmem>>[vector<16xi32>, vector<16xi32>], vector<16xf32>,
        %gather3A_1486 = tpu.vector_load_idx %arg7[%add3A_14, %add3A_1459] : memref<128x128xf32, #tpu.memory_space<vmem>>[vector<16xi32>, vector<16xi32>], vector<16xf32>,
        tpu.vector_store_idx %arg11[%add3A_1459, %add3A_14], %gather3A_1486 : memref<64x128xf32, #tpu.memory_space<vmem>>[vector<16xi32>, vector<16xi32>], vector<16xf32>,
        %gather3A_1487 = tpu.vector_load_idx %arg7[%add3A_17, %add3A_1459] : memref<128x128xf32, #tpu.memory_space<vmem>>[vector<16xi32>, vector<16xi32>], vector<16xf32>,
        tpu.vector_store_idx %arg11[%add3A_1459, %add3A_17], %gather3A_1487 : memref<64x128xf32, #tpu.memory_space<vmem>>[vector<16xi32>, vector<16xi32>], vector<16xf32>,
        %gather3A_1488 = tpu.vector_load_idx %arg7[%add3A_20, %add3A_1459] : memref<128x128xf32, #tpu.memory_space<vmem>>[vector<16xi32>, vector<16xi32>], vector<16xf32>,
        tpu.vector_store_idx %arg11[%add3A_1459, %add3A_20], %gather3A_1488 : memref<64x128xf32, #tpu.memory_space<vmem>>[vector<16xi32>, vector<16xi32>], vector<16xf32>,
        %gather3A_1489 = tpu.vector_load_idx %arg7[%add3A_23, %add3A_1459] : memref<128x128xf32, #tpu.memory_space<vmem>>[vector<16xi32>, vector<16xi32>], vector<16xf32>,
        tpu.vector_store_idx %arg11[%add3A_1459, %add3A_23], %gather3A_1489 : memref<64x128xf32, #tpu.memory_space<vmem>>[vector<16xi32>, vector<16xi32>], vector<16xf32>,
        %gather3A_1490 = tpu.vector_load_idx %arg7[%add3A_26, %add3A_1459] : memref<128x128xf32, #tpu.memory_space<vmem>>[vector<16xi32>, vector<16xi32>], vector<16xf32>,
        tpu.vector_store_idx %arg11[%add3A_1459, %add3A_26], %gather3A_1490 : memref<64x128xf32, #tpu.memory_space<vmem>>[vector<16xi32>, vector<16xi32>], vector<16xf32>,
      }
      %scan3A_901 = arith.constant 16 : i32
      %add3A_902 = arith.addi %mul3A_2, %add3A_884 : i32
      %jit3A_903 = arith.constant 128 : i32
      %div3A_904 = arith.divsi %add3A_902, %jit3A_903 : i32
      %sign3A_905 = arith.constant 0 : i32
      %sign3A_906 = arith.cmpi sgt, %add3A_902, %sign3A_905 : i32
      %sign3A_907 = arith.extui %sign3A_906 : i1 to i32
      %sign3A_908 = arith.constant 0 : i32
      %sign3A_909 = arith.cmpi slt, %add3A_902, %sign3A_908 : i32
      %sign3A_910 = arith.extui %sign3A_909 : i1 to i32
      %sign3A_911 = arith.subi %sign3A_907, %sign3A_910 : i32
      %sign3A_912 = arith.constant 0 : i32
      %sign3A_913 = arith.cmpi sgt, %jit3A_903, %sign3A_912 : i32
      %sign3A_914 = arith.extui %sign3A_913 : i1 to i32
      %sign3A_915 = arith.constant 0 : i32
      %sign3A_916 = arith.cmpi slt, %jit3A_903, %sign3A_915 : i32
      %sign3A_917 = arith.extui %sign3A_916 : i1 to i32
      %sign3A_918 = arith.subi %sign3A_914, %sign3A_917 : i32
      %ne3A_919 = arith.cmpi ne, %sign3A_911, %sign3A_918 : i32
      %rem3A_920 = arith.remsi %add3A_902, %jit3A_903 : i32
      %ne3A_921 = arith.constant 0 : i32
      %ne3A_922 = arith.cmpi ne, %rem3A_920, %ne3A_921 : i32
      %and3A_923 = arith.andi %ne3A_919, %ne3A_922 : i1
      %sub3A_924 = arith.constant 1 : i32
      %sub3A_925 = arith.subi %div3A_904, %sub3A_924 : i32
      %select_n3A_926 = arith.select %and3A_923, %sub3A_925, %div3A_904 : i32
      %jit3A_927 = arith.constant 128 : i32
      %eq3A_928 = arith.constant 0 : i32
      %eq3A_929 = arith.cmpi eq, %jit3A_927, %eq3A_928 : i32
      %jit3A_930 = arith.constant 1 : i32
      %select_n3A_931 = arith.select %eq3A_929, %jit3A_930, %jit3A_927 : i32
      %rem3A_932 = arith.remsi %add3A_902, %select_n3A_931 : i32
      %ne3A_933 = arith.constant 0 : i32
      %ne3A_934 = arith.cmpi ne, %rem3A_932, %ne3A_933 : i32
      %lt3A_935 = arith.constant 0 : i32
      %lt3A_936 = arith.cmpi slt, %rem3A_932, %lt3A_935 : i32
      %lt3A_937 = arith.constant 0 : i32
      %lt3A_938 = arith.cmpi slt, %select_n3A_931, %lt3A_937 : i32
      %ne3A_939 = arith.xori %lt3A_936, %lt3A_938 : i1
      %and3A_940 = arith.andi %ne3A_939, %ne3A_934 : i1
      %add3A_941 = arith.addi %rem3A_932, %select_n3A_931 : i32
      %select_n3A_942 = arith.select %and3A_940, %add3A_941, %rem3A_932 : i32
      %dma_start3A_943 = arith.constant 0 : i32
      %dma_start3A_944 = arith.constant 0 : i32
      %dma_start3A_945 = arith.constant 0 : i32
      %dma_start3A_946 = tpu.memref_slice %arg11[%dma_start3A_944, %dma_start3A_945] : memref<64x128xf32, #tpu.memory_space<vmem>> -> memref<8x128xf32, #tpu.memory_space<vmem>>
      %dma_start3A_947 = arith.constant 0 : i32
      %dma_start3A_948 = arith.constant 0 : i32
      %dma_start3A_949 = tpu.memref_slice %arg4[%select_n3A_926, %dma_start3A_943, %select_n3A_942, %dma_start3A_947, %dma_start3A_948] : memref<50x8x128x8x128xf32, #tpu.memory_space<hbm>> -> memref<1x1x1x8x128xf32, #tpu.memory_space<hbm>>
      %dma_start3A_950 = tpu.memref_squeeze %dma_start3A_949 : memref<1x1x1x8x128xf32, #tpu.memory_space<hbm>> -> memref<8x128xf32, #tpu.memory_space<hbm>>
      %dma_start3A_951 = arith.constant 0 : i32
      %dma_start3A_952 = arith.constant 0 : i32
      %dma_start3A_953 = tpu.memref_slice %arg4[%select_n3A_926, %dma_start3A_943, %select_n3A_942, %dma_start3A_951, %dma_start3A_952] : memref<50x8x128x8x128xf32, #tpu.memory_space<hbm>> -> memref<1x1x1x8x128xf32, #tpu.memory_space<hbm>>
      %dma_start3A_954 = tpu.memref_squeeze %dma_start3A_953 : memref<1x1x1x8x128xf32, #tpu.memory_space<hbm>> -> memref<8x128xf32, #tpu.memory_space<hbm>>
      %dma_start3A_955 = arith.constant 0 : i32
      %dma_start3A_956 = arith.constant 0 : i32
      %dma_start3A_957 = tpu.memref_slice %arg11[%dma_start3A_955, %dma_start3A_956] : memref<64x128xf32, #tpu.memory_space<vmem>> -> memref<8x128xf32, #tpu.memory_space<vmem>>
      tpu.enqueue_dma source(%dma_start3A_957 : memref<8x128xf32, #tpu.memory_space<vmem>>) target(%dma_start3A_954 : memref<8x128xf32, #tpu.memory_space<hbm>>) target_semaphore(%arg19 : memref<!tpu.dma_semaphore, #tpu.memory_space<semaphore_mem>>)
      %dma_start3A_958 = arith.constant 1 : i32
      %dma_start3A_959 = arith.constant 8 : i32
      %dma_start3A_960 = arith.constant 0 : i32
      %dma_start3A_961 = tpu.memref_slice %arg11[%dma_start3A_959, %dma_start3A_960] : memref<64x128xf32, #tpu.memory_space<vmem>> -> memref<8x128xf32, #tpu.memory_space<vmem>>
      %dma_start3A_962 = arith.constant 0 : i32
      %dma_start3A_963 = arith.constant 0 : i32
      %dma_start3A_964 = tpu.memref_slice %arg4[%select_n3A_926, %dma_start3A_958, %select_n3A_942, %dma_start3A_962, %dma_start3A_963] : memref<50x8x128x8x128xf32, #tpu.memory_space<hbm>> -> memref<1x1x1x8x128xf32, #tpu.memory_space<hbm>>
      %dma_start3A_965 = tpu.memref_squeeze %dma_start3A_964 : memref<1x1x1x8x128xf32, #tpu.memory_space<hbm>> -> memref<8x128xf32, #tpu.memory_space<hbm>>
      %dma_start3A_966 = arith.constant 0 : i32
      %dma_start3A_967 = arith.constant 0 : i32
      %dma_start3A_968 = tpu.memref_slice %arg4[%select_n3A_926, %dma_start3A_958, %select_n3A_942, %dma_start3A_966, %dma_start3A_967] : memref<50x8x128x8x128xf32, #tpu.memory_space<hbm>> -> memref<1x1x1x8x128xf32, #tpu.memory_space<hbm>>
      %dma_start3A_969 = tpu.memref_squeeze %dma_start3A_968 : memref<1x1x1x8x128xf32, #tpu.memory_space<hbm>> -> memref<8x128xf32, #tpu.memory_space<hbm>>
      %dma_start3A_970 = arith.constant 8 : i32
      %dma_start3A_971 = arith.constant 0 : i32
      %dma_start3A_972 = tpu.memref_slice %arg11[%dma_start3A_970, %dma_start3A_971] : memref<64x128xf32, #tpu.memory_space<vmem>> -> memref<8x128xf32, #tpu.memory_space<vmem>>
      tpu.enqueue_dma source(%dma_start3A_972 : memref<8x128xf32, #tpu.memory_space<vmem>>) target(%dma_start3A_969 : memref<8x128xf32, #tpu.memory_space<hbm>>) target_semaphore(%arg19 : memref<!tpu.dma_semaphore, #tpu.memory_space<semaphore_mem>>)
      %dma_start3A_973 = arith.constant 2 : i32
      %dma_start3A_974 = arith.constant 16 : i32
      %dma_start3A_975 = arith.constant 0 : i32
      %dma_start3A_976 = tpu.memref_slice %arg11[%dma_start3A_974, %dma_start3A_975] : memref<64x128xf32, #tpu.memory_space<vmem>> -> memref<8x128xf32, #tpu.memory_space<vmem>>
      %dma_start3A_977 = arith.constant 0 : i32
      %dma_start3A_978 = arith.constant 0 : i32
      %dma_start3A_979 = tpu.memref_slice %arg4[%select_n3A_926, %dma_start3A_973, %select_n3A_942, %dma_start3A_977, %dma_start3A_978] : memref<50x8x128x8x128xf32, #tpu.memory_space<hbm>> -> memref<1x1x1x8x128xf32, #tpu.memory_space<hbm>>
      %dma_start3A_980 = tpu.memref_squeeze %dma_start3A_979 : memref<1x1x1x8x128xf32, #tpu.memory_space<hbm>> -> memref<8x128xf32, #tpu.memory_space<hbm>>
      %dma_start3A_981 = arith.constant 0 : i32
      %dma_start3A_982 = arith.constant 0 : i32
      %dma_start3A_983 = tpu.memref_slice %arg4[%select_n3A_926, %dma_start3A_973, %select_n3A_942, %dma_start3A_981, %dma_start3A_982] : memref<50x8x128x8x128xf32, #tpu.memory_space<hbm>> -> memref<1x1x1x8x128xf32, #tpu.memory_space<hbm>>
      %dma_start3A_984 = tpu.memref_squeeze %dma_start3A_983 : memref<1x1x1x8x128xf32, #tpu.memory_space<hbm>> -> memref<8x128xf32, #tpu.memory_space<hbm>>
      %dma_start3A_985 = arith.constant 16 : i32
      %dma_start3A_986 = arith.constant 0 : i32
      %dma_start3A_987 = tpu.memref_slice %arg11[%dma_start3A_985, %dma_start3A_986] : memref<64x128xf32, #tpu.memory_space<vmem>> -> memref<8x128xf32, #tpu.memory_space<vmem>>
      tpu.enqueue_dma source(%dma_start3A_987 : memref<8x128xf32, #tpu.memory_space<vmem>>) target(%dma_start3A_984 : memref<8x128xf32, #tpu.memory_space<hbm>>) target_semaphore(%arg19 : memref<!tpu.dma_semaphore, #tpu.memory_space<semaphore_mem>>)
      %dma_start3A_988 = arith.constant 3 : i32
      %dma_start3A_989 = arith.constant 24 : i32
      %dma_start3A_990 = arith.constant 0 : i32
      %dma_start3A_991 = tpu.memref_slice %arg11[%dma_start3A_989, %dma_start3A_990] : memref<64x128xf32, #tpu.memory_space<vmem>> -> memref<8x128xf32, #tpu.memory_space<vmem>>
      %dma_start3A_992 = arith.constant 0 : i32
      %dma_start3A_993 = arith.constant 0 : i32
      %dma_start3A_994 = tpu.memref_slice %arg4[%select_n3A_926, %dma_start3A_988, %select_n3A_942, %dma_start3A_992, %dma_start3A_993] : memref<50x8x128x8x128xf32, #tpu.memory_space<hbm>> -> memref<1x1x1x8x128xf32, #tpu.memory_space<hbm>>
      %dma_start3A_995 = tpu.memref_squeeze %dma_start3A_994 : memref<1x1x1x8x128xf32, #tpu.memory_space<hbm>> -> memref<8x128xf32, #tpu.memory_space<hbm>>
      %dma_start3A_996 = arith.constant 0 : i32
      %dma_start3A_997 = arith.constant 0 : i32
      %dma_start3A_998 = tpu.memref_slice %arg4[%select_n3A_926, %dma_start3A_988, %select_n3A_942, %dma_start3A_996, %dma_start3A_997] : memref<50x8x128x8x128xf32, #tpu.memory_space<hbm>> -> memref<1x1x1x8x128xf32, #tpu.memory_space<hbm>>
      %dma_start3A_999 = tpu.memref_squeeze %dma_start3A_998 : memref<1x1x1x8x128xf32, #tpu.memory_space<hbm>> -> memref<8x128xf32, #tpu.memory_space<hbm>>
      %dma_start3A_1000 = arith.constant 24 : i32
      %dma_start3A_1001 = arith.constant 0 : i32
      %dma_start3A_1002 = tpu.memref_slice %arg11[%dma_start3A_1000, %dma_start3A_1001] : memref<64x128xf32, #tpu.memory_space<vmem>> -> memref<8x128xf32, #tpu.memory_space<vmem>>
      tpu.enqueue_dma source(%dma_start3A_1002 : memref<8x128xf32, #tpu.memory_space<vmem>>) target(%dma_start3A_999 : memref<8x128xf32, #tpu.memory_space<hbm>>) target_semaphore(%arg19 : memref<!tpu.dma_semaphore, #tpu.memory_space<semaphore_mem>>)
      %dma_start3A_1003 = arith.constant 4 : i32
      %dma_start3A_1004 = arith.constant 32 : i32
      %dma_start3A_1005 = arith.constant 0 : i32
      %dma_start3A_1006 = tpu.memref_slice %arg11[%dma_start3A_1004, %dma_start3A_1005] : memref<64x128xf32, #tpu.memory_space<vmem>> -> memref<8x128xf32, #tpu.memory_space<vmem>>
      %dma_start3A_1007 = arith.constant 0 : i32
      %dma_start3A_1008 = arith.constant 0 : i32
      %dma_start3A_1009 = tpu.memref_slice %arg4[%select_n3A_926, %dma_start3A_1003, %select_n3A_942, %dma_start3A_1007, %dma_start3A_1008] : memref<50x8x128x8x128xf32, #tpu.memory_space<hbm>> -> memref<1x1x1x8x128xf32, #tpu.memory_space<hbm>>
      %dma_start3A_1010 = tpu.memref_squeeze %dma_start3A_1009 : memref<1x1x1x8x128xf32, #tpu.memory_space<hbm>> -> memref<8x128xf32, #tpu.memory_space<hbm>>
      %dma_start3A_1011 = arith.constant 0 : i32
      %dma_start3A_1012 = arith.constant 0 : i32
      %dma_start3A_1013 = tpu.memref_slice %arg4[%select_n3A_926, %dma_start3A_1003, %select_n3A_942, %dma_start3A_1011, %dma_start3A_1012] : memref<50x8x128x8x128xf32, #tpu.memory_space<hbm>> -> memref<1x1x1x8x128xf32, #tpu.memory_space<hbm>>
      %dma_start3A_1014 = tpu.memref_squeeze %dma_start3A_1013 : memref<1x1x1x8x128xf32, #tpu.memory_space<hbm>> -> memref<8x128xf32, #tpu.memory_space<hbm>>
      %dma_start3A_1015 = arith.constant 32 : i32
      %dma_start3A_1016 = arith.constant 0 : i32
      %dma_start3A_1017 = tpu.memref_slice %arg11[%dma_start3A_1015, %dma_start3A_1016] : memref<64x128xf32, #tpu.memory_space<vmem>> -> memref<8x128xf32, #tpu.memory_space<vmem>>
      tpu.enqueue_dma source(%dma_start3A_1017 : memref<8x128xf32, #tpu.memory_space<vmem>>) target(%dma_start3A_1014 : memref<8x128xf32, #tpu.memory_space<hbm>>) target_semaphore(%arg19 : memref<!tpu.dma_semaphore, #tpu.memory_space<semaphore_mem>>)
      %dma_start3A_1018 = arith.constant 5 : i32
      %dma_start3A_1019 = arith.constant 40 : i32
      %dma_start3A_1020 = arith.constant 0 : i32
      %dma_start3A_1021 = tpu.memref_slice %arg11[%dma_start3A_1019, %dma_start3A_1020] : memref<64x128xf32, #tpu.memory_space<vmem>> -> memref<8x128xf32, #tpu.memory_space<vmem>>
      %dma_start3A_1022 = arith.constant 0 : i32
      %dma_start3A_1023 = arith.constant 0 : i32
      %dma_start3A_1024 = tpu.memref_slice %arg4[%select_n3A_926, %dma_start3A_1018, %select_n3A_942, %dma_start3A_1022, %dma_start3A_1023] : memref<50x8x128x8x128xf32, #tpu.memory_space<hbm>> -> memref<1x1x1x8x128xf32, #tpu.memory_space<hbm>>
      %dma_start3A_1025 = tpu.memref_squeeze %dma_start3A_1024 : memref<1x1x1x8x128xf32, #tpu.memory_space<hbm>> -> memref<8x128xf32, #tpu.memory_space<hbm>>
      %dma_start3A_1026 = arith.constant 0 : i32
      %dma_start3A_1027 = arith.constant 0 : i32
      %dma_start3A_1028 = tpu.memref_slice %arg4[%select_n3A_926, %dma_start3A_1018, %select_n3A_942, %dma_start3A_1026, %dma_start3A_1027] : memref<50x8x128x8x128xf32, #tpu.memory_space<hbm>> -> memref<1x1x1x8x128xf32, #tpu.memory_space<hbm>>
      %dma_start3A_1029 = tpu.memref_squeeze %dma_start3A_1028 : memref<1x1x1x8x128xf32, #tpu.memory_space<hbm>> -> memref<8x128xf32, #tpu.memory_space<hbm>>
      %dma_start3A_1030 = arith.constant 40 : i32
      %dma_start3A_1031 = arith.constant 0 : i32
      %dma_start3A_1032 = tpu.memref_slice %arg11[%dma_start3A_1030, %dma_start3A_1031] : memref<64x128xf32, #tpu.memory_space<vmem>> -> memref<8x128xf32, #tpu.memory_space<vmem>>
      tpu.enqueue_dma source(%dma_start3A_1032 : memref<8x128xf32, #tpu.memory_space<vmem>>) target(%dma_start3A_1029 : memref<8x128xf32, #tpu.memory_space<hbm>>) target_semaphore(%arg19 : memref<!tpu.dma_semaphore, #tpu.memory_space<semaphore_mem>>)
      %dma_start3A_1033 = arith.constant 6 : i32
      %dma_start3A_1034 = arith.constant 48 : i32
      %dma_start3A_1035 = arith.constant 0 : i32
      %dma_start3A_1036 = tpu.memref_slice %arg11[%dma_start3A_1034, %dma_start3A_1035] : memref<64x128xf32, #tpu.memory_space<vmem>> -> memref<8x128xf32, #tpu.memory_space<vmem>>
      %dma_start3A_1037 = arith.constant 0 : i32
      %dma_start3A_1038 = arith.constant 0 : i32
      %dma_start3A_1039 = tpu.memref_slice %arg4[%select_n3A_926, %dma_start3A_1033, %select_n3A_942, %dma_start3A_1037, %dma_start3A_1038] : memref<50x8x128x8x128xf32, #tpu.memory_space<hbm>> -> memref<1x1x1x8x128xf32, #tpu.memory_space<hbm>>
      %dma_start3A_1040 = tpu.memref_squeeze %dma_start3A_1039 : memref<1x1x1x8x128xf32, #tpu.memory_space<hbm>> -> memref<8x128xf32, #tpu.memory_space<hbm>>
      %dma_start3A_1041 = arith.constant 0 : i32
      %dma_start3A_1042 = arith.constant 0 : i32
      %dma_start3A_1043 = tpu.memref_slice %arg4[%select_n3A_926, %dma_start3A_1033, %select_n3A_942, %dma_start3A_1041, %dma_start3A_1042] : memref<50x8x128x8x128xf32, #tpu.memory_space<hbm>> -> memref<1x1x1x8x128xf32, #tpu.memory_space<hbm>>
      %dma_start3A_1044 = tpu.memref_squeeze %dma_start3A_1043 : memref<1x1x1x8x128xf32, #tpu.memory_space<hbm>> -> memref<8x128xf32, #tpu.memory_space<hbm>>
      %dma_start3A_1045 = arith.constant 48 : i32
      %dma_start3A_1046 = arith.constant 0 : i32
      %dma_start3A_1047 = tpu.memref_slice %arg11[%dma_start3A_1045, %dma_start3A_1046] : memref<64x128xf32, #tpu.memory_space<vmem>> -> memref<8x128xf32, #tpu.memory_space<vmem>>
      tpu.enqueue_dma source(%dma_start3A_1047 : memref<8x128xf32, #tpu.memory_space<vmem>>) target(%dma_start3A_1044 : memref<8x128xf32, #tpu.memory_space<hbm>>) target_semaphore(%arg19 : memref<!tpu.dma_semaphore, #tpu.memory_space<semaphore_mem>>)
      %dma_start3A_1048 = arith.constant 7 : i32
      %dma_start3A_1049 = arith.constant 56 : i32
      %dma_start3A_1050 = arith.constant 0 : i32
      %dma_start3A_1051 = tpu.memref_slice %arg11[%dma_start3A_1049, %dma_start3A_1050] : memref<64x128xf32, #tpu.memory_space<vmem>> -> memref<8x128xf32, #tpu.memory_space<vmem>>
      %dma_start3A_1052 = arith.constant 0 : i32
      %dma_start3A_1053 = arith.constant 0 : i32
      %dma_start3A_1054 = tpu.memref_slice %arg4[%select_n3A_926, %dma_start3A_1048, %select_n3A_942, %dma_start3A_1052, %dma_start3A_1053] : memref<50x8x128x8x128xf32, #tpu.memory_space<hbm>> -> memref<1x1x1x8x128xf32, #tpu.memory_space<hbm>>
      %dma_start3A_1055 = tpu.memref_squeeze %dma_start3A_1054 : memref<1x1x1x8x128xf32, #tpu.memory_space<hbm>> -> memref<8x128xf32, #tpu.memory_space<hbm>>
      %dma_start3A_1056 = arith.constant 0 : i32
      %dma_start3A_1057 = arith.constant 0 : i32
      %dma_start3A_1058 = tpu.memref_slice %arg4[%select_n3A_926, %dma_start3A_1048, %select_n3A_942, %dma_start3A_1056, %dma_start3A_1057] : memref<50x8x128x8x128xf32, #tpu.memory_space<hbm>> -> memref<1x1x1x8x128xf32, #tpu.memory_space<hbm>>
      %dma_start3A_1059 = tpu.memref_squeeze %dma_start3A_1058 : memref<1x1x1x8x128xf32, #tpu.memory_space<hbm>> -> memref<8x128xf32, #tpu.memory_space<hbm>>
      %dma_start3A_1060 = arith.constant 56 : i32
      %dma_start3A_1061 = arith.constant 0 : i32
      %dma_start3A_1062 = tpu.memref_slice %arg11[%dma_start3A_1060, %dma_start3A_1061] : memref<64x128xf32, #tpu.memory_space<vmem>> -> memref<8x128xf32, #tpu.memory_space<vmem>>
      tpu.enqueue_dma source(%dma_start3A_1062 : memref<8x128xf32, #tpu.memory_space<vmem>>) target(%dma_start3A_1059 : memref<8x128xf32, #tpu.memory_space<hbm>>) target_semaphore(%arg19 : memref<!tpu.dma_semaphore, #tpu.memory_space<semaphore_mem>>)
      %lt3A_1063 = arith.constant 49 : i32
      %lt3A_1064 = arith.cmpi slt, %scan3A_696, %lt3A_1063 : i32
      %convert_element_type3A_1065 = arith.extui %lt3A_1064 : i1 to i32
      %cond3A_1066 = arith.constant 0 : i32
      %cond3A_1067 = arith.cmpi ne, %convert_element_type3A_1065, %cond3A_1066 : i32
      scf.if %cond3A_1067 {
        %add3A_1442 = arith.constant 4 : i32
        %add3A_1443 = arith.addi %add3A_884, %add3A_1442 : i32
        %dma_start3A_1444 = arith.constant 0 : i32
        %dma_start3A_1445 = tpu.memref_slice %arg5[%add3A_1443, %dma_start3A_1444] : memref<200x128xi32, #tpu.memory_space<vmem>> -> memref<1x128xi32, #tpu.memory_space<vmem>>
        %dma_start3A_1446 = tpu.memref_squeeze %dma_start3A_1445 : memref<1x128xi32, #tpu.memory_space<vmem>> -> memref<128xi32, #tpu.memory_space<vmem>>
        %dma_start3A_1447 = arith.constant 0 : i32
        %dma_start3A_1448 = arith.constant 0 : i32
        %dma_start3A_1449 = tpu.memref_slice %arg3[%dma_start3A_1447, %dma_start3A_1448] : memref<1000000x128xf32, #tpu.memory_space<hbm>> -> memref<1000000x128xf32, #tpu.memory_space<hbm>>
        tpu.enqueue_indirect_dma source(%dma_start3A_1449 : memref<1000000x128xf32, #tpu.memory_space<hbm>>) target(%arg7 : memref<128x128xf32, #tpu.memory_space<vmem>>) offsets(%dma_start3A_1446 : memref<128xi32, #tpu.memory_space<vmem>>) semaphore(%arg15 : memref<!tpu.dma_semaphore, #tpu.memory_space<semaphore_mem>>)
      } else {
      }
      %mul3A_1068 = arith.constant 4 : i32
      %mul3A_1069 = arith.muli %scan3A_696, %mul3A_1068 : i32
      %add3A_1070 = arith.constant 2 : i32
      %add3A_1071 = arith.addi %mul3A_1069, %add3A_1070 : i32
      %dma_wait3A_1072 = arith.constant 0 : i32
      %dma_wait3A_1073 = tpu.memref_slice %arg5[%add3A_1071, %dma_wait3A_1072] : memref<200x128xi32, #tpu.memory_space<vmem>> -> memref<1x128xi32, #tpu.memory_space<vmem>>
      %dma_wait3A_1074 = tpu.memref_squeeze %dma_wait3A_1073 : memref<1x128xi32, #tpu.memory_space<vmem>> -> memref<128xi32, #tpu.memory_space<vmem>>
      %dma_wait3A_1075 = arith.constant 0 : i32
      %dma_wait3A_1076 = arith.constant 0 : i32
      %dma_wait3A_1077 = tpu.memref_slice %arg3[%dma_wait3A_1075, %dma_wait3A_1076] : memref<1000000x128xf32, #tpu.memory_space<hbm>> -> memref<1000000x128xf32, #tpu.memory_space<hbm>>
      tpu.wait_indirect_dma semaphore(%arg16 : memref<!tpu.dma_semaphore, #tpu.memory_space<semaphore_mem>>) src(%dma_wait3A_1077 : memref<1000000x128xf32, #tpu.memory_space<hbm>>) dst(%arg8 : memref<128x128xf32, #tpu.memory_space<vmem>>)
      %gt3A_1078 = arith.constant 0 : i32
      %gt3A_1079 = arith.cmpi sgt, %scan3A_696, %gt3A_1078 : i32
      %convert_element_type3A_1080 = arith.extui %gt3A_1079 : i1 to i32
      %cond3A_1081 = arith.constant 0 : i32
      %cond3A_1082 = arith.cmpi ne, %convert_element_type3A_1080, %cond3A_1081 : i32
      scf.if %cond3A_1082 {
        %sub3A_1442 = arith.constant 4 : i32
        %sub3A_1443 = arith.subi %add3A_1071, %sub3A_1442 : i32
        %add3A_1444 = arith.addi %mul3A_2, %sub3A_1443 : i32
        %jit3A_1445 = arith.constant 128 : i32
        %div3A_1446 = arith.divsi %add3A_1444, %jit3A_1445 : i32
        %sign3A_1447 = arith.constant 0 : i32
        %sign3A_1448 = arith.cmpi sgt, %add3A_1444, %sign3A_1447 : i32
        %sign3A_1449 = arith.extui %sign3A_1448 : i1 to i32
        %sign3A_1450 = arith.constant 0 : i32
        %sign3A_1451 = arith.cmpi slt, %add3A_1444, %sign3A_1450 : i32
        %sign3A_1452 = arith.extui %sign3A_1451 : i1 to i32
        %sign3A_1453 = arith.subi %sign3A_1449, %sign3A_1452 : i32
        %sign3A_1454 = arith.constant 0 : i32
        %sign3A_1455 = arith.cmpi sgt, %jit3A_1445, %sign3A_1454 : i32
        %sign3A_1456 = arith.extui %sign3A_1455 : i1 to i32
        %sign3A_1457 = arith.constant 0 : i32
        %sign3A_1458 = arith.cmpi slt, %jit3A_1445, %sign3A_1457 : i32
        %sign3A_1459 = arith.extui %sign3A_1458 : i1 to i32
        %sign3A_1460 = arith.subi %sign3A_1456, %sign3A_1459 : i32
        %ne3A_1461 = arith.cmpi ne, %sign3A_1453, %sign3A_1460 : i32
        %rem3A_1462 = arith.remsi %add3A_1444, %jit3A_1445 : i32
        %ne3A_1463 = arith.constant 0 : i32
        %ne3A_1464 = arith.cmpi ne, %rem3A_1462, %ne3A_1463 : i32
        %and3A_1465 = arith.andi %ne3A_1461, %ne3A_1464 : i1
        %sub3A_1466 = arith.constant 1 : i32
        %sub3A_1467 = arith.subi %div3A_1446, %sub3A_1466 : i32
        %select_n3A_1468 = arith.select %and3A_1465, %sub3A_1467, %div3A_1446 : i32
        %jit3A_1469 = arith.constant 128 : i32
        %eq3A_1470 = arith.constant 0 : i32
        %eq3A_1471 = arith.cmpi eq, %jit3A_1469, %eq3A_1470 : i32
        %jit3A_1472 = arith.constant 1 : i32
        %select_n3A_1473 = arith.select %eq3A_1471, %jit3A_1472, %jit3A_1469 : i32
        %rem3A_1474 = arith.remsi %add3A_1444, %select_n3A_1473 : i32
        %ne3A_1475 = arith.constant 0 : i32
        %ne3A_1476 = arith.cmpi ne, %rem3A_1474, %ne3A_1475 : i32
        %lt3A_1477 = arith.constant 0 : i32
        %lt3A_1478 = arith.cmpi slt, %rem3A_1474, %lt3A_1477 : i32
        %lt3A_1479 = arith.constant 0 : i32
        %lt3A_1480 = arith.cmpi slt, %select_n3A_1473, %lt3A_1479 : i32
        %ne3A_1481 = arith.xori %lt3A_1478, %lt3A_1480 : i1
        %and3A_1482 = arith.andi %ne3A_1481, %ne3A_1476 : i1
        %add3A_1483 = arith.addi %rem3A_1474, %select_n3A_1473 : i32
        %select_n3A_1484 = arith.select %and3A_1482, %add3A_1483, %rem3A_1474 : i32
        %dma_wait3A_1485 = arith.constant 0 : i32
        %dma_wait3A_1486 = arith.constant 0 : i32
        %dma_wait3A_1487 = arith.constant 0 : i32
        %dma_wait3A_1488 = tpu.memref_slice %arg12[%dma_wait3A_1486, %dma_wait3A_1487] : memref<64x128xf32, #tpu.memory_space<vmem>> -> memref<8x128xf32, #tpu.memory_space<vmem>>
        %dma_wait3A_1489 = arith.constant 0 : i32
        %dma_wait3A_1490 = arith.constant 0 : i32
        %dma_wait3A_1491 = tpu.memref_slice %arg4[%select_n3A_1468, %dma_wait3A_1485, %select_n3A_1484, %dma_wait3A_1489, %dma_wait3A_1490] : memref<50x8x128x8x128xf32, #tpu.memory_space<hbm>> -> memref<1x1x1x8x128xf32, #tpu.memory_space<hbm>>
        %dma_wait3A_1492 = tpu.memref_squeeze %dma_wait3A_1491 : memref<1x1x1x8x128xf32, #tpu.memory_space<hbm>> -> memref<8x128xf32, #tpu.memory_space<hbm>>
        %dma_wait3A_1493 = arith.constant 0 : i32
        %dma_wait3A_1494 = arith.constant 0 : i32
        %dma_wait3A_1495 = tpu.memref_slice %arg4[%select_n3A_1468, %dma_wait3A_1485, %select_n3A_1484, %dma_wait3A_1493, %dma_wait3A_1494] : memref<50x8x128x8x128xf32, #tpu.memory_space<hbm>> -> memref<1x1x1x8x128xf32, #tpu.memory_space<hbm>>
        %dma_wait3A_1496 = tpu.memref_squeeze %dma_wait3A_1495 : memref<1x1x1x8x128xf32, #tpu.memory_space<hbm>> -> memref<8x128xf32, #tpu.memory_space<hbm>>
        %dma_wait3A_1497 = arith.constant 0 : i32
        %dma_wait3A_1498 = arith.constant 0 : i32
        %dma_wait3A_1499 = tpu.memref_slice %arg12[%dma_wait3A_1497, %dma_wait3A_1498] : memref<64x128xf32, #tpu.memory_space<vmem>> -> memref<8x128xf32, #tpu.memory_space<vmem>>
        tpu.wait_dma2 semaphore(%arg20 : memref<!tpu.dma_semaphore, #tpu.memory_space<semaphore_mem>>) src(%dma_wait3A_1499 : memref<8x128xf32, #tpu.memory_space<vmem>>) dst(%dma_wait3A_1496 : memref<8x128xf32, #tpu.memory_space<hbm>>)
        %dma_wait3A_1500 = arith.constant 1 : i32
        %dma_wait3A_1501 = arith.constant 8 : i32
        %dma_wait3A_1502 = arith.constant 0 : i32
        %dma_wait3A_1503 = tpu.memref_slice %arg12[%dma_wait3A_1501, %dma_wait3A_1502] : memref<64x128xf32, #tpu.memory_space<vmem>> -> memref<8x128xf32, #tpu.memory_space<vmem>>
        %dma_wait3A_1504 = arith.constant 0 : i32
        %dma_wait3A_1505 = arith.constant 0 : i32
        %dma_wait3A_1506 = tpu.memref_slice %arg4[%select_n3A_1468, %dma_wait3A_1500, %select_n3A_1484, %dma_wait3A_1504, %dma_wait3A_1505] : memref<50x8x128x8x128xf32, #tpu.memory_space<hbm>> -> memref<1x1x1x8x128xf32, #tpu.memory_space<hbm>>
        %dma_wait3A_1507 = tpu.memref_squeeze %dma_wait3A_1506 : memref<1x1x1x8x128xf32, #tpu.memory_space<hbm>> -> memref<8x128xf32, #tpu.memory_space<hbm>>
        %dma_wait3A_1508 = arith.constant 0 : i32
        %dma_wait3A_1509 = arith.constant 0 : i32
        %dma_wait3A_1510 = tpu.memref_slice %arg4[%select_n3A_1468, %dma_wait3A_1500, %select_n3A_1484, %dma_wait3A_1508, %dma_wait3A_1509] : memref<50x8x128x8x128xf32, #tpu.memory_space<hbm>> -> memref<1x1x1x8x128xf32, #tpu.memory_space<hbm>>
        %dma_wait3A_1511 = tpu.memref_squeeze %dma_wait3A_1510 : memref<1x1x1x8x128xf32, #tpu.memory_space<hbm>> -> memref<8x128xf32, #tpu.memory_space<hbm>>
        %dma_wait3A_1512 = arith.constant 8 : i32
        %dma_wait3A_1513 = arith.constant 0 : i32
        %dma_wait3A_1514 = tpu.memref_slice %arg12[%dma_wait3A_1512, %dma_wait3A_1513] : memref<64x128xf32, #tpu.memory_space<vmem>> -> memref<8x128xf32, #tpu.memory_space<vmem>>
        tpu.wait_dma2 semaphore(%arg20 : memref<!tpu.dma_semaphore, #tpu.memory_space<semaphore_mem>>) src(%dma_wait3A_1514 : memref<8x128xf32, #tpu.memory_space<vmem>>) dst(%dma_wait3A_1511 : memref<8x128xf32, #tpu.memory_space<hbm>>)
        %dma_wait3A_1515 = arith.constant 2 : i32
        %dma_wait3A_1516 = arith.constant 16 : i32
        %dma_wait3A_1517 = arith.constant 0 : i32
        %dma_wait3A_1518 = tpu.memref_slice %arg12[%dma_wait3A_1516, %dma_wait3A_1517] : memref<64x128xf32, #tpu.memory_space<vmem>> -> memref<8x128xf32, #tpu.memory_space<vmem>>
        %dma_wait3A_1519 = arith.constant 0 : i32
        %dma_wait3A_1520 = arith.constant 0 : i32
        %dma_wait3A_1521 = tpu.memref_slice %arg4[%select_n3A_1468, %dma_wait3A_1515, %select_n3A_1484, %dma_wait3A_1519, %dma_wait3A_1520] : memref<50x8x128x8x128xf32, #tpu.memory_space<hbm>> -> memref<1x1x1x8x128xf32, #tpu.memory_space<hbm>>
        %dma_wait3A_1522 = tpu.memref_squeeze %dma_wait3A_1521 : memref<1x1x1x8x128xf32, #tpu.memory_space<hbm>> -> memref<8x128xf32, #tpu.memory_space<hbm>>
        %dma_wait3A_1523 = arith.constant 0 : i32
        %dma_wait3A_1524 = arith.constant 0 : i32
        %dma_wait3A_1525 = tpu.memref_slice %arg4[%select_n3A_1468, %dma_wait3A_1515, %select_n3A_1484, %dma_wait3A_1523, %dma_wait3A_1524] : memref<50x8x128x8x128xf32, #tpu.memory_space<hbm>> -> memref<1x1x1x8x128xf32, #tpu.memory_space<hbm>>
        %dma_wait3A_1526 = tpu.memref_squeeze %dma_wait3A_1525 : memref<1x1x1x8x128xf32, #tpu.memory_space<hbm>> -> memref<8x128xf32, #tpu.memory_space<hbm>>
        %dma_wait3A_1527 = arith.constant 16 : i32
        %dma_wait3A_1528 = arith.constant 0 : i32
        %dma_wait3A_1529 = tpu.memref_slice %arg12[%dma_wait3A_1527, %dma_wait3A_1528] : memref<64x128xf32, #tpu.memory_space<vmem>> -> memref<8x128xf32, #tpu.memory_space<vmem>>
        tpu.wait_dma2 semaphore(%arg20 : memref<!tpu.dma_semaphore, #tpu.memory_space<semaphore_mem>>) src(%dma_wait3A_1529 : memref<8x128xf32, #tpu.memory_space<vmem>>) dst(%dma_wait3A_1526 : memref<8x128xf32, #tpu.memory_space<hbm>>)
        %dma_wait3A_1530 = arith.constant 3 : i32
        %dma_wait3A_1531 = arith.constant 24 : i32
        %dma_wait3A_1532 = arith.constant 0 : i32
        %dma_wait3A_1533 = tpu.memref_slice %arg12[%dma_wait3A_1531, %dma_wait3A_1532] : memref<64x128xf32, #tpu.memory_space<vmem>> -> memref<8x128xf32, #tpu.memory_space<vmem>>
        %dma_wait3A_1534 = arith.constant 0 : i32
        %dma_wait3A_1535 = arith.constant 0 : i32
        %dma_wait3A_1536 = tpu.memref_slice %arg4[%select_n3A_1468, %dma_wait3A_1530, %select_n3A_1484, %dma_wait3A_1534, %dma_wait3A_1535] : memref<50x8x128x8x128xf32, #tpu.memory_space<hbm>> -> memref<1x1x1x8x128xf32, #tpu.memory_space<hbm>>
        %dma_wait3A_1537 = tpu.memref_squeeze %dma_wait3A_1536 : memref<1x1x1x8x128xf32, #tpu.memory_space<hbm>> -> memref<8x128xf32, #tpu.memory_space<hbm>>
        %dma_wait3A_1538 = arith.constant 0 : i32
        %dma_wait3A_1539 = arith.constant 0 : i32
        %dma_wait3A_1540 = tpu.memref_slice %arg4[%select_n3A_1468, %dma_wait3A_1530, %select_n3A_1484, %dma_wait3A_1538, %dma_wait3A_1539] : memref<50x8x128x8x128xf32, #tpu.memory_space<hbm>> -> memref<1x1x1x8x128xf32, #tpu.memory_space<hbm>>
        %dma_wait3A_1541 = tpu.memref_squeeze %dma_wait3A_1540 : memref<1x1x1x8x128xf32, #tpu.memory_space<hbm>> -> memref<8x128xf32, #tpu.memory_space<hbm>>
        %dma_wait3A_1542 = arith.constant 24 : i32
        %dma_wait3A_1543 = arith.constant 0 : i32
        %dma_wait3A_1544 = tpu.memref_slice %arg12[%dma_wait3A_1542, %dma_wait3A_1543] : memref<64x128xf32, #tpu.memory_space<vmem>> -> memref<8x128xf32, #tpu.memory_space<vmem>>
        tpu.wait_dma2 semaphore(%arg20 : memref<!tpu.dma_semaphore, #tpu.memory_space<semaphore_mem>>) src(%dma_wait3A_1544 : memref<8x128xf32, #tpu.memory_space<vmem>>) dst(%dma_wait3A_1541 : memref<8x128xf32, #tpu.memory_space<hbm>>)
        %dma_wait3A_1545 = arith.constant 4 : i32
        %dma_wait3A_1546 = arith.constant 32 : i32
        %dma_wait3A_1547 = arith.constant 0 : i32
        %dma_wait3A_1548 = tpu.memref_slice %arg12[%dma_wait3A_1546, %dma_wait3A_1547] : memref<64x128xf32, #tpu.memory_space<vmem>> -> memref<8x128xf32, #tpu.memory_space<vmem>>
        %dma_wait3A_1549 = arith.constant 0 : i32
        %dma_wait3A_1550 = arith.constant 0 : i32
        %dma_wait3A_1551 = tpu.memref_slice %arg4[%select_n3A_1468, %dma_wait3A_1545, %select_n3A_1484, %dma_wait3A_1549, %dma_wait3A_1550] : memref<50x8x128x8x128xf32, #tpu.memory_space<hbm>> -> memref<1x1x1x8x128xf32, #tpu.memory_space<hbm>>
        %dma_wait3A_1552 = tpu.memref_squeeze %dma_wait3A_1551 : memref<1x1x1x8x128xf32, #tpu.memory_space<hbm>> -> memref<8x128xf32, #tpu.memory_space<hbm>>
        %dma_wait3A_1553 = arith.constant 0 : i32
        %dma_wait3A_1554 = arith.constant 0 : i32
        %dma_wait3A_1555 = tpu.memref_slice %arg4[%select_n3A_1468, %dma_wait3A_1545, %select_n3A_1484, %dma_wait3A_1553, %dma_wait3A_1554] : memref<50x8x128x8x128xf32, #tpu.memory_space<hbm>> -> memref<1x1x1x8x128xf32, #tpu.memory_space<hbm>>
        %dma_wait3A_1556 = tpu.memref_squeeze %dma_wait3A_1555 : memref<1x1x1x8x128xf32, #tpu.memory_space<hbm>> -> memref<8x128xf32, #tpu.memory_space<hbm>>
        %dma_wait3A_1557 = arith.constant 32 : i32
        %dma_wait3A_1558 = arith.constant 0 : i32
        %dma_wait3A_1559 = tpu.memref_slice %arg12[%dma_wait3A_1557, %dma_wait3A_1558] : memref<64x128xf32, #tpu.memory_space<vmem>> -> memref<8x128xf32, #tpu.memory_space<vmem>>
        tpu.wait_dma2 semaphore(%arg20 : memref<!tpu.dma_semaphore, #tpu.memory_space<semaphore_mem>>) src(%dma_wait3A_1559 : memref<8x128xf32, #tpu.memory_space<vmem>>) dst(%dma_wait3A_1556 : memref<8x128xf32, #tpu.memory_space<hbm>>)
        %dma_wait3A_1560 = arith.constant 5 : i32
        %dma_wait3A_1561 = arith.constant 40 : i32
        %dma_wait3A_1562 = arith.constant 0 : i32
        %dma_wait3A_1563 = tpu.memref_slice %arg12[%dma_wait3A_1561, %dma_wait3A_1562] : memref<64x128xf32, #tpu.memory_space<vmem>> -> memref<8x128xf32, #tpu.memory_space<vmem>>
        %dma_wait3A_1564 = arith.constant 0 : i32
        %dma_wait3A_1565 = arith.constant 0 : i32
        %dma_wait3A_1566 = tpu.memref_slice %arg4[%select_n3A_1468, %dma_wait3A_1560, %select_n3A_1484, %dma_wait3A_1564, %dma_wait3A_1565] : memref<50x8x128x8x128xf32, #tpu.memory_space<hbm>> -> memref<1x1x1x8x128xf32, #tpu.memory_space<hbm>>
        %dma_wait3A_1567 = tpu.memref_squeeze %dma_wait3A_1566 : memref<1x1x1x8x128xf32, #tpu.memory_space<hbm>> -> memref<8x128xf32, #tpu.memory_space<hbm>>
        %dma_wait3A_1568 = arith.constant 0 : i32
        %dma_wait3A_1569 = arith.constant 0 : i32
        %dma_wait3A_1570 = tpu.memref_slice %arg4[%select_n3A_1468, %dma_wait3A_1560, %select_n3A_1484, %dma_wait3A_1568, %dma_wait3A_1569] : memref<50x8x128x8x128xf32, #tpu.memory_space<hbm>> -> memref<1x1x1x8x128xf32, #tpu.memory_space<hbm>>
        %dma_wait3A_1571 = tpu.memref_squeeze %dma_wait3A_1570 : memref<1x1x1x8x128xf32, #tpu.memory_space<hbm>> -> memref<8x128xf32, #tpu.memory_space<hbm>>
        %dma_wait3A_1572 = arith.constant 40 : i32
        %dma_wait3A_1573 = arith.constant 0 : i32
        %dma_wait3A_1574 = tpu.memref_slice %arg12[%dma_wait3A_1572, %dma_wait3A_1573] : memref<64x128xf32, #tpu.memory_space<vmem>> -> memref<8x128xf32, #tpu.memory_space<vmem>>
        tpu.wait_dma2 semaphore(%arg20 : memref<!tpu.dma_semaphore, #tpu.memory_space<semaphore_mem>>) src(%dma_wait3A_1574 : memref<8x128xf32, #tpu.memory_space<vmem>>) dst(%dma_wait3A_1571 : memref<8x128xf32, #tpu.memory_space<hbm>>)
        %dma_wait3A_1575 = arith.constant 6 : i32
        %dma_wait3A_1576 = arith.constant 48 : i32
        %dma_wait3A_1577 = arith.constant 0 : i32
        %dma_wait3A_1578 = tpu.memref_slice %arg12[%dma_wait3A_1576, %dma_wait3A_1577] : memref<64x128xf32, #tpu.memory_space<vmem>> -> memref<8x128xf32, #tpu.memory_space<vmem>>
        %dma_wait3A_1579 = arith.constant 0 : i32
        %dma_wait3A_1580 = arith.constant 0 : i32
        %dma_wait3A_1581 = tpu.memref_slice %arg4[%select_n3A_1468, %dma_wait3A_1575, %select_n3A_1484, %dma_wait3A_1579, %dma_wait3A_1580] : memref<50x8x128x8x128xf32, #tpu.memory_space<hbm>> -> memref<1x1x1x8x128xf32, #tpu.memory_space<hbm>>
        %dma_wait3A_1582 = tpu.memref_squeeze %dma_wait3A_1581 : memref<1x1x1x8x128xf32, #tpu.memory_space<hbm>> -> memref<8x128xf32, #tpu.memory_space<hbm>>
        %dma_wait3A_1583 = arith.constant 0 : i32
        %dma_wait3A_1584 = arith.constant 0 : i32
        %dma_wait3A_1585 = tpu.memref_slice %arg4[%select_n3A_1468, %dma_wait3A_1575, %select_n3A_1484, %dma_wait3A_1583, %dma_wait3A_1584] : memref<50x8x128x8x128xf32, #tpu.memory_space<hbm>> -> memref<1x1x1x8x128xf32, #tpu.memory_space<hbm>>
        %dma_wait3A_1586 = tpu.memref_squeeze %dma_wait3A_1585 : memref<1x1x1x8x128xf32, #tpu.memory_space<hbm>> -> memref<8x128xf32, #tpu.memory_space<hbm>>
        %dma_wait3A_1587 = arith.constant 48 : i32
        %dma_wait3A_1588 = arith.constant 0 : i32
        %dma_wait3A_1589 = tpu.memref_slice %arg12[%dma_wait3A_1587, %dma_wait3A_1588] : memref<64x128xf32, #tpu.memory_space<vmem>> -> memref<8x128xf32, #tpu.memory_space<vmem>>
        tpu.wait_dma2 semaphore(%arg20 : memref<!tpu.dma_semaphore, #tpu.memory_space<semaphore_mem>>) src(%dma_wait3A_1589 : memref<8x128xf32, #tpu.memory_space<vmem>>) dst(%dma_wait3A_1586 : memref<8x128xf32, #tpu.memory_space<hbm>>)
        %dma_wait3A_1590 = arith.constant 7 : i32
        %dma_wait3A_1591 = arith.constant 56 : i32
        %dma_wait3A_1592 = arith.constant 0 : i32
        %dma_wait3A_1593 = tpu.memref_slice %arg12[%dma_wait3A_1591, %dma_wait3A_1592] : memref<64x128xf32, #tpu.memory_space<vmem>> -> memref<8x128xf32, #tpu.memory_space<vmem>>
        %dma_wait3A_1594 = arith.constant 0 : i32
        %dma_wait3A_1595 = arith.constant 0 : i32
        %dma_wait3A_1596 = tpu.memref_slice %arg4[%select_n3A_1468, %dma_wait3A_1590, %select_n3A_1484, %dma_wait3A_1594, %dma_wait3A_1595] : memref<50x8x128x8x128xf32, #tpu.memory_space<hbm>> -> memref<1x1x1x8x128xf32, #tpu.memory_space<hbm>>
        %dma_wait3A_1597 = tpu.memref_squeeze %dma_wait3A_1596 : memref<1x1x1x8x128xf32, #tpu.memory_space<hbm>> -> memref<8x128xf32, #tpu.memory_space<hbm>>
        %dma_wait3A_1598 = arith.constant 0 : i32
        %dma_wait3A_1599 = arith.constant 0 : i32
        %dma_wait3A_1600 = tpu.memref_slice %arg4[%select_n3A_1468, %dma_wait3A_1590, %select_n3A_1484, %dma_wait3A_1598, %dma_wait3A_1599] : memref<50x8x128x8x128xf32, #tpu.memory_space<hbm>> -> memref<1x1x1x8x128xf32, #tpu.memory_space<hbm>>
        %dma_wait3A_1601 = tpu.memref_squeeze %dma_wait3A_1600 : memref<1x1x1x8x128xf32, #tpu.memory_space<hbm>> -> memref<8x128xf32, #tpu.memory_space<hbm>>
        %dma_wait3A_1602 = arith.constant 56 : i32
        %dma_wait3A_1603 = arith.constant 0 : i32
        %dma_wait3A_1604 = tpu.memref_slice %arg12[%dma_wait3A_1602, %dma_wait3A_1603] : memref<64x128xf32, #tpu.memory_space<vmem>> -> memref<8x128xf32, #tpu.memory_space<vmem>>
        tpu.wait_dma2 semaphore(%arg20 : memref<!tpu.dma_semaphore, #tpu.memory_space<semaphore_mem>>) src(%dma_wait3A_1604 : memref<8x128xf32, #tpu.memory_space<vmem>>) dst(%dma_wait3A_1601 : memref<8x128xf32, #tpu.memory_space<hbm>>)
      } else {
      }
      %scan3A_1083 = arith.constant 0 : i32
      %scan3A_1084 = arith.constant 0 : i32
      %scan3A_1085 = arith.constant 16 : i32
      %scan3A_1086 = arith.addi %scan3A_1084, %scan3A_1085 : i32
      %scan3A_1087 = arith.constant 1 : i32
      scf.for %scan3A_1442 = %scan3A_1084 to %scan3A_1086 step %scan3A_1087  : i32 {
        %add3A_1443 = vector.broadcast %scan3A_1442 : i32 to vector<16xi32>
        %add3A_1444 = arith.addi %iota3A, %add3A_1443 : vector<16xi32>
        %and3A_1445 = arith.constant 15 : i32
        %and3A_1446 = vector.broadcast %and3A_1445 : i32 to vector<16xi32>
        %and3A_1447 = arith.andi %add3A_1444, %and3A_1446 : vector<16xi32>
        %add3A_1448 = arith.constant 0 : i32
        %add3A_1449 = vector.broadcast %add3A_1448 : i32 to vector<16xi32>
        %add3A_1450 = arith.addi %and3A_1447, %add3A_1449 : vector<16xi32>
        %add3A_1451 = arith.constant 16 : i32
        %add3A_1452 = vector.broadcast %add3A_1451 : i32 to vector<16xi32>
        %add3A_1453 = arith.addi %and3A_1447, %add3A_1452 : vector<16xi32>
        %add3A_1454 = arith.constant 32 : i32
        %add3A_1455 = vector.broadcast %add3A_1454 : i32 to vector<16xi32>
        %add3A_1456 = arith.addi %and3A_1447, %add3A_1455 : vector<16xi32>
        %add3A_1457 = arith.constant 48 : i32
        %add3A_1458 = vector.broadcast %add3A_1457 : i32 to vector<16xi32>
        %add3A_1459 = arith.addi %and3A_1447, %add3A_1458 : vector<16xi32>
        %gather3A = tpu.vector_load_idx %arg8[%add3A_5, %add3A_1450] : memref<128x128xf32, #tpu.memory_space<vmem>>[vector<16xi32>, vector<16xi32>], vector<16xf32>,
        tpu.vector_store_idx %arg12[%add3A_1450, %add3A_5], %gather3A : memref<64x128xf32, #tpu.memory_space<vmem>>[vector<16xi32>, vector<16xi32>], vector<16xf32>,
        %gather3A_1460 = tpu.vector_load_idx %arg8[%add3A_8, %add3A_1450] : memref<128x128xf32, #tpu.memory_space<vmem>>[vector<16xi32>, vector<16xi32>], vector<16xf32>,
        tpu.vector_store_idx %arg12[%add3A_1450, %add3A_8], %gather3A_1460 : memref<64x128xf32, #tpu.memory_space<vmem>>[vector<16xi32>, vector<16xi32>], vector<16xf32>,
        %gather3A_1461 = tpu.vector_load_idx %arg8[%add3A_11, %add3A_1450] : memref<128x128xf32, #tpu.memory_space<vmem>>[vector<16xi32>, vector<16xi32>], vector<16xf32>,
        tpu.vector_store_idx %arg12[%add3A_1450, %add3A_11], %gather3A_1461 : memref<64x128xf32, #tpu.memory_space<vmem>>[vector<16xi32>, vector<16xi32>], vector<16xf32>,
        %gather3A_1462 = tpu.vector_load_idx %arg8[%add3A_14, %add3A_1450] : memref<128x128xf32, #tpu.memory_space<vmem>>[vector<16xi32>, vector<16xi32>], vector<16xf32>,
        tpu.vector_store_idx %arg12[%add3A_1450, %add3A_14], %gather3A_1462 : memref<64x128xf32, #tpu.memory_space<vmem>>[vector<16xi32>, vector<16xi32>], vector<16xf32>,
        %gather3A_1463 = tpu.vector_load_idx %arg8[%add3A_17, %add3A_1450] : memref<128x128xf32, #tpu.memory_space<vmem>>[vector<16xi32>, vector<16xi32>], vector<16xf32>,
        tpu.vector_store_idx %arg12[%add3A_1450, %add3A_17], %gather3A_1463 : memref<64x128xf32, #tpu.memory_space<vmem>>[vector<16xi32>, vector<16xi32>], vector<16xf32>,
        %gather3A_1464 = tpu.vector_load_idx %arg8[%add3A_20, %add3A_1450] : memref<128x128xf32, #tpu.memory_space<vmem>>[vector<16xi32>, vector<16xi32>], vector<16xf32>,
        tpu.vector_store_idx %arg12[%add3A_1450, %add3A_20], %gather3A_1464 : memref<64x128xf32, #tpu.memory_space<vmem>>[vector<16xi32>, vector<16xi32>], vector<16xf32>,
        %gather3A_1465 = tpu.vector_load_idx %arg8[%add3A_23, %add3A_1450] : memref<128x128xf32, #tpu.memory_space<vmem>>[vector<16xi32>, vector<16xi32>], vector<16xf32>,
        tpu.vector_store_idx %arg12[%add3A_1450, %add3A_23], %gather3A_1465 : memref<64x128xf32, #tpu.memory_space<vmem>>[vector<16xi32>, vector<16xi32>], vector<16xf32>,
        %gather3A_1466 = tpu.vector_load_idx %arg8[%add3A_26, %add3A_1450] : memref<128x128xf32, #tpu.memory_space<vmem>>[vector<16xi32>, vector<16xi32>], vector<16xf32>,
        tpu.vector_store_idx %arg12[%add3A_1450, %add3A_26], %gather3A_1466 : memref<64x128xf32, #tpu.memory_space<vmem>>[vector<16xi32>, vector<16xi32>], vector<16xf32>,
        %gather3A_1467 = tpu.vector_load_idx %arg8[%add3A_5, %add3A_1453] : memref<128x128xf32, #tpu.memory_space<vmem>>[vector<16xi32>, vector<16xi32>], vector<16xf32>,
        tpu.vector_store_idx %arg12[%add3A_1453, %add3A_5], %gather3A_1467 : memref<64x128xf32, #tpu.memory_space<vmem>>[vector<16xi32>, vector<16xi32>], vector<16xf32>,
        %gather3A_1468 = tpu.vector_load_idx %arg8[%add3A_8, %add3A_1453] : memref<128x128xf32, #tpu.memory_space<vmem>>[vector<16xi32>, vector<16xi32>], vector<16xf32>,
        tpu.vector_store_idx %arg12[%add3A_1453, %add3A_8], %gather3A_1468 : memref<64x128xf32, #tpu.memory_space<vmem>>[vector<16xi32>, vector<16xi32>], vector<16xf32>,
        %gather3A_1469 = tpu.vector_load_idx %arg8[%add3A_11, %add3A_1453] : memref<128x128xf32, #tpu.memory_space<vmem>>[vector<16xi32>, vector<16xi32>], vector<16xf32>,
        tpu.vector_store_idx %arg12[%add3A_1453, %add3A_11], %gather3A_1469 : memref<64x128xf32, #tpu.memory_space<vmem>>[vector<16xi32>, vector<16xi32>], vector<16xf32>,
        %gather3A_1470 = tpu.vector_load_idx %arg8[%add3A_14, %add3A_1453] : memref<128x128xf32, #tpu.memory_space<vmem>>[vector<16xi32>, vector<16xi32>], vector<16xf32>,
        tpu.vector_store_idx %arg12[%add3A_1453, %add3A_14], %gather3A_1470 : memref<64x128xf32, #tpu.memory_space<vmem>>[vector<16xi32>, vector<16xi32>], vector<16xf32>,
        %gather3A_1471 = tpu.vector_load_idx %arg8[%add3A_17, %add3A_1453] : memref<128x128xf32, #tpu.memory_space<vmem>>[vector<16xi32>, vector<16xi32>], vector<16xf32>,
        tpu.vector_store_idx %arg12[%add3A_1453, %add3A_17], %gather3A_1471 : memref<64x128xf32, #tpu.memory_space<vmem>>[vector<16xi32>, vector<16xi32>], vector<16xf32>,
        %gather3A_1472 = tpu.vector_load_idx %arg8[%add3A_20, %add3A_1453] : memref<128x128xf32, #tpu.memory_space<vmem>>[vector<16xi32>, vector<16xi32>], vector<16xf32>,
        tpu.vector_store_idx %arg12[%add3A_1453, %add3A_20], %gather3A_1472 : memref<64x128xf32, #tpu.memory_space<vmem>>[vector<16xi32>, vector<16xi32>], vector<16xf32>,
        %gather3A_1473 = tpu.vector_load_idx %arg8[%add3A_23, %add3A_1453] : memref<128x128xf32, #tpu.memory_space<vmem>>[vector<16xi32>, vector<16xi32>], vector<16xf32>,
        tpu.vector_store_idx %arg12[%add3A_1453, %add3A_23], %gather3A_1473 : memref<64x128xf32, #tpu.memory_space<vmem>>[vector<16xi32>, vector<16xi32>], vector<16xf32>,
        %gather3A_1474 = tpu.vector_load_idx %arg8[%add3A_26, %add3A_1453] : memref<128x128xf32, #tpu.memory_space<vmem>>[vector<16xi32>, vector<16xi32>], vector<16xf32>,
        tpu.vector_store_idx %arg12[%add3A_1453, %add3A_26], %gather3A_1474 : memref<64x128xf32, #tpu.memory_space<vmem>>[vector<16xi32>, vector<16xi32>], vector<16xf32>,
        %gather3A_1475 = tpu.vector_load_idx %arg8[%add3A_5, %add3A_1456] : memref<128x128xf32, #tpu.memory_space<vmem>>[vector<16xi32>, vector<16xi32>], vector<16xf32>,
        tpu.vector_store_idx %arg12[%add3A_1456, %add3A_5], %gather3A_1475 : memref<64x128xf32, #tpu.memory_space<vmem>>[vector<16xi32>, vector<16xi32>], vector<16xf32>,
        %gather3A_1476 = tpu.vector_load_idx %arg8[%add3A_8, %add3A_1456] : memref<128x128xf32, #tpu.memory_space<vmem>>[vector<16xi32>, vector<16xi32>], vector<16xf32>,
        tpu.vector_store_idx %arg12[%add3A_1456, %add3A_8], %gather3A_1476 : memref<64x128xf32, #tpu.memory_space<vmem>>[vector<16xi32>, vector<16xi32>], vector<16xf32>,
        %gather3A_1477 = tpu.vector_load_idx %arg8[%add3A_11, %add3A_1456] : memref<128x128xf32, #tpu.memory_space<vmem>>[vector<16xi32>, vector<16xi32>], vector<16xf32>,
        tpu.vector_store_idx %arg12[%add3A_1456, %add3A_11], %gather3A_1477 : memref<64x128xf32, #tpu.memory_space<vmem>>[vector<16xi32>, vector<16xi32>], vector<16xf32>,
        %gather3A_1478 = tpu.vector_load_idx %arg8[%add3A_14, %add3A_1456] : memref<128x128xf32, #tpu.memory_space<vmem>>[vector<16xi32>, vector<16xi32>], vector<16xf32>,
        tpu.vector_store_idx %arg12[%add3A_1456, %add3A_14], %gather3A_1478 : memref<64x128xf32, #tpu.memory_space<vmem>>[vector<16xi32>, vector<16xi32>], vector<16xf32>,
        %gather3A_1479 = tpu.vector_load_idx %arg8[%add3A_17, %add3A_1456] : memref<128x128xf32, #tpu.memory_space<vmem>>[vector<16xi32>, vector<16xi32>], vector<16xf32>,
        tpu.vector_store_idx %arg12[%add3A_1456, %add3A_17], %gather3A_1479 : memref<64x128xf32, #tpu.memory_space<vmem>>[vector<16xi32>, vector<16xi32>], vector<16xf32>,
        %gather3A_1480 = tpu.vector_load_idx %arg8[%add3A_20, %add3A_1456] : memref<128x128xf32, #tpu.memory_space<vmem>>[vector<16xi32>, vector<16xi32>], vector<16xf32>,
        tpu.vector_store_idx %arg12[%add3A_1456, %add3A_20], %gather3A_1480 : memref<64x128xf32, #tpu.memory_space<vmem>>[vector<16xi32>, vector<16xi32>], vector<16xf32>,
        %gather3A_1481 = tpu.vector_load_idx %arg8[%add3A_23, %add3A_1456] : memref<128x128xf32, #tpu.memory_space<vmem>>[vector<16xi32>, vector<16xi32>], vector<16xf32>,
        tpu.vector_store_idx %arg12[%add3A_1456, %add3A_23], %gather3A_1481 : memref<64x128xf32, #tpu.memory_space<vmem>>[vector<16xi32>, vector<16xi32>], vector<16xf32>,
        %gather3A_1482 = tpu.vector_load_idx %arg8[%add3A_26, %add3A_1456] : memref<128x128xf32, #tpu.memory_space<vmem>>[vector<16xi32>, vector<16xi32>], vector<16xf32>,
        tpu.vector_store_idx %arg12[%add3A_1456, %add3A_26], %gather3A_1482 : memref<64x128xf32, #tpu.memory_space<vmem>>[vector<16xi32>, vector<16xi32>], vector<16xf32>,
        %gather3A_1483 = tpu.vector_load_idx %arg8[%add3A_5, %add3A_1459] : memref<128x128xf32, #tpu.memory_space<vmem>>[vector<16xi32>, vector<16xi32>], vector<16xf32>,
        tpu.vector_store_idx %arg12[%add3A_1459, %add3A_5], %gather3A_1483 : memref<64x128xf32, #tpu.memory_space<vmem>>[vector<16xi32>, vector<16xi32>], vector<16xf32>,
        %gather3A_1484 = tpu.vector_load_idx %arg8[%add3A_8, %add3A_1459] : memref<128x128xf32, #tpu.memory_space<vmem>>[vector<16xi32>, vector<16xi32>], vector<16xf32>,
        tpu.vector_store_idx %arg12[%add3A_1459, %add3A_8], %gather3A_1484 : memref<64x128xf32, #tpu.memory_space<vmem>>[vector<16xi32>, vector<16xi32>], vector<16xf32>,
        %gather3A_1485 = tpu.vector_load_idx %arg8[%add3A_11, %add3A_1459] : memref<128x128xf32, #tpu.memory_space<vmem>>[vector<16xi32>, vector<16xi32>], vector<16xf32>,
        tpu.vector_store_idx %arg12[%add3A_1459, %add3A_11], %gather3A_1485 : memref<64x128xf32, #tpu.memory_space<vmem>>[vector<16xi32>, vector<16xi32>], vector<16xf32>,
        %gather3A_1486 = tpu.vector_load_idx %arg8[%add3A_14, %add3A_1459] : memref<128x128xf32, #tpu.memory_space<vmem>>[vector<16xi32>, vector<16xi32>], vector<16xf32>,
        tpu.vector_store_idx %arg12[%add3A_1459, %add3A_14], %gather3A_1486 : memref<64x128xf32, #tpu.memory_space<vmem>>[vector<16xi32>, vector<16xi32>], vector<16xf32>,
        %gather3A_1487 = tpu.vector_load_idx %arg8[%add3A_17, %add3A_1459] : memref<128x128xf32, #tpu.memory_space<vmem>>[vector<16xi32>, vector<16xi32>], vector<16xf32>,
        tpu.vector_store_idx %arg12[%add3A_1459, %add3A_17], %gather3A_1487 : memref<64x128xf32, #tpu.memory_space<vmem>>[vector<16xi32>, vector<16xi32>], vector<16xf32>,
        %gather3A_1488 = tpu.vector_load_idx %arg8[%add3A_20, %add3A_1459] : memref<128x128xf32, #tpu.memory_space<vmem>>[vector<16xi32>, vector<16xi32>], vector<16xf32>,
        tpu.vector_store_idx %arg12[%add3A_1459, %add3A_20], %gather3A_1488 : memref<64x128xf32, #tpu.memory_space<vmem>>[vector<16xi32>, vector<16xi32>], vector<16xf32>,
        %gather3A_1489 = tpu.vector_load_idx %arg8[%add3A_23, %add3A_1459] : memref<128x128xf32, #tpu.memory_space<vmem>>[vector<16xi32>, vector<16xi32>], vector<16xf32>,
        tpu.vector_store_idx %arg12[%add3A_1459, %add3A_23], %gather3A_1489 : memref<64x128xf32, #tpu.memory_space<vmem>>[vector<16xi32>, vector<16xi32>], vector<16xf32>,
        %gather3A_1490 = tpu.vector_load_idx %arg8[%add3A_26, %add3A_1459] : memref<128x128xf32, #tpu.memory_space<vmem>>[vector<16xi32>, vector<16xi32>], vector<16xf32>,
        tpu.vector_store_idx %arg12[%add3A_1459, %add3A_26], %gather3A_1490 : memref<64x128xf32, #tpu.memory_space<vmem>>[vector<16xi32>, vector<16xi32>], vector<16xf32>,
      }
      %scan3A_1088 = arith.constant 16 : i32
      %add3A_1089 = arith.addi %mul3A_2, %add3A_1071 : i32
      %jit3A_1090 = arith.constant 128 : i32
      %div3A_1091 = arith.divsi %add3A_1089, %jit3A_1090 : i32
      %sign3A_1092 = arith.constant 0 : i32
      %sign3A_1093 = arith.cmpi sgt, %add3A_1089, %sign3A_1092 : i32
      %sign3A_1094 = arith.extui %sign3A_1093 : i1 to i32
      %sign3A_1095 = arith.constant 0 : i32
      %sign3A_1096 = arith.cmpi slt, %add3A_1089, %sign3A_1095 : i32
      %sign3A_1097 = arith.extui %sign3A_1096 : i1 to i32
      %sign3A_1098 = arith.subi %sign3A_1094, %sign3A_1097 : i32
      %sign3A_1099 = arith.constant 0 : i32
      %sign3A_1100 = arith.cmpi sgt, %jit3A_1090, %sign3A_1099 : i32
      %sign3A_1101 = arith.extui %sign3A_1100 : i1 to i32
      %sign3A_1102 = arith.constant 0 : i32
      %sign3A_1103 = arith.cmpi slt, %jit3A_1090, %sign3A_1102 : i32
      %sign3A_1104 = arith.extui %sign3A_1103 : i1 to i32
      %sign3A_1105 = arith.subi %sign3A_1101, %sign3A_1104 : i32
      %ne3A_1106 = arith.cmpi ne, %sign3A_1098, %sign3A_1105 : i32
      %rem3A_1107 = arith.remsi %add3A_1089, %jit3A_1090 : i32
      %ne3A_1108 = arith.constant 0 : i32
      %ne3A_1109 = arith.cmpi ne, %rem3A_1107, %ne3A_1108 : i32
      %and3A_1110 = arith.andi %ne3A_1106, %ne3A_1109 : i1
      %sub3A_1111 = arith.constant 1 : i32
      %sub3A_1112 = arith.subi %div3A_1091, %sub3A_1111 : i32
      %select_n3A_1113 = arith.select %and3A_1110, %sub3A_1112, %div3A_1091 : i32
      %jit3A_1114 = arith.constant 128 : i32
      %eq3A_1115 = arith.constant 0 : i32
      %eq3A_1116 = arith.cmpi eq, %jit3A_1114, %eq3A_1115 : i32
      %jit3A_1117 = arith.constant 1 : i32
      %select_n3A_1118 = arith.select %eq3A_1116, %jit3A_1117, %jit3A_1114 : i32
      %rem3A_1119 = arith.remsi %add3A_1089, %select_n3A_1118 : i32
      %ne3A_1120 = arith.constant 0 : i32
      %ne3A_1121 = arith.cmpi ne, %rem3A_1119, %ne3A_1120 : i32
      %lt3A_1122 = arith.constant 0 : i32
      %lt3A_1123 = arith.cmpi slt, %rem3A_1119, %lt3A_1122 : i32
      %lt3A_1124 = arith.constant 0 : i32
      %lt3A_1125 = arith.cmpi slt, %select_n3A_1118, %lt3A_1124 : i32
      %ne3A_1126 = arith.xori %lt3A_1123, %lt3A_1125 : i1
      %and3A_1127 = arith.andi %ne3A_1126, %ne3A_1121 : i1
      %add3A_1128 = arith.addi %rem3A_1119, %select_n3A_1118 : i32
      %select_n3A_1129 = arith.select %and3A_1127, %add3A_1128, %rem3A_1119 : i32
      %dma_start3A_1130 = arith.constant 0 : i32
      %dma_start3A_1131 = arith.constant 0 : i32
      %dma_start3A_1132 = arith.constant 0 : i32
      %dma_start3A_1133 = tpu.memref_slice %arg12[%dma_start3A_1131, %dma_start3A_1132] : memref<64x128xf32, #tpu.memory_space<vmem>> -> memref<8x128xf32, #tpu.memory_space<vmem>>
      %dma_start3A_1134 = arith.constant 0 : i32
      %dma_start3A_1135 = arith.constant 0 : i32
      %dma_start3A_1136 = tpu.memref_slice %arg4[%select_n3A_1113, %dma_start3A_1130, %select_n3A_1129, %dma_start3A_1134, %dma_start3A_1135] : memref<50x8x128x8x128xf32, #tpu.memory_space<hbm>> -> memref<1x1x1x8x128xf32, #tpu.memory_space<hbm>>
      %dma_start3A_1137 = tpu.memref_squeeze %dma_start3A_1136 : memref<1x1x1x8x128xf32, #tpu.memory_space<hbm>> -> memref<8x128xf32, #tpu.memory_space<hbm>>
      %dma_start3A_1138 = arith.constant 0 : i32
      %dma_start3A_1139 = arith.constant 0 : i32
      %dma_start3A_1140 = tpu.memref_slice %arg4[%select_n3A_1113, %dma_start3A_1130, %select_n3A_1129, %dma_start3A_1138, %dma_start3A_1139] : memref<50x8x128x8x128xf32, #tpu.memory_space<hbm>> -> memref<1x1x1x8x128xf32, #tpu.memory_space<hbm>>
      %dma_start3A_1141 = tpu.memref_squeeze %dma_start3A_1140 : memref<1x1x1x8x128xf32, #tpu.memory_space<hbm>> -> memref<8x128xf32, #tpu.memory_space<hbm>>
      %dma_start3A_1142 = arith.constant 0 : i32
      %dma_start3A_1143 = arith.constant 0 : i32
      %dma_start3A_1144 = tpu.memref_slice %arg12[%dma_start3A_1142, %dma_start3A_1143] : memref<64x128xf32, #tpu.memory_space<vmem>> -> memref<8x128xf32, #tpu.memory_space<vmem>>
      tpu.enqueue_dma source(%dma_start3A_1144 : memref<8x128xf32, #tpu.memory_space<vmem>>) target(%dma_start3A_1141 : memref<8x128xf32, #tpu.memory_space<hbm>>) target_semaphore(%arg20 : memref<!tpu.dma_semaphore, #tpu.memory_space<semaphore_mem>>)
      %dma_start3A_1145 = arith.constant 1 : i32
      %dma_start3A_1146 = arith.constant 8 : i32
      %dma_start3A_1147 = arith.constant 0 : i32
      %dma_start3A_1148 = tpu.memref_slice %arg12[%dma_start3A_1146, %dma_start3A_1147] : memref<64x128xf32, #tpu.memory_space<vmem>> -> memref<8x128xf32, #tpu.memory_space<vmem>>
      %dma_start3A_1149 = arith.constant 0 : i32
      %dma_start3A_1150 = arith.constant 0 : i32
      %dma_start3A_1151 = tpu.memref_slice %arg4[%select_n3A_1113, %dma_start3A_1145, %select_n3A_1129, %dma_start3A_1149, %dma_start3A_1150] : memref<50x8x128x8x128xf32, #tpu.memory_space<hbm>> -> memref<1x1x1x8x128xf32, #tpu.memory_space<hbm>>
      %dma_start3A_1152 = tpu.memref_squeeze %dma_start3A_1151 : memref<1x1x1x8x128xf32, #tpu.memory_space<hbm>> -> memref<8x128xf32, #tpu.memory_space<hbm>>
      %dma_start3A_1153 = arith.constant 0 : i32
      %dma_start3A_1154 = arith.constant 0 : i32
      %dma_start3A_1155 = tpu.memref_slice %arg4[%select_n3A_1113, %dma_start3A_1145, %select_n3A_1129, %dma_start3A_1153, %dma_start3A_1154] : memref<50x8x128x8x128xf32, #tpu.memory_space<hbm>> -> memref<1x1x1x8x128xf32, #tpu.memory_space<hbm>>
      %dma_start3A_1156 = tpu.memref_squeeze %dma_start3A_1155 : memref<1x1x1x8x128xf32, #tpu.memory_space<hbm>> -> memref<8x128xf32, #tpu.memory_space<hbm>>
      %dma_start3A_1157 = arith.constant 8 : i32
      %dma_start3A_1158 = arith.constant 0 : i32
      %dma_start3A_1159 = tpu.memref_slice %arg12[%dma_start3A_1157, %dma_start3A_1158] : memref<64x128xf32, #tpu.memory_space<vmem>> -> memref<8x128xf32, #tpu.memory_space<vmem>>
      tpu.enqueue_dma source(%dma_start3A_1159 : memref<8x128xf32, #tpu.memory_space<vmem>>) target(%dma_start3A_1156 : memref<8x128xf32, #tpu.memory_space<hbm>>) target_semaphore(%arg20 : memref<!tpu.dma_semaphore, #tpu.memory_space<semaphore_mem>>)
      %dma_start3A_1160 = arith.constant 2 : i32
      %dma_start3A_1161 = arith.constant 16 : i32
      %dma_start3A_1162 = arith.constant 0 : i32
      %dma_start3A_1163 = tpu.memref_slice %arg12[%dma_start3A_1161, %dma_start3A_1162] : memref<64x128xf32, #tpu.memory_space<vmem>> -> memref<8x128xf32, #tpu.memory_space<vmem>>
      %dma_start3A_1164 = arith.constant 0 : i32
      %dma_start3A_1165 = arith.constant 0 : i32
      %dma_start3A_1166 = tpu.memref_slice %arg4[%select_n3A_1113, %dma_start3A_1160, %select_n3A_1129, %dma_start3A_1164, %dma_start3A_1165] : memref<50x8x128x8x128xf32, #tpu.memory_space<hbm>> -> memref<1x1x1x8x128xf32, #tpu.memory_space<hbm>>
      %dma_start3A_1167 = tpu.memref_squeeze %dma_start3A_1166 : memref<1x1x1x8x128xf32, #tpu.memory_space<hbm>> -> memref<8x128xf32, #tpu.memory_space<hbm>>
      %dma_start3A_1168 = arith.constant 0 : i32
      %dma_start3A_1169 = arith.constant 0 : i32
      %dma_start3A_1170 = tpu.memref_slice %arg4[%select_n3A_1113, %dma_start3A_1160, %select_n3A_1129, %dma_start3A_1168, %dma_start3A_1169] : memref<50x8x128x8x128xf32, #tpu.memory_space<hbm>> -> memref<1x1x1x8x128xf32, #tpu.memory_space<hbm>>
      %dma_start3A_1171 = tpu.memref_squeeze %dma_start3A_1170 : memref<1x1x1x8x128xf32, #tpu.memory_space<hbm>> -> memref<8x128xf32, #tpu.memory_space<hbm>>
      %dma_start3A_1172 = arith.constant 16 : i32
      %dma_start3A_1173 = arith.constant 0 : i32
      %dma_start3A_1174 = tpu.memref_slice %arg12[%dma_start3A_1172, %dma_start3A_1173] : memref<64x128xf32, #tpu.memory_space<vmem>> -> memref<8x128xf32, #tpu.memory_space<vmem>>
      tpu.enqueue_dma source(%dma_start3A_1174 : memref<8x128xf32, #tpu.memory_space<vmem>>) target(%dma_start3A_1171 : memref<8x128xf32, #tpu.memory_space<hbm>>) target_semaphore(%arg20 : memref<!tpu.dma_semaphore, #tpu.memory_space<semaphore_mem>>)
      %dma_start3A_1175 = arith.constant 3 : i32
      %dma_start3A_1176 = arith.constant 24 : i32
      %dma_start3A_1177 = arith.constant 0 : i32
      %dma_start3A_1178 = tpu.memref_slice %arg12[%dma_start3A_1176, %dma_start3A_1177] : memref<64x128xf32, #tpu.memory_space<vmem>> -> memref<8x128xf32, #tpu.memory_space<vmem>>
      %dma_start3A_1179 = arith.constant 0 : i32
      %dma_start3A_1180 = arith.constant 0 : i32
      %dma_start3A_1181 = tpu.memref_slice %arg4[%select_n3A_1113, %dma_start3A_1175, %select_n3A_1129, %dma_start3A_1179, %dma_start3A_1180] : memref<50x8x128x8x128xf32, #tpu.memory_space<hbm>> -> memref<1x1x1x8x128xf32, #tpu.memory_space<hbm>>
      %dma_start3A_1182 = tpu.memref_squeeze %dma_start3A_1181 : memref<1x1x1x8x128xf32, #tpu.memory_space<hbm>> -> memref<8x128xf32, #tpu.memory_space<hbm>>
      %dma_start3A_1183 = arith.constant 0 : i32
      %dma_start3A_1184 = arith.constant 0 : i32
      %dma_start3A_1185 = tpu.memref_slice %arg4[%select_n3A_1113, %dma_start3A_1175, %select_n3A_1129, %dma_start3A_1183, %dma_start3A_1184] : memref<50x8x128x8x128xf32, #tpu.memory_space<hbm>> -> memref<1x1x1x8x128xf32, #tpu.memory_space<hbm>>
      %dma_start3A_1186 = tpu.memref_squeeze %dma_start3A_1185 : memref<1x1x1x8x128xf32, #tpu.memory_space<hbm>> -> memref<8x128xf32, #tpu.memory_space<hbm>>
      %dma_start3A_1187 = arith.constant 24 : i32
      %dma_start3A_1188 = arith.constant 0 : i32
      %dma_start3A_1189 = tpu.memref_slice %arg12[%dma_start3A_1187, %dma_start3A_1188] : memref<64x128xf32, #tpu.memory_space<vmem>> -> memref<8x128xf32, #tpu.memory_space<vmem>>
      tpu.enqueue_dma source(%dma_start3A_1189 : memref<8x128xf32, #tpu.memory_space<vmem>>) target(%dma_start3A_1186 : memref<8x128xf32, #tpu.memory_space<hbm>>) target_semaphore(%arg20 : memref<!tpu.dma_semaphore, #tpu.memory_space<semaphore_mem>>)
      %dma_start3A_1190 = arith.constant 4 : i32
      %dma_start3A_1191 = arith.constant 32 : i32
      %dma_start3A_1192 = arith.constant 0 : i32
      %dma_start3A_1193 = tpu.memref_slice %arg12[%dma_start3A_1191, %dma_start3A_1192] : memref<64x128xf32, #tpu.memory_space<vmem>> -> memref<8x128xf32, #tpu.memory_space<vmem>>
      %dma_start3A_1194 = arith.constant 0 : i32
      %dma_start3A_1195 = arith.constant 0 : i32
      %dma_start3A_1196 = tpu.memref_slice %arg4[%select_n3A_1113, %dma_start3A_1190, %select_n3A_1129, %dma_start3A_1194, %dma_start3A_1195] : memref<50x8x128x8x128xf32, #tpu.memory_space<hbm>> -> memref<1x1x1x8x128xf32, #tpu.memory_space<hbm>>
      %dma_start3A_1197 = tpu.memref_squeeze %dma_start3A_1196 : memref<1x1x1x8x128xf32, #tpu.memory_space<hbm>> -> memref<8x128xf32, #tpu.memory_space<hbm>>
      %dma_start3A_1198 = arith.constant 0 : i32
      %dma_start3A_1199 = arith.constant 0 : i32
      %dma_start3A_1200 = tpu.memref_slice %arg4[%select_n3A_1113, %dma_start3A_1190, %select_n3A_1129, %dma_start3A_1198, %dma_start3A_1199] : memref<50x8x128x8x128xf32, #tpu.memory_space<hbm>> -> memref<1x1x1x8x128xf32, #tpu.memory_space<hbm>>
      %dma_start3A_1201 = tpu.memref_squeeze %dma_start3A_1200 : memref<1x1x1x8x128xf32, #tpu.memory_space<hbm>> -> memref<8x128xf32, #tpu.memory_space<hbm>>
      %dma_start3A_1202 = arith.constant 32 : i32
      %dma_start3A_1203 = arith.constant 0 : i32
      %dma_start3A_1204 = tpu.memref_slice %arg12[%dma_start3A_1202, %dma_start3A_1203] : memref<64x128xf32, #tpu.memory_space<vmem>> -> memref<8x128xf32, #tpu.memory_space<vmem>>
      tpu.enqueue_dma source(%dma_start3A_1204 : memref<8x128xf32, #tpu.memory_space<vmem>>) target(%dma_start3A_1201 : memref<8x128xf32, #tpu.memory_space<hbm>>) target_semaphore(%arg20 : memref<!tpu.dma_semaphore, #tpu.memory_space<semaphore_mem>>)
      %dma_start3A_1205 = arith.constant 5 : i32
      %dma_start3A_1206 = arith.constant 40 : i32
      %dma_start3A_1207 = arith.constant 0 : i32
      %dma_start3A_1208 = tpu.memref_slice %arg12[%dma_start3A_1206, %dma_start3A_1207] : memref<64x128xf32, #tpu.memory_space<vmem>> -> memref<8x128xf32, #tpu.memory_space<vmem>>
      %dma_start3A_1209 = arith.constant 0 : i32
      %dma_start3A_1210 = arith.constant 0 : i32
      %dma_start3A_1211 = tpu.memref_slice %arg4[%select_n3A_1113, %dma_start3A_1205, %select_n3A_1129, %dma_start3A_1209, %dma_start3A_1210] : memref<50x8x128x8x128xf32, #tpu.memory_space<hbm>> -> memref<1x1x1x8x128xf32, #tpu.memory_space<hbm>>
      %dma_start3A_1212 = tpu.memref_squeeze %dma_start3A_1211 : memref<1x1x1x8x128xf32, #tpu.memory_space<hbm>> -> memref<8x128xf32, #tpu.memory_space<hbm>>
      %dma_start3A_1213 = arith.constant 0 : i32
      %dma_start3A_1214 = arith.constant 0 : i32
      %dma_start3A_1215 = tpu.memref_slice %arg4[%select_n3A_1113, %dma_start3A_1205, %select_n3A_1129, %dma_start3A_1213, %dma_start3A_1214] : memref<50x8x128x8x128xf32, #tpu.memory_space<hbm>> -> memref<1x1x1x8x128xf32, #tpu.memory_space<hbm>>
      %dma_start3A_1216 = tpu.memref_squeeze %dma_start3A_1215 : memref<1x1x1x8x128xf32, #tpu.memory_space<hbm>> -> memref<8x128xf32, #tpu.memory_space<hbm>>
      %dma_start3A_1217 = arith.constant 40 : i32
      %dma_start3A_1218 = arith.constant 0 : i32
      %dma_start3A_1219 = tpu.memref_slice %arg12[%dma_start3A_1217, %dma_start3A_1218] : memref<64x128xf32, #tpu.memory_space<vmem>> -> memref<8x128xf32, #tpu.memory_space<vmem>>
      tpu.enqueue_dma source(%dma_start3A_1219 : memref<8x128xf32, #tpu.memory_space<vmem>>) target(%dma_start3A_1216 : memref<8x128xf32, #tpu.memory_space<hbm>>) target_semaphore(%arg20 : memref<!tpu.dma_semaphore, #tpu.memory_space<semaphore_mem>>)
      %dma_start3A_1220 = arith.constant 6 : i32
      %dma_start3A_1221 = arith.constant 48 : i32
      %dma_start3A_1222 = arith.constant 0 : i32
      %dma_start3A_1223 = tpu.memref_slice %arg12[%dma_start3A_1221, %dma_start3A_1222] : memref<64x128xf32, #tpu.memory_space<vmem>> -> memref<8x128xf32, #tpu.memory_space<vmem>>
      %dma_start3A_1224 = arith.constant 0 : i32
      %dma_start3A_1225 = arith.constant 0 : i32
      %dma_start3A_1226 = tpu.memref_slice %arg4[%select_n3A_1113, %dma_start3A_1220, %select_n3A_1129, %dma_start3A_1224, %dma_start3A_1225] : memref<50x8x128x8x128xf32, #tpu.memory_space<hbm>> -> memref<1x1x1x8x128xf32, #tpu.memory_space<hbm>>
      %dma_start3A_1227 = tpu.memref_squeeze %dma_start3A_1226 : memref<1x1x1x8x128xf32, #tpu.memory_space<hbm>> -> memref<8x128xf32, #tpu.memory_space<hbm>>
      %dma_start3A_1228 = arith.constant 0 : i32
      %dma_start3A_1229 = arith.constant 0 : i32
      %dma_start3A_1230 = tpu.memref_slice %arg4[%select_n3A_1113, %dma_start3A_1220, %select_n3A_1129, %dma_start3A_1228, %dma_start3A_1229] : memref<50x8x128x8x128xf32, #tpu.memory_space<hbm>> -> memref<1x1x1x8x128xf32, #tpu.memory_space<hbm>>
      %dma_start3A_1231 = tpu.memref_squeeze %dma_start3A_1230 : memref<1x1x1x8x128xf32, #tpu.memory_space<hbm>> -> memref<8x128xf32, #tpu.memory_space<hbm>>
      %dma_start3A_1232 = arith.constant 48 : i32
      %dma_start3A_1233 = arith.constant 0 : i32
      %dma_start3A_1234 = tpu.memref_slice %arg12[%dma_start3A_1232, %dma_start3A_1233] : memref<64x128xf32, #tpu.memory_space<vmem>> -> memref<8x128xf32, #tpu.memory_space<vmem>>
      tpu.enqueue_dma source(%dma_start3A_1234 : memref<8x128xf32, #tpu.memory_space<vmem>>) target(%dma_start3A_1231 : memref<8x128xf32, #tpu.memory_space<hbm>>) target_semaphore(%arg20 : memref<!tpu.dma_semaphore, #tpu.memory_space<semaphore_mem>>)
      %dma_start3A_1235 = arith.constant 7 : i32
      %dma_start3A_1236 = arith.constant 56 : i32
      %dma_start3A_1237 = arith.constant 0 : i32
      %dma_start3A_1238 = tpu.memref_slice %arg12[%dma_start3A_1236, %dma_start3A_1237] : memref<64x128xf32, #tpu.memory_space<vmem>> -> memref<8x128xf32, #tpu.memory_space<vmem>>
      %dma_start3A_1239 = arith.constant 0 : i32
      %dma_start3A_1240 = arith.constant 0 : i32
      %dma_start3A_1241 = tpu.memref_slice %arg4[%select_n3A_1113, %dma_start3A_1235, %select_n3A_1129, %dma_start3A_1239, %dma_start3A_1240] : memref<50x8x128x8x128xf32, #tpu.memory_space<hbm>> -> memref<1x1x1x8x128xf32, #tpu.memory_space<hbm>>
      %dma_start3A_1242 = tpu.memref_squeeze %dma_start3A_1241 : memref<1x1x1x8x128xf32, #tpu.memory_space<hbm>> -> memref<8x128xf32, #tpu.memory_space<hbm>>
      %dma_start3A_1243 = arith.constant 0 : i32
      %dma_start3A_1244 = arith.constant 0 : i32
      %dma_start3A_1245 = tpu.memref_slice %arg4[%select_n3A_1113, %dma_start3A_1235, %select_n3A_1129, %dma_start3A_1243, %dma_start3A_1244] : memref<50x8x128x8x128xf32, #tpu.memory_space<hbm>> -> memref<1x1x1x8x128xf32, #tpu.memory_space<hbm>>
      %dma_start3A_1246 = tpu.memref_squeeze %dma_start3A_1245 : memref<1x1x1x8x128xf32, #tpu.memory_space<hbm>> -> memref<8x128xf32, #tpu.memory_space<hbm>>
      %dma_start3A_1247 = arith.constant 56 : i32
      %dma_start3A_1248 = arith.constant 0 : i32
      %dma_start3A_1249 = tpu.memref_slice %arg12[%dma_start3A_1247, %dma_start3A_1248] : memref<64x128xf32, #tpu.memory_space<vmem>> -> memref<8x128xf32, #tpu.memory_space<vmem>>
      tpu.enqueue_dma source(%dma_start3A_1249 : memref<8x128xf32, #tpu.memory_space<vmem>>) target(%dma_start3A_1246 : memref<8x128xf32, #tpu.memory_space<hbm>>) target_semaphore(%arg20 : memref<!tpu.dma_semaphore, #tpu.memory_space<semaphore_mem>>)
      %lt3A_1250 = arith.constant 49 : i32
      %lt3A_1251 = arith.cmpi slt, %scan3A_696, %lt3A_1250 : i32
      %convert_element_type3A_1252 = arith.extui %lt3A_1251 : i1 to i32
      %cond3A_1253 = arith.constant 0 : i32
      %cond3A_1254 = arith.cmpi ne, %convert_element_type3A_1252, %cond3A_1253 : i32
      scf.if %cond3A_1254 {
        %add3A_1442 = arith.constant 4 : i32
        %add3A_1443 = arith.addi %add3A_1071, %add3A_1442 : i32
        %dma_start3A_1444 = arith.constant 0 : i32
        %dma_start3A_1445 = tpu.memref_slice %arg5[%add3A_1443, %dma_start3A_1444] : memref<200x128xi32, #tpu.memory_space<vmem>> -> memref<1x128xi32, #tpu.memory_space<vmem>>
        %dma_start3A_1446 = tpu.memref_squeeze %dma_start3A_1445 : memref<1x128xi32, #tpu.memory_space<vmem>> -> memref<128xi32, #tpu.memory_space<vmem>>
        %dma_start3A_1447 = arith.constant 0 : i32
        %dma_start3A_1448 = arith.constant 0 : i32
        %dma_start3A_1449 = tpu.memref_slice %arg3[%dma_start3A_1447, %dma_start3A_1448] : memref<1000000x128xf32, #tpu.memory_space<hbm>> -> memref<1000000x128xf32, #tpu.memory_space<hbm>>
        tpu.enqueue_indirect_dma source(%dma_start3A_1449 : memref<1000000x128xf32, #tpu.memory_space<hbm>>) target(%arg8 : memref<128x128xf32, #tpu.memory_space<vmem>>) offsets(%dma_start3A_1446 : memref<128xi32, #tpu.memory_space<vmem>>) semaphore(%arg16 : memref<!tpu.dma_semaphore, #tpu.memory_space<semaphore_mem>>)
      } else {
      }
      %mul3A_1255 = arith.constant 4 : i32
      %mul3A_1256 = arith.muli %scan3A_696, %mul3A_1255 : i32
      %add3A_1257 = arith.constant 3 : i32
      %add3A_1258 = arith.addi %mul3A_1256, %add3A_1257 : i32
      %dma_wait3A_1259 = arith.constant 0 : i32
      %dma_wait3A_1260 = tpu.memref_slice %arg5[%add3A_1258, %dma_wait3A_1259] : memref<200x128xi32, #tpu.memory_space<vmem>> -> memref<1x128xi32, #tpu.memory_space<vmem>>
      %dma_wait3A_1261 = tpu.memref_squeeze %dma_wait3A_1260 : memref<1x128xi32, #tpu.memory_space<vmem>> -> memref<128xi32, #tpu.memory_space<vmem>>
      %dma_wait3A_1262 = arith.constant 0 : i32
      %dma_wait3A_1263 = arith.constant 0 : i32
      %dma_wait3A_1264 = tpu.memref_slice %arg3[%dma_wait3A_1262, %dma_wait3A_1263] : memref<1000000x128xf32, #tpu.memory_space<hbm>> -> memref<1000000x128xf32, #tpu.memory_space<hbm>>
      tpu.wait_indirect_dma semaphore(%arg17 : memref<!tpu.dma_semaphore, #tpu.memory_space<semaphore_mem>>) src(%dma_wait3A_1264 : memref<1000000x128xf32, #tpu.memory_space<hbm>>) dst(%arg9 : memref<128x128xf32, #tpu.memory_space<vmem>>)
      %gt3A_1265 = arith.constant 0 : i32
      %gt3A_1266 = arith.cmpi sgt, %scan3A_696, %gt3A_1265 : i32
      %convert_element_type3A_1267 = arith.extui %gt3A_1266 : i1 to i32
      %cond3A_1268 = arith.constant 0 : i32
      %cond3A_1269 = arith.cmpi ne, %convert_element_type3A_1267, %cond3A_1268 : i32
      scf.if %cond3A_1269 {
        %sub3A_1442 = arith.constant 4 : i32
        %sub3A_1443 = arith.subi %add3A_1258, %sub3A_1442 : i32
        %add3A_1444 = arith.addi %mul3A_2, %sub3A_1443 : i32
        %jit3A_1445 = arith.constant 128 : i32
        %div3A_1446 = arith.divsi %add3A_1444, %jit3A_1445 : i32
        %sign3A_1447 = arith.constant 0 : i32
        %sign3A_1448 = arith.cmpi sgt, %add3A_1444, %sign3A_1447 : i32
        %sign3A_1449 = arith.extui %sign3A_1448 : i1 to i32
        %sign3A_1450 = arith.constant 0 : i32
        %sign3A_1451 = arith.cmpi slt, %add3A_1444, %sign3A_1450 : i32
        %sign3A_1452 = arith.extui %sign3A_1451 : i1 to i32
        %sign3A_1453 = arith.subi %sign3A_1449, %sign3A_1452 : i32
        %sign3A_1454 = arith.constant 0 : i32
        %sign3A_1455 = arith.cmpi sgt, %jit3A_1445, %sign3A_1454 : i32
        %sign3A_1456 = arith.extui %sign3A_1455 : i1 to i32
        %sign3A_1457 = arith.constant 0 : i32
        %sign3A_1458 = arith.cmpi slt, %jit3A_1445, %sign3A_1457 : i32
        %sign3A_1459 = arith.extui %sign3A_1458 : i1 to i32
        %sign3A_1460 = arith.subi %sign3A_1456, %sign3A_1459 : i32
        %ne3A_1461 = arith.cmpi ne, %sign3A_1453, %sign3A_1460 : i32
        %rem3A_1462 = arith.remsi %add3A_1444, %jit3A_1445 : i32
        %ne3A_1463 = arith.constant 0 : i32
        %ne3A_1464 = arith.cmpi ne, %rem3A_1462, %ne3A_1463 : i32
        %and3A_1465 = arith.andi %ne3A_1461, %ne3A_1464 : i1
        %sub3A_1466 = arith.constant 1 : i32
        %sub3A_1467 = arith.subi %div3A_1446, %sub3A_1466 : i32
        %select_n3A_1468 = arith.select %and3A_1465, %sub3A_1467, %div3A_1446 : i32
        %jit3A_1469 = arith.constant 128 : i32
        %eq3A_1470 = arith.constant 0 : i32
        %eq3A_1471 = arith.cmpi eq, %jit3A_1469, %eq3A_1470 : i32
        %jit3A_1472 = arith.constant 1 : i32
        %select_n3A_1473 = arith.select %eq3A_1471, %jit3A_1472, %jit3A_1469 : i32
        %rem3A_1474 = arith.remsi %add3A_1444, %select_n3A_1473 : i32
        %ne3A_1475 = arith.constant 0 : i32
        %ne3A_1476 = arith.cmpi ne, %rem3A_1474, %ne3A_1475 : i32
        %lt3A_1477 = arith.constant 0 : i32
        %lt3A_1478 = arith.cmpi slt, %rem3A_1474, %lt3A_1477 : i32
        %lt3A_1479 = arith.constant 0 : i32
        %lt3A_1480 = arith.cmpi slt, %select_n3A_1473, %lt3A_1479 : i32
        %ne3A_1481 = arith.xori %lt3A_1478, %lt3A_1480 : i1
        %and3A_1482 = arith.andi %ne3A_1481, %ne3A_1476 : i1
        %add3A_1483 = arith.addi %rem3A_1474, %select_n3A_1473 : i32
        %select_n3A_1484 = arith.select %and3A_1482, %add3A_1483, %rem3A_1474 : i32
        %dma_wait3A_1485 = arith.constant 0 : i32
        %dma_wait3A_1486 = arith.constant 0 : i32
        %dma_wait3A_1487 = arith.constant 0 : i32
        %dma_wait3A_1488 = tpu.memref_slice %arg13[%dma_wait3A_1486, %dma_wait3A_1487] : memref<64x128xf32, #tpu.memory_space<vmem>> -> memref<8x128xf32, #tpu.memory_space<vmem>>
        %dma_wait3A_1489 = arith.constant 0 : i32
        %dma_wait3A_1490 = arith.constant 0 : i32
        %dma_wait3A_1491 = tpu.memref_slice %arg4[%select_n3A_1468, %dma_wait3A_1485, %select_n3A_1484, %dma_wait3A_1489, %dma_wait3A_1490] : memref<50x8x128x8x128xf32, #tpu.memory_space<hbm>> -> memref<1x1x1x8x128xf32, #tpu.memory_space<hbm>>
        %dma_wait3A_1492 = tpu.memref_squeeze %dma_wait3A_1491 : memref<1x1x1x8x128xf32, #tpu.memory_space<hbm>> -> memref<8x128xf32, #tpu.memory_space<hbm>>
        %dma_wait3A_1493 = arith.constant 0 : i32
        %dma_wait3A_1494 = arith.constant 0 : i32
        %dma_wait3A_1495 = tpu.memref_slice %arg4[%select_n3A_1468, %dma_wait3A_1485, %select_n3A_1484, %dma_wait3A_1493, %dma_wait3A_1494] : memref<50x8x128x8x128xf32, #tpu.memory_space<hbm>> -> memref<1x1x1x8x128xf32, #tpu.memory_space<hbm>>
        %dma_wait3A_1496 = tpu.memref_squeeze %dma_wait3A_1495 : memref<1x1x1x8x128xf32, #tpu.memory_space<hbm>> -> memref<8x128xf32, #tpu.memory_space<hbm>>
        %dma_wait3A_1497 = arith.constant 0 : i32
        %dma_wait3A_1498 = arith.constant 0 : i32
        %dma_wait3A_1499 = tpu.memref_slice %arg13[%dma_wait3A_1497, %dma_wait3A_1498] : memref<64x128xf32, #tpu.memory_space<vmem>> -> memref<8x128xf32, #tpu.memory_space<vmem>>
        tpu.wait_dma2 semaphore(%arg21 : memref<!tpu.dma_semaphore, #tpu.memory_space<semaphore_mem>>) src(%dma_wait3A_1499 : memref<8x128xf32, #tpu.memory_space<vmem>>) dst(%dma_wait3A_1496 : memref<8x128xf32, #tpu.memory_space<hbm>>)
        %dma_wait3A_1500 = arith.constant 1 : i32
        %dma_wait3A_1501 = arith.constant 8 : i32
        %dma_wait3A_1502 = arith.constant 0 : i32
        %dma_wait3A_1503 = tpu.memref_slice %arg13[%dma_wait3A_1501, %dma_wait3A_1502] : memref<64x128xf32, #tpu.memory_space<vmem>> -> memref<8x128xf32, #tpu.memory_space<vmem>>
        %dma_wait3A_1504 = arith.constant 0 : i32
        %dma_wait3A_1505 = arith.constant 0 : i32
        %dma_wait3A_1506 = tpu.memref_slice %arg4[%select_n3A_1468, %dma_wait3A_1500, %select_n3A_1484, %dma_wait3A_1504, %dma_wait3A_1505] : memref<50x8x128x8x128xf32, #tpu.memory_space<hbm>> -> memref<1x1x1x8x128xf32, #tpu.memory_space<hbm>>
        %dma_wait3A_1507 = tpu.memref_squeeze %dma_wait3A_1506 : memref<1x1x1x8x128xf32, #tpu.memory_space<hbm>> -> memref<8x128xf32, #tpu.memory_space<hbm>>
        %dma_wait3A_1508 = arith.constant 0 : i32
        %dma_wait3A_1509 = arith.constant 0 : i32
        %dma_wait3A_1510 = tpu.memref_slice %arg4[%select_n3A_1468, %dma_wait3A_1500, %select_n3A_1484, %dma_wait3A_1508, %dma_wait3A_1509] : memref<50x8x128x8x128xf32, #tpu.memory_space<hbm>> -> memref<1x1x1x8x128xf32, #tpu.memory_space<hbm>>
        %dma_wait3A_1511 = tpu.memref_squeeze %dma_wait3A_1510 : memref<1x1x1x8x128xf32, #tpu.memory_space<hbm>> -> memref<8x128xf32, #tpu.memory_space<hbm>>
        %dma_wait3A_1512 = arith.constant 8 : i32
        %dma_wait3A_1513 = arith.constant 0 : i32
        %dma_wait3A_1514 = tpu.memref_slice %arg13[%dma_wait3A_1512, %dma_wait3A_1513] : memref<64x128xf32, #tpu.memory_space<vmem>> -> memref<8x128xf32, #tpu.memory_space<vmem>>
        tpu.wait_dma2 semaphore(%arg21 : memref<!tpu.dma_semaphore, #tpu.memory_space<semaphore_mem>>) src(%dma_wait3A_1514 : memref<8x128xf32, #tpu.memory_space<vmem>>) dst(%dma_wait3A_1511 : memref<8x128xf32, #tpu.memory_space<hbm>>)
        %dma_wait3A_1515 = arith.constant 2 : i32
        %dma_wait3A_1516 = arith.constant 16 : i32
        %dma_wait3A_1517 = arith.constant 0 : i32
        %dma_wait3A_1518 = tpu.memref_slice %arg13[%dma_wait3A_1516, %dma_wait3A_1517] : memref<64x128xf32, #tpu.memory_space<vmem>> -> memref<8x128xf32, #tpu.memory_space<vmem>>
        %dma_wait3A_1519 = arith.constant 0 : i32
        %dma_wait3A_1520 = arith.constant 0 : i32
        %dma_wait3A_1521 = tpu.memref_slice %arg4[%select_n3A_1468, %dma_wait3A_1515, %select_n3A_1484, %dma_wait3A_1519, %dma_wait3A_1520] : memref<50x8x128x8x128xf32, #tpu.memory_space<hbm>> -> memref<1x1x1x8x128xf32, #tpu.memory_space<hbm>>
        %dma_wait3A_1522 = tpu.memref_squeeze %dma_wait3A_1521 : memref<1x1x1x8x128xf32, #tpu.memory_space<hbm>> -> memref<8x128xf32, #tpu.memory_space<hbm>>
        %dma_wait3A_1523 = arith.constant 0 : i32
        %dma_wait3A_1524 = arith.constant 0 : i32
        %dma_wait3A_1525 = tpu.memref_slice %arg4[%select_n3A_1468, %dma_wait3A_1515, %select_n3A_1484, %dma_wait3A_1523, %dma_wait3A_1524] : memref<50x8x128x8x128xf32, #tpu.memory_space<hbm>> -> memref<1x1x1x8x128xf32, #tpu.memory_space<hbm>>
        %dma_wait3A_1526 = tpu.memref_squeeze %dma_wait3A_1525 : memref<1x1x1x8x128xf32, #tpu.memory_space<hbm>> -> memref<8x128xf32, #tpu.memory_space<hbm>>
        %dma_wait3A_1527 = arith.constant 16 : i32
        %dma_wait3A_1528 = arith.constant 0 : i32
        %dma_wait3A_1529 = tpu.memref_slice %arg13[%dma_wait3A_1527, %dma_wait3A_1528] : memref<64x128xf32, #tpu.memory_space<vmem>> -> memref<8x128xf32, #tpu.memory_space<vmem>>
        tpu.wait_dma2 semaphore(%arg21 : memref<!tpu.dma_semaphore, #tpu.memory_space<semaphore_mem>>) src(%dma_wait3A_1529 : memref<8x128xf32, #tpu.memory_space<vmem>>) dst(%dma_wait3A_1526 : memref<8x128xf32, #tpu.memory_space<hbm>>)
        %dma_wait3A_1530 = arith.constant 3 : i32
        %dma_wait3A_1531 = arith.constant 24 : i32
        %dma_wait3A_1532 = arith.constant 0 : i32
        %dma_wait3A_1533 = tpu.memref_slice %arg13[%dma_wait3A_1531, %dma_wait3A_1532] : memref<64x128xf32, #tpu.memory_space<vmem>> -> memref<8x128xf32, #tpu.memory_space<vmem>>
        %dma_wait3A_1534 = arith.constant 0 : i32
        %dma_wait3A_1535 = arith.constant 0 : i32
        %dma_wait3A_1536 = tpu.memref_slice %arg4[%select_n3A_1468, %dma_wait3A_1530, %select_n3A_1484, %dma_wait3A_1534, %dma_wait3A_1535] : memref<50x8x128x8x128xf32, #tpu.memory_space<hbm>> -> memref<1x1x1x8x128xf32, #tpu.memory_space<hbm>>
        %dma_wait3A_1537 = tpu.memref_squeeze %dma_wait3A_1536 : memref<1x1x1x8x128xf32, #tpu.memory_space<hbm>> -> memref<8x128xf32, #tpu.memory_space<hbm>>
        %dma_wait3A_1538 = arith.constant 0 : i32
        %dma_wait3A_1539 = arith.constant 0 : i32
        %dma_wait3A_1540 = tpu.memref_slice %arg4[%select_n3A_1468, %dma_wait3A_1530, %select_n3A_1484, %dma_wait3A_1538, %dma_wait3A_1539] : memref<50x8x128x8x128xf32, #tpu.memory_space<hbm>> -> memref<1x1x1x8x128xf32, #tpu.memory_space<hbm>>
        %dma_wait3A_1541 = tpu.memref_squeeze %dma_wait3A_1540 : memref<1x1x1x8x128xf32, #tpu.memory_space<hbm>> -> memref<8x128xf32, #tpu.memory_space<hbm>>
        %dma_wait3A_1542 = arith.constant 24 : i32
        %dma_wait3A_1543 = arith.constant 0 : i32
        %dma_wait3A_1544 = tpu.memref_slice %arg13[%dma_wait3A_1542, %dma_wait3A_1543] : memref<64x128xf32, #tpu.memory_space<vmem>> -> memref<8x128xf32, #tpu.memory_space<vmem>>
        tpu.wait_dma2 semaphore(%arg21 : memref<!tpu.dma_semaphore, #tpu.memory_space<semaphore_mem>>) src(%dma_wait3A_1544 : memref<8x128xf32, #tpu.memory_space<vmem>>) dst(%dma_wait3A_1541 : memref<8x128xf32, #tpu.memory_space<hbm>>)
        %dma_wait3A_1545 = arith.constant 4 : i32
        %dma_wait3A_1546 = arith.constant 32 : i32
        %dma_wait3A_1547 = arith.constant 0 : i32
        %dma_wait3A_1548 = tpu.memref_slice %arg13[%dma_wait3A_1546, %dma_wait3A_1547] : memref<64x128xf32, #tpu.memory_space<vmem>> -> memref<8x128xf32, #tpu.memory_space<vmem>>
        %dma_wait3A_1549 = arith.constant 0 : i32
        %dma_wait3A_1550 = arith.constant 0 : i32
        %dma_wait3A_1551 = tpu.memref_slice %arg4[%select_n3A_1468, %dma_wait3A_1545, %select_n3A_1484, %dma_wait3A_1549, %dma_wait3A_1550] : memref<50x8x128x8x128xf32, #tpu.memory_space<hbm>> -> memref<1x1x1x8x128xf32, #tpu.memory_space<hbm>>
        %dma_wait3A_1552 = tpu.memref_squeeze %dma_wait3A_1551 : memref<1x1x1x8x128xf32, #tpu.memory_space<hbm>> -> memref<8x128xf32, #tpu.memory_space<hbm>>
        %dma_wait3A_1553 = arith.constant 0 : i32
        %dma_wait3A_1554 = arith.constant 0 : i32
        %dma_wait3A_1555 = tpu.memref_slice %arg4[%select_n3A_1468, %dma_wait3A_1545, %select_n3A_1484, %dma_wait3A_1553, %dma_wait3A_1554] : memref<50x8x128x8x128xf32, #tpu.memory_space<hbm>> -> memref<1x1x1x8x128xf32, #tpu.memory_space<hbm>>
        %dma_wait3A_1556 = tpu.memref_squeeze %dma_wait3A_1555 : memref<1x1x1x8x128xf32, #tpu.memory_space<hbm>> -> memref<8x128xf32, #tpu.memory_space<hbm>>
        %dma_wait3A_1557 = arith.constant 32 : i32
        %dma_wait3A_1558 = arith.constant 0 : i32
        %dma_wait3A_1559 = tpu.memref_slice %arg13[%dma_wait3A_1557, %dma_wait3A_1558] : memref<64x128xf32, #tpu.memory_space<vmem>> -> memref<8x128xf32, #tpu.memory_space<vmem>>
        tpu.wait_dma2 semaphore(%arg21 : memref<!tpu.dma_semaphore, #tpu.memory_space<semaphore_mem>>) src(%dma_wait3A_1559 : memref<8x128xf32, #tpu.memory_space<vmem>>) dst(%dma_wait3A_1556 : memref<8x128xf32, #tpu.memory_space<hbm>>)
        %dma_wait3A_1560 = arith.constant 5 : i32
        %dma_wait3A_1561 = arith.constant 40 : i32
        %dma_wait3A_1562 = arith.constant 0 : i32
        %dma_wait3A_1563 = tpu.memref_slice %arg13[%dma_wait3A_1561, %dma_wait3A_1562] : memref<64x128xf32, #tpu.memory_space<vmem>> -> memref<8x128xf32, #tpu.memory_space<vmem>>
        %dma_wait3A_1564 = arith.constant 0 : i32
        %dma_wait3A_1565 = arith.constant 0 : i32
        %dma_wait3A_1566 = tpu.memref_slice %arg4[%select_n3A_1468, %dma_wait3A_1560, %select_n3A_1484, %dma_wait3A_1564, %dma_wait3A_1565] : memref<50x8x128x8x128xf32, #tpu.memory_space<hbm>> -> memref<1x1x1x8x128xf32, #tpu.memory_space<hbm>>
        %dma_wait3A_1567 = tpu.memref_squeeze %dma_wait3A_1566 : memref<1x1x1x8x128xf32, #tpu.memory_space<hbm>> -> memref<8x128xf32, #tpu.memory_space<hbm>>
        %dma_wait3A_1568 = arith.constant 0 : i32
        %dma_wait3A_1569 = arith.constant 0 : i32
        %dma_wait3A_1570 = tpu.memref_slice %arg4[%select_n3A_1468, %dma_wait3A_1560, %select_n3A_1484, %dma_wait3A_1568, %dma_wait3A_1569] : memref<50x8x128x8x128xf32, #tpu.memory_space<hbm>> -> memref<1x1x1x8x128xf32, #tpu.memory_space<hbm>>
        %dma_wait3A_1571 = tpu.memref_squeeze %dma_wait3A_1570 : memref<1x1x1x8x128xf32, #tpu.memory_space<hbm>> -> memref<8x128xf32, #tpu.memory_space<hbm>>
        %dma_wait3A_1572 = arith.constant 40 : i32
        %dma_wait3A_1573 = arith.constant 0 : i32
        %dma_wait3A_1574 = tpu.memref_slice %arg13[%dma_wait3A_1572, %dma_wait3A_1573] : memref<64x128xf32, #tpu.memory_space<vmem>> -> memref<8x128xf32, #tpu.memory_space<vmem>>
        tpu.wait_dma2 semaphore(%arg21 : memref<!tpu.dma_semaphore, #tpu.memory_space<semaphore_mem>>) src(%dma_wait3A_1574 : memref<8x128xf32, #tpu.memory_space<vmem>>) dst(%dma_wait3A_1571 : memref<8x128xf32, #tpu.memory_space<hbm>>)
        %dma_wait3A_1575 = arith.constant 6 : i32
        %dma_wait3A_1576 = arith.constant 48 : i32
        %dma_wait3A_1577 = arith.constant 0 : i32
        %dma_wait3A_1578 = tpu.memref_slice %arg13[%dma_wait3A_1576, %dma_wait3A_1577] : memref<64x128xf32, #tpu.memory_space<vmem>> -> memref<8x128xf32, #tpu.memory_space<vmem>>
        %dma_wait3A_1579 = arith.constant 0 : i32
        %dma_wait3A_1580 = arith.constant 0 : i32
        %dma_wait3A_1581 = tpu.memref_slice %arg4[%select_n3A_1468, %dma_wait3A_1575, %select_n3A_1484, %dma_wait3A_1579, %dma_wait3A_1580] : memref<50x8x128x8x128xf32, #tpu.memory_space<hbm>> -> memref<1x1x1x8x128xf32, #tpu.memory_space<hbm>>
        %dma_wait3A_1582 = tpu.memref_squeeze %dma_wait3A_1581 : memref<1x1x1x8x128xf32, #tpu.memory_space<hbm>> -> memref<8x128xf32, #tpu.memory_space<hbm>>
        %dma_wait3A_1583 = arith.constant 0 : i32
        %dma_wait3A_1584 = arith.constant 0 : i32
        %dma_wait3A_1585 = tpu.memref_slice %arg4[%select_n3A_1468, %dma_wait3A_1575, %select_n3A_1484, %dma_wait3A_1583, %dma_wait3A_1584] : memref<50x8x128x8x128xf32, #tpu.memory_space<hbm>> -> memref<1x1x1x8x128xf32, #tpu.memory_space<hbm>>
        %dma_wait3A_1586 = tpu.memref_squeeze %dma_wait3A_1585 : memref<1x1x1x8x128xf32, #tpu.memory_space<hbm>> -> memref<8x128xf32, #tpu.memory_space<hbm>>
        %dma_wait3A_1587 = arith.constant 48 : i32
        %dma_wait3A_1588 = arith.constant 0 : i32
        %dma_wait3A_1589 = tpu.memref_slice %arg13[%dma_wait3A_1587, %dma_wait3A_1588] : memref<64x128xf32, #tpu.memory_space<vmem>> -> memref<8x128xf32, #tpu.memory_space<vmem>>
        tpu.wait_dma2 semaphore(%arg21 : memref<!tpu.dma_semaphore, #tpu.memory_space<semaphore_mem>>) src(%dma_wait3A_1589 : memref<8x128xf32, #tpu.memory_space<vmem>>) dst(%dma_wait3A_1586 : memref<8x128xf32, #tpu.memory_space<hbm>>)
        %dma_wait3A_1590 = arith.constant 7 : i32
        %dma_wait3A_1591 = arith.constant 56 : i32
        %dma_wait3A_1592 = arith.constant 0 : i32
        %dma_wait3A_1593 = tpu.memref_slice %arg13[%dma_wait3A_1591, %dma_wait3A_1592] : memref<64x128xf32, #tpu.memory_space<vmem>> -> memref<8x128xf32, #tpu.memory_space<vmem>>
        %dma_wait3A_1594 = arith.constant 0 : i32
        %dma_wait3A_1595 = arith.constant 0 : i32
        %dma_wait3A_1596 = tpu.memref_slice %arg4[%select_n3A_1468, %dma_wait3A_1590, %select_n3A_1484, %dma_wait3A_1594, %dma_wait3A_1595] : memref<50x8x128x8x128xf32, #tpu.memory_space<hbm>> -> memref<1x1x1x8x128xf32, #tpu.memory_space<hbm>>
        %dma_wait3A_1597 = tpu.memref_squeeze %dma_wait3A_1596 : memref<1x1x1x8x128xf32, #tpu.memory_space<hbm>> -> memref<8x128xf32, #tpu.memory_space<hbm>>
        %dma_wait3A_1598 = arith.constant 0 : i32
        %dma_wait3A_1599 = arith.constant 0 : i32
        %dma_wait3A_1600 = tpu.memref_slice %arg4[%select_n3A_1468, %dma_wait3A_1590, %select_n3A_1484, %dma_wait3A_1598, %dma_wait3A_1599] : memref<50x8x128x8x128xf32, #tpu.memory_space<hbm>> -> memref<1x1x1x8x128xf32, #tpu.memory_space<hbm>>
        %dma_wait3A_1601 = tpu.memref_squeeze %dma_wait3A_1600 : memref<1x1x1x8x128xf32, #tpu.memory_space<hbm>> -> memref<8x128xf32, #tpu.memory_space<hbm>>
        %dma_wait3A_1602 = arith.constant 56 : i32
        %dma_wait3A_1603 = arith.constant 0 : i32
        %dma_wait3A_1604 = tpu.memref_slice %arg13[%dma_wait3A_1602, %dma_wait3A_1603] : memref<64x128xf32, #tpu.memory_space<vmem>> -> memref<8x128xf32, #tpu.memory_space<vmem>>
        tpu.wait_dma2 semaphore(%arg21 : memref<!tpu.dma_semaphore, #tpu.memory_space<semaphore_mem>>) src(%dma_wait3A_1604 : memref<8x128xf32, #tpu.memory_space<vmem>>) dst(%dma_wait3A_1601 : memref<8x128xf32, #tpu.memory_space<hbm>>)
      } else {
      }
      %scan3A_1270 = arith.constant 0 : i32
      %scan3A_1271 = arith.constant 0 : i32
      %scan3A_1272 = arith.constant 16 : i32
      %scan3A_1273 = arith.addi %scan3A_1271, %scan3A_1272 : i32
      %scan3A_1274 = arith.constant 1 : i32
      scf.for %scan3A_1442 = %scan3A_1271 to %scan3A_1273 step %scan3A_1274  : i32 {
        %add3A_1443 = vector.broadcast %scan3A_1442 : i32 to vector<16xi32>
        %add3A_1444 = arith.addi %iota3A, %add3A_1443 : vector<16xi32>
        %and3A_1445 = arith.constant 15 : i32
        %and3A_1446 = vector.broadcast %and3A_1445 : i32 to vector<16xi32>
        %and3A_1447 = arith.andi %add3A_1444, %and3A_1446 : vector<16xi32>
        %add3A_1448 = arith.constant 0 : i32
        %add3A_1449 = vector.broadcast %add3A_1448 : i32 to vector<16xi32>
        %add3A_1450 = arith.addi %and3A_1447, %add3A_1449 : vector<16xi32>
        %add3A_1451 = arith.constant 16 : i32
        %add3A_1452 = vector.broadcast %add3A_1451 : i32 to vector<16xi32>
        %add3A_1453 = arith.addi %and3A_1447, %add3A_1452 : vector<16xi32>
        %add3A_1454 = arith.constant 32 : i32
        %add3A_1455 = vector.broadcast %add3A_1454 : i32 to vector<16xi32>
        %add3A_1456 = arith.addi %and3A_1447, %add3A_1455 : vector<16xi32>
        %add3A_1457 = arith.constant 48 : i32
        %add3A_1458 = vector.broadcast %add3A_1457 : i32 to vector<16xi32>
        %add3A_1459 = arith.addi %and3A_1447, %add3A_1458 : vector<16xi32>
        %gather3A = tpu.vector_load_idx %arg9[%add3A_5, %add3A_1450] : memref<128x128xf32, #tpu.memory_space<vmem>>[vector<16xi32>, vector<16xi32>], vector<16xf32>,
        tpu.vector_store_idx %arg13[%add3A_1450, %add3A_5], %gather3A : memref<64x128xf32, #tpu.memory_space<vmem>>[vector<16xi32>, vector<16xi32>], vector<16xf32>,
        %gather3A_1460 = tpu.vector_load_idx %arg9[%add3A_8, %add3A_1450] : memref<128x128xf32, #tpu.memory_space<vmem>>[vector<16xi32>, vector<16xi32>], vector<16xf32>,
        tpu.vector_store_idx %arg13[%add3A_1450, %add3A_8], %gather3A_1460 : memref<64x128xf32, #tpu.memory_space<vmem>>[vector<16xi32>, vector<16xi32>], vector<16xf32>,
        %gather3A_1461 = tpu.vector_load_idx %arg9[%add3A_11, %add3A_1450] : memref<128x128xf32, #tpu.memory_space<vmem>>[vector<16xi32>, vector<16xi32>], vector<16xf32>,
        tpu.vector_store_idx %arg13[%add3A_1450, %add3A_11], %gather3A_1461 : memref<64x128xf32, #tpu.memory_space<vmem>>[vector<16xi32>, vector<16xi32>], vector<16xf32>,
        %gather3A_1462 = tpu.vector_load_idx %arg9[%add3A_14, %add3A_1450] : memref<128x128xf32, #tpu.memory_space<vmem>>[vector<16xi32>, vector<16xi32>], vector<16xf32>,
        tpu.vector_store_idx %arg13[%add3A_1450, %add3A_14], %gather3A_1462 : memref<64x128xf32, #tpu.memory_space<vmem>>[vector<16xi32>, vector<16xi32>], vector<16xf32>,
        %gather3A_1463 = tpu.vector_load_idx %arg9[%add3A_17, %add3A_1450] : memref<128x128xf32, #tpu.memory_space<vmem>>[vector<16xi32>, vector<16xi32>], vector<16xf32>,
        tpu.vector_store_idx %arg13[%add3A_1450, %add3A_17], %gather3A_1463 : memref<64x128xf32, #tpu.memory_space<vmem>>[vector<16xi32>, vector<16xi32>], vector<16xf32>,
        %gather3A_1464 = tpu.vector_load_idx %arg9[%add3A_20, %add3A_1450] : memref<128x128xf32, #tpu.memory_space<vmem>>[vector<16xi32>, vector<16xi32>], vector<16xf32>,
        tpu.vector_store_idx %arg13[%add3A_1450, %add3A_20], %gather3A_1464 : memref<64x128xf32, #tpu.memory_space<vmem>>[vector<16xi32>, vector<16xi32>], vector<16xf32>,
        %gather3A_1465 = tpu.vector_load_idx %arg9[%add3A_23, %add3A_1450] : memref<128x128xf32, #tpu.memory_space<vmem>>[vector<16xi32>, vector<16xi32>], vector<16xf32>,
        tpu.vector_store_idx %arg13[%add3A_1450, %add3A_23], %gather3A_1465 : memref<64x128xf32, #tpu.memory_space<vmem>>[vector<16xi32>, vector<16xi32>], vector<16xf32>,
        %gather3A_1466 = tpu.vector_load_idx %arg9[%add3A_26, %add3A_1450] : memref<128x128xf32, #tpu.memory_space<vmem>>[vector<16xi32>, vector<16xi32>], vector<16xf32>,
        tpu.vector_store_idx %arg13[%add3A_1450, %add3A_26], %gather3A_1466 : memref<64x128xf32, #tpu.memory_space<vmem>>[vector<16xi32>, vector<16xi32>], vector<16xf32>,
        %gather3A_1467 = tpu.vector_load_idx %arg9[%add3A_5, %add3A_1453] : memref<128x128xf32, #tpu.memory_space<vmem>>[vector<16xi32>, vector<16xi32>], vector<16xf32>,
        tpu.vector_store_idx %arg13[%add3A_1453, %add3A_5], %gather3A_1467 : memref<64x128xf32, #tpu.memory_space<vmem>>[vector<16xi32>, vector<16xi32>], vector<16xf32>,
        %gather3A_1468 = tpu.vector_load_idx %arg9[%add3A_8, %add3A_1453] : memref<128x128xf32, #tpu.memory_space<vmem>>[vector<16xi32>, vector<16xi32>], vector<16xf32>,
        tpu.vector_store_idx %arg13[%add3A_1453, %add3A_8], %gather3A_1468 : memref<64x128xf32, #tpu.memory_space<vmem>>[vector<16xi32>, vector<16xi32>], vector<16xf32>,
        %gather3A_1469 = tpu.vector_load_idx %arg9[%add3A_11, %add3A_1453] : memref<128x128xf32, #tpu.memory_space<vmem>>[vector<16xi32>, vector<16xi32>], vector<16xf32>,
        tpu.vector_store_idx %arg13[%add3A_1453, %add3A_11], %gather3A_1469 : memref<64x128xf32, #tpu.memory_space<vmem>>[vector<16xi32>, vector<16xi32>], vector<16xf32>,
        %gather3A_1470 = tpu.vector_load_idx %arg9[%add3A_14, %add3A_1453] : memref<128x128xf32, #tpu.memory_space<vmem>>[vector<16xi32>, vector<16xi32>], vector<16xf32>,
        tpu.vector_store_idx %arg13[%add3A_1453, %add3A_14], %gather3A_1470 : memref<64x128xf32, #tpu.memory_space<vmem>>[vector<16xi32>, vector<16xi32>], vector<16xf32>,
        %gather3A_1471 = tpu.vector_load_idx %arg9[%add3A_17, %add3A_1453] : memref<128x128xf32, #tpu.memory_space<vmem>>[vector<16xi32>, vector<16xi32>], vector<16xf32>,
        tpu.vector_store_idx %arg13[%add3A_1453, %add3A_17], %gather3A_1471 : memref<64x128xf32, #tpu.memory_space<vmem>>[vector<16xi32>, vector<16xi32>], vector<16xf32>,
        %gather3A_1472 = tpu.vector_load_idx %arg9[%add3A_20, %add3A_1453] : memref<128x128xf32, #tpu.memory_space<vmem>>[vector<16xi32>, vector<16xi32>], vector<16xf32>,
        tpu.vector_store_idx %arg13[%add3A_1453, %add3A_20], %gather3A_1472 : memref<64x128xf32, #tpu.memory_space<vmem>>[vector<16xi32>, vector<16xi32>], vector<16xf32>,
        %gather3A_1473 = tpu.vector_load_idx %arg9[%add3A_23, %add3A_1453] : memref<128x128xf32, #tpu.memory_space<vmem>>[vector<16xi32>, vector<16xi32>], vector<16xf32>,
        tpu.vector_store_idx %arg13[%add3A_1453, %add3A_23], %gather3A_1473 : memref<64x128xf32, #tpu.memory_space<vmem>>[vector<16xi32>, vector<16xi32>], vector<16xf32>,
        %gather3A_1474 = tpu.vector_load_idx %arg9[%add3A_26, %add3A_1453] : memref<128x128xf32, #tpu.memory_space<vmem>>[vector<16xi32>, vector<16xi32>], vector<16xf32>,
        tpu.vector_store_idx %arg13[%add3A_1453, %add3A_26], %gather3A_1474 : memref<64x128xf32, #tpu.memory_space<vmem>>[vector<16xi32>, vector<16xi32>], vector<16xf32>,
        %gather3A_1475 = tpu.vector_load_idx %arg9[%add3A_5, %add3A_1456] : memref<128x128xf32, #tpu.memory_space<vmem>>[vector<16xi32>, vector<16xi32>], vector<16xf32>,
        tpu.vector_store_idx %arg13[%add3A_1456, %add3A_5], %gather3A_1475 : memref<64x128xf32, #tpu.memory_space<vmem>>[vector<16xi32>, vector<16xi32>], vector<16xf32>,
        %gather3A_1476 = tpu.vector_load_idx %arg9[%add3A_8, %add3A_1456] : memref<128x128xf32, #tpu.memory_space<vmem>>[vector<16xi32>, vector<16xi32>], vector<16xf32>,
        tpu.vector_store_idx %arg13[%add3A_1456, %add3A_8], %gather3A_1476 : memref<64x128xf32, #tpu.memory_space<vmem>>[vector<16xi32>, vector<16xi32>], vector<16xf32>,
        %gather3A_1477 = tpu.vector_load_idx %arg9[%add3A_11, %add3A_1456] : memref<128x128xf32, #tpu.memory_space<vmem>>[vector<16xi32>, vector<16xi32>], vector<16xf32>,
        tpu.vector_store_idx %arg13[%add3A_1456, %add3A_11], %gather3A_1477 : memref<64x128xf32, #tpu.memory_space<vmem>>[vector<16xi32>, vector<16xi32>], vector<16xf32>,
        %gather3A_1478 = tpu.vector_load_idx %arg9[%add3A_14, %add3A_1456] : memref<128x128xf32, #tpu.memory_space<vmem>>[vector<16xi32>, vector<16xi32>], vector<16xf32>,
        tpu.vector_store_idx %arg13[%add3A_1456, %add3A_14], %gather3A_1478 : memref<64x128xf32, #tpu.memory_space<vmem>>[vector<16xi32>, vector<16xi32>], vector<16xf32>,
        %gather3A_1479 = tpu.vector_load_idx %arg9[%add3A_17, %add3A_1456] : memref<128x128xf32, #tpu.memory_space<vmem>>[vector<16xi32>, vector<16xi32>], vector<16xf32>,
        tpu.vector_store_idx %arg13[%add3A_1456, %add3A_17], %gather3A_1479 : memref<64x128xf32, #tpu.memory_space<vmem>>[vector<16xi32>, vector<16xi32>], vector<16xf32>,
        %gather3A_1480 = tpu.vector_load_idx %arg9[%add3A_20, %add3A_1456] : memref<128x128xf32, #tpu.memory_space<vmem>>[vector<16xi32>, vector<16xi32>], vector<16xf32>,
        tpu.vector_store_idx %arg13[%add3A_1456, %add3A_20], %gather3A_1480 : memref<64x128xf32, #tpu.memory_space<vmem>>[vector<16xi32>, vector<16xi32>], vector<16xf32>,
        %gather3A_1481 = tpu.vector_load_idx %arg9[%add3A_23, %add3A_1456] : memref<128x128xf32, #tpu.memory_space<vmem>>[vector<16xi32>, vector<16xi32>], vector<16xf32>,
        tpu.vector_store_idx %arg13[%add3A_1456, %add3A_23], %gather3A_1481 : memref<64x128xf32, #tpu.memory_space<vmem>>[vector<16xi32>, vector<16xi32>], vector<16xf32>,
        %gather3A_1482 = tpu.vector_load_idx %arg9[%add3A_26, %add3A_1456] : memref<128x128xf32, #tpu.memory_space<vmem>>[vector<16xi32>, vector<16xi32>], vector<16xf32>,
        tpu.vector_store_idx %arg13[%add3A_1456, %add3A_26], %gather3A_1482 : memref<64x128xf32, #tpu.memory_space<vmem>>[vector<16xi32>, vector<16xi32>], vector<16xf32>,
        %gather3A_1483 = tpu.vector_load_idx %arg9[%add3A_5, %add3A_1459] : memref<128x128xf32, #tpu.memory_space<vmem>>[vector<16xi32>, vector<16xi32>], vector<16xf32>,
        tpu.vector_store_idx %arg13[%add3A_1459, %add3A_5], %gather3A_1483 : memref<64x128xf32, #tpu.memory_space<vmem>>[vector<16xi32>, vector<16xi32>], vector<16xf32>,
        %gather3A_1484 = tpu.vector_load_idx %arg9[%add3A_8, %add3A_1459] : memref<128x128xf32, #tpu.memory_space<vmem>>[vector<16xi32>, vector<16xi32>], vector<16xf32>,
        tpu.vector_store_idx %arg13[%add3A_1459, %add3A_8], %gather3A_1484 : memref<64x128xf32, #tpu.memory_space<vmem>>[vector<16xi32>, vector<16xi32>], vector<16xf32>,
        %gather3A_1485 = tpu.vector_load_idx %arg9[%add3A_11, %add3A_1459] : memref<128x128xf32, #tpu.memory_space<vmem>>[vector<16xi32>, vector<16xi32>], vector<16xf32>,
        tpu.vector_store_idx %arg13[%add3A_1459, %add3A_11], %gather3A_1485 : memref<64x128xf32, #tpu.memory_space<vmem>>[vector<16xi32>, vector<16xi32>], vector<16xf32>,
        %gather3A_1486 = tpu.vector_load_idx %arg9[%add3A_14, %add3A_1459] : memref<128x128xf32, #tpu.memory_space<vmem>>[vector<16xi32>, vector<16xi32>], vector<16xf32>,
        tpu.vector_store_idx %arg13[%add3A_1459, %add3A_14], %gather3A_1486 : memref<64x128xf32, #tpu.memory_space<vmem>>[vector<16xi32>, vector<16xi32>], vector<16xf32>,
        %gather3A_1487 = tpu.vector_load_idx %arg9[%add3A_17, %add3A_1459] : memref<128x128xf32, #tpu.memory_space<vmem>>[vector<16xi32>, vector<16xi32>], vector<16xf32>,
        tpu.vector_store_idx %arg13[%add3A_1459, %add3A_17], %gather3A_1487 : memref<64x128xf32, #tpu.memory_space<vmem>>[vector<16xi32>, vector<16xi32>], vector<16xf32>,
        %gather3A_1488 = tpu.vector_load_idx %arg9[%add3A_20, %add3A_1459] : memref<128x128xf32, #tpu.memory_space<vmem>>[vector<16xi32>, vector<16xi32>], vector<16xf32>,
        tpu.vector_store_idx %arg13[%add3A_1459, %add3A_20], %gather3A_1488 : memref<64x128xf32, #tpu.memory_space<vmem>>[vector<16xi32>, vector<16xi32>], vector<16xf32>,
        %gather3A_1489 = tpu.vector_load_idx %arg9[%add3A_23, %add3A_1459] : memref<128x128xf32, #tpu.memory_space<vmem>>[vector<16xi32>, vector<16xi32>], vector<16xf32>,
        tpu.vector_store_idx %arg13[%add3A_1459, %add3A_23], %gather3A_1489 : memref<64x128xf32, #tpu.memory_space<vmem>>[vector<16xi32>, vector<16xi32>], vector<16xf32>,
        %gather3A_1490 = tpu.vector_load_idx %arg9[%add3A_26, %add3A_1459] : memref<128x128xf32, #tpu.memory_space<vmem>>[vector<16xi32>, vector<16xi32>], vector<16xf32>,
        tpu.vector_store_idx %arg13[%add3A_1459, %add3A_26], %gather3A_1490 : memref<64x128xf32, #tpu.memory_space<vmem>>[vector<16xi32>, vector<16xi32>], vector<16xf32>,
      }
      %scan3A_1275 = arith.constant 16 : i32
      %add3A_1276 = arith.addi %mul3A_2, %add3A_1258 : i32
      %jit3A_1277 = arith.constant 128 : i32
      %div3A_1278 = arith.divsi %add3A_1276, %jit3A_1277 : i32
      %sign3A_1279 = arith.constant 0 : i32
      %sign3A_1280 = arith.cmpi sgt, %add3A_1276, %sign3A_1279 : i32
      %sign3A_1281 = arith.extui %sign3A_1280 : i1 to i32
      %sign3A_1282 = arith.constant 0 : i32
      %sign3A_1283 = arith.cmpi slt, %add3A_1276, %sign3A_1282 : i32
      %sign3A_1284 = arith.extui %sign3A_1283 : i1 to i32
      %sign3A_1285 = arith.subi %sign3A_1281, %sign3A_1284 : i32
      %sign3A_1286 = arith.constant 0 : i32
      %sign3A_1287 = arith.cmpi sgt, %jit3A_1277, %sign3A_1286 : i32
      %sign3A_1288 = arith.extui %sign3A_1287 : i1 to i32
      %sign3A_1289 = arith.constant 0 : i32
      %sign3A_1290 = arith.cmpi slt, %jit3A_1277, %sign3A_1289 : i32
      %sign3A_1291 = arith.extui %sign3A_1290 : i1 to i32
      %sign3A_1292 = arith.subi %sign3A_1288, %sign3A_1291 : i32
      %ne3A_1293 = arith.cmpi ne, %sign3A_1285, %sign3A_1292 : i32
      %rem3A_1294 = arith.remsi %add3A_1276, %jit3A_1277 : i32
      %ne3A_1295 = arith.constant 0 : i32
      %ne3A_1296 = arith.cmpi ne, %rem3A_1294, %ne3A_1295 : i32
      %and3A_1297 = arith.andi %ne3A_1293, %ne3A_1296 : i1
      %sub3A_1298 = arith.constant 1 : i32
      %sub3A_1299 = arith.subi %div3A_1278, %sub3A_1298 : i32
      %select_n3A_1300 = arith.select %and3A_1297, %sub3A_1299, %div3A_1278 : i32
      %jit3A_1301 = arith.constant 128 : i32
      %eq3A_1302 = arith.constant 0 : i32
      %eq3A_1303 = arith.cmpi eq, %jit3A_1301, %eq3A_1302 : i32
      %jit3A_1304 = arith.constant 1 : i32
      %select_n3A_1305 = arith.select %eq3A_1303, %jit3A_1304, %jit3A_1301 : i32
      %rem3A_1306 = arith.remsi %add3A_1276, %select_n3A_1305 : i32
      %ne3A_1307 = arith.constant 0 : i32
      %ne3A_1308 = arith.cmpi ne, %rem3A_1306, %ne3A_1307 : i32
      %lt3A_1309 = arith.constant 0 : i32
      %lt3A_1310 = arith.cmpi slt, %rem3A_1306, %lt3A_1309 : i32
      %lt3A_1311 = arith.constant 0 : i32
      %lt3A_1312 = arith.cmpi slt, %select_n3A_1305, %lt3A_1311 : i32
      %ne3A_1313 = arith.xori %lt3A_1310, %lt3A_1312 : i1
      %and3A_1314 = arith.andi %ne3A_1313, %ne3A_1308 : i1
      %add3A_1315 = arith.addi %rem3A_1306, %select_n3A_1305 : i32
      %select_n3A_1316 = arith.select %and3A_1314, %add3A_1315, %rem3A_1306 : i32
      %dma_start3A_1317 = arith.constant 0 : i32
      %dma_start3A_1318 = arith.constant 0 : i32
      %dma_start3A_1319 = arith.constant 0 : i32
      %dma_start3A_1320 = tpu.memref_slice %arg13[%dma_start3A_1318, %dma_start3A_1319] : memref<64x128xf32, #tpu.memory_space<vmem>> -> memref<8x128xf32, #tpu.memory_space<vmem>>
      %dma_start3A_1321 = arith.constant 0 : i32
      %dma_start3A_1322 = arith.constant 0 : i32
      %dma_start3A_1323 = tpu.memref_slice %arg4[%select_n3A_1300, %dma_start3A_1317, %select_n3A_1316, %dma_start3A_1321, %dma_start3A_1322] : memref<50x8x128x8x128xf32, #tpu.memory_space<hbm>> -> memref<1x1x1x8x128xf32, #tpu.memory_space<hbm>>
      %dma_start3A_1324 = tpu.memref_squeeze %dma_start3A_1323 : memref<1x1x1x8x128xf32, #tpu.memory_space<hbm>> -> memref<8x128xf32, #tpu.memory_space<hbm>>
      %dma_start3A_1325 = arith.constant 0 : i32
      %dma_start3A_1326 = arith.constant 0 : i32
      %dma_start3A_1327 = tpu.memref_slice %arg4[%select_n3A_1300, %dma_start3A_1317, %select_n3A_1316, %dma_start3A_1325, %dma_start3A_1326] : memref<50x8x128x8x128xf32, #tpu.memory_space<hbm>> -> memref<1x1x1x8x128xf32, #tpu.memory_space<hbm>>
      %dma_start3A_1328 = tpu.memref_squeeze %dma_start3A_1327 : memref<1x1x1x8x128xf32, #tpu.memory_space<hbm>> -> memref<8x128xf32, #tpu.memory_space<hbm>>
      %dma_start3A_1329 = arith.constant 0 : i32
      %dma_start3A_1330 = arith.constant 0 : i32
      %dma_start3A_1331 = tpu.memref_slice %arg13[%dma_start3A_1329, %dma_start3A_1330] : memref<64x128xf32, #tpu.memory_space<vmem>> -> memref<8x128xf32, #tpu.memory_space<vmem>>
      tpu.enqueue_dma source(%dma_start3A_1331 : memref<8x128xf32, #tpu.memory_space<vmem>>) target(%dma_start3A_1328 : memref<8x128xf32, #tpu.memory_space<hbm>>) target_semaphore(%arg21 : memref<!tpu.dma_semaphore, #tpu.memory_space<semaphore_mem>>)
      %dma_start3A_1332 = arith.constant 1 : i32
      %dma_start3A_1333 = arith.constant 8 : i32
      %dma_start3A_1334 = arith.constant 0 : i32
      %dma_start3A_1335 = tpu.memref_slice %arg13[%dma_start3A_1333, %dma_start3A_1334] : memref<64x128xf32, #tpu.memory_space<vmem>> -> memref<8x128xf32, #tpu.memory_space<vmem>>
      %dma_start3A_1336 = arith.constant 0 : i32
      %dma_start3A_1337 = arith.constant 0 : i32
      %dma_start3A_1338 = tpu.memref_slice %arg4[%select_n3A_1300, %dma_start3A_1332, %select_n3A_1316, %dma_start3A_1336, %dma_start3A_1337] : memref<50x8x128x8x128xf32, #tpu.memory_space<hbm>> -> memref<1x1x1x8x128xf32, #tpu.memory_space<hbm>>
      %dma_start3A_1339 = tpu.memref_squeeze %dma_start3A_1338 : memref<1x1x1x8x128xf32, #tpu.memory_space<hbm>> -> memref<8x128xf32, #tpu.memory_space<hbm>>
      %dma_start3A_1340 = arith.constant 0 : i32
      %dma_start3A_1341 = arith.constant 0 : i32
      %dma_start3A_1342 = tpu.memref_slice %arg4[%select_n3A_1300, %dma_start3A_1332, %select_n3A_1316, %dma_start3A_1340, %dma_start3A_1341] : memref<50x8x128x8x128xf32, #tpu.memory_space<hbm>> -> memref<1x1x1x8x128xf32, #tpu.memory_space<hbm>>
      %dma_start3A_1343 = tpu.memref_squeeze %dma_start3A_1342 : memref<1x1x1x8x128xf32, #tpu.memory_space<hbm>> -> memref<8x128xf32, #tpu.memory_space<hbm>>
      %dma_start3A_1344 = arith.constant 8 : i32
      %dma_start3A_1345 = arith.constant 0 : i32
      %dma_start3A_1346 = tpu.memref_slice %arg13[%dma_start3A_1344, %dma_start3A_1345] : memref<64x128xf32, #tpu.memory_space<vmem>> -> memref<8x128xf32, #tpu.memory_space<vmem>>
      tpu.enqueue_dma source(%dma_start3A_1346 : memref<8x128xf32, #tpu.memory_space<vmem>>) target(%dma_start3A_1343 : memref<8x128xf32, #tpu.memory_space<hbm>>) target_semaphore(%arg21 : memref<!tpu.dma_semaphore, #tpu.memory_space<semaphore_mem>>)
      %dma_start3A_1347 = arith.constant 2 : i32
      %dma_start3A_1348 = arith.constant 16 : i32
      %dma_start3A_1349 = arith.constant 0 : i32
      %dma_start3A_1350 = tpu.memref_slice %arg13[%dma_start3A_1348, %dma_start3A_1349] : memref<64x128xf32, #tpu.memory_space<vmem>> -> memref<8x128xf32, #tpu.memory_space<vmem>>
      %dma_start3A_1351 = arith.constant 0 : i32
      %dma_start3A_1352 = arith.constant 0 : i32
      %dma_start3A_1353 = tpu.memref_slice %arg4[%select_n3A_1300, %dma_start3A_1347, %select_n3A_1316, %dma_start3A_1351, %dma_start3A_1352] : memref<50x8x128x8x128xf32, #tpu.memory_space<hbm>> -> memref<1x1x1x8x128xf32, #tpu.memory_space<hbm>>
      %dma_start3A_1354 = tpu.memref_squeeze %dma_start3A_1353 : memref<1x1x1x8x128xf32, #tpu.memory_space<hbm>> -> memref<8x128xf32, #tpu.memory_space<hbm>>
      %dma_start3A_1355 = arith.constant 0 : i32
      %dma_start3A_1356 = arith.constant 0 : i32
      %dma_start3A_1357 = tpu.memref_slice %arg4[%select_n3A_1300, %dma_start3A_1347, %select_n3A_1316, %dma_start3A_1355, %dma_start3A_1356] : memref<50x8x128x8x128xf32, #tpu.memory_space<hbm>> -> memref<1x1x1x8x128xf32, #tpu.memory_space<hbm>>
      %dma_start3A_1358 = tpu.memref_squeeze %dma_start3A_1357 : memref<1x1x1x8x128xf32, #tpu.memory_space<hbm>> -> memref<8x128xf32, #tpu.memory_space<hbm>>
      %dma_start3A_1359 = arith.constant 16 : i32
      %dma_start3A_1360 = arith.constant 0 : i32
      %dma_start3A_1361 = tpu.memref_slice %arg13[%dma_start3A_1359, %dma_start3A_1360] : memref<64x128xf32, #tpu.memory_space<vmem>> -> memref<8x128xf32, #tpu.memory_space<vmem>>
      tpu.enqueue_dma source(%dma_start3A_1361 : memref<8x128xf32, #tpu.memory_space<vmem>>) target(%dma_start3A_1358 : memref<8x128xf32, #tpu.memory_space<hbm>>) target_semaphore(%arg21 : memref<!tpu.dma_semaphore, #tpu.memory_space<semaphore_mem>>)
      %dma_start3A_1362 = arith.constant 3 : i32
      %dma_start3A_1363 = arith.constant 24 : i32
      %dma_start3A_1364 = arith.constant 0 : i32
      %dma_start3A_1365 = tpu.memref_slice %arg13[%dma_start3A_1363, %dma_start3A_1364] : memref<64x128xf32, #tpu.memory_space<vmem>> -> memref<8x128xf32, #tpu.memory_space<vmem>>
      %dma_start3A_1366 = arith.constant 0 : i32
      %dma_start3A_1367 = arith.constant 0 : i32
      %dma_start3A_1368 = tpu.memref_slice %arg4[%select_n3A_1300, %dma_start3A_1362, %select_n3A_1316, %dma_start3A_1366, %dma_start3A_1367] : memref<50x8x128x8x128xf32, #tpu.memory_space<hbm>> -> memref<1x1x1x8x128xf32, #tpu.memory_space<hbm>>
      %dma_start3A_1369 = tpu.memref_squeeze %dma_start3A_1368 : memref<1x1x1x8x128xf32, #tpu.memory_space<hbm>> -> memref<8x128xf32, #tpu.memory_space<hbm>>
      %dma_start3A_1370 = arith.constant 0 : i32
      %dma_start3A_1371 = arith.constant 0 : i32
      %dma_start3A_1372 = tpu.memref_slice %arg4[%select_n3A_1300, %dma_start3A_1362, %select_n3A_1316, %dma_start3A_1370, %dma_start3A_1371] : memref<50x8x128x8x128xf32, #tpu.memory_space<hbm>> -> memref<1x1x1x8x128xf32, #tpu.memory_space<hbm>>
      %dma_start3A_1373 = tpu.memref_squeeze %dma_start3A_1372 : memref<1x1x1x8x128xf32, #tpu.memory_space<hbm>> -> memref<8x128xf32, #tpu.memory_space<hbm>>
      %dma_start3A_1374 = arith.constant 24 : i32
      %dma_start3A_1375 = arith.constant 0 : i32
      %dma_start3A_1376 = tpu.memref_slice %arg13[%dma_start3A_1374, %dma_start3A_1375] : memref<64x128xf32, #tpu.memory_space<vmem>> -> memref<8x128xf32, #tpu.memory_space<vmem>>
      tpu.enqueue_dma source(%dma_start3A_1376 : memref<8x128xf32, #tpu.memory_space<vmem>>) target(%dma_start3A_1373 : memref<8x128xf32, #tpu.memory_space<hbm>>) target_semaphore(%arg21 : memref<!tpu.dma_semaphore, #tpu.memory_space<semaphore_mem>>)
      %dma_start3A_1377 = arith.constant 4 : i32
      %dma_start3A_1378 = arith.constant 32 : i32
      %dma_start3A_1379 = arith.constant 0 : i32
      %dma_start3A_1380 = tpu.memref_slice %arg13[%dma_start3A_1378, %dma_start3A_1379] : memref<64x128xf32, #tpu.memory_space<vmem>> -> memref<8x128xf32, #tpu.memory_space<vmem>>
      %dma_start3A_1381 = arith.constant 0 : i32
      %dma_start3A_1382 = arith.constant 0 : i32
      %dma_start3A_1383 = tpu.memref_slice %arg4[%select_n3A_1300, %dma_start3A_1377, %select_n3A_1316, %dma_start3A_1381, %dma_start3A_1382] : memref<50x8x128x8x128xf32, #tpu.memory_space<hbm>> -> memref<1x1x1x8x128xf32, #tpu.memory_space<hbm>>
      %dma_start3A_1384 = tpu.memref_squeeze %dma_start3A_1383 : memref<1x1x1x8x128xf32, #tpu.memory_space<hbm>> -> memref<8x128xf32, #tpu.memory_space<hbm>>
      %dma_start3A_1385 = arith.constant 0 : i32
      %dma_start3A_1386 = arith.constant 0 : i32
      %dma_start3A_1387 = tpu.memref_slice %arg4[%select_n3A_1300, %dma_start3A_1377, %select_n3A_1316, %dma_start3A_1385, %dma_start3A_1386] : memref<50x8x128x8x128xf32, #tpu.memory_space<hbm>> -> memref<1x1x1x8x128xf32, #tpu.memory_space<hbm>>
      %dma_start3A_1388 = tpu.memref_squeeze %dma_start3A_1387 : memref<1x1x1x8x128xf32, #tpu.memory_space<hbm>> -> memref<8x128xf32, #tpu.memory_space<hbm>>
      %dma_start3A_1389 = arith.constant 32 : i32
      %dma_start3A_1390 = arith.constant 0 : i32
      %dma_start3A_1391 = tpu.memref_slice %arg13[%dma_start3A_1389, %dma_start3A_1390] : memref<64x128xf32, #tpu.memory_space<vmem>> -> memref<8x128xf32, #tpu.memory_space<vmem>>
      tpu.enqueue_dma source(%dma_start3A_1391 : memref<8x128xf32, #tpu.memory_space<vmem>>) target(%dma_start3A_1388 : memref<8x128xf32, #tpu.memory_space<hbm>>) target_semaphore(%arg21 : memref<!tpu.dma_semaphore, #tpu.memory_space<semaphore_mem>>)
      %dma_start3A_1392 = arith.constant 5 : i32
      %dma_start3A_1393 = arith.constant 40 : i32
      %dma_start3A_1394 = arith.constant 0 : i32
      %dma_start3A_1395 = tpu.memref_slice %arg13[%dma_start3A_1393, %dma_start3A_1394] : memref<64x128xf32, #tpu.memory_space<vmem>> -> memref<8x128xf32, #tpu.memory_space<vmem>>
      %dma_start3A_1396 = arith.constant 0 : i32
      %dma_start3A_1397 = arith.constant 0 : i32
      %dma_start3A_1398 = tpu.memref_slice %arg4[%select_n3A_1300, %dma_start3A_1392, %select_n3A_1316, %dma_start3A_1396, %dma_start3A_1397] : memref<50x8x128x8x128xf32, #tpu.memory_space<hbm>> -> memref<1x1x1x8x128xf32, #tpu.memory_space<hbm>>
      %dma_start3A_1399 = tpu.memref_squeeze %dma_start3A_1398 : memref<1x1x1x8x128xf32, #tpu.memory_space<hbm>> -> memref<8x128xf32, #tpu.memory_space<hbm>>
      %dma_start3A_1400 = arith.constant 0 : i32
      %dma_start3A_1401 = arith.constant 0 : i32
      %dma_start3A_1402 = tpu.memref_slice %arg4[%select_n3A_1300, %dma_start3A_1392, %select_n3A_1316, %dma_start3A_1400, %dma_start3A_1401] : memref<50x8x128x8x128xf32, #tpu.memory_space<hbm>> -> memref<1x1x1x8x128xf32, #tpu.memory_space<hbm>>
      %dma_start3A_1403 = tpu.memref_squeeze %dma_start3A_1402 : memref<1x1x1x8x128xf32, #tpu.memory_space<hbm>> -> memref<8x128xf32, #tpu.memory_space<hbm>>
      %dma_start3A_1404 = arith.constant 40 : i32
      %dma_start3A_1405 = arith.constant 0 : i32
      %dma_start3A_1406 = tpu.memref_slice %arg13[%dma_start3A_1404, %dma_start3A_1405] : memref<64x128xf32, #tpu.memory_space<vmem>> -> memref<8x128xf32, #tpu.memory_space<vmem>>
      tpu.enqueue_dma source(%dma_start3A_1406 : memref<8x128xf32, #tpu.memory_space<vmem>>) target(%dma_start3A_1403 : memref<8x128xf32, #tpu.memory_space<hbm>>) target_semaphore(%arg21 : memref<!tpu.dma_semaphore, #tpu.memory_space<semaphore_mem>>)
      %dma_start3A_1407 = arith.constant 6 : i32
      %dma_start3A_1408 = arith.constant 48 : i32
      %dma_start3A_1409 = arith.constant 0 : i32
      %dma_start3A_1410 = tpu.memref_slice %arg13[%dma_start3A_1408, %dma_start3A_1409] : memref<64x128xf32, #tpu.memory_space<vmem>> -> memref<8x128xf32, #tpu.memory_space<vmem>>
      %dma_start3A_1411 = arith.constant 0 : i32
      %dma_start3A_1412 = arith.constant 0 : i32
      %dma_start3A_1413 = tpu.memref_slice %arg4[%select_n3A_1300, %dma_start3A_1407, %select_n3A_1316, %dma_start3A_1411, %dma_start3A_1412] : memref<50x8x128x8x128xf32, #tpu.memory_space<hbm>> -> memref<1x1x1x8x128xf32, #tpu.memory_space<hbm>>
      %dma_start3A_1414 = tpu.memref_squeeze %dma_start3A_1413 : memref<1x1x1x8x128xf32, #tpu.memory_space<hbm>> -> memref<8x128xf32, #tpu.memory_space<hbm>>
      %dma_start3A_1415 = arith.constant 0 : i32
      %dma_start3A_1416 = arith.constant 0 : i32
      %dma_start3A_1417 = tpu.memref_slice %arg4[%select_n3A_1300, %dma_start3A_1407, %select_n3A_1316, %dma_start3A_1415, %dma_start3A_1416] : memref<50x8x128x8x128xf32, #tpu.memory_space<hbm>> -> memref<1x1x1x8x128xf32, #tpu.memory_space<hbm>>
      %dma_start3A_1418 = tpu.memref_squeeze %dma_start3A_1417 : memref<1x1x1x8x128xf32, #tpu.memory_space<hbm>> -> memref<8x128xf32, #tpu.memory_space<hbm>>
      %dma_start3A_1419 = arith.constant 48 : i32
      %dma_start3A_1420 = arith.constant 0 : i32
      %dma_start3A_1421 = tpu.memref_slice %arg13[%dma_start3A_1419, %dma_start3A_1420] : memref<64x128xf32, #tpu.memory_space<vmem>> -> memref<8x128xf32, #tpu.memory_space<vmem>>
      tpu.enqueue_dma source(%dma_start3A_1421 : memref<8x128xf32, #tpu.memory_space<vmem>>) target(%dma_start3A_1418 : memref<8x128xf32, #tpu.memory_space<hbm>>) target_semaphore(%arg21 : memref<!tpu.dma_semaphore, #tpu.memory_space<semaphore_mem>>)
      %dma_start3A_1422 = arith.constant 7 : i32
      %dma_start3A_1423 = arith.constant 56 : i32
      %dma_start3A_1424 = arith.constant 0 : i32
      %dma_start3A_1425 = tpu.memref_slice %arg13[%dma_start3A_1423, %dma_start3A_1424] : memref<64x128xf32, #tpu.memory_space<vmem>> -> memref<8x128xf32, #tpu.memory_space<vmem>>
      %dma_start3A_1426 = arith.constant 0 : i32
      %dma_start3A_1427 = arith.constant 0 : i32
      %dma_start3A_1428 = tpu.memref_slice %arg4[%select_n3A_1300, %dma_start3A_1422, %select_n3A_1316, %dma_start3A_1426, %dma_start3A_1427] : memref<50x8x128x8x128xf32, #tpu.memory_space<hbm>> -> memref<1x1x1x8x128xf32, #tpu.memory_space<hbm>>
      %dma_start3A_1429 = tpu.memref_squeeze %dma_start3A_1428 : memref<1x1x1x8x128xf32, #tpu.memory_space<hbm>> -> memref<8x128xf32, #tpu.memory_space<hbm>>
      %dma_start3A_1430 = arith.constant 0 : i32
      %dma_start3A_1431 = arith.constant 0 : i32
      %dma_start3A_1432 = tpu.memref_slice %arg4[%select_n3A_1300, %dma_start3A_1422, %select_n3A_1316, %dma_start3A_1430, %dma_start3A_1431] : memref<50x8x128x8x128xf32, #tpu.memory_space<hbm>> -> memref<1x1x1x8x128xf32, #tpu.memory_space<hbm>>
      %dma_start3A_1433 = tpu.memref_squeeze %dma_start3A_1432 : memref<1x1x1x8x128xf32, #tpu.memory_space<hbm>> -> memref<8x128xf32, #tpu.memory_space<hbm>>
      %dma_start3A_1434 = arith.constant 56 : i32
      %dma_start3A_1435 = arith.constant 0 : i32
      %dma_start3A_1436 = tpu.memref_slice %arg13[%dma_start3A_1434, %dma_start3A_1435] : memref<64x128xf32, #tpu.memory_space<vmem>> -> memref<8x128xf32, #tpu.memory_space<vmem>>
      tpu.enqueue_dma source(%dma_start3A_1436 : memref<8x128xf32, #tpu.memory_space<vmem>>) target(%dma_start3A_1433 : memref<8x128xf32, #tpu.memory_space<hbm>>) target_semaphore(%arg21 : memref<!tpu.dma_semaphore, #tpu.memory_space<semaphore_mem>>)
      %lt3A_1437 = arith.constant 49 : i32
      %lt3A_1438 = arith.cmpi slt, %scan3A_696, %lt3A_1437 : i32
      %convert_element_type3A_1439 = arith.extui %lt3A_1438 : i1 to i32
      %cond3A_1440 = arith.constant 0 : i32
      %cond3A_1441 = arith.cmpi ne, %convert_element_type3A_1439, %cond3A_1440 : i32
      scf.if %cond3A_1441 {
        %add3A_1442 = arith.constant 4 : i32
        %add3A_1443 = arith.addi %add3A_1258, %add3A_1442 : i32
        %dma_start3A_1444 = arith.constant 0 : i32
        %dma_start3A_1445 = tpu.memref_slice %arg5[%add3A_1443, %dma_start3A_1444] : memref<200x128xi32, #tpu.memory_space<vmem>> -> memref<1x128xi32, #tpu.memory_space<vmem>>
        %dma_start3A_1446 = tpu.memref_squeeze %dma_start3A_1445 : memref<1x128xi32, #tpu.memory_space<vmem>> -> memref<128xi32, #tpu.memory_space<vmem>>
        %dma_start3A_1447 = arith.constant 0 : i32
        %dma_start3A_1448 = arith.constant 0 : i32
        %dma_start3A_1449 = tpu.memref_slice %arg3[%dma_start3A_1447, %dma_start3A_1448] : memref<1000000x128xf32, #tpu.memory_space<hbm>> -> memref<1000000x128xf32, #tpu.memory_space<hbm>>
        tpu.enqueue_indirect_dma source(%dma_start3A_1449 : memref<1000000x128xf32, #tpu.memory_space<hbm>>) target(%arg9 : memref<128x128xf32, #tpu.memory_space<vmem>>) offsets(%dma_start3A_1446 : memref<128xi32, #tpu.memory_space<vmem>>) semaphore(%arg17 : memref<!tpu.dma_semaphore, #tpu.memory_space<semaphore_mem>>)
      } else {
      }
    }
    %scan3A_58 = arith.constant 50 : i32
    %add3A_59 = arith.constant 196 : i32
    %add3A_60 = arith.addi %mul3A_2, %add3A_59 : i32
    %jit3A = arith.constant 128 : i32
    %div3A = arith.divsi %add3A_60, %jit3A : i32
    %sign3A = arith.constant 0 : i32
    %sign3A_61 = arith.cmpi sgt, %add3A_60, %sign3A : i32
    %sign3A_62 = arith.extui %sign3A_61 : i1 to i32
    %sign3A_63 = arith.constant 0 : i32
    %sign3A_64 = arith.cmpi slt, %add3A_60, %sign3A_63 : i32
    %sign3A_65 = arith.extui %sign3A_64 : i1 to i32
    %sign3A_66 = arith.subi %sign3A_62, %sign3A_65 : i32
    %sign3A_67 = arith.constant 0 : i32
    %sign3A_68 = arith.cmpi sgt, %jit3A, %sign3A_67 : i32
    %sign3A_69 = arith.extui %sign3A_68 : i1 to i32
    %sign3A_70 = arith.constant 0 : i32
    %sign3A_71 = arith.cmpi slt, %jit3A, %sign3A_70 : i32
    %sign3A_72 = arith.extui %sign3A_71 : i1 to i32
    %sign3A_73 = arith.subi %sign3A_69, %sign3A_72 : i32
    %ne3A = arith.cmpi ne, %sign3A_66, %sign3A_73 : i32
    %rem3A = arith.remsi %add3A_60, %jit3A : i32
    %ne3A_74 = arith.constant 0 : i32
    %ne3A_75 = arith.cmpi ne, %rem3A, %ne3A_74 : i32
    %and3A = arith.andi %ne3A, %ne3A_75 : i1
    %sub3A = arith.constant 1 : i32
    %sub3A_76 = arith.subi %div3A, %sub3A : i32
    %select_n3A = arith.select %and3A, %sub3A_76, %div3A : i32
    %jit3A_77 = arith.constant 128 : i32
    %eq3A = arith.constant 0 : i32
    %eq3A_78 = arith.cmpi eq, %jit3A_77, %eq3A : i32
    %jit3A_79 = arith.constant 1 : i32
    %select_n3A_80 = arith.select %eq3A_78, %jit3A_79, %jit3A_77 : i32
    %rem3A_81 = arith.remsi %add3A_60, %select_n3A_80 : i32
    %ne3A_82 = arith.constant 0 : i32
    %ne3A_83 = arith.cmpi ne, %rem3A_81, %ne3A_82 : i32
    %lt3A = arith.constant 0 : i32
    %lt3A_84 = arith.cmpi slt, %rem3A_81, %lt3A : i32
    %lt3A_85 = arith.constant 0 : i32
    %lt3A_86 = arith.cmpi slt, %select_n3A_80, %lt3A_85 : i32
    %ne3A_87 = arith.xori %lt3A_84, %lt3A_86 : i1
    %and3A_88 = arith.andi %ne3A_87, %ne3A_83 : i1
    %add3A_89 = arith.addi %rem3A_81, %select_n3A_80 : i32
    %select_n3A_90 = arith.select %and3A_88, %add3A_89, %rem3A_81 : i32
    %dma_wait3A = arith.constant 0 : i32
    %dma_wait3A_91 = arith.constant 0 : i32
    %dma_wait3A_92 = arith.constant 0 : i32
    %dma_wait3A_93 = tpu.memref_slice %arg10[%dma_wait3A_91, %dma_wait3A_92] : memref<64x128xf32, #tpu.memory_space<vmem>> -> memref<8x128xf32, #tpu.memory_space<vmem>>
    %dma_wait3A_94 = arith.constant 0 : i32
    %dma_wait3A_95 = arith.constant 0 : i32
    %dma_wait3A_96 = tpu.memref_slice %arg4[%select_n3A, %dma_wait3A, %select_n3A_90, %dma_wait3A_94, %dma_wait3A_95] : memref<50x8x128x8x128xf32, #tpu.memory_space<hbm>> -> memref<1x1x1x8x128xf32, #tpu.memory_space<hbm>>
    %dma_wait3A_97 = tpu.memref_squeeze %dma_wait3A_96 : memref<1x1x1x8x128xf32, #tpu.memory_space<hbm>> -> memref<8x128xf32, #tpu.memory_space<hbm>>
    %dma_wait3A_98 = arith.constant 0 : i32
    %dma_wait3A_99 = arith.constant 0 : i32
    %dma_wait3A_100 = tpu.memref_slice %arg4[%select_n3A, %dma_wait3A, %select_n3A_90, %dma_wait3A_98, %dma_wait3A_99] : memref<50x8x128x8x128xf32, #tpu.memory_space<hbm>> -> memref<1x1x1x8x128xf32, #tpu.memory_space<hbm>>
    %dma_wait3A_101 = tpu.memref_squeeze %dma_wait3A_100 : memref<1x1x1x8x128xf32, #tpu.memory_space<hbm>> -> memref<8x128xf32, #tpu.memory_space<hbm>>
    %dma_wait3A_102 = arith.constant 0 : i32
    %dma_wait3A_103 = arith.constant 0 : i32
    %dma_wait3A_104 = tpu.memref_slice %arg10[%dma_wait3A_102, %dma_wait3A_103] : memref<64x128xf32, #tpu.memory_space<vmem>> -> memref<8x128xf32, #tpu.memory_space<vmem>>
    tpu.wait_dma2 semaphore(%arg18 : memref<!tpu.dma_semaphore, #tpu.memory_space<semaphore_mem>>) src(%dma_wait3A_104 : memref<8x128xf32, #tpu.memory_space<vmem>>) dst(%dma_wait3A_101 : memref<8x128xf32, #tpu.memory_space<hbm>>)
    %dma_wait3A_105 = arith.constant 1 : i32
    %dma_wait3A_106 = arith.constant 8 : i32
    %dma_wait3A_107 = arith.constant 0 : i32
    %dma_wait3A_108 = tpu.memref_slice %arg10[%dma_wait3A_106, %dma_wait3A_107] : memref<64x128xf32, #tpu.memory_space<vmem>> -> memref<8x128xf32, #tpu.memory_space<vmem>>
    %dma_wait3A_109 = arith.constant 0 : i32
    %dma_wait3A_110 = arith.constant 0 : i32
    %dma_wait3A_111 = tpu.memref_slice %arg4[%select_n3A, %dma_wait3A_105, %select_n3A_90, %dma_wait3A_109, %dma_wait3A_110] : memref<50x8x128x8x128xf32, #tpu.memory_space<hbm>> -> memref<1x1x1x8x128xf32, #tpu.memory_space<hbm>>
    %dma_wait3A_112 = tpu.memref_squeeze %dma_wait3A_111 : memref<1x1x1x8x128xf32, #tpu.memory_space<hbm>> -> memref<8x128xf32, #tpu.memory_space<hbm>>
    %dma_wait3A_113 = arith.constant 0 : i32
    %dma_wait3A_114 = arith.constant 0 : i32
    %dma_wait3A_115 = tpu.memref_slice %arg4[%select_n3A, %dma_wait3A_105, %select_n3A_90, %dma_wait3A_113, %dma_wait3A_114] : memref<50x8x128x8x128xf32, #tpu.memory_space<hbm>> -> memref<1x1x1x8x128xf32, #tpu.memory_space<hbm>>
    %dma_wait3A_116 = tpu.memref_squeeze %dma_wait3A_115 : memref<1x1x1x8x128xf32, #tpu.memory_space<hbm>> -> memref<8x128xf32, #tpu.memory_space<hbm>>
    %dma_wait3A_117 = arith.constant 8 : i32
    %dma_wait3A_118 = arith.constant 0 : i32
    %dma_wait3A_119 = tpu.memref_slice %arg10[%dma_wait3A_117, %dma_wait3A_118] : memref<64x128xf32, #tpu.memory_space<vmem>> -> memref<8x128xf32, #tpu.memory_space<vmem>>
    tpu.wait_dma2 semaphore(%arg18 : memref<!tpu.dma_semaphore, #tpu.memory_space<semaphore_mem>>) src(%dma_wait3A_119 : memref<8x128xf32, #tpu.memory_space<vmem>>) dst(%dma_wait3A_116 : memref<8x128xf32, #tpu.memory_space<hbm>>)
    %dma_wait3A_120 = arith.constant 2 : i32
    %dma_wait3A_121 = arith.constant 16 : i32
    %dma_wait3A_122 = arith.constant 0 : i32
    %dma_wait3A_123 = tpu.memref_slice %arg10[%dma_wait3A_121, %dma_wait3A_122] : memref<64x128xf32, #tpu.memory_space<vmem>> -> memref<8x128xf32, #tpu.memory_space<vmem>>
    %dma_wait3A_124 = arith.constant 0 : i32
    %dma_wait3A_125 = arith.constant 0 : i32
    %dma_wait3A_126 = tpu.memref_slice %arg4[%select_n3A, %dma_wait3A_120, %select_n3A_90, %dma_wait3A_124, %dma_wait3A_125] : memref<50x8x128x8x128xf32, #tpu.memory_space<hbm>> -> memref<1x1x1x8x128xf32, #tpu.memory_space<hbm>>
    %dma_wait3A_127 = tpu.memref_squeeze %dma_wait3A_126 : memref<1x1x1x8x128xf32, #tpu.memory_space<hbm>> -> memref<8x128xf32, #tpu.memory_space<hbm>>
    %dma_wait3A_128 = arith.constant 0 : i32
    %dma_wait3A_129 = arith.constant 0 : i32
    %dma_wait3A_130 = tpu.memref_slice %arg4[%select_n3A, %dma_wait3A_120, %select_n3A_90, %dma_wait3A_128, %dma_wait3A_129] : memref<50x8x128x8x128xf32, #tpu.memory_space<hbm>> -> memref<1x1x1x8x128xf32, #tpu.memory_space<hbm>>
    %dma_wait3A_131 = tpu.memref_squeeze %dma_wait3A_130 : memref<1x1x1x8x128xf32, #tpu.memory_space<hbm>> -> memref<8x128xf32, #tpu.memory_space<hbm>>
    %dma_wait3A_132 = arith.constant 16 : i32
    %dma_wait3A_133 = arith.constant 0 : i32
    %dma_wait3A_134 = tpu.memref_slice %arg10[%dma_wait3A_132, %dma_wait3A_133] : memref<64x128xf32, #tpu.memory_space<vmem>> -> memref<8x128xf32, #tpu.memory_space<vmem>>
    tpu.wait_dma2 semaphore(%arg18 : memref<!tpu.dma_semaphore, #tpu.memory_space<semaphore_mem>>) src(%dma_wait3A_134 : memref<8x128xf32, #tpu.memory_space<vmem>>) dst(%dma_wait3A_131 : memref<8x128xf32, #tpu.memory_space<hbm>>)
    %dma_wait3A_135 = arith.constant 3 : i32
    %dma_wait3A_136 = arith.constant 24 : i32
    %dma_wait3A_137 = arith.constant 0 : i32
    %dma_wait3A_138 = tpu.memref_slice %arg10[%dma_wait3A_136, %dma_wait3A_137] : memref<64x128xf32, #tpu.memory_space<vmem>> -> memref<8x128xf32, #tpu.memory_space<vmem>>
    %dma_wait3A_139 = arith.constant 0 : i32
    %dma_wait3A_140 = arith.constant 0 : i32
    %dma_wait3A_141 = tpu.memref_slice %arg4[%select_n3A, %dma_wait3A_135, %select_n3A_90, %dma_wait3A_139, %dma_wait3A_140] : memref<50x8x128x8x128xf32, #tpu.memory_space<hbm>> -> memref<1x1x1x8x128xf32, #tpu.memory_space<hbm>>
    %dma_wait3A_142 = tpu.memref_squeeze %dma_wait3A_141 : memref<1x1x1x8x128xf32, #tpu.memory_space<hbm>> -> memref<8x128xf32, #tpu.memory_space<hbm>>
    %dma_wait3A_143 = arith.constant 0 : i32
    %dma_wait3A_144 = arith.constant 0 : i32
    %dma_wait3A_145 = tpu.memref_slice %arg4[%select_n3A, %dma_wait3A_135, %select_n3A_90, %dma_wait3A_143, %dma_wait3A_144] : memref<50x8x128x8x128xf32, #tpu.memory_space<hbm>> -> memref<1x1x1x8x128xf32, #tpu.memory_space<hbm>>
    %dma_wait3A_146 = tpu.memref_squeeze %dma_wait3A_145 : memref<1x1x1x8x128xf32, #tpu.memory_space<hbm>> -> memref<8x128xf32, #tpu.memory_space<hbm>>
    %dma_wait3A_147 = arith.constant 24 : i32
    %dma_wait3A_148 = arith.constant 0 : i32
    %dma_wait3A_149 = tpu.memref_slice %arg10[%dma_wait3A_147, %dma_wait3A_148] : memref<64x128xf32, #tpu.memory_space<vmem>> -> memref<8x128xf32, #tpu.memory_space<vmem>>
    tpu.wait_dma2 semaphore(%arg18 : memref<!tpu.dma_semaphore, #tpu.memory_space<semaphore_mem>>) src(%dma_wait3A_149 : memref<8x128xf32, #tpu.memory_space<vmem>>) dst(%dma_wait3A_146 : memref<8x128xf32, #tpu.memory_space<hbm>>)
    %dma_wait3A_150 = arith.constant 4 : i32
    %dma_wait3A_151 = arith.constant 32 : i32
    %dma_wait3A_152 = arith.constant 0 : i32
    %dma_wait3A_153 = tpu.memref_slice %arg10[%dma_wait3A_151, %dma_wait3A_152] : memref<64x128xf32, #tpu.memory_space<vmem>> -> memref<8x128xf32, #tpu.memory_space<vmem>>
    %dma_wait3A_154 = arith.constant 0 : i32
    %dma_wait3A_155 = arith.constant 0 : i32
    %dma_wait3A_156 = tpu.memref_slice %arg4[%select_n3A, %dma_wait3A_150, %select_n3A_90, %dma_wait3A_154, %dma_wait3A_155] : memref<50x8x128x8x128xf32, #tpu.memory_space<hbm>> -> memref<1x1x1x8x128xf32, #tpu.memory_space<hbm>>
    %dma_wait3A_157 = tpu.memref_squeeze %dma_wait3A_156 : memref<1x1x1x8x128xf32, #tpu.memory_space<hbm>> -> memref<8x128xf32, #tpu.memory_space<hbm>>
    %dma_wait3A_158 = arith.constant 0 : i32
    %dma_wait3A_159 = arith.constant 0 : i32
    %dma_wait3A_160 = tpu.memref_slice %arg4[%select_n3A, %dma_wait3A_150, %select_n3A_90, %dma_wait3A_158, %dma_wait3A_159] : memref<50x8x128x8x128xf32, #tpu.memory_space<hbm>> -> memref<1x1x1x8x128xf32, #tpu.memory_space<hbm>>
    %dma_wait3A_161 = tpu.memref_squeeze %dma_wait3A_160 : memref<1x1x1x8x128xf32, #tpu.memory_space<hbm>> -> memref<8x128xf32, #tpu.memory_space<hbm>>
    %dma_wait3A_162 = arith.constant 32 : i32
    %dma_wait3A_163 = arith.constant 0 : i32
    %dma_wait3A_164 = tpu.memref_slice %arg10[%dma_wait3A_162, %dma_wait3A_163] : memref<64x128xf32, #tpu.memory_space<vmem>> -> memref<8x128xf32, #tpu.memory_space<vmem>>
    tpu.wait_dma2 semaphore(%arg18 : memref<!tpu.dma_semaphore, #tpu.memory_space<semaphore_mem>>) src(%dma_wait3A_164 : memref<8x128xf32, #tpu.memory_space<vmem>>) dst(%dma_wait3A_161 : memref<8x128xf32, #tpu.memory_space<hbm>>)
    %dma_wait3A_165 = arith.constant 5 : i32
    %dma_wait3A_166 = arith.constant 40 : i32
    %dma_wait3A_167 = arith.constant 0 : i32
    %dma_wait3A_168 = tpu.memref_slice %arg10[%dma_wait3A_166, %dma_wait3A_167] : memref<64x128xf32, #tpu.memory_space<vmem>> -> memref<8x128xf32, #tpu.memory_space<vmem>>
    %dma_wait3A_169 = arith.constant 0 : i32
    %dma_wait3A_170 = arith.constant 0 : i32
    %dma_wait3A_171 = tpu.memref_slice %arg4[%select_n3A, %dma_wait3A_165, %select_n3A_90, %dma_wait3A_169, %dma_wait3A_170] : memref<50x8x128x8x128xf32, #tpu.memory_space<hbm>> -> memref<1x1x1x8x128xf32, #tpu.memory_space<hbm>>
    %dma_wait3A_172 = tpu.memref_squeeze %dma_wait3A_171 : memref<1x1x1x8x128xf32, #tpu.memory_space<hbm>> -> memref<8x128xf32, #tpu.memory_space<hbm>>
    %dma_wait3A_173 = arith.constant 0 : i32
    %dma_wait3A_174 = arith.constant 0 : i32
    %dma_wait3A_175 = tpu.memref_slice %arg4[%select_n3A, %dma_wait3A_165, %select_n3A_90, %dma_wait3A_173, %dma_wait3A_174] : memref<50x8x128x8x128xf32, #tpu.memory_space<hbm>> -> memref<1x1x1x8x128xf32, #tpu.memory_space<hbm>>
    %dma_wait3A_176 = tpu.memref_squeeze %dma_wait3A_175 : memref<1x1x1x8x128xf32, #tpu.memory_space<hbm>> -> memref<8x128xf32, #tpu.memory_space<hbm>>
    %dma_wait3A_177 = arith.constant 40 : i32
    %dma_wait3A_178 = arith.constant 0 : i32
    %dma_wait3A_179 = tpu.memref_slice %arg10[%dma_wait3A_177, %dma_wait3A_178] : memref<64x128xf32, #tpu.memory_space<vmem>> -> memref<8x128xf32, #tpu.memory_space<vmem>>
    tpu.wait_dma2 semaphore(%arg18 : memref<!tpu.dma_semaphore, #tpu.memory_space<semaphore_mem>>) src(%dma_wait3A_179 : memref<8x128xf32, #tpu.memory_space<vmem>>) dst(%dma_wait3A_176 : memref<8x128xf32, #tpu.memory_space<hbm>>)
    %dma_wait3A_180 = arith.constant 6 : i32
    %dma_wait3A_181 = arith.constant 48 : i32
    %dma_wait3A_182 = arith.constant 0 : i32
    %dma_wait3A_183 = tpu.memref_slice %arg10[%dma_wait3A_181, %dma_wait3A_182] : memref<64x128xf32, #tpu.memory_space<vmem>> -> memref<8x128xf32, #tpu.memory_space<vmem>>
    %dma_wait3A_184 = arith.constant 0 : i32
    %dma_wait3A_185 = arith.constant 0 : i32
    %dma_wait3A_186 = tpu.memref_slice %arg4[%select_n3A, %dma_wait3A_180, %select_n3A_90, %dma_wait3A_184, %dma_wait3A_185] : memref<50x8x128x8x128xf32, #tpu.memory_space<hbm>> -> memref<1x1x1x8x128xf32, #tpu.memory_space<hbm>>
    %dma_wait3A_187 = tpu.memref_squeeze %dma_wait3A_186 : memref<1x1x1x8x128xf32, #tpu.memory_space<hbm>> -> memref<8x128xf32, #tpu.memory_space<hbm>>
    %dma_wait3A_188 = arith.constant 0 : i32
    %dma_wait3A_189 = arith.constant 0 : i32
    %dma_wait3A_190 = tpu.memref_slice %arg4[%select_n3A, %dma_wait3A_180, %select_n3A_90, %dma_wait3A_188, %dma_wait3A_189] : memref<50x8x128x8x128xf32, #tpu.memory_space<hbm>> -> memref<1x1x1x8x128xf32, #tpu.memory_space<hbm>>
    %dma_wait3A_191 = tpu.memref_squeeze %dma_wait3A_190 : memref<1x1x1x8x128xf32, #tpu.memory_space<hbm>> -> memref<8x128xf32, #tpu.memory_space<hbm>>
    %dma_wait3A_192 = arith.constant 48 : i32
    %dma_wait3A_193 = arith.constant 0 : i32
    %dma_wait3A_194 = tpu.memref_slice %arg10[%dma_wait3A_192, %dma_wait3A_193] : memref<64x128xf32, #tpu.memory_space<vmem>> -> memref<8x128xf32, #tpu.memory_space<vmem>>
    tpu.wait_dma2 semaphore(%arg18 : memref<!tpu.dma_semaphore, #tpu.memory_space<semaphore_mem>>) src(%dma_wait3A_194 : memref<8x128xf32, #tpu.memory_space<vmem>>) dst(%dma_wait3A_191 : memref<8x128xf32, #tpu.memory_space<hbm>>)
    %dma_wait3A_195 = arith.constant 7 : i32
    %dma_wait3A_196 = arith.constant 56 : i32
    %dma_wait3A_197 = arith.constant 0 : i32
    %dma_wait3A_198 = tpu.memref_slice %arg10[%dma_wait3A_196, %dma_wait3A_197] : memref<64x128xf32, #tpu.memory_space<vmem>> -> memref<8x128xf32, #tpu.memory_space<vmem>>
    %dma_wait3A_199 = arith.constant 0 : i32
    %dma_wait3A_200 = arith.constant 0 : i32
    %dma_wait3A_201 = tpu.memref_slice %arg4[%select_n3A, %dma_wait3A_195, %select_n3A_90, %dma_wait3A_199, %dma_wait3A_200] : memref<50x8x128x8x128xf32, #tpu.memory_space<hbm>> -> memref<1x1x1x8x128xf32, #tpu.memory_space<hbm>>
    %dma_wait3A_202 = tpu.memref_squeeze %dma_wait3A_201 : memref<1x1x1x8x128xf32, #tpu.memory_space<hbm>> -> memref<8x128xf32, #tpu.memory_space<hbm>>
    %dma_wait3A_203 = arith.constant 0 : i32
    %dma_wait3A_204 = arith.constant 0 : i32
    %dma_wait3A_205 = tpu.memref_slice %arg4[%select_n3A, %dma_wait3A_195, %select_n3A_90, %dma_wait3A_203, %dma_wait3A_204] : memref<50x8x128x8x128xf32, #tpu.memory_space<hbm>> -> memref<1x1x1x8x128xf32, #tpu.memory_space<hbm>>
    %dma_wait3A_206 = tpu.memref_squeeze %dma_wait3A_205 : memref<1x1x1x8x128xf32, #tpu.memory_space<hbm>> -> memref<8x128xf32, #tpu.memory_space<hbm>>
    %dma_wait3A_207 = arith.constant 56 : i32
    %dma_wait3A_208 = arith.constant 0 : i32
    %dma_wait3A_209 = tpu.memref_slice %arg10[%dma_wait3A_207, %dma_wait3A_208] : memref<64x128xf32, #tpu.memory_space<vmem>> -> memref<8x128xf32, #tpu.memory_space<vmem>>
    tpu.wait_dma2 semaphore(%arg18 : memref<!tpu.dma_semaphore, #tpu.memory_space<semaphore_mem>>) src(%dma_wait3A_209 : memref<8x128xf32, #tpu.memory_space<vmem>>) dst(%dma_wait3A_206 : memref<8x128xf32, #tpu.memory_space<hbm>>)
    %add3A_210 = arith.constant 197 : i32
    %add3A_211 = arith.addi %mul3A_2, %add3A_210 : i32
    %jit3A_212 = arith.constant 128 : i32
    %div3A_213 = arith.divsi %add3A_211, %jit3A_212 : i32
    %sign3A_214 = arith.constant 0 : i32
    %sign3A_215 = arith.cmpi sgt, %add3A_211, %sign3A_214 : i32
    %sign3A_216 = arith.extui %sign3A_215 : i1 to i32
    %sign3A_217 = arith.constant 0 : i32
    %sign3A_218 = arith.cmpi slt, %add3A_211, %sign3A_217 : i32
    %sign3A_219 = arith.extui %sign3A_218 : i1 to i32
    %sign3A_220 = arith.subi %sign3A_216, %sign3A_219 : i32
    %sign3A_221 = arith.constant 0 : i32
    %sign3A_222 = arith.cmpi sgt, %jit3A_212, %sign3A_221 : i32
    %sign3A_223 = arith.extui %sign3A_222 : i1 to i32
    %sign3A_224 = arith.constant 0 : i32
    %sign3A_225 = arith.cmpi slt, %jit3A_212, %sign3A_224 : i32
    %sign3A_226 = arith.extui %sign3A_225 : i1 to i32
    %sign3A_227 = arith.subi %sign3A_223, %sign3A_226 : i32
    %ne3A_228 = arith.cmpi ne, %sign3A_220, %sign3A_227 : i32
    %rem3A_229 = arith.remsi %add3A_211, %jit3A_212 : i32
    %ne3A_230 = arith.constant 0 : i32
    %ne3A_231 = arith.cmpi ne, %rem3A_229, %ne3A_230 : i32
    %and3A_232 = arith.andi %ne3A_228, %ne3A_231 : i1
    %sub3A_233 = arith.constant 1 : i32
    %sub3A_234 = arith.subi %div3A_213, %sub3A_233 : i32
    %select_n3A_235 = arith.select %and3A_232, %sub3A_234, %div3A_213 : i32
    %jit3A_236 = arith.constant 128 : i32
    %eq3A_237 = arith.constant 0 : i32
    %eq3A_238 = arith.cmpi eq, %jit3A_236, %eq3A_237 : i32
    %jit3A_239 = arith.constant 1 : i32
    %select_n3A_240 = arith.select %eq3A_238, %jit3A_239, %jit3A_236 : i32
    %rem3A_241 = arith.remsi %add3A_211, %select_n3A_240 : i32
    %ne3A_242 = arith.constant 0 : i32
    %ne3A_243 = arith.cmpi ne, %rem3A_241, %ne3A_242 : i32
    %lt3A_244 = arith.constant 0 : i32
    %lt3A_245 = arith.cmpi slt, %rem3A_241, %lt3A_244 : i32
    %lt3A_246 = arith.constant 0 : i32
    %lt3A_247 = arith.cmpi slt, %select_n3A_240, %lt3A_246 : i32
    %ne3A_248 = arith.xori %lt3A_245, %lt3A_247 : i1
    %and3A_249 = arith.andi %ne3A_248, %ne3A_243 : i1
    %add3A_250 = arith.addi %rem3A_241, %select_n3A_240 : i32
    %select_n3A_251 = arith.select %and3A_249, %add3A_250, %rem3A_241 : i32
    %dma_wait3A_252 = arith.constant 0 : i32
    %dma_wait3A_253 = arith.constant 0 : i32
    %dma_wait3A_254 = arith.constant 0 : i32
    %dma_wait3A_255 = tpu.memref_slice %arg11[%dma_wait3A_253, %dma_wait3A_254] : memref<64x128xf32, #tpu.memory_space<vmem>> -> memref<8x128xf32, #tpu.memory_space<vmem>>
    %dma_wait3A_256 = arith.constant 0 : i32
    %dma_wait3A_257 = arith.constant 0 : i32
    %dma_wait3A_258 = tpu.memref_slice %arg4[%select_n3A_235, %dma_wait3A_252, %select_n3A_251, %dma_wait3A_256, %dma_wait3A_257] : memref<50x8x128x8x128xf32, #tpu.memory_space<hbm>> -> memref<1x1x1x8x128xf32, #tpu.memory_space<hbm>>
    %dma_wait3A_259 = tpu.memref_squeeze %dma_wait3A_258 : memref<1x1x1x8x128xf32, #tpu.memory_space<hbm>> -> memref<8x128xf32, #tpu.memory_space<hbm>>
    %dma_wait3A_260 = arith.constant 0 : i32
    %dma_wait3A_261 = arith.constant 0 : i32
    %dma_wait3A_262 = tpu.memref_slice %arg4[%select_n3A_235, %dma_wait3A_252, %select_n3A_251, %dma_wait3A_260, %dma_wait3A_261] : memref<50x8x128x8x128xf32, #tpu.memory_space<hbm>> -> memref<1x1x1x8x128xf32, #tpu.memory_space<hbm>>
    %dma_wait3A_263 = tpu.memref_squeeze %dma_wait3A_262 : memref<1x1x1x8x128xf32, #tpu.memory_space<hbm>> -> memref<8x128xf32, #tpu.memory_space<hbm>>
    %dma_wait3A_264 = arith.constant 0 : i32
    %dma_wait3A_265 = arith.constant 0 : i32
    %dma_wait3A_266 = tpu.memref_slice %arg11[%dma_wait3A_264, %dma_wait3A_265] : memref<64x128xf32, #tpu.memory_space<vmem>> -> memref<8x128xf32, #tpu.memory_space<vmem>>
    tpu.wait_dma2 semaphore(%arg19 : memref<!tpu.dma_semaphore, #tpu.memory_space<semaphore_mem>>) src(%dma_wait3A_266 : memref<8x128xf32, #tpu.memory_space<vmem>>) dst(%dma_wait3A_263 : memref<8x128xf32, #tpu.memory_space<hbm>>)
    %dma_wait3A_267 = arith.constant 1 : i32
    %dma_wait3A_268 = arith.constant 8 : i32
    %dma_wait3A_269 = arith.constant 0 : i32
    %dma_wait3A_270 = tpu.memref_slice %arg11[%dma_wait3A_268, %dma_wait3A_269] : memref<64x128xf32, #tpu.memory_space<vmem>> -> memref<8x128xf32, #tpu.memory_space<vmem>>
    %dma_wait3A_271 = arith.constant 0 : i32
    %dma_wait3A_272 = arith.constant 0 : i32
    %dma_wait3A_273 = tpu.memref_slice %arg4[%select_n3A_235, %dma_wait3A_267, %select_n3A_251, %dma_wait3A_271, %dma_wait3A_272] : memref<50x8x128x8x128xf32, #tpu.memory_space<hbm>> -> memref<1x1x1x8x128xf32, #tpu.memory_space<hbm>>
    %dma_wait3A_274 = tpu.memref_squeeze %dma_wait3A_273 : memref<1x1x1x8x128xf32, #tpu.memory_space<hbm>> -> memref<8x128xf32, #tpu.memory_space<hbm>>
    %dma_wait3A_275 = arith.constant 0 : i32
    %dma_wait3A_276 = arith.constant 0 : i32
    %dma_wait3A_277 = tpu.memref_slice %arg4[%select_n3A_235, %dma_wait3A_267, %select_n3A_251, %dma_wait3A_275, %dma_wait3A_276] : memref<50x8x128x8x128xf32, #tpu.memory_space<hbm>> -> memref<1x1x1x8x128xf32, #tpu.memory_space<hbm>>
    %dma_wait3A_278 = tpu.memref_squeeze %dma_wait3A_277 : memref<1x1x1x8x128xf32, #tpu.memory_space<hbm>> -> memref<8x128xf32, #tpu.memory_space<hbm>>
    %dma_wait3A_279 = arith.constant 8 : i32
    %dma_wait3A_280 = arith.constant 0 : i32
    %dma_wait3A_281 = tpu.memref_slice %arg11[%dma_wait3A_279, %dma_wait3A_280] : memref<64x128xf32, #tpu.memory_space<vmem>> -> memref<8x128xf32, #tpu.memory_space<vmem>>
    tpu.wait_dma2 semaphore(%arg19 : memref<!tpu.dma_semaphore, #tpu.memory_space<semaphore_mem>>) src(%dma_wait3A_281 : memref<8x128xf32, #tpu.memory_space<vmem>>) dst(%dma_wait3A_278 : memref<8x128xf32, #tpu.memory_space<hbm>>)
    %dma_wait3A_282 = arith.constant 2 : i32
    %dma_wait3A_283 = arith.constant 16 : i32
    %dma_wait3A_284 = arith.constant 0 : i32
    %dma_wait3A_285 = tpu.memref_slice %arg11[%dma_wait3A_283, %dma_wait3A_284] : memref<64x128xf32, #tpu.memory_space<vmem>> -> memref<8x128xf32, #tpu.memory_space<vmem>>
    %dma_wait3A_286 = arith.constant 0 : i32
    %dma_wait3A_287 = arith.constant 0 : i32
    %dma_wait3A_288 = tpu.memref_slice %arg4[%select_n3A_235, %dma_wait3A_282, %select_n3A_251, %dma_wait3A_286, %dma_wait3A_287] : memref<50x8x128x8x128xf32, #tpu.memory_space<hbm>> -> memref<1x1x1x8x128xf32, #tpu.memory_space<hbm>>
    %dma_wait3A_289 = tpu.memref_squeeze %dma_wait3A_288 : memref<1x1x1x8x128xf32, #tpu.memory_space<hbm>> -> memref<8x128xf32, #tpu.memory_space<hbm>>
    %dma_wait3A_290 = arith.constant 0 : i32
    %dma_wait3A_291 = arith.constant 0 : i32
    %dma_wait3A_292 = tpu.memref_slice %arg4[%select_n3A_235, %dma_wait3A_282, %select_n3A_251, %dma_wait3A_290, %dma_wait3A_291] : memref<50x8x128x8x128xf32, #tpu.memory_space<hbm>> -> memref<1x1x1x8x128xf32, #tpu.memory_space<hbm>>
    %dma_wait3A_293 = tpu.memref_squeeze %dma_wait3A_292 : memref<1x1x1x8x128xf32, #tpu.memory_space<hbm>> -> memref<8x128xf32, #tpu.memory_space<hbm>>
    %dma_wait3A_294 = arith.constant 16 : i32
    %dma_wait3A_295 = arith.constant 0 : i32
    %dma_wait3A_296 = tpu.memref_slice %arg11[%dma_wait3A_294, %dma_wait3A_295] : memref<64x128xf32, #tpu.memory_space<vmem>> -> memref<8x128xf32, #tpu.memory_space<vmem>>
    tpu.wait_dma2 semaphore(%arg19 : memref<!tpu.dma_semaphore, #tpu.memory_space<semaphore_mem>>) src(%dma_wait3A_296 : memref<8x128xf32, #tpu.memory_space<vmem>>) dst(%dma_wait3A_293 : memref<8x128xf32, #tpu.memory_space<hbm>>)
    %dma_wait3A_297 = arith.constant 3 : i32
    %dma_wait3A_298 = arith.constant 24 : i32
    %dma_wait3A_299 = arith.constant 0 : i32
    %dma_wait3A_300 = tpu.memref_slice %arg11[%dma_wait3A_298, %dma_wait3A_299] : memref<64x128xf32, #tpu.memory_space<vmem>> -> memref<8x128xf32, #tpu.memory_space<vmem>>
    %dma_wait3A_301 = arith.constant 0 : i32
    %dma_wait3A_302 = arith.constant 0 : i32
    %dma_wait3A_303 = tpu.memref_slice %arg4[%select_n3A_235, %dma_wait3A_297, %select_n3A_251, %dma_wait3A_301, %dma_wait3A_302] : memref<50x8x128x8x128xf32, #tpu.memory_space<hbm>> -> memref<1x1x1x8x128xf32, #tpu.memory_space<hbm>>
    %dma_wait3A_304 = tpu.memref_squeeze %dma_wait3A_303 : memref<1x1x1x8x128xf32, #tpu.memory_space<hbm>> -> memref<8x128xf32, #tpu.memory_space<hbm>>
    %dma_wait3A_305 = arith.constant 0 : i32
    %dma_wait3A_306 = arith.constant 0 : i32
    %dma_wait3A_307 = tpu.memref_slice %arg4[%select_n3A_235, %dma_wait3A_297, %select_n3A_251, %dma_wait3A_305, %dma_wait3A_306] : memref<50x8x128x8x128xf32, #tpu.memory_space<hbm>> -> memref<1x1x1x8x128xf32, #tpu.memory_space<hbm>>
    %dma_wait3A_308 = tpu.memref_squeeze %dma_wait3A_307 : memref<1x1x1x8x128xf32, #tpu.memory_space<hbm>> -> memref<8x128xf32, #tpu.memory_space<hbm>>
    %dma_wait3A_309 = arith.constant 24 : i32
    %dma_wait3A_310 = arith.constant 0 : i32
    %dma_wait3A_311 = tpu.memref_slice %arg11[%dma_wait3A_309, %dma_wait3A_310] : memref<64x128xf32, #tpu.memory_space<vmem>> -> memref<8x128xf32, #tpu.memory_space<vmem>>
    tpu.wait_dma2 semaphore(%arg19 : memref<!tpu.dma_semaphore, #tpu.memory_space<semaphore_mem>>) src(%dma_wait3A_311 : memref<8x128xf32, #tpu.memory_space<vmem>>) dst(%dma_wait3A_308 : memref<8x128xf32, #tpu.memory_space<hbm>>)
    %dma_wait3A_312 = arith.constant 4 : i32
    %dma_wait3A_313 = arith.constant 32 : i32
    %dma_wait3A_314 = arith.constant 0 : i32
    %dma_wait3A_315 = tpu.memref_slice %arg11[%dma_wait3A_313, %dma_wait3A_314] : memref<64x128xf32, #tpu.memory_space<vmem>> -> memref<8x128xf32, #tpu.memory_space<vmem>>
    %dma_wait3A_316 = arith.constant 0 : i32
    %dma_wait3A_317 = arith.constant 0 : i32
    %dma_wait3A_318 = tpu.memref_slice %arg4[%select_n3A_235, %dma_wait3A_312, %select_n3A_251, %dma_wait3A_316, %dma_wait3A_317] : memref<50x8x128x8x128xf32, #tpu.memory_space<hbm>> -> memref<1x1x1x8x128xf32, #tpu.memory_space<hbm>>
    %dma_wait3A_319 = tpu.memref_squeeze %dma_wait3A_318 : memref<1x1x1x8x128xf32, #tpu.memory_space<hbm>> -> memref<8x128xf32, #tpu.memory_space<hbm>>
    %dma_wait3A_320 = arith.constant 0 : i32
    %dma_wait3A_321 = arith.constant 0 : i32
    %dma_wait3A_322 = tpu.memref_slice %arg4[%select_n3A_235, %dma_wait3A_312, %select_n3A_251, %dma_wait3A_320, %dma_wait3A_321] : memref<50x8x128x8x128xf32, #tpu.memory_space<hbm>> -> memref<1x1x1x8x128xf32, #tpu.memory_space<hbm>>
    %dma_wait3A_323 = tpu.memref_squeeze %dma_wait3A_322 : memref<1x1x1x8x128xf32, #tpu.memory_space<hbm>> -> memref<8x128xf32, #tpu.memory_space<hbm>>
    %dma_wait3A_324 = arith.constant 32 : i32
    %dma_wait3A_325 = arith.constant 0 : i32
    %dma_wait3A_326 = tpu.memref_slice %arg11[%dma_wait3A_324, %dma_wait3A_325] : memref<64x128xf32, #tpu.memory_space<vmem>> -> memref<8x128xf32, #tpu.memory_space<vmem>>
    tpu.wait_dma2 semaphore(%arg19 : memref<!tpu.dma_semaphore, #tpu.memory_space<semaphore_mem>>) src(%dma_wait3A_326 : memref<8x128xf32, #tpu.memory_space<vmem>>) dst(%dma_wait3A_323 : memref<8x128xf32, #tpu.memory_space<hbm>>)
    %dma_wait3A_327 = arith.constant 5 : i32
    %dma_wait3A_328 = arith.constant 40 : i32
    %dma_wait3A_329 = arith.constant 0 : i32
    %dma_wait3A_330 = tpu.memref_slice %arg11[%dma_wait3A_328, %dma_wait3A_329] : memref<64x128xf32, #tpu.memory_space<vmem>> -> memref<8x128xf32, #tpu.memory_space<vmem>>
    %dma_wait3A_331 = arith.constant 0 : i32
    %dma_wait3A_332 = arith.constant 0 : i32
    %dma_wait3A_333 = tpu.memref_slice %arg4[%select_n3A_235, %dma_wait3A_327, %select_n3A_251, %dma_wait3A_331, %dma_wait3A_332] : memref<50x8x128x8x128xf32, #tpu.memory_space<hbm>> -> memref<1x1x1x8x128xf32, #tpu.memory_space<hbm>>
    %dma_wait3A_334 = tpu.memref_squeeze %dma_wait3A_333 : memref<1x1x1x8x128xf32, #tpu.memory_space<hbm>> -> memref<8x128xf32, #tpu.memory_space<hbm>>
    %dma_wait3A_335 = arith.constant 0 : i32
    %dma_wait3A_336 = arith.constant 0 : i32
    %dma_wait3A_337 = tpu.memref_slice %arg4[%select_n3A_235, %dma_wait3A_327, %select_n3A_251, %dma_wait3A_335, %dma_wait3A_336] : memref<50x8x128x8x128xf32, #tpu.memory_space<hbm>> -> memref<1x1x1x8x128xf32, #tpu.memory_space<hbm>>
    %dma_wait3A_338 = tpu.memref_squeeze %dma_wait3A_337 : memref<1x1x1x8x128xf32, #tpu.memory_space<hbm>> -> memref<8x128xf32, #tpu.memory_space<hbm>>
    %dma_wait3A_339 = arith.constant 40 : i32
    %dma_wait3A_340 = arith.constant 0 : i32
    %dma_wait3A_341 = tpu.memref_slice %arg11[%dma_wait3A_339, %dma_wait3A_340] : memref<64x128xf32, #tpu.memory_space<vmem>> -> memref<8x128xf32, #tpu.memory_space<vmem>>
    tpu.wait_dma2 semaphore(%arg19 : memref<!tpu.dma_semaphore, #tpu.memory_space<semaphore_mem>>) src(%dma_wait3A_341 : memref<8x128xf32, #tpu.memory_space<vmem>>) dst(%dma_wait3A_338 : memref<8x128xf32, #tpu.memory_space<hbm>>)
    %dma_wait3A_342 = arith.constant 6 : i32
    %dma_wait3A_343 = arith.constant 48 : i32
    %dma_wait3A_344 = arith.constant 0 : i32
    %dma_wait3A_345 = tpu.memref_slice %arg11[%dma_wait3A_343, %dma_wait3A_344] : memref<64x128xf32, #tpu.memory_space<vmem>> -> memref<8x128xf32, #tpu.memory_space<vmem>>
    %dma_wait3A_346 = arith.constant 0 : i32
    %dma_wait3A_347 = arith.constant 0 : i32
    %dma_wait3A_348 = tpu.memref_slice %arg4[%select_n3A_235, %dma_wait3A_342, %select_n3A_251, %dma_wait3A_346, %dma_wait3A_347] : memref<50x8x128x8x128xf32, #tpu.memory_space<hbm>> -> memref<1x1x1x8x128xf32, #tpu.memory_space<hbm>>
    %dma_wait3A_349 = tpu.memref_squeeze %dma_wait3A_348 : memref<1x1x1x8x128xf32, #tpu.memory_space<hbm>> -> memref<8x128xf32, #tpu.memory_space<hbm>>
    %dma_wait3A_350 = arith.constant 0 : i32
    %dma_wait3A_351 = arith.constant 0 : i32
    %dma_wait3A_352 = tpu.memref_slice %arg4[%select_n3A_235, %dma_wait3A_342, %select_n3A_251, %dma_wait3A_350, %dma_wait3A_351] : memref<50x8x128x8x128xf32, #tpu.memory_space<hbm>> -> memref<1x1x1x8x128xf32, #tpu.memory_space<hbm>>
    %dma_wait3A_353 = tpu.memref_squeeze %dma_wait3A_352 : memref<1x1x1x8x128xf32, #tpu.memory_space<hbm>> -> memref<8x128xf32, #tpu.memory_space<hbm>>
    %dma_wait3A_354 = arith.constant 48 : i32
    %dma_wait3A_355 = arith.constant 0 : i32
    %dma_wait3A_356 = tpu.memref_slice %arg11[%dma_wait3A_354, %dma_wait3A_355] : memref<64x128xf32, #tpu.memory_space<vmem>> -> memref<8x128xf32, #tpu.memory_space<vmem>>
    tpu.wait_dma2 semaphore(%arg19 : memref<!tpu.dma_semaphore, #tpu.memory_space<semaphore_mem>>) src(%dma_wait3A_356 : memref<8x128xf32, #tpu.memory_space<vmem>>) dst(%dma_wait3A_353 : memref<8x128xf32, #tpu.memory_space<hbm>>)
    %dma_wait3A_357 = arith.constant 7 : i32
    %dma_wait3A_358 = arith.constant 56 : i32
    %dma_wait3A_359 = arith.constant 0 : i32
    %dma_wait3A_360 = tpu.memref_slice %arg11[%dma_wait3A_358, %dma_wait3A_359] : memref<64x128xf32, #tpu.memory_space<vmem>> -> memref<8x128xf32, #tpu.memory_space<vmem>>
    %dma_wait3A_361 = arith.constant 0 : i32
    %dma_wait3A_362 = arith.constant 0 : i32
    %dma_wait3A_363 = tpu.memref_slice %arg4[%select_n3A_235, %dma_wait3A_357, %select_n3A_251, %dma_wait3A_361, %dma_wait3A_362] : memref<50x8x128x8x128xf32, #tpu.memory_space<hbm>> -> memref<1x1x1x8x128xf32, #tpu.memory_space<hbm>>
    %dma_wait3A_364 = tpu.memref_squeeze %dma_wait3A_363 : memref<1x1x1x8x128xf32, #tpu.memory_space<hbm>> -> memref<8x128xf32, #tpu.memory_space<hbm>>
    %dma_wait3A_365 = arith.constant 0 : i32
    %dma_wait3A_366 = arith.constant 0 : i32
    %dma_wait3A_367 = tpu.memref_slice %arg4[%select_n3A_235, %dma_wait3A_357, %select_n3A_251, %dma_wait3A_365, %dma_wait3A_366] : memref<50x8x128x8x128xf32, #tpu.memory_space<hbm>> -> memref<1x1x1x8x128xf32, #tpu.memory_space<hbm>>
    %dma_wait3A_368 = tpu.memref_squeeze %dma_wait3A_367 : memref<1x1x1x8x128xf32, #tpu.memory_space<hbm>> -> memref<8x128xf32, #tpu.memory_space<hbm>>
    %dma_wait3A_369 = arith.constant 56 : i32
    %dma_wait3A_370 = arith.constant 0 : i32
    %dma_wait3A_371 = tpu.memref_slice %arg11[%dma_wait3A_369, %dma_wait3A_370] : memref<64x128xf32, #tpu.memory_space<vmem>> -> memref<8x128xf32, #tpu.memory_space<vmem>>
    tpu.wait_dma2 semaphore(%arg19 : memref<!tpu.dma_semaphore, #tpu.memory_space<semaphore_mem>>) src(%dma_wait3A_371 : memref<8x128xf32, #tpu.memory_space<vmem>>) dst(%dma_wait3A_368 : memref<8x128xf32, #tpu.memory_space<hbm>>)
    %add3A_372 = arith.constant 198 : i32
    %add3A_373 = arith.addi %mul3A_2, %add3A_372 : i32
    %jit3A_374 = arith.constant 128 : i32
    %div3A_375 = arith.divsi %add3A_373, %jit3A_374 : i32
    %sign3A_376 = arith.constant 0 : i32
    %sign3A_377 = arith.cmpi sgt, %add3A_373, %sign3A_376 : i32
    %sign3A_378 = arith.extui %sign3A_377 : i1 to i32
    %sign3A_379 = arith.constant 0 : i32
    %sign3A_380 = arith.cmpi slt, %add3A_373, %sign3A_379 : i32
    %sign3A_381 = arith.extui %sign3A_380 : i1 to i32
    %sign3A_382 = arith.subi %sign3A_378, %sign3A_381 : i32
    %sign3A_383 = arith.constant 0 : i32
    %sign3A_384 = arith.cmpi sgt, %jit3A_374, %sign3A_383 : i32
    %sign3A_385 = arith.extui %sign3A_384 : i1 to i32
    %sign3A_386 = arith.constant 0 : i32
    %sign3A_387 = arith.cmpi slt, %jit3A_374, %sign3A_386 : i32
    %sign3A_388 = arith.extui %sign3A_387 : i1 to i32
    %sign3A_389 = arith.subi %sign3A_385, %sign3A_388 : i32
    %ne3A_390 = arith.cmpi ne, %sign3A_382, %sign3A_389 : i32
    %rem3A_391 = arith.remsi %add3A_373, %jit3A_374 : i32
    %ne3A_392 = arith.constant 0 : i32
    %ne3A_393 = arith.cmpi ne, %rem3A_391, %ne3A_392 : i32
    %and3A_394 = arith.andi %ne3A_390, %ne3A_393 : i1
    %sub3A_395 = arith.constant 1 : i32
    %sub3A_396 = arith.subi %div3A_375, %sub3A_395 : i32
    %select_n3A_397 = arith.select %and3A_394, %sub3A_396, %div3A_375 : i32
    %jit3A_398 = arith.constant 128 : i32
    %eq3A_399 = arith.constant 0 : i32
    %eq3A_400 = arith.cmpi eq, %jit3A_398, %eq3A_399 : i32
    %jit3A_401 = arith.constant 1 : i32
    %select_n3A_402 = arith.select %eq3A_400, %jit3A_401, %jit3A_398 : i32
    %rem3A_403 = arith.remsi %add3A_373, %select_n3A_402 : i32
    %ne3A_404 = arith.constant 0 : i32
    %ne3A_405 = arith.cmpi ne, %rem3A_403, %ne3A_404 : i32
    %lt3A_406 = arith.constant 0 : i32
    %lt3A_407 = arith.cmpi slt, %rem3A_403, %lt3A_406 : i32
    %lt3A_408 = arith.constant 0 : i32
    %lt3A_409 = arith.cmpi slt, %select_n3A_402, %lt3A_408 : i32
    %ne3A_410 = arith.xori %lt3A_407, %lt3A_409 : i1
    %and3A_411 = arith.andi %ne3A_410, %ne3A_405 : i1
    %add3A_412 = arith.addi %rem3A_403, %select_n3A_402 : i32
    %select_n3A_413 = arith.select %and3A_411, %add3A_412, %rem3A_403 : i32
    %dma_wait3A_414 = arith.constant 0 : i32
    %dma_wait3A_415 = arith.constant 0 : i32
    %dma_wait3A_416 = arith.constant 0 : i32
    %dma_wait3A_417 = tpu.memref_slice %arg12[%dma_wait3A_415, %dma_wait3A_416] : memref<64x128xf32, #tpu.memory_space<vmem>> -> memref<8x128xf32, #tpu.memory_space<vmem>>
    %dma_wait3A_418 = arith.constant 0 : i32
    %dma_wait3A_419 = arith.constant 0 : i32
    %dma_wait3A_420 = tpu.memref_slice %arg4[%select_n3A_397, %dma_wait3A_414, %select_n3A_413, %dma_wait3A_418, %dma_wait3A_419] : memref<50x8x128x8x128xf32, #tpu.memory_space<hbm>> -> memref<1x1x1x8x128xf32, #tpu.memory_space<hbm>>
    %dma_wait3A_421 = tpu.memref_squeeze %dma_wait3A_420 : memref<1x1x1x8x128xf32, #tpu.memory_space<hbm>> -> memref<8x128xf32, #tpu.memory_space<hbm>>
    %dma_wait3A_422 = arith.constant 0 : i32
    %dma_wait3A_423 = arith.constant 0 : i32
    %dma_wait3A_424 = tpu.memref_slice %arg4[%select_n3A_397, %dma_wait3A_414, %select_n3A_413, %dma_wait3A_422, %dma_wait3A_423] : memref<50x8x128x8x128xf32, #tpu.memory_space<hbm>> -> memref<1x1x1x8x128xf32, #tpu.memory_space<hbm>>
    %dma_wait3A_425 = tpu.memref_squeeze %dma_wait3A_424 : memref<1x1x1x8x128xf32, #tpu.memory_space<hbm>> -> memref<8x128xf32, #tpu.memory_space<hbm>>
    %dma_wait3A_426 = arith.constant 0 : i32
    %dma_wait3A_427 = arith.constant 0 : i32
    %dma_wait3A_428 = tpu.memref_slice %arg12[%dma_wait3A_426, %dma_wait3A_427] : memref<64x128xf32, #tpu.memory_space<vmem>> -> memref<8x128xf32, #tpu.memory_space<vmem>>
    tpu.wait_dma2 semaphore(%arg20 : memref<!tpu.dma_semaphore, #tpu.memory_space<semaphore_mem>>) src(%dma_wait3A_428 : memref<8x128xf32, #tpu.memory_space<vmem>>) dst(%dma_wait3A_425 : memref<8x128xf32, #tpu.memory_space<hbm>>)
    %dma_wait3A_429 = arith.constant 1 : i32
    %dma_wait3A_430 = arith.constant 8 : i32
    %dma_wait3A_431 = arith.constant 0 : i32
    %dma_wait3A_432 = tpu.memref_slice %arg12[%dma_wait3A_430, %dma_wait3A_431] : memref<64x128xf32, #tpu.memory_space<vmem>> -> memref<8x128xf32, #tpu.memory_space<vmem>>
    %dma_wait3A_433 = arith.constant 0 : i32
    %dma_wait3A_434 = arith.constant 0 : i32
    %dma_wait3A_435 = tpu.memref_slice %arg4[%select_n3A_397, %dma_wait3A_429, %select_n3A_413, %dma_wait3A_433, %dma_wait3A_434] : memref<50x8x128x8x128xf32, #tpu.memory_space<hbm>> -> memref<1x1x1x8x128xf32, #tpu.memory_space<hbm>>
    %dma_wait3A_436 = tpu.memref_squeeze %dma_wait3A_435 : memref<1x1x1x8x128xf32, #tpu.memory_space<hbm>> -> memref<8x128xf32, #tpu.memory_space<hbm>>
    %dma_wait3A_437 = arith.constant 0 : i32
    %dma_wait3A_438 = arith.constant 0 : i32
    %dma_wait3A_439 = tpu.memref_slice %arg4[%select_n3A_397, %dma_wait3A_429, %select_n3A_413, %dma_wait3A_437, %dma_wait3A_438] : memref<50x8x128x8x128xf32, #tpu.memory_space<hbm>> -> memref<1x1x1x8x128xf32, #tpu.memory_space<hbm>>
    %dma_wait3A_440 = tpu.memref_squeeze %dma_wait3A_439 : memref<1x1x1x8x128xf32, #tpu.memory_space<hbm>> -> memref<8x128xf32, #tpu.memory_space<hbm>>
    %dma_wait3A_441 = arith.constant 8 : i32
    %dma_wait3A_442 = arith.constant 0 : i32
    %dma_wait3A_443 = tpu.memref_slice %arg12[%dma_wait3A_441, %dma_wait3A_442] : memref<64x128xf32, #tpu.memory_space<vmem>> -> memref<8x128xf32, #tpu.memory_space<vmem>>
    tpu.wait_dma2 semaphore(%arg20 : memref<!tpu.dma_semaphore, #tpu.memory_space<semaphore_mem>>) src(%dma_wait3A_443 : memref<8x128xf32, #tpu.memory_space<vmem>>) dst(%dma_wait3A_440 : memref<8x128xf32, #tpu.memory_space<hbm>>)
    %dma_wait3A_444 = arith.constant 2 : i32
    %dma_wait3A_445 = arith.constant 16 : i32
    %dma_wait3A_446 = arith.constant 0 : i32
    %dma_wait3A_447 = tpu.memref_slice %arg12[%dma_wait3A_445, %dma_wait3A_446] : memref<64x128xf32, #tpu.memory_space<vmem>> -> memref<8x128xf32, #tpu.memory_space<vmem>>
    %dma_wait3A_448 = arith.constant 0 : i32
    %dma_wait3A_449 = arith.constant 0 : i32
    %dma_wait3A_450 = tpu.memref_slice %arg4[%select_n3A_397, %dma_wait3A_444, %select_n3A_413, %dma_wait3A_448, %dma_wait3A_449] : memref<50x8x128x8x128xf32, #tpu.memory_space<hbm>> -> memref<1x1x1x8x128xf32, #tpu.memory_space<hbm>>
    %dma_wait3A_451 = tpu.memref_squeeze %dma_wait3A_450 : memref<1x1x1x8x128xf32, #tpu.memory_space<hbm>> -> memref<8x128xf32, #tpu.memory_space<hbm>>
    %dma_wait3A_452 = arith.constant 0 : i32
    %dma_wait3A_453 = arith.constant 0 : i32
    %dma_wait3A_454 = tpu.memref_slice %arg4[%select_n3A_397, %dma_wait3A_444, %select_n3A_413, %dma_wait3A_452, %dma_wait3A_453] : memref<50x8x128x8x128xf32, #tpu.memory_space<hbm>> -> memref<1x1x1x8x128xf32, #tpu.memory_space<hbm>>
    %dma_wait3A_455 = tpu.memref_squeeze %dma_wait3A_454 : memref<1x1x1x8x128xf32, #tpu.memory_space<hbm>> -> memref<8x128xf32, #tpu.memory_space<hbm>>
    %dma_wait3A_456 = arith.constant 16 : i32
    %dma_wait3A_457 = arith.constant 0 : i32
    %dma_wait3A_458 = tpu.memref_slice %arg12[%dma_wait3A_456, %dma_wait3A_457] : memref<64x128xf32, #tpu.memory_space<vmem>> -> memref<8x128xf32, #tpu.memory_space<vmem>>
    tpu.wait_dma2 semaphore(%arg20 : memref<!tpu.dma_semaphore, #tpu.memory_space<semaphore_mem>>) src(%dma_wait3A_458 : memref<8x128xf32, #tpu.memory_space<vmem>>) dst(%dma_wait3A_455 : memref<8x128xf32, #tpu.memory_space<hbm>>)
    %dma_wait3A_459 = arith.constant 3 : i32
    %dma_wait3A_460 = arith.constant 24 : i32
    %dma_wait3A_461 = arith.constant 0 : i32
    %dma_wait3A_462 = tpu.memref_slice %arg12[%dma_wait3A_460, %dma_wait3A_461] : memref<64x128xf32, #tpu.memory_space<vmem>> -> memref<8x128xf32, #tpu.memory_space<vmem>>
    %dma_wait3A_463 = arith.constant 0 : i32
    %dma_wait3A_464 = arith.constant 0 : i32
    %dma_wait3A_465 = tpu.memref_slice %arg4[%select_n3A_397, %dma_wait3A_459, %select_n3A_413, %dma_wait3A_463, %dma_wait3A_464] : memref<50x8x128x8x128xf32, #tpu.memory_space<hbm>> -> memref<1x1x1x8x128xf32, #tpu.memory_space<hbm>>
    %dma_wait3A_466 = tpu.memref_squeeze %dma_wait3A_465 : memref<1x1x1x8x128xf32, #tpu.memory_space<hbm>> -> memref<8x128xf32, #tpu.memory_space<hbm>>
    %dma_wait3A_467 = arith.constant 0 : i32
    %dma_wait3A_468 = arith.constant 0 : i32
    %dma_wait3A_469 = tpu.memref_slice %arg4[%select_n3A_397, %dma_wait3A_459, %select_n3A_413, %dma_wait3A_467, %dma_wait3A_468] : memref<50x8x128x8x128xf32, #tpu.memory_space<hbm>> -> memref<1x1x1x8x128xf32, #tpu.memory_space<hbm>>
    %dma_wait3A_470 = tpu.memref_squeeze %dma_wait3A_469 : memref<1x1x1x8x128xf32, #tpu.memory_space<hbm>> -> memref<8x128xf32, #tpu.memory_space<hbm>>
    %dma_wait3A_471 = arith.constant 24 : i32
    %dma_wait3A_472 = arith.constant 0 : i32
    %dma_wait3A_473 = tpu.memref_slice %arg12[%dma_wait3A_471, %dma_wait3A_472] : memref<64x128xf32, #tpu.memory_space<vmem>> -> memref<8x128xf32, #tpu.memory_space<vmem>>
    tpu.wait_dma2 semaphore(%arg20 : memref<!tpu.dma_semaphore, #tpu.memory_space<semaphore_mem>>) src(%dma_wait3A_473 : memref<8x128xf32, #tpu.memory_space<vmem>>) dst(%dma_wait3A_470 : memref<8x128xf32, #tpu.memory_space<hbm>>)
    %dma_wait3A_474 = arith.constant 4 : i32
    %dma_wait3A_475 = arith.constant 32 : i32
    %dma_wait3A_476 = arith.constant 0 : i32
    %dma_wait3A_477 = tpu.memref_slice %arg12[%dma_wait3A_475, %dma_wait3A_476] : memref<64x128xf32, #tpu.memory_space<vmem>> -> memref<8x128xf32, #tpu.memory_space<vmem>>
    %dma_wait3A_478 = arith.constant 0 : i32
    %dma_wait3A_479 = arith.constant 0 : i32
    %dma_wait3A_480 = tpu.memref_slice %arg4[%select_n3A_397, %dma_wait3A_474, %select_n3A_413, %dma_wait3A_478, %dma_wait3A_479] : memref<50x8x128x8x128xf32, #tpu.memory_space<hbm>> -> memref<1x1x1x8x128xf32, #tpu.memory_space<hbm>>
    %dma_wait3A_481 = tpu.memref_squeeze %dma_wait3A_480 : memref<1x1x1x8x128xf32, #tpu.memory_space<hbm>> -> memref<8x128xf32, #tpu.memory_space<hbm>>
    %dma_wait3A_482 = arith.constant 0 : i32
    %dma_wait3A_483 = arith.constant 0 : i32
    %dma_wait3A_484 = tpu.memref_slice %arg4[%select_n3A_397, %dma_wait3A_474, %select_n3A_413, %dma_wait3A_482, %dma_wait3A_483] : memref<50x8x128x8x128xf32, #tpu.memory_space<hbm>> -> memref<1x1x1x8x128xf32, #tpu.memory_space<hbm>>
    %dma_wait3A_485 = tpu.memref_squeeze %dma_wait3A_484 : memref<1x1x1x8x128xf32, #tpu.memory_space<hbm>> -> memref<8x128xf32, #tpu.memory_space<hbm>>
    %dma_wait3A_486 = arith.constant 32 : i32
    %dma_wait3A_487 = arith.constant 0 : i32
    %dma_wait3A_488 = tpu.memref_slice %arg12[%dma_wait3A_486, %dma_wait3A_487] : memref<64x128xf32, #tpu.memory_space<vmem>> -> memref<8x128xf32, #tpu.memory_space<vmem>>
    tpu.wait_dma2 semaphore(%arg20 : memref<!tpu.dma_semaphore, #tpu.memory_space<semaphore_mem>>) src(%dma_wait3A_488 : memref<8x128xf32, #tpu.memory_space<vmem>>) dst(%dma_wait3A_485 : memref<8x128xf32, #tpu.memory_space<hbm>>)
    %dma_wait3A_489 = arith.constant 5 : i32
    %dma_wait3A_490 = arith.constant 40 : i32
    %dma_wait3A_491 = arith.constant 0 : i32
    %dma_wait3A_492 = tpu.memref_slice %arg12[%dma_wait3A_490, %dma_wait3A_491] : memref<64x128xf32, #tpu.memory_space<vmem>> -> memref<8x128xf32, #tpu.memory_space<vmem>>
    %dma_wait3A_493 = arith.constant 0 : i32
    %dma_wait3A_494 = arith.constant 0 : i32
    %dma_wait3A_495 = tpu.memref_slice %arg4[%select_n3A_397, %dma_wait3A_489, %select_n3A_413, %dma_wait3A_493, %dma_wait3A_494] : memref<50x8x128x8x128xf32, #tpu.memory_space<hbm>> -> memref<1x1x1x8x128xf32, #tpu.memory_space<hbm>>
    %dma_wait3A_496 = tpu.memref_squeeze %dma_wait3A_495 : memref<1x1x1x8x128xf32, #tpu.memory_space<hbm>> -> memref<8x128xf32, #tpu.memory_space<hbm>>
    %dma_wait3A_497 = arith.constant 0 : i32
    %dma_wait3A_498 = arith.constant 0 : i32
    %dma_wait3A_499 = tpu.memref_slice %arg4[%select_n3A_397, %dma_wait3A_489, %select_n3A_413, %dma_wait3A_497, %dma_wait3A_498] : memref<50x8x128x8x128xf32, #tpu.memory_space<hbm>> -> memref<1x1x1x8x128xf32, #tpu.memory_space<hbm>>
    %dma_wait3A_500 = tpu.memref_squeeze %dma_wait3A_499 : memref<1x1x1x8x128xf32, #tpu.memory_space<hbm>> -> memref<8x128xf32, #tpu.memory_space<hbm>>
    %dma_wait3A_501 = arith.constant 40 : i32
    %dma_wait3A_502 = arith.constant 0 : i32
    %dma_wait3A_503 = tpu.memref_slice %arg12[%dma_wait3A_501, %dma_wait3A_502] : memref<64x128xf32, #tpu.memory_space<vmem>> -> memref<8x128xf32, #tpu.memory_space<vmem>>
    tpu.wait_dma2 semaphore(%arg20 : memref<!tpu.dma_semaphore, #tpu.memory_space<semaphore_mem>>) src(%dma_wait3A_503 : memref<8x128xf32, #tpu.memory_space<vmem>>) dst(%dma_wait3A_500 : memref<8x128xf32, #tpu.memory_space<hbm>>)
    %dma_wait3A_504 = arith.constant 6 : i32
    %dma_wait3A_505 = arith.constant 48 : i32
    %dma_wait3A_506 = arith.constant 0 : i32
    %dma_wait3A_507 = tpu.memref_slice %arg12[%dma_wait3A_505, %dma_wait3A_506] : memref<64x128xf32, #tpu.memory_space<vmem>> -> memref<8x128xf32, #tpu.memory_space<vmem>>
    %dma_wait3A_508 = arith.constant 0 : i32
    %dma_wait3A_509 = arith.constant 0 : i32
    %dma_wait3A_510 = tpu.memref_slice %arg4[%select_n3A_397, %dma_wait3A_504, %select_n3A_413, %dma_wait3A_508, %dma_wait3A_509] : memref<50x8x128x8x128xf32, #tpu.memory_space<hbm>> -> memref<1x1x1x8x128xf32, #tpu.memory_space<hbm>>
    %dma_wait3A_511 = tpu.memref_squeeze %dma_wait3A_510 : memref<1x1x1x8x128xf32, #tpu.memory_space<hbm>> -> memref<8x128xf32, #tpu.memory_space<hbm>>
    %dma_wait3A_512 = arith.constant 0 : i32
    %dma_wait3A_513 = arith.constant 0 : i32
    %dma_wait3A_514 = tpu.memref_slice %arg4[%select_n3A_397, %dma_wait3A_504, %select_n3A_413, %dma_wait3A_512, %dma_wait3A_513] : memref<50x8x128x8x128xf32, #tpu.memory_space<hbm>> -> memref<1x1x1x8x128xf32, #tpu.memory_space<hbm>>
    %dma_wait3A_515 = tpu.memref_squeeze %dma_wait3A_514 : memref<1x1x1x8x128xf32, #tpu.memory_space<hbm>> -> memref<8x128xf32, #tpu.memory_space<hbm>>
    %dma_wait3A_516 = arith.constant 48 : i32
    %dma_wait3A_517 = arith.constant 0 : i32
    %dma_wait3A_518 = tpu.memref_slice %arg12[%dma_wait3A_516, %dma_wait3A_517] : memref<64x128xf32, #tpu.memory_space<vmem>> -> memref<8x128xf32, #tpu.memory_space<vmem>>
    tpu.wait_dma2 semaphore(%arg20 : memref<!tpu.dma_semaphore, #tpu.memory_space<semaphore_mem>>) src(%dma_wait3A_518 : memref<8x128xf32, #tpu.memory_space<vmem>>) dst(%dma_wait3A_515 : memref<8x128xf32, #tpu.memory_space<hbm>>)
    %dma_wait3A_519 = arith.constant 7 : i32
    %dma_wait3A_520 = arith.constant 56 : i32
    %dma_wait3A_521 = arith.constant 0 : i32
    %dma_wait3A_522 = tpu.memref_slice %arg12[%dma_wait3A_520, %dma_wait3A_521] : memref<64x128xf32, #tpu.memory_space<vmem>> -> memref<8x128xf32, #tpu.memory_space<vmem>>
    %dma_wait3A_523 = arith.constant 0 : i32
    %dma_wait3A_524 = arith.constant 0 : i32
    %dma_wait3A_525 = tpu.memref_slice %arg4[%select_n3A_397, %dma_wait3A_519, %select_n3A_413, %dma_wait3A_523, %dma_wait3A_524] : memref<50x8x128x8x128xf32, #tpu.memory_space<hbm>> -> memref<1x1x1x8x128xf32, #tpu.memory_space<hbm>>
    %dma_wait3A_526 = tpu.memref_squeeze %dma_wait3A_525 : memref<1x1x1x8x128xf32, #tpu.memory_space<hbm>> -> memref<8x128xf32, #tpu.memory_space<hbm>>
    %dma_wait3A_527 = arith.constant 0 : i32
    %dma_wait3A_528 = arith.constant 0 : i32
    %dma_wait3A_529 = tpu.memref_slice %arg4[%select_n3A_397, %dma_wait3A_519, %select_n3A_413, %dma_wait3A_527, %dma_wait3A_528] : memref<50x8x128x8x128xf32, #tpu.memory_space<hbm>> -> memref<1x1x1x8x128xf32, #tpu.memory_space<hbm>>
    %dma_wait3A_530 = tpu.memref_squeeze %dma_wait3A_529 : memref<1x1x1x8x128xf32, #tpu.memory_space<hbm>> -> memref<8x128xf32, #tpu.memory_space<hbm>>
    %dma_wait3A_531 = arith.constant 56 : i32
    %dma_wait3A_532 = arith.constant 0 : i32
    %dma_wait3A_533 = tpu.memref_slice %arg12[%dma_wait3A_531, %dma_wait3A_532] : memref<64x128xf32, #tpu.memory_space<vmem>> -> memref<8x128xf32, #tpu.memory_space<vmem>>
    tpu.wait_dma2 semaphore(%arg20 : memref<!tpu.dma_semaphore, #tpu.memory_space<semaphore_mem>>) src(%dma_wait3A_533 : memref<8x128xf32, #tpu.memory_space<vmem>>) dst(%dma_wait3A_530 : memref<8x128xf32, #tpu.memory_space<hbm>>)
    %add3A_534 = arith.constant 199 : i32
    %add3A_535 = arith.addi %mul3A_2, %add3A_534 : i32
    %jit3A_536 = arith.constant 128 : i32
    %div3A_537 = arith.divsi %add3A_535, %jit3A_536 : i32
    %sign3A_538 = arith.constant 0 : i32
    %sign3A_539 = arith.cmpi sgt, %add3A_535, %sign3A_538 : i32
    %sign3A_540 = arith.extui %sign3A_539 : i1 to i32
    %sign3A_541 = arith.constant 0 : i32
    %sign3A_542 = arith.cmpi slt, %add3A_535, %sign3A_541 : i32
    %sign3A_543 = arith.extui %sign3A_542 : i1 to i32
    %sign3A_544 = arith.subi %sign3A_540, %sign3A_543 : i32
    %sign3A_545 = arith.constant 0 : i32
    %sign3A_546 = arith.cmpi sgt, %jit3A_536, %sign3A_545 : i32
    %sign3A_547 = arith.extui %sign3A_546 : i1 to i32
    %sign3A_548 = arith.constant 0 : i32
    %sign3A_549 = arith.cmpi slt, %jit3A_536, %sign3A_548 : i32
    %sign3A_550 = arith.extui %sign3A_549 : i1 to i32
    %sign3A_551 = arith.subi %sign3A_547, %sign3A_550 : i32
    %ne3A_552 = arith.cmpi ne, %sign3A_544, %sign3A_551 : i32
    %rem3A_553 = arith.remsi %add3A_535, %jit3A_536 : i32
    %ne3A_554 = arith.constant 0 : i32
    %ne3A_555 = arith.cmpi ne, %rem3A_553, %ne3A_554 : i32
    %and3A_556 = arith.andi %ne3A_552, %ne3A_555 : i1
    %sub3A_557 = arith.constant 1 : i32
    %sub3A_558 = arith.subi %div3A_537, %sub3A_557 : i32
    %select_n3A_559 = arith.select %and3A_556, %sub3A_558, %div3A_537 : i32
    %jit3A_560 = arith.constant 128 : i32
    %eq3A_561 = arith.constant 0 : i32
    %eq3A_562 = arith.cmpi eq, %jit3A_560, %eq3A_561 : i32
    %jit3A_563 = arith.constant 1 : i32
    %select_n3A_564 = arith.select %eq3A_562, %jit3A_563, %jit3A_560 : i32
    %rem3A_565 = arith.remsi %add3A_535, %select_n3A_564 : i32
    %ne3A_566 = arith.constant 0 : i32
    %ne3A_567 = arith.cmpi ne, %rem3A_565, %ne3A_566 : i32
    %lt3A_568 = arith.constant 0 : i32
    %lt3A_569 = arith.cmpi slt, %rem3A_565, %lt3A_568 : i32
    %lt3A_570 = arith.constant 0 : i32
    %lt3A_571 = arith.cmpi slt, %select_n3A_564, %lt3A_570 : i32
    %ne3A_572 = arith.xori %lt3A_569, %lt3A_571 : i1
    %and3A_573 = arith.andi %ne3A_572, %ne3A_567 : i1
    %add3A_574 = arith.addi %rem3A_565, %select_n3A_564 : i32
    %select_n3A_575 = arith.select %and3A_573, %add3A_574, %rem3A_565 : i32
    %dma_wait3A_576 = arith.constant 0 : i32
    %dma_wait3A_577 = arith.constant 0 : i32
    %dma_wait3A_578 = arith.constant 0 : i32
    %dma_wait3A_579 = tpu.memref_slice %arg13[%dma_wait3A_577, %dma_wait3A_578] : memref<64x128xf32, #tpu.memory_space<vmem>> -> memref<8x128xf32, #tpu.memory_space<vmem>>
    %dma_wait3A_580 = arith.constant 0 : i32
    %dma_wait3A_581 = arith.constant 0 : i32
    %dma_wait3A_582 = tpu.memref_slice %arg4[%select_n3A_559, %dma_wait3A_576, %select_n3A_575, %dma_wait3A_580, %dma_wait3A_581] : memref<50x8x128x8x128xf32, #tpu.memory_space<hbm>> -> memref<1x1x1x8x128xf32, #tpu.memory_space<hbm>>
    %dma_wait3A_583 = tpu.memref_squeeze %dma_wait3A_582 : memref<1x1x1x8x128xf32, #tpu.memory_space<hbm>> -> memref<8x128xf32, #tpu.memory_space<hbm>>
    %dma_wait3A_584 = arith.constant 0 : i32
    %dma_wait3A_585 = arith.constant 0 : i32
    %dma_wait3A_586 = tpu.memref_slice %arg4[%select_n3A_559, %dma_wait3A_576, %select_n3A_575, %dma_wait3A_584, %dma_wait3A_585] : memref<50x8x128x8x128xf32, #tpu.memory_space<hbm>> -> memref<1x1x1x8x128xf32, #tpu.memory_space<hbm>>
    %dma_wait3A_587 = tpu.memref_squeeze %dma_wait3A_586 : memref<1x1x1x8x128xf32, #tpu.memory_space<hbm>> -> memref<8x128xf32, #tpu.memory_space<hbm>>
    %dma_wait3A_588 = arith.constant 0 : i32
    %dma_wait3A_589 = arith.constant 0 : i32
    %dma_wait3A_590 = tpu.memref_slice %arg13[%dma_wait3A_588, %dma_wait3A_589] : memref<64x128xf32, #tpu.memory_space<vmem>> -> memref<8x128xf32, #tpu.memory_space<vmem>>
    tpu.wait_dma2 semaphore(%arg21 : memref<!tpu.dma_semaphore, #tpu.memory_space<semaphore_mem>>) src(%dma_wait3A_590 : memref<8x128xf32, #tpu.memory_space<vmem>>) dst(%dma_wait3A_587 : memref<8x128xf32, #tpu.memory_space<hbm>>)
    %dma_wait3A_591 = arith.constant 1 : i32
    %dma_wait3A_592 = arith.constant 8 : i32
    %dma_wait3A_593 = arith.constant 0 : i32
    %dma_wait3A_594 = tpu.memref_slice %arg13[%dma_wait3A_592, %dma_wait3A_593] : memref<64x128xf32, #tpu.memory_space<vmem>> -> memref<8x128xf32, #tpu.memory_space<vmem>>
    %dma_wait3A_595 = arith.constant 0 : i32
    %dma_wait3A_596 = arith.constant 0 : i32
    %dma_wait3A_597 = tpu.memref_slice %arg4[%select_n3A_559, %dma_wait3A_591, %select_n3A_575, %dma_wait3A_595, %dma_wait3A_596] : memref<50x8x128x8x128xf32, #tpu.memory_space<hbm>> -> memref<1x1x1x8x128xf32, #tpu.memory_space<hbm>>
    %dma_wait3A_598 = tpu.memref_squeeze %dma_wait3A_597 : memref<1x1x1x8x128xf32, #tpu.memory_space<hbm>> -> memref<8x128xf32, #tpu.memory_space<hbm>>
    %dma_wait3A_599 = arith.constant 0 : i32
    %dma_wait3A_600 = arith.constant 0 : i32
    %dma_wait3A_601 = tpu.memref_slice %arg4[%select_n3A_559, %dma_wait3A_591, %select_n3A_575, %dma_wait3A_599, %dma_wait3A_600] : memref<50x8x128x8x128xf32, #tpu.memory_space<hbm>> -> memref<1x1x1x8x128xf32, #tpu.memory_space<hbm>>
    %dma_wait3A_602 = tpu.memref_squeeze %dma_wait3A_601 : memref<1x1x1x8x128xf32, #tpu.memory_space<hbm>> -> memref<8x128xf32, #tpu.memory_space<hbm>>
    %dma_wait3A_603 = arith.constant 8 : i32
    %dma_wait3A_604 = arith.constant 0 : i32
    %dma_wait3A_605 = tpu.memref_slice %arg13[%dma_wait3A_603, %dma_wait3A_604] : memref<64x128xf32, #tpu.memory_space<vmem>> -> memref<8x128xf32, #tpu.memory_space<vmem>>
    tpu.wait_dma2 semaphore(%arg21 : memref<!tpu.dma_semaphore, #tpu.memory_space<semaphore_mem>>) src(%dma_wait3A_605 : memref<8x128xf32, #tpu.memory_space<vmem>>) dst(%dma_wait3A_602 : memref<8x128xf32, #tpu.memory_space<hbm>>)
    %dma_wait3A_606 = arith.constant 2 : i32
    %dma_wait3A_607 = arith.constant 16 : i32
    %dma_wait3A_608 = arith.constant 0 : i32
    %dma_wait3A_609 = tpu.memref_slice %arg13[%dma_wait3A_607, %dma_wait3A_608] : memref<64x128xf32, #tpu.memory_space<vmem>> -> memref<8x128xf32, #tpu.memory_space<vmem>>
    %dma_wait3A_610 = arith.constant 0 : i32
    %dma_wait3A_611 = arith.constant 0 : i32
    %dma_wait3A_612 = tpu.memref_slice %arg4[%select_n3A_559, %dma_wait3A_606, %select_n3A_575, %dma_wait3A_610, %dma_wait3A_611] : memref<50x8x128x8x128xf32, #tpu.memory_space<hbm>> -> memref<1x1x1x8x128xf32, #tpu.memory_space<hbm>>
    %dma_wait3A_613 = tpu.memref_squeeze %dma_wait3A_612 : memref<1x1x1x8x128xf32, #tpu.memory_space<hbm>> -> memref<8x128xf32, #tpu.memory_space<hbm>>
    %dma_wait3A_614 = arith.constant 0 : i32
    %dma_wait3A_615 = arith.constant 0 : i32
    %dma_wait3A_616 = tpu.memref_slice %arg4[%select_n3A_559, %dma_wait3A_606, %select_n3A_575, %dma_wait3A_614, %dma_wait3A_615] : memref<50x8x128x8x128xf32, #tpu.memory_space<hbm>> -> memref<1x1x1x8x128xf32, #tpu.memory_space<hbm>>
    %dma_wait3A_617 = tpu.memref_squeeze %dma_wait3A_616 : memref<1x1x1x8x128xf32, #tpu.memory_space<hbm>> -> memref<8x128xf32, #tpu.memory_space<hbm>>
    %dma_wait3A_618 = arith.constant 16 : i32
    %dma_wait3A_619 = arith.constant 0 : i32
    %dma_wait3A_620 = tpu.memref_slice %arg13[%dma_wait3A_618, %dma_wait3A_619] : memref<64x128xf32, #tpu.memory_space<vmem>> -> memref<8x128xf32, #tpu.memory_space<vmem>>
    tpu.wait_dma2 semaphore(%arg21 : memref<!tpu.dma_semaphore, #tpu.memory_space<semaphore_mem>>) src(%dma_wait3A_620 : memref<8x128xf32, #tpu.memory_space<vmem>>) dst(%dma_wait3A_617 : memref<8x128xf32, #tpu.memory_space<hbm>>)
    %dma_wait3A_621 = arith.constant 3 : i32
    %dma_wait3A_622 = arith.constant 24 : i32
    %dma_wait3A_623 = arith.constant 0 : i32
    %dma_wait3A_624 = tpu.memref_slice %arg13[%dma_wait3A_622, %dma_wait3A_623] : memref<64x128xf32, #tpu.memory_space<vmem>> -> memref<8x128xf32, #tpu.memory_space<vmem>>
    %dma_wait3A_625 = arith.constant 0 : i32
    %dma_wait3A_626 = arith.constant 0 : i32
    %dma_wait3A_627 = tpu.memref_slice %arg4[%select_n3A_559, %dma_wait3A_621, %select_n3A_575, %dma_wait3A_625, %dma_wait3A_626] : memref<50x8x128x8x128xf32, #tpu.memory_space<hbm>> -> memref<1x1x1x8x128xf32, #tpu.memory_space<hbm>>
    %dma_wait3A_628 = tpu.memref_squeeze %dma_wait3A_627 : memref<1x1x1x8x128xf32, #tpu.memory_space<hbm>> -> memref<8x128xf32, #tpu.memory_space<hbm>>
    %dma_wait3A_629 = arith.constant 0 : i32
    %dma_wait3A_630 = arith.constant 0 : i32
    %dma_wait3A_631 = tpu.memref_slice %arg4[%select_n3A_559, %dma_wait3A_621, %select_n3A_575, %dma_wait3A_629, %dma_wait3A_630] : memref<50x8x128x8x128xf32, #tpu.memory_space<hbm>> -> memref<1x1x1x8x128xf32, #tpu.memory_space<hbm>>
    %dma_wait3A_632 = tpu.memref_squeeze %dma_wait3A_631 : memref<1x1x1x8x128xf32, #tpu.memory_space<hbm>> -> memref<8x128xf32, #tpu.memory_space<hbm>>
    %dma_wait3A_633 = arith.constant 24 : i32
    %dma_wait3A_634 = arith.constant 0 : i32
    %dma_wait3A_635 = tpu.memref_slice %arg13[%dma_wait3A_633, %dma_wait3A_634] : memref<64x128xf32, #tpu.memory_space<vmem>> -> memref<8x128xf32, #tpu.memory_space<vmem>>
    tpu.wait_dma2 semaphore(%arg21 : memref<!tpu.dma_semaphore, #tpu.memory_space<semaphore_mem>>) src(%dma_wait3A_635 : memref<8x128xf32, #tpu.memory_space<vmem>>) dst(%dma_wait3A_632 : memref<8x128xf32, #tpu.memory_space<hbm>>)
    %dma_wait3A_636 = arith.constant 4 : i32
    %dma_wait3A_637 = arith.constant 32 : i32
    %dma_wait3A_638 = arith.constant 0 : i32
    %dma_wait3A_639 = tpu.memref_slice %arg13[%dma_wait3A_637, %dma_wait3A_638] : memref<64x128xf32, #tpu.memory_space<vmem>> -> memref<8x128xf32, #tpu.memory_space<vmem>>
    %dma_wait3A_640 = arith.constant 0 : i32
    %dma_wait3A_641 = arith.constant 0 : i32
    %dma_wait3A_642 = tpu.memref_slice %arg4[%select_n3A_559, %dma_wait3A_636, %select_n3A_575, %dma_wait3A_640, %dma_wait3A_641] : memref<50x8x128x8x128xf32, #tpu.memory_space<hbm>> -> memref<1x1x1x8x128xf32, #tpu.memory_space<hbm>>
    %dma_wait3A_643 = tpu.memref_squeeze %dma_wait3A_642 : memref<1x1x1x8x128xf32, #tpu.memory_space<hbm>> -> memref<8x128xf32, #tpu.memory_space<hbm>>
    %dma_wait3A_644 = arith.constant 0 : i32
    %dma_wait3A_645 = arith.constant 0 : i32
    %dma_wait3A_646 = tpu.memref_slice %arg4[%select_n3A_559, %dma_wait3A_636, %select_n3A_575, %dma_wait3A_644, %dma_wait3A_645] : memref<50x8x128x8x128xf32, #tpu.memory_space<hbm>> -> memref<1x1x1x8x128xf32, #tpu.memory_space<hbm>>
    %dma_wait3A_647 = tpu.memref_squeeze %dma_wait3A_646 : memref<1x1x1x8x128xf32, #tpu.memory_space<hbm>> -> memref<8x128xf32, #tpu.memory_space<hbm>>
    %dma_wait3A_648 = arith.constant 32 : i32
    %dma_wait3A_649 = arith.constant 0 : i32
    %dma_wait3A_650 = tpu.memref_slice %arg13[%dma_wait3A_648, %dma_wait3A_649] : memref<64x128xf32, #tpu.memory_space<vmem>> -> memref<8x128xf32, #tpu.memory_space<vmem>>
    tpu.wait_dma2 semaphore(%arg21 : memref<!tpu.dma_semaphore, #tpu.memory_space<semaphore_mem>>) src(%dma_wait3A_650 : memref<8x128xf32, #tpu.memory_space<vmem>>) dst(%dma_wait3A_647 : memref<8x128xf32, #tpu.memory_space<hbm>>)
    %dma_wait3A_651 = arith.constant 5 : i32
    %dma_wait3A_652 = arith.constant 40 : i32
    %dma_wait3A_653 = arith.constant 0 : i32
    %dma_wait3A_654 = tpu.memref_slice %arg13[%dma_wait3A_652, %dma_wait3A_653] : memref<64x128xf32, #tpu.memory_space<vmem>> -> memref<8x128xf32, #tpu.memory_space<vmem>>
    %dma_wait3A_655 = arith.constant 0 : i32
    %dma_wait3A_656 = arith.constant 0 : i32
    %dma_wait3A_657 = tpu.memref_slice %arg4[%select_n3A_559, %dma_wait3A_651, %select_n3A_575, %dma_wait3A_655, %dma_wait3A_656] : memref<50x8x128x8x128xf32, #tpu.memory_space<hbm>> -> memref<1x1x1x8x128xf32, #tpu.memory_space<hbm>>
    %dma_wait3A_658 = tpu.memref_squeeze %dma_wait3A_657 : memref<1x1x1x8x128xf32, #tpu.memory_space<hbm>> -> memref<8x128xf32, #tpu.memory_space<hbm>>
    %dma_wait3A_659 = arith.constant 0 : i32
    %dma_wait3A_660 = arith.constant 0 : i32
    %dma_wait3A_661 = tpu.memref_slice %arg4[%select_n3A_559, %dma_wait3A_651, %select_n3A_575, %dma_wait3A_659, %dma_wait3A_660] : memref<50x8x128x8x128xf32, #tpu.memory_space<hbm>> -> memref<1x1x1x8x128xf32, #tpu.memory_space<hbm>>
    %dma_wait3A_662 = tpu.memref_squeeze %dma_wait3A_661 : memref<1x1x1x8x128xf32, #tpu.memory_space<hbm>> -> memref<8x128xf32, #tpu.memory_space<hbm>>
    %dma_wait3A_663 = arith.constant 40 : i32
    %dma_wait3A_664 = arith.constant 0 : i32
    %dma_wait3A_665 = tpu.memref_slice %arg13[%dma_wait3A_663, %dma_wait3A_664] : memref<64x128xf32, #tpu.memory_space<vmem>> -> memref<8x128xf32, #tpu.memory_space<vmem>>
    tpu.wait_dma2 semaphore(%arg21 : memref<!tpu.dma_semaphore, #tpu.memory_space<semaphore_mem>>) src(%dma_wait3A_665 : memref<8x128xf32, #tpu.memory_space<vmem>>) dst(%dma_wait3A_662 : memref<8x128xf32, #tpu.memory_space<hbm>>)
    %dma_wait3A_666 = arith.constant 6 : i32
    %dma_wait3A_667 = arith.constant 48 : i32
    %dma_wait3A_668 = arith.constant 0 : i32
    %dma_wait3A_669 = tpu.memref_slice %arg13[%dma_wait3A_667, %dma_wait3A_668] : memref<64x128xf32, #tpu.memory_space<vmem>> -> memref<8x128xf32, #tpu.memory_space<vmem>>
    %dma_wait3A_670 = arith.constant 0 : i32
    %dma_wait3A_671 = arith.constant 0 : i32
    %dma_wait3A_672 = tpu.memref_slice %arg4[%select_n3A_559, %dma_wait3A_666, %select_n3A_575, %dma_wait3A_670, %dma_wait3A_671] : memref<50x8x128x8x128xf32, #tpu.memory_space<hbm>> -> memref<1x1x1x8x128xf32, #tpu.memory_space<hbm>>
    %dma_wait3A_673 = tpu.memref_squeeze %dma_wait3A_672 : memref<1x1x1x8x128xf32, #tpu.memory_space<hbm>> -> memref<8x128xf32, #tpu.memory_space<hbm>>
    %dma_wait3A_674 = arith.constant 0 : i32
    %dma_wait3A_675 = arith.constant 0 : i32
    %dma_wait3A_676 = tpu.memref_slice %arg4[%select_n3A_559, %dma_wait3A_666, %select_n3A_575, %dma_wait3A_674, %dma_wait3A_675] : memref<50x8x128x8x128xf32, #tpu.memory_space<hbm>> -> memref<1x1x1x8x128xf32, #tpu.memory_space<hbm>>
    %dma_wait3A_677 = tpu.memref_squeeze %dma_wait3A_676 : memref<1x1x1x8x128xf32, #tpu.memory_space<hbm>> -> memref<8x128xf32, #tpu.memory_space<hbm>>
    %dma_wait3A_678 = arith.constant 48 : i32
    %dma_wait3A_679 = arith.constant 0 : i32
    %dma_wait3A_680 = tpu.memref_slice %arg13[%dma_wait3A_678, %dma_wait3A_679] : memref<64x128xf32, #tpu.memory_space<vmem>> -> memref<8x128xf32, #tpu.memory_space<vmem>>
    tpu.wait_dma2 semaphore(%arg21 : memref<!tpu.dma_semaphore, #tpu.memory_space<semaphore_mem>>) src(%dma_wait3A_680 : memref<8x128xf32, #tpu.memory_space<vmem>>) dst(%dma_wait3A_677 : memref<8x128xf32, #tpu.memory_space<hbm>>)
    %dma_wait3A_681 = arith.constant 7 : i32
    %dma_wait3A_682 = arith.constant 56 : i32
    %dma_wait3A_683 = arith.constant 0 : i32
    %dma_wait3A_684 = tpu.memref_slice %arg13[%dma_wait3A_682, %dma_wait3A_683] : memref<64x128xf32, #tpu.memory_space<vmem>> -> memref<8x128xf32, #tpu.memory_space<vmem>>
    %dma_wait3A_685 = arith.constant 0 : i32
    %dma_wait3A_686 = arith.constant 0 : i32
    %dma_wait3A_687 = tpu.memref_slice %arg4[%select_n3A_559, %dma_wait3A_681, %select_n3A_575, %dma_wait3A_685, %dma_wait3A_686] : memref<50x8x128x8x128xf32, #tpu.memory_space<hbm>> -> memref<1x1x1x8x128xf32, #tpu.memory_space<hbm>>
    %dma_wait3A_688 = tpu.memref_squeeze %dma_wait3A_687 : memref<1x1x1x8x128xf32, #tpu.memory_space<hbm>> -> memref<8x128xf32, #tpu.memory_space<hbm>>
    %dma_wait3A_689 = arith.constant 0 : i32
    %dma_wait3A_690 = arith.constant 0 : i32
    %dma_wait3A_691 = tpu.memref_slice %arg4[%select_n3A_559, %dma_wait3A_681, %select_n3A_575, %dma_wait3A_689, %dma_wait3A_690] : memref<50x8x128x8x128xf32, #tpu.memory_space<hbm>> -> memref<1x1x1x8x128xf32, #tpu.memory_space<hbm>>
    %dma_wait3A_692 = tpu.memref_squeeze %dma_wait3A_691 : memref<1x1x1x8x128xf32, #tpu.memory_space<hbm>> -> memref<8x128xf32, #tpu.memory_space<hbm>>
    %dma_wait3A_693 = arith.constant 56 : i32
    %dma_wait3A_694 = arith.constant 0 : i32
    %dma_wait3A_695 = tpu.memref_slice %arg13[%dma_wait3A_693, %dma_wait3A_694] : memref<64x128xf32, #tpu.memory_space<vmem>> -> memref<8x128xf32, #tpu.memory_space<vmem>>
    tpu.wait_dma2 semaphore(%arg21 : memref<!tpu.dma_semaphore, #tpu.memory_space<semaphore_mem>>) src(%dma_wait3A_695 : memref<8x128xf32, #tpu.memory_space<vmem>>) dst(%dma_wait3A_692 : memref<8x128xf32, #tpu.memory_space<hbm>>)
    return
  }
}

</mosaic_0001>

<sc_bundles>
// kernel: kernel.3.cloned.1.call-start
scs
__scs_entry_jumppad:
0x0: {  	(pc) =	sbr.rel $0x88, $3  }
0x1: {  	(tag) =	ssettag $0x0;
	lr =	simm.s32 $0x1  }
0x2: {  	[smem:$0x3F9F] =	sst lr;
	_ =	strace $0xD0000000  }
0x3: {  	_ = 	snop  }
0x4: {  	_ = 	snop  }
0x5: {  	_ = 	snop  }
0x6: {  	_ = 	snop  }
0x7: {  	_ = 	snop  }
__scs_overlays_trampoline_lowered:
0x8: {  	[smem:$0x3FAE] =	sst s0  }
0x9: {  	[smem:$0x3FAF] =	sst s1  }
0xa: {  	[smem:$0x3FB0] =	sst s2  }
0xb: {  	[smem:$0x3FB1] =	sst s3  }
0xc: {  	[smem:$0x3FB2] =	sst s4  }
0xd: {  	[smem:$0x3FB3] =	sst s5  }
0xe: {  	[smem:$0x3FB4] =	sst s6  }
0xf: {  	[smem:$0x3FB5] =	sst s7  }
0x10: {  	[smem:$0x3FB6] =	sst s8  }
0x11: {  	[smem:$0x3FB7] =	sst s9;
	s0 =	simm.s32 @!p0 $0x0  }
0x12: {  	s1 =	sld [smem:$0x3F9D];
	s0 =	simm.s32 @p0 $0x1  }
0x13: {  	[smem:$0x3FB8] =	sst s0;
	s0 =	simm.s32 @!p1 $0x0  }
0x14: {  	s2 =	sld [smem:$0x3F9C];
	s0 =	simm.s32 @p1 $0x1  }
0x15: {  	[smem:$0x3FB9] =	sst s0;
	s0 =	simm.s32 @!p2 $0x0  }
0x16: {  	s3 =	sld [smem:$0x3FDB];
	s0 =	simm.s32 @p2 $0x1  }
0x17: {  	s4 =	simm.s32 $0x1BF5;
	[smem:$0x3FBB] =	sst s0  }
0x18: {  	s0 =	sld [smem:$0x3F9E];
	_ =	swait.ge [sflag:s4], $0x0  }
0x19: {  	s7 =	sld [smem:$0x3F9F]  }
0x1a: {  	s8 =	sadd.s32 $0xFFFFE003, lr  }
0x1b: {  	s9 =	sadd.s32 $0xFFFFFEF7, lr;
	s5 =	simm.s32 $0xFFFFFFFF;
	p2 =	slt.u32 s8, $0xFFFFF086  }
0x1c: {  	p1 =	slt.u32 s9, $0xF7A;
	s5 =	simm.s32 @!p2 $0x0  }
0x1d: {  	s5 =	simm.s32 @p1 $0x1;
	p0 =	seq.s32 s7, s2  }
0x1e: {  	s7 =	smul.u32 @!p0 $0xF7A, s2;
	p2 =	seq.s32 @!p0 s5, $0x0  }
0x1f: {  	s9 =	smul.u32 $0xF7A, s1;
	s8 =	simm.s32 @!p0 $0x1BF5;
	p2 =	por !p2, p0  }
0x20: {  	[sflag:s8] =	ssyncset.s32 @!p0 $0xFFFFF086;
	s6 =	sadd.s32 @!p0 s3, s7;
	s7 =	simm.s32 @!p0 $0x108  }
0x21: {  	s3 =	sadd.s32 s3, s9;
	s6 =	sadd.s32 @!p0 $0x88, s6;
	s7 =	simm.s32 @p2 $0x1082  }
0x22: {  	[simem:s7], [sflag:s8] =	dma.local @!p0 [hbm:s6], $0xF7A  }
0x23: {  	s9 =	sor.u32 $0xD0000000, s2;
	s6 =	simm.s32 $0x108;
	_ =	swait.ge @!p0 [sflag:s8], $0x0  }
0x24: {  	s3 =	sadd.s32 $0x88, s3;
	s6 =	simm.s32 @!p1 $0x1082;
	[sflag:s4] =	ssyncset.s32 $0xFFFFF086  }
0x25: {  	[simem:s6], [sflag:s4] =	dma.local [hbm:s3], $0xF7A  }
0x26: {  	[smem:$0x3F9F] =	sst s1;
	(tag) =	ssettag s2;
	_ =	strace s9  }
0x27: {  	s1 =	sld [smem:$0x3FAF]  }
0x28: {  	s2 =	sld [smem:$0x3FB0]  }
0x29: {  	s4 =	sld [smem:$0x3FB2]  }
0x2a: {  	p0 =	seq.s32 s5, $0x0;
	s5 =	sld [smem:$0x3FB3]  }
0x2b: {  	s6 =	sld [smem:$0x3FB4]  }
0x2c: {  	s7 =	sld [smem:$0x3FB5]  }
0x2d: {  	s3 =	simm.s32 $0x108;
	s8 =	sld [smem:$0x3FB6]  }
0x2e: {  	s3 =	simm.s32 @!p0 $0x1082;
	s9 =	sld [smem:$0x3FB7]  }
0x2f: {  	lr =	sadd.s32 s0, s3;
	s0 =	sld [smem:$0x3FAE]  }
0x30: {  	s3 =	sld [smem:$0x3FB1]  }
0x31: {  	[smem:$0x3FBA] =	sst s10  }
0x32: {  	s10 =	sld [smem:$0x3FB8];
	_ =	sdelay $0x3  }
0x33: {  	p0 =	seq.s32 s10, $0x1;
	s10 =	sld [smem:$0x3FBA];
	_ =	sdelay $0x3  }
0x34: {  	[smem:$0x3FBA] =	sst s10  }
0x35: {  	s10 =	sld [smem:$0x3FB9];
	_ =	sdelay $0x3  }
0x36: {  	p1 =	seq.s32 s10, $0x1;
	s10 =	sld [smem:$0x3FBA];
	_ =	sdelay $0x3  }
0x37: {  	[smem:$0x3FBA] =	sst s10  }
0x38: {  	s10 =	sld [smem:$0x3FBB]  }
0x39: {  	_ = 	snop;
	(pc) =	sbr.ind lr, $3  }
0x3a: {  	_ = 	snop  }
0x3b: {  	_ = 	snop  }
0x3c: {  	p2 =	seq.s32 s10, $0x1;
	s10 =	sld [smem:$0x3FBA]  }
0x3d: {  	_ =	shalt  }
0x3e: {  	_ =	shalt  }
0x3f: {  	_ =	shalt  }
0x40: {  	_ =	shalt  }
0x41: {  	_ =	shalt  }
0x42: {  	_ =	shalt  }
0x43: {  	_ =	shalt  }
0x44: {  	_ =	shalt  }
0x45: {  	_ =	shalt  }
0x46: {  	_ =	shalt  }
0x47: {  	_ =	shalt  }
0x48: {  	_ =	shalt  }
0x49: {  	_ =	shalt  }
0x4a: {  	_ =	shalt  }
0x4b: {  	_ =	shalt  }
0x4c: {  	_ =	shalt  }
0x4d: {  	_ =	shalt  }
0x4e: {  	_ =	shalt  }
0x4f: {  	_ =	shalt  }
0x50: {  	_ =	shalt  }
0x51: {  	_ =	shalt  }
0x52: {  	_ =	shalt  }
0x53: {  	_ =	shalt  }
0x54: {  	_ =	shalt  }
0x55: {  	_ =	shalt  }
0x56: {  	_ =	shalt  }
0x57: {  	_ =	shalt  }
0x58: {  	_ =	shalt  }
0x59: {  	_ =	shalt  }
0x5a: {  	_ =	shalt  }
0x5b: {  	_ =	shalt  }
0x5c: {  	_ =	shalt  }
0x5d: {  	_ =	shalt  }
0x5e: {  	_ =	shalt  }
0x5f: {  	_ =	shalt  }
0x60: {  	_ =	shalt  }
0x61: {  	_ =	shalt  }
0x62: {  	_ =	shalt  }
0x63: {  	_ =	shalt  }
0x64: {  	_ =	shalt  }
0x65: {  	_ =	shalt  }
0x66: {  	_ =	shalt  }
0x67: {  	_ =	shalt  }
0x68: {  	_ =	shalt  }
0x69: {  	_ =	shalt  }
0x6a: {  	_ =	shalt  }
0x6b: {  	_ =	shalt  }
0x6c: {  	_ =	shalt  }
0x6d: {  	_ =	shalt  }
0x6e: {  	_ =	shalt  }
0x6f: {  	_ =	shalt  }
0x70: {  	_ =	shalt  }
0x71: {  	_ =	shalt  }
0x72: {  	_ =	shalt  }
0x73: {  	_ =	shalt  }
0x74: {  	_ =	shalt  }
0x75: {  	_ =	shalt  }
0x76: {  	_ =	shalt  }
0x77: {  	_ =	shalt  }
0x78: {  	_ =	shalt  }
0x79: {  	_ =	shalt  }
0x7a: {  	_ =	shalt  }
0x7b: {  	_ =	shalt  }
0x7c: {  	_ =	shalt  }
0x7d: {  	_ =	shalt  }
0x7e: {  	_ =	shalt  }
0x7f: {  	_ =	shalt  }
0x80: {  	_ =	shalt  }
0x81: {  	_ =	shalt  }
0x82: {  	_ =	shalt  }
0x83: {  	_ =	shalt  }
0x84: {  	_ =	shalt  }
0x85: {  	_ =	shalt  }
0x86: {  	_ =	shalt  }
0x87: {  	_ =	shalt  }
.Lfunc_end0:
.L_simem_size_0:
called_computation_lowered:
.L_overlay_start_0:
0x88: {  	s2 =	sld [smem:$0x3FD9]  }
0x89: {  	s3 =	sld [smem:$0x3FFE];
	_ =	sdelay $0x1  }
0x8a: {  	s1 =	srdreg.scid  }
0x8b: {  	s0 =	sand.u32 $0x1, s1  }
0x8c: {  	s17 =	sshll.u32 s0, $0xA;
	s2 =	sadd.s32 s3, s2  }
0x8d: {  	s2 =	sadd.s32 s2, s17  }
0x8e: {  	[smem:$0x3FC6] =	sst s2  }
0x8f: {  	_ = 	snop  }
0x90: {  	s2 =	sld [smem:$0x3FD0];
	(tm) =	ssettm $0x1  }
0x91: {  	s18 =	sld [smem:$0x3FFB];
	_ =	sdelay $0x3  }
0x92: {  	_ =	strace s18  }
0x93: {  	s3 =	sld [smem:$0x3FFC];
	_ =	sdelay $0x3  }
0x94: {  	_ =	strace s3  }
0x95: {  	s3 =	sld [smem:$0x3FFD];
	_ =	sdelay $0x3  }
0x96: {  	_ =	strace s3  }
0x97: {  	_ =	strace $0x8FFFFFFF  }
0x98: {  	s19 =	sld [smem:$0x3FDB];
	_ =	sdelay $0x1  }
0x99: {  	s4 =	simm.s32 $_scs_section_size  }
0x9a: {  	s5 =	simm.s32 $_size__tile_overlayer_lowered;
	s6 =	simm.s32 $_tile_overlayer_lowered  }
0x9b: {  	s22 =	simm.s32 $0x1BFF;
	s21 =	sshll.u32 s6, $0x1;
	s3 =	sadd.s32 s4, s19  }
0x9c: {  	s7 =	simm.s32 $0x0;
	s20 =	sshll.u32 s5, $0x1;
	s5 =	sadd.s32 s21, s3  }
0x9d: {  	[timem:s7], [sflag:s22] =	dma.local [hbm:s5], s20  }
0x9e: {  	_ =	swait.ge [sflag:s22], s20  }
0x9f: {  	s4 =	ssub.s32 $0x0, s20;
	[sflag:s22] =	ssyncset.done $0x0  }
0xa0: {  	[sflag:s22] =	ssyncadd.s32 s4;
	_ =	sdelay $0x1  }
0xa1: {  	s23 =	simm.s32 $0x1B8B  }
0xa2: {  	_ =	swait.ge [sflag:s23], $0x1  }
0xa3: {  	[sflag:s23] =	ssyncset.done $0x0  }
0xa4: {  	s25 =	simm.s32 $0x1B8E;
	s24 =	sld [smem:$0x3FFE];
	[sflag:s23] =	ssyncadd.s32 $0xFFFFFFFF  }
0xa5: {  	s26 =	simm.s32 $execute0_lowered;
	[smem:$0x3FD2] =	sst s25  }
0xa6: {  	s5 =	sshll.u32 s26, $0x1;
	_ =	strace $0x80000046;
	[dreg:$0x1] =	wrdreg $0xFFFFFFFF  }
0xa7: {  	s28 =	simm.s32 $_size_execute0_lowered;
	s3 =	sadd.s32 s3, s5;
	[dreg:$0x0] =	wrdreg $0x0  }
0xa8: {  	s5 =	sshll.u32 s28, $0x1;
	[dreg:$0x2] =	wrdreg s3  }
0xa9: {  	[dreg:$0x3] =	wrdreg s5  }
0xaa: {  	[dreg:$0x4] =	wrdreg $0xC0  }
0xab: {  	_ =	task [dreg:s7], $0x5FFFF  }
0xac: {  	[dreg:$0x1] =	wrdreg $0xFFFFFFFF  }
0xad: {  	[dreg:$0x0] =	wrdreg $0x60  }
0xae: {  	[dreg:$0x2] =	wrdreg s24  }
0xaf: {  	[dreg:$0x3] =	wrdreg s2  }
0xb0: {  	[dreg:$0x4] =	wrdreg $0x9  }
0xb1: {  	_ =	task.clear_ibuf [dreg:s7], $0x5FFFF;
	_ =	strace $0x90000046  }
0xb2: {  	s29 =	simm.s32 $0x9;
	_ =	strace $0x80000048  }
0xb3: {  	_ =	swait.ge [sflag:s29], $0x1  }
0xb4: {  	[sflag:s29] =	ssyncadd.s32 $0xFFFFFFFF  }
0xb5: {  	_ =	strace $0x90000048  }
0xb6: {  	_ =	sfence  }
0xb7: {  	s30 =	sld [smem:$0x0];
	_ =	sdelay $0x2  }
0xb8: {  	s31 =	sshll.u32 s1, $0xD;
	s1 =	sshrl.u32 s1, $0x2  }
0xb9: {  	s3 =	sand.u32 $0x4000, s31;
	s1 =	sadd.s32 s1, s30  }
0xba: {  	s0 =	sor.u32 s3, s0;
	s1 =	sshll.u32 s1, $0x11  }
0xbb: {  	s0 =	sor.u32 s1, s0  }
0xbc: {  	s0 =	sadd.s32 $0x8F2B, s0  }
0xbd: {  	[sflag:s0] =	ssyncadd.remote.s32 $0x1  }
0xbe: {  	_ =	sfence.sel $0xFFFF  }
0xbf: {  	[dreg:$0x0] =	wrdreg $0xFFFFFFFF;
	(pc) =	sbr.abs _section_cstart, $3  }
0xc0: {  	[dreg:$0x1] =	wrdreg $0xFFFFFFFF  }
0xc1: {  	_ =	task.clear_ibuf [dreg:s7], $0x2FFFF;
	_ =	strace $0x9FFFFFFF  }
0xc2: {  	(tm) =	ssettm $0x7FFFFFFF  }
0xc3: {  	_ =	shalt  }
tec
execute0_lowered:
.L_overlay_start_1:
0x0: {  	(tag) =	ssettag $0x1  }
0x1: {  	s0 =	rddreg [dreg:$0x0];
	s1 =	srdreg.scid  }
0x2: {  	s3 =	stileid.u32;
	s2 =	rddreg [dreg:$0x1];
	s16 =	simm.s32 $0x80  }
0x3: {  	s17 =	simm.s32 $0x6400;
	s18 =	simm.s32 $0xA400;
	s20 =	simm.s32 $0xE400  }
0x4: {  	s22 =	simm.s32 $0x12400;
	s23 =	simm.s32 $0x1;
	s24 =	simm.s32 $0x16400  }
0x5: {  	s19 =	simm.s32 $0x18400;
	s29 =	simm.s32 $0x3;
	s30 =	simm.s32 $0x1A400  }
0x6: {  	s28 =	simm.s32 $0x1C400;
	s25 =	simm.s32 $0x1E000;
	s14 =	simm.s32 $0x0  }
0x7: {  	s1 =	sand.u32 $0x1, s1;
	s4 =	sshll.u32 s3, $0x1;
	s3 =	simm.s32 $0x0  }
0x8: {  	s7 =	sadd.s32 $0x4000, s2;
	s8 =	sadd.s32 $0x8000, s2;
	s9 =	sadd.s32 $0xC000, s2  }
0x9: {  	v0 =	vlaneseq.u32;
	s10 =	sadd.s32 $0x10000, s2;
	s11 =	sadd.s32 $0x14000, s2;
	s5 =	sor.u32 s1, s4  }
0xa: {  	s12 =	sadd.s32 $0x18000, s2;
	s13 =	sadd.s32 $0x1C000, s2;
	v1 =	vmul.u32 $0x80, v0;
	s4 =	smul.u32 $0xC80, s5  }
.Ltmp0:
0xb: {  	v3 =	vor.u32 $0x10, v0;
	v5 =	vor.u32 $0x20, v0;
	v7 =	vor.u32 $0x30, v0;
	[smem:$0x7FF] =	sst s3;
	s1 =	ssub.s32 $0x2, s1;
	(pc) =	sbr.rel .LBB2_1-.Ltmp0, $4  }
0xc: {  	v9 =	vor.u32 $0x40, v0;
	v11 =	vor.u32 $0x50, v0;
	v13 =	vor.u32 $0x60, v0;
	_ =	strace $0x80000047;
	s26 =	sshrl.u32 s1, $0x1;
	s6 =	sadd.s32 s4, s0  }
0xd: {  	v15 =	vor.u32 $0x70, v0;
	v2 =	vor.u32 $0x800, v1;
	s4 =	sadd.s32 $0xF5BA00, s0;
	s0 =	ssub.s32 s1, s26;
	s31 =	sadd.s32 $0xF42A00, s6  }
0xe: {  	s5 =	smul.u32 $0xC8, s5;
	v4 =	vor.u32 $0x1000, v1;
	v6 =	vor.u32 $0x1800, v1;
	v8 =	vor.u32 $0x2000, v1;
	s0 =	smax.u32 s0, $0x1;
	[dreg:$0x3] =	wrdreg s31  }
0xf: {  	v10 =	vor.u32 $0x2800, v1;
	v12 =	vor.u32 $0x3000, v1;
	v14 =	vor.u32 $0x3800, v1;
	s26 =	simm.s32 $0x4;
	[dreg:$0x4] =	wrdreg s0;
	s0 =	simm.s32 $0x2  }
.LBB2_12:
0x10: {  	s1 =	simm.s32 $0x5  }
0x11: {  	_ =	swait.ge [sflag:s1], $0x400  }
0x12: {  	[sflag:s1] =	ssyncset.done $0x0  }
0x13: {  	[sflag:s1] =	ssyncadd.s32 $0xFFFFFC00  }
0x14: {  	_ =	swait.ge [sflag:s1], $0x400  }
0x15: {  	[sflag:s1] =	ssyncset.done $0x0  }
0x16: {  	[sflag:s1] =	ssyncadd.s32 $0xFFFFFC00  }
0x17: {  	_ =	swait.ge [sflag:s1], $0x400  }
0x18: {  	[sflag:s1] =	ssyncset.done $0x0  }
0x19: {  	[sflag:s1] =	ssyncadd.s32 $0xFFFFFC00  }
0x1a: {  	_ =	swait.ge [sflag:s1], $0x400  }
0x1b: {  	[sflag:s1] =	ssyncset.done $0x0  }
0x1c: {  	[sflag:s1] =	ssyncadd.s32 $0xFFFFFC00  }
0x1d: {  	_ =	swait.ge [sflag:s1], $0x400  }
0x1e: {  	[sflag:s1] =	ssyncset.done $0x0  }
0x1f: {  	[sflag:s1] =	ssyncadd.s32 $0xFFFFFC00  }
0x20: {  	_ =	swait.ge [sflag:s1], $0x400  }
0x21: {  	[sflag:s1] =	ssyncset.done $0x0  }
0x22: {  	[sflag:s1] =	ssyncadd.s32 $0xFFFFFC00  }
0x23: {  	_ =	swait.ge [sflag:s1], $0x400  }
0x24: {  	[sflag:s1] =	ssyncset.done $0x0  }
0x25: {  	[sflag:s1] =	ssyncadd.s32 $0xFFFFFC00  }
0x26: {  	_ =	swait.ge [sflag:s1], $0x400  }
0x27: {  	[sflag:s1] =	ssyncset.done $0x0  }
0x28: {  	s15 =	simm.s32 $0x6;
	[sflag:s1] =	ssyncadd.s32 $0xFFFFFC00  }
0x29: {  	_ =	swait.ge [sflag:s15], $0x400  }
0x2a: {  	[sflag:s15] =	ssyncset.done $0x0  }
0x2b: {  	[sflag:s15] =	ssyncadd.s32 $0xFFFFFC00  }
0x2c: {  	_ =	swait.ge [sflag:s15], $0x400  }
0x2d: {  	[sflag:s15] =	ssyncset.done $0x0  }
0x2e: {  	[sflag:s15] =	ssyncadd.s32 $0xFFFFFC00  }
0x2f: {  	_ =	swait.ge [sflag:s15], $0x400  }
0x30: {  	[sflag:s15] =	ssyncset.done $0x0  }
0x31: {  	[sflag:s15] =	ssyncadd.s32 $0xFFFFFC00  }
0x32: {  	_ =	swait.ge [sflag:s15], $0x400  }
0x33: {  	[sflag:s15] =	ssyncset.done $0x0  }
0x34: {  	[sflag:s15] =	ssyncadd.s32 $0xFFFFFC00  }
0x35: {  	_ =	swait.ge [sflag:s15], $0x400  }
0x36: {  	[sflag:s15] =	ssyncset.done $0x0  }
0x37: {  	[sflag:s15] =	ssyncadd.s32 $0xFFFFFC00  }
0x38: {  	_ =	swait.ge [sflag:s15], $0x400  }
0x39: {  	[sflag:s15] =	ssyncset.done $0x0  }
0x3a: {  	[sflag:s15] =	ssyncadd.s32 $0xFFFFFC00  }
0x3b: {  	_ =	swait.ge [sflag:s15], $0x400  }
0x3c: {  	[sflag:s15] =	ssyncset.done $0x0  }
0x3d: {  	[sflag:s15] =	ssyncadd.s32 $0xFFFFFC00  }
0x3e: {  	_ =	swait.ge [sflag:s15], $0x400  }
0x3f: {  	[sflag:s15] =	ssyncset.done $0x0  }
0x40: {  	s21 =	simm.s32 $0x7;
	[sflag:s15] =	ssyncadd.s32 $0xFFFFFC00  }
0x41: {  	_ =	swait.ge [sflag:s21], $0x400  }
0x42: {  	[sflag:s21] =	ssyncset.done $0x0  }
0x43: {  	[sflag:s21] =	ssyncadd.s32 $0xFFFFFC00  }
0x44: {  	_ =	swait.ge [sflag:s21], $0x400  }
0x45: {  	[sflag:s21] =	ssyncset.done $0x0  }
0x46: {  	[sflag:s21] =	ssyncadd.s32 $0xFFFFFC00  }
0x47: {  	_ =	swait.ge [sflag:s21], $0x400  }
0x48: {  	[sflag:s21] =	ssyncset.done $0x0  }
0x49: {  	[sflag:s21] =	ssyncadd.s32 $0xFFFFFC00  }
0x4a: {  	_ =	swait.ge [sflag:s21], $0x400  }
0x4b: {  	[sflag:s21] =	ssyncset.done $0x0  }
0x4c: {  	[sflag:s21] =	ssyncadd.s32 $0xFFFFFC00  }
0x4d: {  	_ =	swait.ge [sflag:s21], $0x400  }
0x4e: {  	[sflag:s21] =	ssyncset.done $0x0  }
0x4f: {  	[sflag:s21] =	ssyncadd.s32 $0xFFFFFC00  }
0x50: {  	_ =	swait.ge [sflag:s21], $0x400  }
0x51: {  	[sflag:s21] =	ssyncset.done $0x0  }
0x52: {  	[sflag:s21] =	ssyncadd.s32 $0xFFFFFC00  }
0x53: {  	_ =	swait.ge [sflag:s21], $0x400  }
0x54: {  	[sflag:s21] =	ssyncset.done $0x0  }
0x55: {  	[sflag:s21] =	ssyncadd.s32 $0xFFFFFC00  }
0x56: {  	_ =	swait.ge [sflag:s21], $0x400  }
0x57: {  	[sflag:s21] =	ssyncset.done $0x0  }
0x58: {  	s6 =	simm.s32 $0x8;
	[sflag:s21] =	ssyncadd.s32 $0xFFFFFC00  }
0x59: {  	_ =	swait.ge [sflag:s6], $0x400  }
0x5a: {  	[sflag:s6] =	ssyncset.done $0x0  }
0x5b: {  	[sflag:s6] =	ssyncadd.s32 $0xFFFFFC00  }
0x5c: {  	_ =	swait.ge [sflag:s6], $0x400  }
0x5d: {  	[sflag:s6] =	ssyncset.done $0x0  }
0x5e: {  	[sflag:s6] =	ssyncadd.s32 $0xFFFFFC00  }
0x5f: {  	_ =	swait.ge [sflag:s6], $0x400  }
0x60: {  	[sflag:s6] =	ssyncset.done $0x0  }
0x61: {  	[sflag:s6] =	ssyncadd.s32 $0xFFFFFC00  }
0x62: {  	_ =	swait.ge [sflag:s6], $0x400  }
0x63: {  	[sflag:s6] =	ssyncset.done $0x0  }
0x64: {  	[sflag:s6] =	ssyncadd.s32 $0xFFFFFC00  }
0x65: {  	_ =	swait.ge [sflag:s6], $0x400  }
0x66: {  	[sflag:s6] =	ssyncset.done $0x0  }
0x67: {  	[sflag:s6] =	ssyncadd.s32 $0xFFFFFC00  }
0x68: {  	_ =	swait.ge [sflag:s6], $0x400  }
0x69: {  	[sflag:s6] =	ssyncset.done $0x0  }
0x6a: {  	[sflag:s6] =	ssyncadd.s32 $0xFFFFFC00  }
0x6b: {  	_ =	swait.ge [sflag:s6], $0x400  }
0x6c: {  	[sflag:s6] =	ssyncset.done $0x0  }
0x6d: {  	[sflag:s6] =	ssyncadd.s32 $0xFFFFFC00  }
0x6e: {  	_ =	swait.ge [sflag:s6], $0x400  }
0x6f: {  	s14 =	rddreg [dreg:$0x5]  }
0x70: {  	s31 =	rddreg [dreg:$0x4];
	s14 =	sadd.s32 $0x1, s14  }
0x71: {  	p0 =	sne.s32 s14, s31  }
.Ltmp1:
0x72: {  	_ = 	snop;
	(pc) =	sbr.rel @!p0 .LBB2_13-.Ltmp1, $3  }
0x73: {  	_ =	sdelay $0x1  }
0x74: {  	[sflag:s6] =	ssyncset.done $0x0  }
0x75: {  	[sflag:s6] =	ssyncadd.s32 $0xFFFFFC00  }
.LBB2_1:
0x76: {  	[dreg:$0x5] =	wrdreg s14  }
0x77: {  	s1 =	rddreg [dreg:$0x3];
	s14 =	simm.s32 $0x9  }
0x78: {  	[tilespmem:s3], [sflag:$0x9] =	stream.linear.gather [hbm4b:s1+s3], $0x6400, $0x38;
	[tilespmem:$0x1E400] =	vst v63  }
0x79: {  	_ =	swait.ge [sflag:s14], $0x6400  }
0x7a: {  	[sflag:s14] =	ssyncset.done $0x0  }
0x7b: {  	[sflag:s14] =	ssyncadd.s32 $0xFFFF9C00  }
0x7c: {  	[tilespmem:s17], [sflag:$0x1] =	stream.indirect.gather [hbm4b:s4+s16], $0x80, s3, s16, $0xb8;
	[tilespmem:$0x1E400] =	vst v63  }
0x7d: {  	_ = 	snop  }
0x7e: {  	[tilespmem:s18], [sflag:$0x2] =	stream.indirect.gather [hbm4b:s4+s16], $0x80, s16, s16, $0xb8;
	[tilespmem:$0x1E400] =	vst v63  }
0x7f: {  	s15 =	simm.s32 $0x100  }
0x80: {  	[tilespmem:s20], [sflag:$0x3] =	stream.indirect.gather [hbm4b:s4+s16], $0x80, s15, s16, $0xb8;
	[tilespmem:$0x1E400] =	vst v63  }
0x81: {  	s21 =	simm.s32 $0x180;
	s31 =	simm.s32 $0x0  }
0x82: {  	[tilespmem:s22], [sflag:$0x4] =	stream.indirect.gather [hbm4b:s4+s16], $0x80, s21, s16, $0xb8;
	[tilespmem:$0x1E400] =	vst v63  }
.LBB2_2:
0x83: {  	_ =	swait.ge [sflag:s23], $0x4000  }
0x84: {  	p0 =	seq.s32 s31, $0x0;
	[sflag:s23] =	ssyncset.done $0x0  }
0x85: {  	s1 =	simm.s32 @!p0 $0x5;
	[sflag:s23] =	ssyncadd.s32 $0xFFFFC000  }
0x86: {  	_ =	swait.ge @!p0 [sflag:s1], $0x400  }
0x87: {  	[sflag:s1] =	ssyncset.done @!p0 $0x0  }
0x88: {  	[sflag:s1] =	ssyncadd.s32 @!p0 $0xFFFFFC00  }
0x89: {  	_ =	swait.ge @!p0 [sflag:s1], $0x400  }
0x8a: {  	[sflag:s1] =	ssyncset.done @!p0 $0x0  }
0x8b: {  	[sflag:s1] =	ssyncadd.s32 @!p0 $0xFFFFFC00  }
0x8c: {  	_ =	swait.ge @!p0 [sflag:s1], $0x400  }
0x8d: {  	[sflag:s1] =	ssyncset.done @!p0 $0x0  }
0x8e: {  	[sflag:s1] =	ssyncadd.s32 @!p0 $0xFFFFFC00  }
0x8f: {  	_ =	swait.ge @!p0 [sflag:s1], $0x400  }
0x90: {  	[sflag:s1] =	ssyncset.done @!p0 $0x0  }
0x91: {  	[sflag:s1] =	ssyncadd.s32 @!p0 $0xFFFFFC00  }
0x92: {  	_ =	swait.ge @!p0 [sflag:s1], $0x400  }
0x93: {  	[sflag:s1] =	ssyncset.done @!p0 $0x0  }
0x94: {  	[sflag:s1] =	ssyncadd.s32 @!p0 $0xFFFFFC00  }
0x95: {  	_ =	swait.ge @!p0 [sflag:s1], $0x400  }
0x96: {  	s6 =	simm.s32 $0x0;
	[sflag:s1] =	ssyncset.done @!p0 $0x0  }
0x97: {  	v16 =	vadd.s32 s6, v0;
	[sflag:s1] =	ssyncadd.s32 @!p0 $0xFFFFFC00  }
0x98: {  	v17 =	vand.u32 $0xF, v16;
	_ =	swait.ge @!p0 [sflag:s1], $0x400  }
0x99: {  	v18 =	vor.u32 v1, v17;
	[sflag:s1] =	ssyncset.done @!p0 $0x0  }
0x9a: {  	[sflag:s1] =	ssyncadd.s32 @!p0 $0xFFFFFC00  }
0x9b: {  	_ =	swait.ge @!p0 [sflag:s1], $0x400  }
0x9c: {  	[sflag:s1] =	ssyncset.done @!p0 $0x0  }
0x9d: {  	v19 =	vshll.u32 v17, $0x7;
	[sflag:s1] =	ssyncadd.s32 @!p0 $0xFFFFFC00  }
0x9e: {  	v20 =	vor.u32 v0, v19;
	v18 =	vld.idx.msk [tilespmem:v18+s17+$0x0], $0xffff  }
0x9f: {  	v21 =	vor.u32 v2, v17;
	_ =	sdelay $0x3  }
0xa0: {  	[tilespmem:v20+s24+$0x0] =	vst.idx.msk $0xffff, v18  }
0xa1: {  	v20 =	vor.u32 v3, v19;
	v18 =	vld.idx.msk [tilespmem:v21+s17+$0x0], $0xffff  }
0xa2: {  	v45 =	vor.u32 v4, v17;
	_ =	sdelay $0x3  }
0xa3: {  	[tilespmem:v20+s24+$0x0] =	vst.idx.msk $0xffff, v18  }
0xa4: {  	v20 =	vor.u32 v5, v19;
	v18 =	vld.idx.msk [tilespmem:v45+s17+$0x0], $0xffff  }
0xa5: {  	v46 =	vor.u32 v6, v17;
	_ =	sdelay $0x3  }
0xa6: {  	[tilespmem:v20+s24+$0x0] =	vst.idx.msk $0xffff, v18  }
0xa7: {  	v20 =	vor.u32 v7, v19;
	v18 =	vld.idx.msk [tilespmem:v46+s17+$0x0], $0xffff  }
0xa8: {  	v47 =	vor.u32 v8, v17;
	_ =	sdelay $0x3  }
0xa9: {  	[tilespmem:v20+s24+$0x0] =	vst.idx.msk $0xffff, v18  }
0xaa: {  	v20 =	vor.u32 v9, v19;
	v18 =	vld.idx.msk [tilespmem:v47+s17+$0x0], $0xffff  }
0xab: {  	v48 =	vor.u32 v10, v17;
	_ =	sdelay $0x3  }
0xac: {  	[tilespmem:v20+s24+$0x0] =	vst.idx.msk $0xffff, v18  }
0xad: {  	v20 =	vor.u32 v11, v19;
	v18 =	vld.idx.msk [tilespmem:v48+s17+$0x0], $0xffff  }
0xae: {  	v49 =	vor.u32 v12, v17;
	_ =	sdelay $0x3  }
0xaf: {  	[tilespmem:v20+s24+$0x0] =	vst.idx.msk $0xffff, v18  }
0xb0: {  	v20 =	vor.u32 v13, v19;
	v18 =	vld.idx.msk [tilespmem:v49+s17+$0x0], $0xffff  }
0xb1: {  	v50 =	vor.u32 v14, v17;
	_ =	sdelay $0x3  }
0xb2: {  	[tilespmem:v20+s24+$0x0] =	vst.idx.msk $0xffff, v18;
	v18 =	vor.u32 $0x10, v16  }
0xb3: {  	v19 =	vor.u32 v15, v19;
	v20 =	vld.idx.msk [tilespmem:v50+s17+$0x0], $0xffff;
	v51 =	vand.u32 $0x1F, v18  }
0xb4: {  	v22 =	vor.u32 v1, v51;
	_ =	sdelay $0x3  }
0xb5: {  	v18 =	vshll.u32 v18, $0x7;
	[tilespmem:v19+s24+$0x0] =	vst.idx.msk $0xffff, v20  }
0xb6: {  	v20 =	vor.u32 v0, v18;
	v19 =	vld.idx.msk [tilespmem:v22+s17+$0x0], $0xffff  }
0xb7: {  	v52 =	vor.u32 v2, v51;
	_ =	sdelay $0x3  }
0xb8: {  	[tilespmem:v20+s24+$0x0] =	vst.idx.msk $0xffff, v19  }
0xb9: {  	v20 =	vor.u32 v3, v18;
	v19 =	vld.idx.msk [tilespmem:v52+s17+$0x0], $0xffff  }
0xba: {  	v53 =	vor.u32 v4, v51;
	_ =	sdelay $0x3  }
0xbb: {  	[tilespmem:v20+s24+$0x0] =	vst.idx.msk $0xffff, v19  }
0xbc: {  	v20 =	vor.u32 v5, v18;
	v19 =	vld.idx.msk [tilespmem:v53+s17+$0x0], $0xffff  }
0xbd: {  	v54 =	vor.u32 v6, v51;
	_ =	sdelay $0x3  }
0xbe: {  	[tilespmem:v20+s24+$0x0] =	vst.idx.msk $0xffff, v19  }
0xbf: {  	v20 =	vor.u32 v7, v18;
	v19 =	vld.idx.msk [tilespmem:v54+s17+$0x0], $0xffff  }
0xc0: {  	v55 =	vor.u32 v8, v51;
	_ =	sdelay $0x3  }
0xc1: {  	[tilespmem:v20+s24+$0x0] =	vst.idx.msk $0xffff, v19  }
0xc2: {  	v20 =	vor.u32 v9, v18;
	v19 =	vld.idx.msk [tilespmem:v55+s17+$0x0], $0xffff  }
0xc3: {  	v56 =	vor.u32 v10, v51;
	_ =	sdelay $0x3  }
0xc4: {  	[tilespmem:v20+s24+$0x0] =	vst.idx.msk $0xffff, v19  }
0xc5: {  	v20 =	vor.u32 v11, v18;
	v19 =	vld.idx.msk [tilespmem:v56+s17+$0x0], $0xffff  }
0xc6: {  	v57 =	vor.u32 v12, v51;
	_ =	sdelay $0x3  }
0xc7: {  	[tilespmem:v20+s24+$0x0] =	vst.idx.msk $0xffff, v19  }
0xc8: {  	v20 =	vor.u32 v13, v18;
	v19 =	vld.idx.msk [tilespmem:v57+s17+$0x0], $0xffff  }
0xc9: {  	v21 =	vor.u32 v14, v51;
	_ =	sdelay $0x2  }
0xca: {  	v17 =	vor.u32 $0x20, v17  }
0xcb: {  	[tilespmem:v20+s24+$0x0] =	vst.idx.msk $0xffff, v19;
	v19 =	vand.u32 $0x7, v16;
	v20 =	vand.u32 $0x28, v17  }
0xcc: {  	v18 =	vor.u32 v15, v18;
	v21 =	vld.idx.msk [tilespmem:v21+s17+$0x0], $0xffff;
	v19 =	vor.u32 v19, v20  }
0xcd: {  	v20 =	vor.u32 v1, v19;
	_ =	sdelay $0x3  }
0xce: {  	v17 =	vshll.u32 v17, $0x7;
	[tilespmem:v18+s24+$0x0] =	vst.idx.msk $0xffff, v21  }
0xcf: {  	v18 =	vld.idx.msk [tilespmem:v20+s17+$0x0], $0xffff;
	v20 =	vor.u32 v0, v17  }
0xd0: {  	v58 =	vor.u32 v2, v19;
	_ =	sdelay $0x3  }
0xd1: {  	[tilespmem:v20+s24+$0x0] =	vst.idx.msk $0xffff, v18  }
0xd2: {  	v20 =	vor.u32 v3, v17;
	v18 =	vld.idx.msk [tilespmem:v58+s17+$0x0], $0xffff  }
0xd3: {  	v59 =	vor.u32 v4, v19;
	_ =	sdelay $0x3  }
0xd4: {  	[tilespmem:v20+s24+$0x0] =	vst.idx.msk $0xffff, v18  }
0xd5: {  	v20 =	vor.u32 v5, v17;
	v18 =	vld.idx.msk [tilespmem:v59+s17+$0x0], $0xffff  }
0xd6: {  	v60 =	vor.u32 v6, v19;
	_ =	sdelay $0x3  }
0xd7: {  	[tilespmem:v20+s24+$0x0] =	vst.idx.msk $0xffff, v18  }
0xd8: {  	v20 =	vor.u32 v7, v17;
	v18 =	vld.idx.msk [tilespmem:v60+s17+$0x0], $0xffff  }
0xd9: {  	v61 =	vor.u32 v8, v19;
	_ =	sdelay $0x3  }
0xda: {  	[tilespmem:v20+s24+$0x0] =	vst.idx.msk $0xffff, v18  }
0xdb: {  	v20 =	vor.u32 v9, v17;
	v18 =	vld.idx.msk [tilespmem:v61+s17+$0x0], $0xffff  }
0xdc: {  	v62 =	vor.u32 v10, v19;
	_ =	sdelay $0x3  }
0xdd: {  	[tilespmem:v20+s24+$0x0] =	vst.idx.msk $0xffff, v18  }
0xde: {  	v20 =	vor.u32 v11, v17;
	v18 =	vld.idx.msk [tilespmem:v62+s17+$0x0], $0xffff  }
0xdf: {  	v63 =	vor.u32 v12, v19;
	_ =	sdelay $0x3  }
0xe0: {  	[tilespmem:v20+s24+$0x0] =	vst.idx.msk $0xffff, v18  }
0xe1: {  	v20 =	vor.u32 v13, v17;
	v18 =	vld.idx.msk [tilespmem:v63+s17+$0x0], $0xffff  }
0xe2: {  	v19 =	vor.u32 v14, v19;
	_ =	sdelay $0x3  }
0xe3: {  	v16 =	vor.u32 $0x30, v16;
	[tilespmem:v20+s24+$0x0] =	vst.idx.msk $0xffff, v18  }
0xe4: {  	v17 =	vor.u32 v15, v17;
	v18 =	vld.idx.msk [tilespmem:v19+s17+$0x0], $0xffff;
	v19 =	vand.u32 $0x3F, v16  }
0xe5: {  	v20 =	vor.u32 v1, v19;
	_ =	sdelay $0x3  }
0xe6: {  	[tilespmem:v17+s24+$0x0] =	vst.idx.msk $0xffff, v18;
	v18 =	vshll.u32 v16, $0x7  }
0xe7: {  	v16 =	vld.idx.msk [tilespmem:v20+s17+$0x0], $0xffff;
	v17 =	vor.u32 v0, v18  }
0xe8: {  	v20 =	vor.u32 v2, v19;
	_ =	sdelay $0x3  }
0xe9: {  	[tilespmem:v17+s24+$0x0] =	vst.idx.msk $0xffff, v16  }
0xea: {  	v17 =	vor.u32 v3, v18;
	v16 =	vld.idx.msk [tilespmem:v20+s17+$0x0], $0xffff  }
0xeb: {  	v20 =	vor.u32 v4, v19;
	_ =	sdelay $0x3  }
0xec: {  	[tilespmem:v17+s24+$0x0] =	vst.idx.msk $0xffff, v16  }
0xed: {  	v17 =	vor.u32 v5, v18;
	v16 =	vld.idx.msk [tilespmem:v20+s17+$0x0], $0xffff  }
0xee: {  	v20 =	vor.u32 v6, v19;
	_ =	sdelay $0x3  }
0xef: {  	[tilespmem:v17+s24+$0x0] =	vst.idx.msk $0xffff, v16  }
0xf0: {  	v17 =	vor.u32 v7, v18;
	v16 =	vld.idx.msk [tilespmem:v20+s17+$0x0], $0xffff  }
0xf1: {  	v20 =	vor.u32 v8, v19;
	_ =	sdelay $0x3  }
0xf2: {  	[tilespmem:v17+s24+$0x0] =	vst.idx.msk $0xffff, v16  }
0xf3: {  	v17 =	vor.u32 v9, v18;
	v16 =	vld.idx.msk [tilespmem:v20+s17+$0x0], $0xffff  }
0xf4: {  	v20 =	vor.u32 v10, v19;
	_ =	sdelay $0x3  }
0xf5: {  	[tilespmem:v17+s24+$0x0] =	vst.idx.msk $0xffff, v16  }
0xf6: {  	v17 =	vor.u32 v11, v18;
	v16 =	vld.idx.msk [tilespmem:v20+s17+$0x0], $0xffff  }
0xf7: {  	v20 =	vor.u32 v12, v19;
	_ =	sdelay $0x3  }
0xf8: {  	[tilespmem:v17+s24+$0x0] =	vst.idx.msk $0xffff, v16  }
0xf9: {  	v17 =	vor.u32 v13, v18;
	v16 =	vld.idx.msk [tilespmem:v20+s17+$0x0], $0xffff  }
0xfa: {  	v19 =	vor.u32 v14, v19;
	_ =	sdelay $0x3  }
0xfb: {  	s21 =	simm.s32 $0x1;
	[tilespmem:v17+s24+$0x0] =	vst.idx.msk $0xffff, v16  }
0xfc: {  	s6 =	simm.s32 $0x2;
	s1 =	sshll.u32 s31, $0x2;
	v16 =	vadd.s32 s21, v0;
	v19 =	vld.idx.msk [tilespmem:v19+s17+$0x0], $0xffff  }
.LBB2_3:
0xfd: {  	p1 =	sne.s32 s6, $0xF;
	v17 =	vand.u32 $0xF, v16;
	v18 =	vor.u32 v15, v18  }
0xfe: {  	v20 =	vor.u32 v1, v17;
	_ =	sdelay $0x3  }
0xff: {  	[tilespmem:v18+s24+$0x0] =	vst.idx.msk $0xffff, v19  }
0x100: {  	v19 =	vshll.u32 v17, $0x7;
	v18 =	vld.idx.msk [tilespmem:v20+s17+$0x0], $0xffff  }
0x101: {  	v20 =	vor.u32 v0, v19  }
0x102: {  	v21 =	vor.u32 v2, v17;
	_ =	sdelay $0x3  }
0x103: {  	[tilespmem:v20+s24+$0x0] =	vst.idx.msk $0xffff, v18  }
0x104: {  	v18 =	vld.idx.msk [tilespmem:v21+s17+$0x0], $0xffff  }
0x105: {  	v20 =	vor.u32 v3, v19  }
0x106: {  	v21 =	vor.u32 v4, v17;
	_ =	sdelay $0x3  }
0x107: {  	[tilespmem:v20+s24+$0x0] =	vst.idx.msk $0xffff, v18  }
0x108: {  	v18 =	vld.idx.msk [tilespmem:v21+s17+$0x0], $0xffff  }
0x109: {  	v20 =	vor.u32 v5, v19  }
0x10a: {  	v21 =	vor.u32 v6, v17;
	_ =	sdelay $0x3  }
0x10b: {  	[tilespmem:v20+s24+$0x0] =	vst.idx.msk $0xffff, v18  }
0x10c: {  	v18 =	vld.idx.msk [tilespmem:v21+s17+$0x0], $0xffff  }
0x10d: {  	v20 =	vor.u32 v7, v19  }
0x10e: {  	v21 =	vor.u32 v8, v17;
	_ =	sdelay $0x3  }
0x10f: {  	[tilespmem:v20+s24+$0x0] =	vst.idx.msk $0xffff, v18  }
0x110: {  	v18 =	vld.idx.msk [tilespmem:v21+s17+$0x0], $0xffff  }
0x111: {  	v20 =	vor.u32 v9, v19  }
0x112: {  	v21 =	vor.u32 v10, v17;
	_ =	sdelay $0x3  }
0x113: {  	[tilespmem:v20+s24+$0x0] =	vst.idx.msk $0xffff, v18  }
0x114: {  	v18 =	vld.idx.msk [tilespmem:v21+s17+$0x0], $0xffff  }
0x115: {  	v20 =	vor.u32 v11, v19  }
0x116: {  	v21 =	vor.u32 v12, v17;
	_ =	sdelay $0x3  }
0x117: {  	[tilespmem:v20+s24+$0x0] =	vst.idx.msk $0xffff, v18  }
0x118: {  	v18 =	vld.idx.msk [tilespmem:v21+s17+$0x0], $0xffff  }
0x119: {  	v20 =	vor.u32 v13, v19  }
0x11a: {  	v21 =	vor.u32 v14, v17;
	_ =	sdelay $0x3  }
0x11b: {  	[tilespmem:v20+s24+$0x0] =	vst.idx.msk $0xffff, v18  }
0x11c: {  	v18 =	vor.u32 $0x10, v16;
	v20 =	vld.idx.msk [tilespmem:v21+s17+$0x0], $0xffff  }
0x11d: {  	v19 =	vor.u32 v15, v19;
	v21 =	vand.u32 $0x1F, v18  }
0x11e: {  	v22 =	vor.u32 v1, v21;
	_ =	sdelay $0x3  }
0x11f: {  	[tilespmem:v19+s24+$0x0] =	vst.idx.msk $0xffff, v20  }
0x120: {  	v18 =	vshll.u32 v18, $0x7;
	v19 =	vld.idx.msk [tilespmem:v22+s17+$0x0], $0xffff  }
0x121: {  	v20 =	vor.u32 v0, v18  }
0x122: {  	v22 =	vor.u32 v2, v21;
	_ =	sdelay $0x3  }
0x123: {  	[tilespmem:v20+s24+$0x0] =	vst.idx.msk $0xffff, v19  }
0x124: {  	v19 =	vld.idx.msk [tilespmem:v22+s17+$0x0], $0xffff  }
0x125: {  	v20 =	vor.u32 v3, v18  }
0x126: {  	v22 =	vor.u32 v4, v21;
	_ =	sdelay $0x3  }
0x127: {  	[tilespmem:v20+s24+$0x0] =	vst.idx.msk $0xffff, v19  }
0x128: {  	v19 =	vld.idx.msk [tilespmem:v22+s17+$0x0], $0xffff  }
0x129: {  	v20 =	vor.u32 v5, v18  }
0x12a: {  	v22 =	vor.u32 v6, v21;
	_ =	sdelay $0x3  }
0x12b: {  	[tilespmem:v20+s24+$0x0] =	vst.idx.msk $0xffff, v19  }
0x12c: {  	v19 =	vld.idx.msk [tilespmem:v22+s17+$0x0], $0xffff  }
0x12d: {  	v20 =	vor.u32 v7, v18  }
0x12e: {  	v22 =	vor.u32 v8, v21;
	_ =	sdelay $0x3  }
0x12f: {  	[tilespmem:v20+s24+$0x0] =	vst.idx.msk $0xffff, v19  }
0x130: {  	v19 =	vld.idx.msk [tilespmem:v22+s17+$0x0], $0xffff  }
0x131: {  	v20 =	vor.u32 v9, v18  }
0x132: {  	v22 =	vor.u32 v10, v21;
	_ =	sdelay $0x3  }
0x133: {  	[tilespmem:v20+s24+$0x0] =	vst.idx.msk $0xffff, v19  }
0x134: {  	v19 =	vld.idx.msk [tilespmem:v22+s17+$0x0], $0xffff  }
0x135: {  	v20 =	vor.u32 v11, v18  }
0x136: {  	v22 =	vor.u32 v12, v21;
	_ =	sdelay $0x3  }
0x137: {  	[tilespmem:v20+s24+$0x0] =	vst.idx.msk $0xffff, v19  }
0x138: {  	v19 =	vld.idx.msk [tilespmem:v22+s17+$0x0], $0xffff  }
0x139: {  	v20 =	vor.u32 v13, v18  }
0x13a: {  	v21 =	vor.u32 v14, v21;
	_ =	sdelay $0x3  }
0x13b: {  	v17 =	vor.u32 $0x20, v17;
	[tilespmem:v20+s24+$0x0] =	vst.idx.msk $0xffff, v19  }
0x13c: {  	v19 =	vand.u32 $0x7, v16;
	v20 =	vld.idx.msk [tilespmem:v21+s17+$0x0], $0xffff;
	v21 =	vand.u32 $0x28, v17  }
0x13d: {  	v18 =	vor.u32 v15, v18;
	v19 =	vor.u32 v19, v21  }
0x13e: {  	v21 =	vor.u32 v1, v19;
	_ =	sdelay $0x3  }
0x13f: {  	[tilespmem:v18+s24+$0x0] =	vst.idx.msk $0xffff, v20  }
0x140: {  	v17 =	vshll.u32 v17, $0x7;
	v18 =	vld.idx.msk [tilespmem:v21+s17+$0x0], $0xffff  }
0x141: {  	v20 =	vor.u32 v0, v17  }
0x142: {  	v21 =	vor.u32 v2, v19;
	_ =	sdelay $0x3  }
0x143: {  	[tilespmem:v20+s24+$0x0] =	vst.idx.msk $0xffff, v18  }
0x144: {  	v18 =	vld.idx.msk [tilespmem:v21+s17+$0x0], $0xffff  }
0x145: {  	v20 =	vor.u32 v3, v17  }
0x146: {  	v21 =	vor.u32 v4, v19;
	_ =	sdelay $0x3  }
0x147: {  	[tilespmem:v20+s24+$0x0] =	vst.idx.msk $0xffff, v18  }
0x148: {  	v18 =	vld.idx.msk [tilespmem:v21+s17+$0x0], $0xffff  }
0x149: {  	v20 =	vor.u32 v5, v17  }
0x14a: {  	v21 =	vor.u32 v6, v19;
	_ =	sdelay $0x3  }
0x14b: {  	[tilespmem:v20+s24+$0x0] =	vst.idx.msk $0xffff, v18  }
0x14c: {  	v18 =	vld.idx.msk [tilespmem:v21+s17+$0x0], $0xffff  }
0x14d: {  	v20 =	vor.u32 v7, v17  }
0x14e: {  	v21 =	vor.u32 v8, v19;
	_ =	sdelay $0x3  }
0x14f: {  	[tilespmem:v20+s24+$0x0] =	vst.idx.msk $0xffff, v18  }
0x150: {  	v18 =	vld.idx.msk [tilespmem:v21+s17+$0x0], $0xffff  }
0x151: {  	v20 =	vor.u32 v9, v17  }
0x152: {  	v21 =	vor.u32 v10, v19;
	_ =	sdelay $0x3  }
0x153: {  	[tilespmem:v20+s24+$0x0] =	vst.idx.msk $0xffff, v18  }
0x154: {  	v18 =	vld.idx.msk [tilespmem:v21+s17+$0x0], $0xffff  }
0x155: {  	v20 =	vor.u32 v11, v17  }
0x156: {  	v21 =	vor.u32 v12, v19;
	_ =	sdelay $0x3  }
0x157: {  	[tilespmem:v20+s24+$0x0] =	vst.idx.msk $0xffff, v18  }
0x158: {  	v18 =	vld.idx.msk [tilespmem:v21+s17+$0x0], $0xffff  }
0x159: {  	v20 =	vor.u32 v13, v17  }
0x15a: {  	v19 =	vor.u32 v14, v19;
	_ =	sdelay $0x3  }
0x15b: {  	[tilespmem:v20+s24+$0x0] =	vst.idx.msk $0xffff, v18  }
0x15c: {  	v16 =	vor.u32 $0x30, v16;
	v18 =	vld.idx.msk [tilespmem:v19+s17+$0x0], $0xffff  }
0x15d: {  	v17 =	vor.u32 v15, v17;
	v19 =	vand.u32 $0x3F, v16  }
0x15e: {  	v20 =	vor.u32 v1, v19;
	_ =	sdelay $0x3  }
0x15f: {  	[tilespmem:v17+s24+$0x0] =	vst.idx.msk $0xffff, v18  }
0x160: {  	v18 =	vshll.u32 v16, $0x7;
	v17 =	vld.idx.msk [tilespmem:v20+s17+$0x0], $0xffff  }
0x161: {  	v16 =	vor.u32 v0, v18  }
0x162: {  	v20 =	vor.u32 v2, v19;
	_ =	sdelay $0x3  }
0x163: {  	[tilespmem:v16+s24+$0x0] =	vst.idx.msk $0xffff, v17  }
0x164: {  	v16 =	vld.idx.msk [tilespmem:v20+s17+$0x0], $0xffff  }
0x165: {  	v17 =	vor.u32 v3, v18  }
0x166: {  	v20 =	vor.u32 v4, v19;
	_ =	sdelay $0x3  }
0x167: {  	[tilespmem:v17+s24+$0x0] =	vst.idx.msk $0xffff, v16  }
0x168: {  	v16 =	vld.idx.msk [tilespmem:v20+s17+$0x0], $0xffff  }
0x169: {  	v17 =	vor.u32 v5, v18  }
0x16a: {  	v20 =	vor.u32 v6, v19;
	_ =	sdelay $0x3  }
0x16b: {  	[tilespmem:v17+s24+$0x0] =	vst.idx.msk $0xffff, v16  }
0x16c: {  	v16 =	vld.idx.msk [tilespmem:v20+s17+$0x0], $0xffff  }
0x16d: {  	v17 =	vor.u32 v7, v18  }
0x16e: {  	v20 =	vor.u32 v8, v19;
	_ =	sdelay $0x3  }
0x16f: {  	[tilespmem:v17+s24+$0x0] =	vst.idx.msk $0xffff, v16  }
0x170: {  	v16 =	vld.idx.msk [tilespmem:v20+s17+$0x0], $0xffff  }
0x171: {  	v17 =	vor.u32 v9, v18  }
0x172: {  	v20 =	vor.u32 v10, v19;
	_ =	sdelay $0x3  }
0x173: {  	[tilespmem:v17+s24+$0x0] =	vst.idx.msk $0xffff, v16  }
0x174: {  	v16 =	vld.idx.msk [tilespmem:v20+s17+$0x0], $0xffff  }
0x175: {  	v17 =	vor.u32 v11, v18  }
0x176: {  	v20 =	vor.u32 v12, v19;
	_ =	sdelay $0x3  }
0x177: {  	[tilespmem:v17+s24+$0x0] =	vst.idx.msk $0xffff, v16  }
0x178: {  	v16 =	vld.idx.msk [tilespmem:v20+s17+$0x0], $0xffff  }
0x179: {  	v17 =	vor.u32 v13, v18  }
0x17a: {  	v19 =	vor.u32 v14, v19  }
.Ltmp2:
0x17b: {  	(pc) =	sbr.rel @p1 .LBB2_3-.Ltmp2, $3  }
0x17c: {  	_ =	sdelay $0x1  }
0x17d: {  	[tilespmem:v17+s24+$0x0] =	vst.idx.msk $0xffff, v16  }
0x17e: {  	v16 =	vadd.s32 s6, v0;
	s6 =	sadd.s32 $0x1, s6;
	v19 =	vld.idx.msk [tilespmem:v19+s17+$0x0], $0xffff  }
0x17f: {  	v17 =	vand.u32 $0xF, v16;
	v18 =	vor.u32 v15, v18  }
0x180: {  	v20 =	vor.u32 v1, v17;
	_ =	sdelay $0x3  }
0x181: {  	[tilespmem:v18+s24+$0x0] =	vst.idx.msk $0xffff, v19;
	v18 =	vshll.u32 v17, $0x7  }
0x182: {  	v19 =	vld.idx.msk [tilespmem:v20+s17+$0x0], $0xffff;
	v20 =	vor.u32 v0, v18  }
0x183: {  	v21 =	vor.u32 v2, v17;
	_ =	sdelay $0x3  }
0x184: {  	[tilespmem:v20+s24+$0x0] =	vst.idx.msk $0xffff, v19  }
0x185: {  	v20 =	vor.u32 v3, v18;
	v19 =	vld.idx.msk [tilespmem:v21+s17+$0x0], $0xffff  }
0x186: {  	v24 =	vor.u32 v4, v17;
	_ =	sdelay $0x3  }
0x187: {  	[tilespmem:v20+s24+$0x0] =	vst.idx.msk $0xffff, v19  }
0x188: {  	v20 =	vor.u32 v5, v18;
	v19 =	vld.idx.msk [tilespmem:v24+s17+$0x0], $0xffff  }
0x189: {  	v25 =	vor.u32 v6, v17;
	_ =	sdelay $0x3  }
0x18a: {  	[tilespmem:v20+s24+$0x0] =	vst.idx.msk $0xffff, v19  }
0x18b: {  	v20 =	vor.u32 v7, v18;
	v19 =	vld.idx.msk [tilespmem:v25+s17+$0x0], $0xffff  }
0x18c: {  	v26 =	vor.u32 v8, v17;
	_ =	sdelay $0x3  }
0x18d: {  	[tilespmem:v20+s24+$0x0] =	vst.idx.msk $0xffff, v19  }
0x18e: {  	v20 =	vor.u32 v9, v18;
	v19 =	vld.idx.msk [tilespmem:v26+s17+$0x0], $0xffff  }
0x18f: {  	v27 =	vor.u32 v10, v17;
	_ =	sdelay $0x3  }
0x190: {  	[tilespmem:v20+s24+$0x0] =	vst.idx.msk $0xffff, v19  }
0x191: {  	v20 =	vor.u32 v11, v18;
	v19 =	vld.idx.msk [tilespmem:v27+s17+$0x0], $0xffff  }
0x192: {  	v28 =	vor.u32 v12, v17;
	_ =	sdelay $0x3  }
0x193: {  	[tilespmem:v20+s24+$0x0] =	vst.idx.msk $0xffff, v19  }
0x194: {  	v20 =	vor.u32 v13, v18;
	v19 =	vld.idx.msk [tilespmem:v28+s17+$0x0], $0xffff  }
0x195: {  	v29 =	vor.u32 v14, v17;
	_ =	sdelay $0x3  }
0x196: {  	[tilespmem:v20+s24+$0x0] =	vst.idx.msk $0xffff, v19;
	v19 =	vor.u32 $0x10, v16  }
0x197: {  	v18 =	vor.u32 v15, v18;
	v20 =	vld.idx.msk [tilespmem:v29+s17+$0x0], $0xffff;
	v30 =	vand.u32 $0x1F, v19  }
0x198: {  	v22 =	vor.u32 v1, v30;
	_ =	sdelay $0x3  }
0x199: {  	[tilespmem:v18+s24+$0x0] =	vst.idx.msk $0xffff, v20;
	v18 =	vshll.u32 v19, $0x7  }
0x19a: {  	v19 =	vld.idx.msk [tilespmem:v22+s17+$0x0], $0xffff;
	v20 =	vor.u32 v0, v18  }
0x19b: {  	v31 =	vor.u32 v2, v30;
	_ =	sdelay $0x3  }
0x19c: {  	[tilespmem:v20+s24+$0x0] =	vst.idx.msk $0xffff, v19  }
0x19d: {  	v20 =	vor.u32 v3, v18;
	v19 =	vld.idx.msk [tilespmem:v31+s17+$0x0], $0xffff  }
0x19e: {  	v32 =	vor.u32 v4, v30;
	_ =	sdelay $0x3  }
0x19f: {  	[tilespmem:v20+s24+$0x0] =	vst.idx.msk $0xffff, v19  }
0x1a0: {  	v20 =	vor.u32 v5, v18;
	v19 =	vld.idx.msk [tilespmem:v32+s17+$0x0], $0xffff  }
0x1a1: {  	v33 =	vor.u32 v6, v30;
	_ =	sdelay $0x3  }
0x1a2: {  	[tilespmem:v20+s24+$0x0] =	vst.idx.msk $0xffff, v19  }
0x1a3: {  	v20 =	vor.u32 v7, v18;
	v19 =	vld.idx.msk [tilespmem:v33+s17+$0x0], $0xffff  }
0x1a4: {  	v34 =	vor.u32 v8, v30;
	_ =	sdelay $0x3  }
0x1a5: {  	[tilespmem:v20+s24+$0x0] =	vst.idx.msk $0xffff, v19  }
0x1a6: {  	v20 =	vor.u32 v9, v18;
	v19 =	vld.idx.msk [tilespmem:v34+s17+$0x0], $0xffff  }
0x1a7: {  	v35 =	vor.u32 v10, v30;
	_ =	sdelay $0x3  }
0x1a8: {  	[tilespmem:v20+s24+$0x0] =	vst.idx.msk $0xffff, v19  }
0x1a9: {  	v20 =	vor.u32 v11, v18;
	v19 =	vld.idx.msk [tilespmem:v35+s17+$0x0], $0xffff  }
0x1aa: {  	v36 =	vor.u32 v12, v30;
	_ =	sdelay $0x3  }
0x1ab: {  	[tilespmem:v20+s24+$0x0] =	vst.idx.msk $0xffff, v19  }
0x1ac: {  	v20 =	vor.u32 v13, v18;
	v19 =	vld.idx.msk [tilespmem:v36+s17+$0x0], $0xffff  }
0x1ad: {  	v21 =	vor.u32 v14, v30;
	_ =	sdelay $0x2  }
0x1ae: {  	v17 =	vor.u32 $0x20, v17  }
0x1af: {  	[tilespmem:v20+s24+$0x0] =	vst.idx.msk $0xffff, v19;
	v19 =	vand.u32 $0x7, v16;
	v20 =	vand.u32 $0x28, v17  }
0x1b0: {  	v18 =	vor.u32 v15, v18;
	v21 =	vld.idx.msk [tilespmem:v21+s17+$0x0], $0xffff;
	v19 =	vor.u32 v19, v20  }
0x1b1: {  	v20 =	vor.u32 v1, v19;
	_ =	sdelay $0x3  }
0x1b2: {  	v17 =	vshll.u32 v17, $0x7;
	[tilespmem:v18+s24+$0x0] =	vst.idx.msk $0xffff, v21  }
0x1b3: {  	v18 =	vld.idx.msk [tilespmem:v20+s17+$0x0], $0xffff;
	v20 =	vor.u32 v0, v17  }
0x1b4: {  	v37 =	vor.u32 v2, v19;
	_ =	sdelay $0x3  }
0x1b5: {  	[tilespmem:v20+s24+$0x0] =	vst.idx.msk $0xffff, v18  }
0x1b6: {  	v20 =	vor.u32 v3, v17;
	v18 =	vld.idx.msk [tilespmem:v37+s17+$0x0], $0xffff  }
0x1b7: {  	v38 =	vor.u32 v4, v19;
	_ =	sdelay $0x3  }
0x1b8: {  	[tilespmem:v20+s24+$0x0] =	vst.idx.msk $0xffff, v18  }
0x1b9: {  	v20 =	vor.u32 v5, v17;
	v18 =	vld.idx.msk [tilespmem:v38+s17+$0x0], $0xffff  }
0x1ba: {  	v39 =	vor.u32 v6, v19;
	_ =	sdelay $0x3  }
0x1bb: {  	[tilespmem:v20+s24+$0x0] =	vst.idx.msk $0xffff, v18  }
0x1bc: {  	v20 =	vor.u32 v7, v17;
	v18 =	vld.idx.msk [tilespmem:v39+s17+$0x0], $0xffff  }
0x1bd: {  	v40 =	vor.u32 v8, v19;
	_ =	sdelay $0x3  }
0x1be: {  	[tilespmem:v20+s24+$0x0] =	vst.idx.msk $0xffff, v18  }
0x1bf: {  	v20 =	vor.u32 v9, v17;
	v18 =	vld.idx.msk [tilespmem:v40+s17+$0x0], $0xffff  }
0x1c0: {  	v41 =	vor.u32 v10, v19;
	_ =	sdelay $0x3  }
0x1c1: {  	[tilespmem:v20+s24+$0x0] =	vst.idx.msk $0xffff, v18  }
0x1c2: {  	v20 =	vor.u32 v11, v17;
	v18 =	vld.idx.msk [tilespmem:v41+s17+$0x0], $0xffff  }
0x1c3: {  	v42 =	vor.u32 v12, v19;
	_ =	sdelay $0x3  }
0x1c4: {  	[tilespmem:v20+s24+$0x0] =	vst.idx.msk $0xffff, v18  }
0x1c5: {  	v20 =	vor.u32 v13, v17;
	v18 =	vld.idx.msk [tilespmem:v42+s17+$0x0], $0xffff  }
0x1c6: {  	v19 =	vor.u32 v14, v19;
	_ =	sdelay $0x3  }
0x1c7: {  	v16 =	vor.u32 $0x30, v16;
	[tilespmem:v20+s24+$0x0] =	vst.idx.msk $0xffff, v18  }
0x1c8: {  	v17 =	vor.u32 v15, v17;
	v18 =	vld.idx.msk [tilespmem:v19+s17+$0x0], $0xffff;
	v19 =	vand.u32 $0x3F, v16  }
0x1c9: {  	v20 =	vor.u32 v1, v19;
	_ =	sdelay $0x3  }
0x1ca: {  	v16 =	vshll.u32 v16, $0x7;
	[tilespmem:v17+s24+$0x0] =	vst.idx.msk $0xffff, v18  }
0x1cb: {  	v18 =	vor.u32 v0, v16;
	v17 =	vld.idx.msk [tilespmem:v20+s17+$0x0], $0xffff  }
0x1cc: {  	v20 =	vor.u32 v2, v19;
	_ =	sdelay $0x3  }
0x1cd: {  	[tilespmem:v18+s24+$0x0] =	vst.idx.msk $0xffff, v17  }
0x1ce: {  	v18 =	vor.u32 v3, v16;
	v17 =	vld.idx.msk [tilespmem:v20+s17+$0x0], $0xffff  }
0x1cf: {  	v20 =	vor.u32 v4, v19;
	_ =	sdelay $0x3  }
0x1d0: {  	[tilespmem:v18+s24+$0x0] =	vst.idx.msk $0xffff, v17  }
0x1d1: {  	v18 =	vor.u32 v5, v16;
	v17 =	vld.idx.msk [tilespmem:v20+s17+$0x0], $0xffff  }
0x1d2: {  	v20 =	vor.u32 v6, v19;
	_ =	sdelay $0x3  }
0x1d3: {  	[tilespmem:v18+s24+$0x0] =	vst.idx.msk $0xffff, v17  }
0x1d4: {  	v18 =	vor.u32 v7, v16;
	v17 =	vld.idx.msk [tilespmem:v20+s17+$0x0], $0xffff  }
0x1d5: {  	v20 =	vor.u32 v8, v19;
	_ =	sdelay $0x3  }
0x1d6: {  	[tilespmem:v18+s24+$0x0] =	vst.idx.msk $0xffff, v17  }
0x1d7: {  	v18 =	vor.u32 v9, v16;
	v17 =	vld.idx.msk [tilespmem:v20+s17+$0x0], $0xffff  }
0x1d8: {  	v20 =	vor.u32 v10, v19;
	_ =	sdelay $0x3  }
0x1d9: {  	[tilespmem:v18+s24+$0x0] =	vst.idx.msk $0xffff, v17  }
0x1da: {  	v18 =	vor.u32 v11, v16;
	v17 =	vld.idx.msk [tilespmem:v20+s17+$0x0], $0xffff  }
0x1db: {  	v20 =	vor.u32 v12, v19;
	_ =	sdelay $0x3  }
0x1dc: {  	[tilespmem:v18+s24+$0x0] =	vst.idx.msk $0xffff, v17  }
0x1dd: {  	v18 =	vor.u32 v13, v16;
	v17 =	vld.idx.msk [tilespmem:v20+s17+$0x0], $0xffff  }
0x1de: {  	v19 =	vor.u32 v14, v19;
	_ =	sdelay $0x3  }
0x1df: {  	[tilespmem:v18+s24+$0x0] =	vst.idx.msk $0xffff, v17  }
0x1e0: {  	v16 =	vor.u32 v15, v16;
	v17 =	vld.idx.msk [tilespmem:v19+s17+$0x0], $0xffff  }
0x1e1: {  	s6 =	sadd.s32 s5, s1  }
0x1e2: {  	s14 =	sshll.u32 s6, $0xA;
	s6 =	sshll.u32 s6, $0x7  }
0x1e3: {  	s14 =	sand.u32 $0xFFE0000, s14;
	s6 =	sand.u32 $0x3E00, s6  }
0x1e4: {  	s6 =	sor.u32 s6, s14  }
0x1e5: {  	s14 =	sadd.s32 s2, s6;
	[tilespmem:v16+s24+$0x0] =	vst.idx.msk $0xffff, v17  }
0x1e6: {  	[hbm4b:s14+s3] =	stream.linear.scatter [tilespmem:s24], [sflag:$0x5], $0x400, $0x38;
	[tilespmem:$0x1E400] =	vst v63  }
0x1e7: {  	s15 =	simm.s32 $0x16800;
	s21 =	sadd.s32 s6, s7  }
0x1e8: {  	[hbm4b:s21+s3] =	stream.linear.scatter [tilespmem:s15], [sflag:$0x5], $0x400, $0x38;
	[tilespmem:$0x1E400] =	vst v63  }
0x1e9: {  	s15 =	sadd.s32 s6, s8;
	s21 =	simm.s32 $0x16C00  }
0x1ea: {  	[hbm4b:s15+s3] =	stream.linear.scatter [tilespmem:s21], [sflag:$0x5], $0x400, $0x38;
	[tilespmem:$0x1E400] =	vst v63  }
0x1eb: {  	s15 =	sadd.s32 s6, s9;
	s21 =	simm.s32 $0x17000  }
0x1ec: {  	[hbm4b:s15+s3] =	stream.linear.scatter [tilespmem:s21], [sflag:$0x5], $0x400, $0x38;
	[tilespmem:$0x1E400] =	vst v63  }
0x1ed: {  	s15 =	sadd.s32 s6, s10;
	s21 =	simm.s32 $0x17400  }
0x1ee: {  	[hbm4b:s15+s3] =	stream.linear.scatter [tilespmem:s21], [sflag:$0x5], $0x400, $0x38;
	[tilespmem:$0x1E400] =	vst v63  }
0x1ef: {  	s15 =	sadd.s32 s6, s11;
	s21 =	simm.s32 $0x17800  }
0x1f0: {  	[hbm4b:s15+s3] =	stream.linear.scatter [tilespmem:s21], [sflag:$0x5], $0x400, $0x38;
	[tilespmem:$0x1E400] =	vst v63  }
0x1f1: {  	s15 =	sadd.s32 s6, s12;
	s21 =	simm.s32 $0x17C00  }
0x1f2: {  	[hbm4b:s15+s3] =	stream.linear.scatter [tilespmem:s21], [sflag:$0x5], $0x400, $0x38;
	[tilespmem:$0x1E400] =	vst v63  }
0x1f3: {  	p1 =	seq.s32 s31, $0x31;
	s6 =	sadd.s32 s6, s13;
	s21 =	simm.s32 $0x18000  }
0x1f4: {  	[hbm4b:s6+s3] =	stream.linear.scatter [tilespmem:s21], [sflag:$0x5], $0x400, $0x38;
	[tilespmem:$0x1E400] =	vst v63  }
0x1f5: {  	s6 =	sshll.u32 @!p1 s31, $0x9  }
0x1f6: {  	s21 =	sand.u32 @!p1 $0x3FFFFE00, s6  }
0x1f7: {  	s14 =	simm.s32 @!p1 $0x80;
	s15 =	simm.s32 @!p1 $0x6400;
	s6 =	sadd.s32 @!p1 $0x200, s21  }
0x1f8: {  	[tilespmem:s15], [sflag:$0x1] =	stream.indirect.gather @!p1 [hbm4b:s4+s14], $0x80, s6, s14, $0xb8;
	[tilespmem:$0x1E400] =	vst v63  }
0x1f9: {  	_ =	swait.ge [sflag:s0], $0x4000  }
0x1fa: {  	[sflag:s0] =	ssyncset.done $0x0  }
0x1fb: {  	s6 =	simm.s32 @!p0 $0x6;
	[sflag:s0] =	ssyncadd.s32 $0xFFFFC000  }
0x1fc: {  	_ =	swait.ge @!p0 [sflag:s6], $0x400  }
0x1fd: {  	[sflag:s6] =	ssyncset.done @!p0 $0x0  }
0x1fe: {  	[sflag:s6] =	ssyncadd.s32 @!p0 $0xFFFFFC00  }
0x1ff: {  	_ =	swait.ge @!p0 [sflag:s6], $0x400  }
0x200: {  	[sflag:s6] =	ssyncset.done @!p0 $0x0  }
0x201: {  	[sflag:s6] =	ssyncadd.s32 @!p0 $0xFFFFFC00  }
0x202: {  	_ =	swait.ge @!p0 [sflag:s6], $0x400  }
0x203: {  	[sflag:s6] =	ssyncset.done @!p0 $0x0  }
0x204: {  	[sflag:s6] =	ssyncadd.s32 @!p0 $0xFFFFFC00  }
0x205: {  	_ =	swait.ge @!p0 [sflag:s6], $0x400  }
0x206: {  	[sflag:s6] =	ssyncset.done @!p0 $0x0  }
0x207: {  	[sflag:s6] =	ssyncadd.s32 @!p0 $0xFFFFFC00  }
0x208: {  	_ =	swait.ge @!p0 [sflag:s6], $0x400  }
0x209: {  	[sflag:s6] =	ssyncset.done @!p0 $0x0  }
0x20a: {  	[sflag:s6] =	ssyncadd.s32 @!p0 $0xFFFFFC00  }
0x20b: {  	_ =	swait.ge @!p0 [sflag:s6], $0x400  }
0x20c: {  	s15 =	simm.s32 $0x0;
	[sflag:s6] =	ssyncset.done @!p0 $0x0  }
0x20d: {  	v16 =	vadd.s32 s15, v0;
	[sflag:s6] =	ssyncadd.s32 @!p0 $0xFFFFFC00  }
0x20e: {  	v17 =	vand.u32 $0xF, v16;
	_ =	swait.ge @!p0 [sflag:s6], $0x400  }
0x20f: {  	v18 =	vor.u32 v1, v17;
	[sflag:s6] =	ssyncset.done @!p0 $0x0  }
0x210: {  	[sflag:s6] =	ssyncadd.s32 @!p0 $0xFFFFFC00  }
0x211: {  	_ =	swait.ge @!p0 [sflag:s6], $0x400  }
0x212: {  	[sflag:s6] =	ssyncset.done @!p0 $0x0  }
0x213: {  	v19 =	vshll.u32 v17, $0x7;
	[sflag:s6] =	ssyncadd.s32 @!p0 $0xFFFFFC00  }
0x214: {  	v20 =	vor.u32 v0, v19;
	v18 =	vld.idx.msk [tilespmem:v18+s18+$0x0], $0xffff  }
0x215: {  	v43 =	vor.u32 v2, v17;
	_ =	sdelay $0x3  }
0x216: {  	[tilespmem:v20+s19+$0x0] =	vst.idx.msk $0xffff, v18  }
0x217: {  	v20 =	vor.u32 v3, v19;
	v18 =	vld.idx.msk [tilespmem:v43+s18+$0x0], $0xffff  }
0x218: {  	v44 =	vor.u32 v4, v17;
	_ =	sdelay $0x3  }
0x219: {  	[tilespmem:v20+s19+$0x0] =	vst.idx.msk $0xffff, v18  }
0x21a: {  	v20 =	vor.u32 v5, v19;
	v18 =	vld.idx.msk [tilespmem:v44+s18+$0x0], $0xffff  }
0x21b: {  	v45 =	vor.u32 v6, v17;
	_ =	sdelay $0x3  }
0x21c: {  	[tilespmem:v20+s19+$0x0] =	vst.idx.msk $0xffff, v18  }
0x21d: {  	v20 =	vor.u32 v7, v19;
	v18 =	vld.idx.msk [tilespmem:v45+s18+$0x0], $0xffff  }
0x21e: {  	v46 =	vor.u32 v8, v17;
	_ =	sdelay $0x3  }
0x21f: {  	[tilespmem:v20+s19+$0x0] =	vst.idx.msk $0xffff, v18  }
0x220: {  	v20 =	vor.u32 v9, v19;
	v18 =	vld.idx.msk [tilespmem:v46+s18+$0x0], $0xffff  }
0x221: {  	v47 =	vor.u32 v10, v17;
	_ =	sdelay $0x3  }
0x222: {  	[tilespmem:v20+s19+$0x0] =	vst.idx.msk $0xffff, v18  }
0x223: {  	v20 =	vor.u32 v11, v19;
	v18 =	vld.idx.msk [tilespmem:v47+s18+$0x0], $0xffff  }
0x224: {  	v48 =	vor.u32 v12, v17;
	_ =	sdelay $0x3  }
0x225: {  	[tilespmem:v20+s19+$0x0] =	vst.idx.msk $0xffff, v18  }
0x226: {  	v20 =	vor.u32 v13, v19;
	v18 =	vld.idx.msk [tilespmem:v48+s18+$0x0], $0xffff  }
0x227: {  	v49 =	vor.u32 v14, v17;
	_ =	sdelay $0x3  }
0x228: {  	[tilespmem:v20+s19+$0x0] =	vst.idx.msk $0xffff, v18;
	v18 =	vor.u32 $0x10, v16  }
0x229: {  	v19 =	vor.u32 v15, v19;
	v20 =	vld.idx.msk [tilespmem:v49+s18+$0x0], $0xffff;
	v50 =	vand.u32 $0x1F, v18  }
0x22a: {  	v51 =	vor.u32 v1, v50;
	_ =	sdelay $0x3  }
0x22b: {  	v18 =	vshll.u32 v18, $0x7;
	[tilespmem:v19+s19+$0x0] =	vst.idx.msk $0xffff, v20  }
0x22c: {  	v20 =	vor.u32 v0, v18;
	v19 =	vld.idx.msk [tilespmem:v51+s18+$0x0], $0xffff  }
0x22d: {  	v52 =	vor.u32 v2, v50;
	_ =	sdelay $0x3  }
0x22e: {  	[tilespmem:v20+s19+$0x0] =	vst.idx.msk $0xffff, v19  }
0x22f: {  	v20 =	vor.u32 v3, v18;
	v19 =	vld.idx.msk [tilespmem:v52+s18+$0x0], $0xffff  }
0x230: {  	v53 =	vor.u32 v4, v50;
	_ =	sdelay $0x3  }
0x231: {  	[tilespmem:v20+s19+$0x0] =	vst.idx.msk $0xffff, v19  }
0x232: {  	v20 =	vor.u32 v5, v18;
	v19 =	vld.idx.msk [tilespmem:v53+s18+$0x0], $0xffff  }
0x233: {  	v54 =	vor.u32 v6, v50;
	_ =	sdelay $0x3  }
0x234: {  	[tilespmem:v20+s19+$0x0] =	vst.idx.msk $0xffff, v19  }
0x235: {  	v20 =	vor.u32 v7, v18;
	v19 =	vld.idx.msk [tilespmem:v54+s18+$0x0], $0xffff  }
0x236: {  	v55 =	vor.u32 v8, v50;
	_ =	sdelay $0x3  }
0x237: {  	[tilespmem:v20+s19+$0x0] =	vst.idx.msk $0xffff, v19  }
0x238: {  	v20 =	vor.u32 v9, v18;
	v19 =	vld.idx.msk [tilespmem:v55+s18+$0x0], $0xffff  }
0x239: {  	v56 =	vor.u32 v10, v50;
	_ =	sdelay $0x3  }
0x23a: {  	[tilespmem:v20+s19+$0x0] =	vst.idx.msk $0xffff, v19  }
0x23b: {  	v20 =	vor.u32 v11, v18;
	v19 =	vld.idx.msk [tilespmem:v56+s18+$0x0], $0xffff  }
0x23c: {  	v57 =	vor.u32 v12, v50;
	_ =	sdelay $0x3  }
0x23d: {  	[tilespmem:v20+s19+$0x0] =	vst.idx.msk $0xffff, v19  }
0x23e: {  	v20 =	vor.u32 v13, v18;
	v19 =	vld.idx.msk [tilespmem:v57+s18+$0x0], $0xffff  }
0x23f: {  	v21 =	vor.u32 v14, v50;
	_ =	sdelay $0x2  }
0x240: {  	v17 =	vor.u32 $0x20, v17  }
0x241: {  	[tilespmem:v20+s19+$0x0] =	vst.idx.msk $0xffff, v19;
	v19 =	vand.u32 $0x7, v16;
	v20 =	vand.u32 $0x28, v17  }
0x242: {  	v18 =	vor.u32 v15, v18;
	v21 =	vld.idx.msk [tilespmem:v21+s18+$0x0], $0xffff;
	v19 =	vor.u32 v19, v20  }
0x243: {  	v20 =	vor.u32 v1, v19;
	_ =	sdelay $0x3  }
0x244: {  	v17 =	vshll.u32 v17, $0x7;
	[tilespmem:v18+s19+$0x0] =	vst.idx.msk $0xffff, v21  }
0x245: {  	v18 =	vld.idx.msk [tilespmem:v20+s18+$0x0], $0xffff;
	v20 =	vor.u32 v0, v17  }
0x246: {  	v58 =	vor.u32 v2, v19;
	_ =	sdelay $0x3  }
0x247: {  	[tilespmem:v20+s19+$0x0] =	vst.idx.msk $0xffff, v18  }
0x248: {  	v20 =	vor.u32 v3, v17;
	v18 =	vld.idx.msk [tilespmem:v58+s18+$0x0], $0xffff  }
0x249: {  	v59 =	vor.u32 v4, v19;
	_ =	sdelay $0x3  }
0x24a: {  	[tilespmem:v20+s19+$0x0] =	vst.idx.msk $0xffff, v18  }
0x24b: {  	v20 =	vor.u32 v5, v17;
	v18 =	vld.idx.msk [tilespmem:v59+s18+$0x0], $0xffff  }
0x24c: {  	v60 =	vor.u32 v6, v19;
	_ =	sdelay $0x3  }
0x24d: {  	[tilespmem:v20+s19+$0x0] =	vst.idx.msk $0xffff, v18  }
0x24e: {  	v20 =	vor.u32 v7, v17;
	v18 =	vld.idx.msk [tilespmem:v60+s18+$0x0], $0xffff  }
0x24f: {  	v61 =	vor.u32 v8, v19;
	_ =	sdelay $0x3  }
0x250: {  	[tilespmem:v20+s19+$0x0] =	vst.idx.msk $0xffff, v18  }
0x251: {  	v20 =	vor.u32 v9, v17;
	v18 =	vld.idx.msk [tilespmem:v61+s18+$0x0], $0xffff  }
0x252: {  	v62 =	vor.u32 v10, v19;
	_ =	sdelay $0x3  }
0x253: {  	[tilespmem:v20+s19+$0x0] =	vst.idx.msk $0xffff, v18  }
0x254: {  	v20 =	vor.u32 v11, v17;
	v18 =	vld.idx.msk [tilespmem:v62+s18+$0x0], $0xffff  }
0x255: {  	v63 =	vor.u32 v12, v19;
	_ =	sdelay $0x3  }
0x256: {  	[tilespmem:v20+s19+$0x0] =	vst.idx.msk $0xffff, v18  }
0x257: {  	v20 =	vor.u32 v13, v17;
	v18 =	vld.idx.msk [tilespmem:v63+s18+$0x0], $0xffff  }
0x258: {  	v19 =	vor.u32 v14, v19;
	_ =	sdelay $0x3  }
0x259: {  	v16 =	vor.u32 $0x30, v16;
	[tilespmem:v20+s19+$0x0] =	vst.idx.msk $0xffff, v18  }
0x25a: {  	v17 =	vor.u32 v15, v17;
	v18 =	vld.idx.msk [tilespmem:v19+s18+$0x0], $0xffff;
	v19 =	vand.u32 $0x3F, v16  }
0x25b: {  	v20 =	vor.u32 v1, v19;
	_ =	sdelay $0x3  }
0x25c: {  	[tilespmem:v17+s19+$0x0] =	vst.idx.msk $0xffff, v18;
	v18 =	vshll.u32 v16, $0x7  }
0x25d: {  	v16 =	vld.idx.msk [tilespmem:v20+s18+$0x0], $0xffff;
	v17 =	vor.u32 v0, v18  }
0x25e: {  	v20 =	vor.u32 v2, v19;
	_ =	sdelay $0x3  }
0x25f: {  	[tilespmem:v17+s19+$0x0] =	vst.idx.msk $0xffff, v16  }
0x260: {  	v17 =	vor.u32 v3, v18;
	v16 =	vld.idx.msk [tilespmem:v20+s18+$0x0], $0xffff  }
0x261: {  	v20 =	vor.u32 v4, v19;
	_ =	sdelay $0x3  }
0x262: {  	[tilespmem:v17+s19+$0x0] =	vst.idx.msk $0xffff, v16  }
0x263: {  	v17 =	vor.u32 v5, v18;
	v16 =	vld.idx.msk [tilespmem:v20+s18+$0x0], $0xffff  }
0x264: {  	v20 =	vor.u32 v6, v19;
	_ =	sdelay $0x3  }
0x265: {  	[tilespmem:v17+s19+$0x0] =	vst.idx.msk $0xffff, v16  }
0x266: {  	v17 =	vor.u32 v7, v18;
	v16 =	vld.idx.msk [tilespmem:v20+s18+$0x0], $0xffff  }
0x267: {  	v20 =	vor.u32 v8, v19;
	_ =	sdelay $0x3  }
0x268: {  	[tilespmem:v17+s19+$0x0] =	vst.idx.msk $0xffff, v16  }
0x269: {  	v17 =	vor.u32 v9, v18;
	v16 =	vld.idx.msk [tilespmem:v20+s18+$0x0], $0xffff  }
0x26a: {  	v20 =	vor.u32 v10, v19;
	_ =	sdelay $0x3  }
0x26b: {  	[tilespmem:v17+s19+$0x0] =	vst.idx.msk $0xffff, v16  }
0x26c: {  	v17 =	vor.u32 v11, v18;
	v16 =	vld.idx.msk [tilespmem:v20+s18+$0x0], $0xffff  }
0x26d: {  	v20 =	vor.u32 v12, v19;
	_ =	sdelay $0x3  }
0x26e: {  	[tilespmem:v17+s19+$0x0] =	vst.idx.msk $0xffff, v16  }
0x26f: {  	v17 =	vor.u32 v13, v18;
	v16 =	vld.idx.msk [tilespmem:v20+s18+$0x0], $0xffff  }
0x270: {  	v19 =	vor.u32 v14, v19;
	_ =	sdelay $0x3  }
0x271: {  	s15 =	simm.s32 $0x1;
	[tilespmem:v17+s19+$0x0] =	vst.idx.msk $0xffff, v16  }
0x272: {  	s14 =	simm.s32 $0x2;
	s6 =	sor.u32 $0x1, s1;
	v16 =	vadd.s32 s15, v0;
	v19 =	vld.idx.msk [tilespmem:v19+s18+$0x0], $0xffff  }
.LBB2_5:
0x273: {  	p2 =	sne.s32 s14, $0xF;
	v17 =	vand.u32 $0xF, v16;
	v18 =	vor.u32 v15, v18  }
0x274: {  	v20 =	vor.u32 v1, v17;
	_ =	sdelay $0x3  }
0x275: {  	[tilespmem:v18+s19+$0x0] =	vst.idx.msk $0xffff, v19  }
0x276: {  	v19 =	vshll.u32 v17, $0x7;
	v18 =	vld.idx.msk [tilespmem:v20+s18+$0x0], $0xffff  }
0x277: {  	v20 =	vor.u32 v0, v19  }
0x278: {  	v21 =	vor.u32 v2, v17;
	_ =	sdelay $0x3  }
0x279: {  	[tilespmem:v20+s19+$0x0] =	vst.idx.msk $0xffff, v18  }
0x27a: {  	v18 =	vld.idx.msk [tilespmem:v21+s18+$0x0], $0xffff  }
0x27b: {  	v20 =	vor.u32 v3, v19  }
0x27c: {  	v21 =	vor.u32 v4, v17;
	_ =	sdelay $0x3  }
0x27d: {  	[tilespmem:v20+s19+$0x0] =	vst.idx.msk $0xffff, v18  }
0x27e: {  	v18 =	vld.idx.msk [tilespmem:v21+s18+$0x0], $0xffff  }
0x27f: {  	v20 =	vor.u32 v5, v19  }
0x280: {  	v21 =	vor.u32 v6, v17;
	_ =	sdelay $0x3  }
0x281: {  	[tilespmem:v20+s19+$0x0] =	vst.idx.msk $0xffff, v18  }
0x282: {  	v18 =	vld.idx.msk [tilespmem:v21+s18+$0x0], $0xffff  }
0x283: {  	v20 =	vor.u32 v7, v19  }
0x284: {  	v21 =	vor.u32 v8, v17;
	_ =	sdelay $0x3  }
0x285: {  	[tilespmem:v20+s19+$0x0] =	vst.idx.msk $0xffff, v18  }
0x286: {  	v18 =	vld.idx.msk [tilespmem:v21+s18+$0x0], $0xffff  }
0x287: {  	v20 =	vor.u32 v9, v19  }
0x288: {  	v21 =	vor.u32 v10, v17;
	_ =	sdelay $0x3  }
0x289: {  	[tilespmem:v20+s19+$0x0] =	vst.idx.msk $0xffff, v18  }
0x28a: {  	v18 =	vld.idx.msk [tilespmem:v21+s18+$0x0], $0xffff  }
0x28b: {  	v20 =	vor.u32 v11, v19  }
0x28c: {  	v21 =	vor.u32 v12, v17;
	_ =	sdelay $0x3  }
0x28d: {  	[tilespmem:v20+s19+$0x0] =	vst.idx.msk $0xffff, v18  }
0x28e: {  	v18 =	vld.idx.msk [tilespmem:v21+s18+$0x0], $0xffff  }
0x28f: {  	v20 =	vor.u32 v13, v19  }
0x290: {  	v21 =	vor.u32 v14, v17;
	_ =	sdelay $0x3  }
0x291: {  	[tilespmem:v20+s19+$0x0] =	vst.idx.msk $0xffff, v18  }
0x292: {  	v18 =	vor.u32 $0x10, v16;
	v20 =	vld.idx.msk [tilespmem:v21+s18+$0x0], $0xffff  }
0x293: {  	v19 =	vor.u32 v15, v19;
	v21 =	vand.u32 $0x1F, v18  }
0x294: {  	v22 =	vor.u32 v1, v21;
	_ =	sdelay $0x3  }
0x295: {  	[tilespmem:v19+s19+$0x0] =	vst.idx.msk $0xffff, v20  }
0x296: {  	v18 =	vshll.u32 v18, $0x7;
	v19 =	vld.idx.msk [tilespmem:v22+s18+$0x0], $0xffff  }
0x297: {  	v20 =	vor.u32 v0, v18  }
0x298: {  	v22 =	vor.u32 v2, v21;
	_ =	sdelay $0x3  }
0x299: {  	[tilespmem:v20+s19+$0x0] =	vst.idx.msk $0xffff, v19  }
0x29a: {  	v19 =	vld.idx.msk [tilespmem:v22+s18+$0x0], $0xffff  }
0x29b: {  	v20 =	vor.u32 v3, v18  }
0x29c: {  	v22 =	vor.u32 v4, v21;
	_ =	sdelay $0x3  }
0x29d: {  	[tilespmem:v20+s19+$0x0] =	vst.idx.msk $0xffff, v19  }
0x29e: {  	v19 =	vld.idx.msk [tilespmem:v22+s18+$0x0], $0xffff  }
0x29f: {  	v20 =	vor.u32 v5, v18  }
0x2a0: {  	v22 =	vor.u32 v6, v21;
	_ =	sdelay $0x3  }
0x2a1: {  	[tilespmem:v20+s19+$0x0] =	vst.idx.msk $0xffff, v19  }
0x2a2: {  	v19 =	vld.idx.msk [tilespmem:v22+s18+$0x0], $0xffff  }
0x2a3: {  	v20 =	vor.u32 v7, v18  }
0x2a4: {  	v22 =	vor.u32 v8, v21;
	_ =	sdelay $0x3  }
0x2a5: {  	[tilespmem:v20+s19+$0x0] =	vst.idx.msk $0xffff, v19  }
0x2a6: {  	v19 =	vld.idx.msk [tilespmem:v22+s18+$0x0], $0xffff  }
0x2a7: {  	v20 =	vor.u32 v9, v18  }
0x2a8: {  	v22 =	vor.u32 v10, v21;
	_ =	sdelay $0x3  }
0x2a9: {  	[tilespmem:v20+s19+$0x0] =	vst.idx.msk $0xffff, v19  }
0x2aa: {  	v19 =	vld.idx.msk [tilespmem:v22+s18+$0x0], $0xffff  }
0x2ab: {  	v20 =	vor.u32 v11, v18  }
0x2ac: {  	v22 =	vor.u32 v12, v21;
	_ =	sdelay $0x3  }
0x2ad: {  	[tilespmem:v20+s19+$0x0] =	vst.idx.msk $0xffff, v19  }
0x2ae: {  	v19 =	vld.idx.msk [tilespmem:v22+s18+$0x0], $0xffff  }
0x2af: {  	v20 =	vor.u32 v13, v18  }
0x2b0: {  	v21 =	vor.u32 v14, v21;
	_ =	sdelay $0x3  }
0x2b1: {  	v17 =	vor.u32 $0x20, v17;
	[tilespmem:v20+s19+$0x0] =	vst.idx.msk $0xffff, v19  }
0x2b2: {  	v19 =	vand.u32 $0x7, v16;
	v20 =	vld.idx.msk [tilespmem:v21+s18+$0x0], $0xffff;
	v21 =	vand.u32 $0x28, v17  }
0x2b3: {  	v18 =	vor.u32 v15, v18;
	v19 =	vor.u32 v19, v21  }
0x2b4: {  	v21 =	vor.u32 v1, v19;
	_ =	sdelay $0x3  }
0x2b5: {  	[tilespmem:v18+s19+$0x0] =	vst.idx.msk $0xffff, v20  }
0x2b6: {  	v17 =	vshll.u32 v17, $0x7;
	v18 =	vld.idx.msk [tilespmem:v21+s18+$0x0], $0xffff  }
0x2b7: {  	v20 =	vor.u32 v0, v17  }
0x2b8: {  	v21 =	vor.u32 v2, v19;
	_ =	sdelay $0x3  }
0x2b9: {  	[tilespmem:v20+s19+$0x0] =	vst.idx.msk $0xffff, v18  }
0x2ba: {  	v18 =	vld.idx.msk [tilespmem:v21+s18+$0x0], $0xffff  }
0x2bb: {  	v20 =	vor.u32 v3, v17  }
0x2bc: {  	v21 =	vor.u32 v4, v19;
	_ =	sdelay $0x3  }
0x2bd: {  	[tilespmem:v20+s19+$0x0] =	vst.idx.msk $0xffff, v18  }
0x2be: {  	v18 =	vld.idx.msk [tilespmem:v21+s18+$0x0], $0xffff  }
0x2bf: {  	v20 =	vor.u32 v5, v17  }
0x2c0: {  	v21 =	vor.u32 v6, v19;
	_ =	sdelay $0x3  }
0x2c1: {  	[tilespmem:v20+s19+$0x0] =	vst.idx.msk $0xffff, v18  }
0x2c2: {  	v18 =	vld.idx.msk [tilespmem:v21+s18+$0x0], $0xffff  }
0x2c3: {  	v20 =	vor.u32 v7, v17  }
0x2c4: {  	v21 =	vor.u32 v8, v19;
	_ =	sdelay $0x3  }
0x2c5: {  	[tilespmem:v20+s19+$0x0] =	vst.idx.msk $0xffff, v18  }
0x2c6: {  	v18 =	vld.idx.msk [tilespmem:v21+s18+$0x0], $0xffff  }
0x2c7: {  	v20 =	vor.u32 v9, v17  }
0x2c8: {  	v21 =	vor.u32 v10, v19;
	_ =	sdelay $0x3  }
0x2c9: {  	[tilespmem:v20+s19+$0x0] =	vst.idx.msk $0xffff, v18  }
0x2ca: {  	v18 =	vld.idx.msk [tilespmem:v21+s18+$0x0], $0xffff  }
0x2cb: {  	v20 =	vor.u32 v11, v17  }
0x2cc: {  	v21 =	vor.u32 v12, v19;
	_ =	sdelay $0x3  }
0x2cd: {  	[tilespmem:v20+s19+$0x0] =	vst.idx.msk $0xffff, v18  }
0x2ce: {  	v18 =	vld.idx.msk [tilespmem:v21+s18+$0x0], $0xffff  }
0x2cf: {  	v20 =	vor.u32 v13, v17  }
0x2d0: {  	v19 =	vor.u32 v14, v19;
	_ =	sdelay $0x3  }
0x2d1: {  	[tilespmem:v20+s19+$0x0] =	vst.idx.msk $0xffff, v18  }
0x2d2: {  	v16 =	vor.u32 $0x30, v16;
	v18 =	vld.idx.msk [tilespmem:v19+s18+$0x0], $0xffff  }
0x2d3: {  	v17 =	vor.u32 v15, v17;
	v19 =	vand.u32 $0x3F, v16  }
0x2d4: {  	v20 =	vor.u32 v1, v19;
	_ =	sdelay $0x3  }
0x2d5: {  	[tilespmem:v17+s19+$0x0] =	vst.idx.msk $0xffff, v18  }
0x2d6: {  	v18 =	vshll.u32 v16, $0x7;
	v17 =	vld.idx.msk [tilespmem:v20+s18+$0x0], $0xffff  }
0x2d7: {  	v16 =	vor.u32 v0, v18  }
0x2d8: {  	v20 =	vor.u32 v2, v19;
	_ =	sdelay $0x3  }
0x2d9: {  	[tilespmem:v16+s19+$0x0] =	vst.idx.msk $0xffff, v17  }
0x2da: {  	v16 =	vld.idx.msk [tilespmem:v20+s18+$0x0], $0xffff  }
0x2db: {  	v17 =	vor.u32 v3, v18  }
0x2dc: {  	v20 =	vor.u32 v4, v19;
	_ =	sdelay $0x3  }
0x2dd: {  	[tilespmem:v17+s19+$0x0] =	vst.idx.msk $0xffff, v16  }
0x2de: {  	v16 =	vld.idx.msk [tilespmem:v20+s18+$0x0], $0xffff  }
0x2df: {  	v17 =	vor.u32 v5, v18  }
0x2e0: {  	v20 =	vor.u32 v6, v19;
	_ =	sdelay $0x3  }
0x2e1: {  	[tilespmem:v17+s19+$0x0] =	vst.idx.msk $0xffff, v16  }
0x2e2: {  	v16 =	vld.idx.msk [tilespmem:v20+s18+$0x0], $0xffff  }
0x2e3: {  	v17 =	vor.u32 v7, v18  }
0x2e4: {  	v20 =	vor.u32 v8, v19;
	_ =	sdelay $0x3  }
0x2e5: {  	[tilespmem:v17+s19+$0x0] =	vst.idx.msk $0xffff, v16  }
0x2e6: {  	v16 =	vld.idx.msk [tilespmem:v20+s18+$0x0], $0xffff  }
0x2e7: {  	v17 =	vor.u32 v9, v18  }
0x2e8: {  	v20 =	vor.u32 v10, v19;
	_ =	sdelay $0x3  }
0x2e9: {  	[tilespmem:v17+s19+$0x0] =	vst.idx.msk $0xffff, v16  }
0x2ea: {  	v16 =	vld.idx.msk [tilespmem:v20+s18+$0x0], $0xffff  }
0x2eb: {  	v17 =	vor.u32 v11, v18  }
0x2ec: {  	v20 =	vor.u32 v12, v19;
	_ =	sdelay $0x3  }
0x2ed: {  	[tilespmem:v17+s19+$0x0] =	vst.idx.msk $0xffff, v16  }
0x2ee: {  	v16 =	vld.idx.msk [tilespmem:v20+s18+$0x0], $0xffff  }
0x2ef: {  	v17 =	vor.u32 v13, v18  }
0x2f0: {  	v19 =	vor.u32 v14, v19  }
.Ltmp3:
0x2f1: {  	(pc) =	sbr.rel @p2 .LBB2_5-.Ltmp3, $3  }
0x2f2: {  	_ =	sdelay $0x1  }
0x2f3: {  	[tilespmem:v17+s19+$0x0] =	vst.idx.msk $0xffff, v16  }
0x2f4: {  	v16 =	vadd.s32 s14, v0;
	s14 =	sadd.s32 $0x1, s14;
	v19 =	vld.idx.msk [tilespmem:v19+s18+$0x0], $0xffff  }
0x2f5: {  	v17 =	vand.u32 $0xF, v16;
	v18 =	vor.u32 v15, v18  }
0x2f6: {  	v20 =	vor.u32 v1, v17;
	_ =	sdelay $0x3  }
0x2f7: {  	[tilespmem:v18+s19+$0x0] =	vst.idx.msk $0xffff, v19;
	v18 =	vshll.u32 v17, $0x7  }
0x2f8: {  	v19 =	vld.idx.msk [tilespmem:v20+s18+$0x0], $0xffff;
	v20 =	vor.u32 v0, v18  }
0x2f9: {  	v21 =	vor.u32 v2, v17;
	_ =	sdelay $0x3  }
0x2fa: {  	[tilespmem:v20+s19+$0x0] =	vst.idx.msk $0xffff, v19  }
0x2fb: {  	v20 =	vor.u32 v3, v18;
	v19 =	vld.idx.msk [tilespmem:v21+s18+$0x0], $0xffff  }
0x2fc: {  	v24 =	vor.u32 v4, v17;
	_ =	sdelay $0x3  }
0x2fd: {  	[tilespmem:v20+s19+$0x0] =	vst.idx.msk $0xffff, v19  }
0x2fe: {  	v20 =	vor.u32 v5, v18;
	v19 =	vld.idx.msk [tilespmem:v24+s18+$0x0], $0xffff  }
0x2ff: {  	v25 =	vor.u32 v6, v17;
	_ =	sdelay $0x3  }
0x300: {  	[tilespmem:v20+s19+$0x0] =	vst.idx.msk $0xffff, v19  }
0x301: {  	v20 =	vor.u32 v7, v18;
	v19 =	vld.idx.msk [tilespmem:v25+s18+$0x0], $0xffff  }
0x302: {  	v26 =	vor.u32 v8, v17;
	_ =	sdelay $0x3  }
0x303: {  	[tilespmem:v20+s19+$0x0] =	vst.idx.msk $0xffff, v19  }
0x304: {  	v20 =	vor.u32 v9, v18;
	v19 =	vld.idx.msk [tilespmem:v26+s18+$0x0], $0xffff  }
0x305: {  	v27 =	vor.u32 v10, v17;
	_ =	sdelay $0x3  }
0x306: {  	[tilespmem:v20+s19+$0x0] =	vst.idx.msk $0xffff, v19  }
0x307: {  	v20 =	vor.u32 v11, v18;
	v19 =	vld.idx.msk [tilespmem:v27+s18+$0x0], $0xffff  }
0x308: {  	v28 =	vor.u32 v12, v17;
	_ =	sdelay $0x3  }
0x309: {  	[tilespmem:v20+s19+$0x0] =	vst.idx.msk $0xffff, v19  }
0x30a: {  	v20 =	vor.u32 v13, v18;
	v19 =	vld.idx.msk [tilespmem:v28+s18+$0x0], $0xffff  }
0x30b: {  	v29 =	vor.u32 v14, v17;
	_ =	sdelay $0x3  }
0x30c: {  	[tilespmem:v20+s19+$0x0] =	vst.idx.msk $0xffff, v19;
	v19 =	vor.u32 $0x10, v16  }
0x30d: {  	v18 =	vor.u32 v15, v18;
	v20 =	vld.idx.msk [tilespmem:v29+s18+$0x0], $0xffff;
	v30 =	vand.u32 $0x1F, v19  }
0x30e: {  	v22 =	vor.u32 v1, v30;
	_ =	sdelay $0x3  }
0x30f: {  	[tilespmem:v18+s19+$0x0] =	vst.idx.msk $0xffff, v20;
	v18 =	vshll.u32 v19, $0x7  }
0x310: {  	v19 =	vld.idx.msk [tilespmem:v22+s18+$0x0], $0xffff;
	v20 =	vor.u32 v0, v18  }
0x311: {  	v31 =	vor.u32 v2, v30;
	_ =	sdelay $0x3  }
0x312: {  	[tilespmem:v20+s19+$0x0] =	vst.idx.msk $0xffff, v19  }
0x313: {  	v20 =	vor.u32 v3, v18;
	v19 =	vld.idx.msk [tilespmem:v31+s18+$0x0], $0xffff  }
0x314: {  	v32 =	vor.u32 v4, v30;
	_ =	sdelay $0x3  }
0x315: {  	[tilespmem:v20+s19+$0x0] =	vst.idx.msk $0xffff, v19  }
0x316: {  	v20 =	vor.u32 v5, v18;
	v19 =	vld.idx.msk [tilespmem:v32+s18+$0x0], $0xffff  }
0x317: {  	v33 =	vor.u32 v6, v30;
	_ =	sdelay $0x3  }
0x318: {  	[tilespmem:v20+s19+$0x0] =	vst.idx.msk $0xffff, v19  }
0x319: {  	v20 =	vor.u32 v7, v18;
	v19 =	vld.idx.msk [tilespmem:v33+s18+$0x0], $0xffff  }
0x31a: {  	v34 =	vor.u32 v8, v30;
	_ =	sdelay $0x3  }
0x31b: {  	[tilespmem:v20+s19+$0x0] =	vst.idx.msk $0xffff, v19  }
0x31c: {  	v20 =	vor.u32 v9, v18;
	v19 =	vld.idx.msk [tilespmem:v34+s18+$0x0], $0xffff  }
0x31d: {  	v35 =	vor.u32 v10, v30;
	_ =	sdelay $0x3  }
0x31e: {  	[tilespmem:v20+s19+$0x0] =	vst.idx.msk $0xffff, v19  }
0x31f: {  	v20 =	vor.u32 v11, v18;
	v19 =	vld.idx.msk [tilespmem:v35+s18+$0x0], $0xffff  }
0x320: {  	v36 =	vor.u32 v12, v30;
	_ =	sdelay $0x3  }
0x321: {  	[tilespmem:v20+s19+$0x0] =	vst.idx.msk $0xffff, v19  }
0x322: {  	v20 =	vor.u32 v13, v18;
	v19 =	vld.idx.msk [tilespmem:v36+s18+$0x0], $0xffff  }
0x323: {  	v21 =	vor.u32 v14, v30;
	_ =	sdelay $0x2  }
0x324: {  	v17 =	vor.u32 $0x20, v17  }
0x325: {  	[tilespmem:v20+s19+$0x0] =	vst.idx.msk $0xffff, v19;
	v19 =	vand.u32 $0x7, v16;
	v20 =	vand.u32 $0x28, v17  }
0x326: {  	v18 =	vor.u32 v15, v18;
	v21 =	vld.idx.msk [tilespmem:v21+s18+$0x0], $0xffff;
	v19 =	vor.u32 v19, v20  }
0x327: {  	v20 =	vor.u32 v1, v19;
	_ =	sdelay $0x3  }
0x328: {  	v17 =	vshll.u32 v17, $0x7;
	[tilespmem:v18+s19+$0x0] =	vst.idx.msk $0xffff, v21  }
0x329: {  	v18 =	vld.idx.msk [tilespmem:v20+s18+$0x0], $0xffff;
	v20 =	vor.u32 v0, v17  }
0x32a: {  	v37 =	vor.u32 v2, v19;
	_ =	sdelay $0x3  }
0x32b: {  	[tilespmem:v20+s19+$0x0] =	vst.idx.msk $0xffff, v18  }
0x32c: {  	v20 =	vor.u32 v3, v17;
	v18 =	vld.idx.msk [tilespmem:v37+s18+$0x0], $0xffff  }
0x32d: {  	v38 =	vor.u32 v4, v19;
	_ =	sdelay $0x3  }
0x32e: {  	[tilespmem:v20+s19+$0x0] =	vst.idx.msk $0xffff, v18  }
0x32f: {  	v20 =	vor.u32 v5, v17;
	v18 =	vld.idx.msk [tilespmem:v38+s18+$0x0], $0xffff  }
0x330: {  	v39 =	vor.u32 v6, v19;
	_ =	sdelay $0x3  }
0x331: {  	[tilespmem:v20+s19+$0x0] =	vst.idx.msk $0xffff, v18  }
0x332: {  	v20 =	vor.u32 v7, v17;
	v18 =	vld.idx.msk [tilespmem:v39+s18+$0x0], $0xffff  }
0x333: {  	v40 =	vor.u32 v8, v19;
	_ =	sdelay $0x3  }
0x334: {  	[tilespmem:v20+s19+$0x0] =	vst.idx.msk $0xffff, v18  }
0x335: {  	v20 =	vor.u32 v9, v17;
	v18 =	vld.idx.msk [tilespmem:v40+s18+$0x0], $0xffff  }
0x336: {  	v41 =	vor.u32 v10, v19;
	_ =	sdelay $0x3  }
0x337: {  	[tilespmem:v20+s19+$0x0] =	vst.idx.msk $0xffff, v18  }
0x338: {  	v20 =	vor.u32 v11, v17;
	v18 =	vld.idx.msk [tilespmem:v41+s18+$0x0], $0xffff  }
0x339: {  	v42 =	vor.u32 v12, v19;
	_ =	sdelay $0x3  }
0x33a: {  	[tilespmem:v20+s19+$0x0] =	vst.idx.msk $0xffff, v18  }
0x33b: {  	v20 =	vor.u32 v13, v17;
	v18 =	vld.idx.msk [tilespmem:v42+s18+$0x0], $0xffff  }
0x33c: {  	v19 =	vor.u32 v14, v19;
	_ =	sdelay $0x3  }
0x33d: {  	v16 =	vor.u32 $0x30, v16;
	[tilespmem:v20+s19+$0x0] =	vst.idx.msk $0xffff, v18  }
0x33e: {  	v17 =	vor.u32 v15, v17;
	v18 =	vld.idx.msk [tilespmem:v19+s18+$0x0], $0xffff;
	v19 =	vand.u32 $0x3F, v16  }
0x33f: {  	v20 =	vor.u32 v1, v19;
	_ =	sdelay $0x3  }
0x340: {  	v16 =	vshll.u32 v16, $0x7;
	[tilespmem:v17+s19+$0x0] =	vst.idx.msk $0xffff, v18  }
0x341: {  	v18 =	vor.u32 v0, v16;
	v17 =	vld.idx.msk [tilespmem:v20+s18+$0x0], $0xffff  }
0x342: {  	v20 =	vor.u32 v2, v19;
	_ =	sdelay $0x3  }
0x343: {  	[tilespmem:v18+s19+$0x0] =	vst.idx.msk $0xffff, v17  }
0x344: {  	v18 =	vor.u32 v3, v16;
	v17 =	vld.idx.msk [tilespmem:v20+s18+$0x0], $0xffff  }
0x345: {  	v20 =	vor.u32 v4, v19;
	_ =	sdelay $0x3  }
0x346: {  	[tilespmem:v18+s19+$0x0] =	vst.idx.msk $0xffff, v17  }
0x347: {  	v18 =	vor.u32 v5, v16;
	v17 =	vld.idx.msk [tilespmem:v20+s18+$0x0], $0xffff  }
0x348: {  	v20 =	vor.u32 v6, v19;
	_ =	sdelay $0x3  }
0x349: {  	[tilespmem:v18+s19+$0x0] =	vst.idx.msk $0xffff, v17  }
0x34a: {  	v18 =	vor.u32 v7, v16;
	v17 =	vld.idx.msk [tilespmem:v20+s18+$0x0], $0xffff  }
0x34b: {  	v20 =	vor.u32 v8, v19;
	_ =	sdelay $0x3  }
0x34c: {  	[tilespmem:v18+s19+$0x0] =	vst.idx.msk $0xffff, v17  }
0x34d: {  	v18 =	vor.u32 v9, v16;
	v17 =	vld.idx.msk [tilespmem:v20+s18+$0x0], $0xffff  }
0x34e: {  	v20 =	vor.u32 v10, v19;
	_ =	sdelay $0x3  }
0x34f: {  	[tilespmem:v18+s19+$0x0] =	vst.idx.msk $0xffff, v17  }
0x350: {  	v18 =	vor.u32 v11, v16;
	v17 =	vld.idx.msk [tilespmem:v20+s18+$0x0], $0xffff  }
0x351: {  	v20 =	vor.u32 v12, v19;
	_ =	sdelay $0x3  }
0x352: {  	[tilespmem:v18+s19+$0x0] =	vst.idx.msk $0xffff, v17  }
0x353: {  	v18 =	vor.u32 v13, v16;
	v17 =	vld.idx.msk [tilespmem:v20+s18+$0x0], $0xffff  }
0x354: {  	v19 =	vor.u32 v14, v19;
	_ =	sdelay $0x3  }
0x355: {  	[tilespmem:v18+s19+$0x0] =	vst.idx.msk $0xffff, v17  }
0x356: {  	v16 =	vor.u32 v15, v16;
	v17 =	vld.idx.msk [tilespmem:v19+s18+$0x0], $0xffff  }
0x357: {  	s6 =	sadd.s32 s5, s6  }
0x358: {  	s14 =	sshll.u32 s6, $0xA;
	s6 =	sshll.u32 s6, $0x7  }
0x359: {  	s14 =	sand.u32 $0xFFE0000, s14;
	s6 =	sand.u32 $0x3E80, s6  }
0x35a: {  	s6 =	sor.u32 s6, s14  }
0x35b: {  	s14 =	sadd.s32 s2, s6;
	[tilespmem:v16+s19+$0x0] =	vst.idx.msk $0xffff, v17  }
0x35c: {  	[hbm4b:s14+s3] =	stream.linear.scatter [tilespmem:s19], [sflag:$0x6], $0x400, $0x38;
	[tilespmem:$0x1E400] =	vst v63  }
0x35d: {  	s15 =	simm.s32 $0x18800;
	s14 =	sadd.s32 s6, s7  }
0x35e: {  	[hbm4b:s14+s3] =	stream.linear.scatter [tilespmem:s15], [sflag:$0x6], $0x400, $0x38;
	[tilespmem:$0x1E400] =	vst v63  }
0x35f: {  	s14 =	sadd.s32 s6, s8;
	s15 =	simm.s32 $0x18C00  }
0x360: {  	[hbm4b:s14+s3] =	stream.linear.scatter [tilespmem:s15], [sflag:$0x6], $0x400, $0x38;
	[tilespmem:$0x1E400] =	vst v63  }
0x361: {  	s14 =	sadd.s32 s6, s9;
	s15 =	simm.s32 $0x19000  }
0x362: {  	[hbm4b:s14+s3] =	stream.linear.scatter [tilespmem:s15], [sflag:$0x6], $0x400, $0x38;
	[tilespmem:$0x1E400] =	vst v63  }
0x363: {  	s14 =	sadd.s32 s6, s10;
	s15 =	simm.s32 $0x19400  }
0x364: {  	[hbm4b:s14+s3] =	stream.linear.scatter [tilespmem:s15], [sflag:$0x6], $0x400, $0x38;
	[tilespmem:$0x1E400] =	vst v63  }
0x365: {  	s14 =	sadd.s32 s6, s11;
	s15 =	simm.s32 $0x19800  }
0x366: {  	[hbm4b:s14+s3] =	stream.linear.scatter [tilespmem:s15], [sflag:$0x6], $0x400, $0x38;
	[tilespmem:$0x1E400] =	vst v63  }
0x367: {  	s14 =	sadd.s32 s6, s12;
	s15 =	simm.s32 $0x19C00  }
0x368: {  	[hbm4b:s14+s3] =	stream.linear.scatter [tilespmem:s15], [sflag:$0x6], $0x400, $0x38;
	[tilespmem:$0x1E400] =	vst v63  }
0x369: {  	s6 =	sadd.s32 s6, s13;
	s15 =	simm.s32 $0x1A000  }
0x36a: {  	[hbm4b:s6+s3] =	stream.linear.scatter [tilespmem:s15], [sflag:$0x6], $0x400, $0x38;
	[tilespmem:$0x1E400] =	vst v63  }
0x36b: {  	s14 =	simm.s32 @!p1 $0x80;
	s6 =	sadd.s32 @!p1 $0x280, s21;
	s15 =	simm.s32 @!p1 $0xA400  }
0x36c: {  	[tilespmem:s15], [sflag:$0x2] =	stream.indirect.gather @!p1 [hbm4b:s4+s14], $0x80, s6, s14, $0xb8;
	[tilespmem:$0x1E400] =	vst v63  }
0x36d: {  	_ =	swait.ge [sflag:s29], $0x4000  }
0x36e: {  	[sflag:s29] =	ssyncset.done $0x0  }
0x36f: {  	s6 =	simm.s32 @!p0 $0x7;
	[sflag:s29] =	ssyncadd.s32 $0xFFFFC000  }
0x370: {  	_ =	swait.ge @!p0 [sflag:s6], $0x400  }
0x371: {  	[sflag:s6] =	ssyncset.done @!p0 $0x0  }
0x372: {  	[sflag:s6] =	ssyncadd.s32 @!p0 $0xFFFFFC00  }
0x373: {  	_ =	swait.ge @!p0 [sflag:s6], $0x400  }
0x374: {  	[sflag:s6] =	ssyncset.done @!p0 $0x0  }
0x375: {  	[sflag:s6] =	ssyncadd.s32 @!p0 $0xFFFFFC00  }
0x376: {  	_ =	swait.ge @!p0 [sflag:s6], $0x400  }
0x377: {  	[sflag:s6] =	ssyncset.done @!p0 $0x0  }
0x378: {  	[sflag:s6] =	ssyncadd.s32 @!p0 $0xFFFFFC00  }
0x379: {  	_ =	swait.ge @!p0 [sflag:s6], $0x400  }
0x37a: {  	[sflag:s6] =	ssyncset.done @!p0 $0x0  }
0x37b: {  	[sflag:s6] =	ssyncadd.s32 @!p0 $0xFFFFFC00  }
0x37c: {  	_ =	swait.ge @!p0 [sflag:s6], $0x400  }
0x37d: {  	[sflag:s6] =	ssyncset.done @!p0 $0x0  }
0x37e: {  	[sflag:s6] =	ssyncadd.s32 @!p0 $0xFFFFFC00  }
0x37f: {  	_ =	swait.ge @!p0 [sflag:s6], $0x400  }
0x380: {  	s15 =	simm.s32 $0x0;
	[sflag:s6] =	ssyncset.done @!p0 $0x0  }
0x381: {  	v16 =	vadd.s32 s15, v0;
	[sflag:s6] =	ssyncadd.s32 @!p0 $0xFFFFFC00  }
0x382: {  	v17 =	vand.u32 $0xF, v16;
	_ =	swait.ge @!p0 [sflag:s6], $0x400  }
0x383: {  	v18 =	vor.u32 v1, v17;
	[sflag:s6] =	ssyncset.done @!p0 $0x0  }
0x384: {  	[sflag:s6] =	ssyncadd.s32 @!p0 $0xFFFFFC00  }
0x385: {  	_ =	swait.ge @!p0 [sflag:s6], $0x400  }
0x386: {  	[sflag:s6] =	ssyncset.done @!p0 $0x0  }
0x387: {  	v19 =	vshll.u32 v17, $0x7;
	[sflag:s6] =	ssyncadd.s32 @!p0 $0xFFFFFC00  }
0x388: {  	v20 =	vor.u32 v0, v19;
	v18 =	vld.idx.msk [tilespmem:v18+s20+$0x0], $0xffff  }
0x389: {  	v43 =	vor.u32 v2, v17;
	_ =	sdelay $0x3  }
0x38a: {  	[tilespmem:v20+s30+$0x0] =	vst.idx.msk $0xffff, v18  }
0x38b: {  	v20 =	vor.u32 v3, v19;
	v18 =	vld.idx.msk [tilespmem:v43+s20+$0x0], $0xffff  }
0x38c: {  	v44 =	vor.u32 v4, v17;
	_ =	sdelay $0x3  }
0x38d: {  	[tilespmem:v20+s30+$0x0] =	vst.idx.msk $0xffff, v18  }
0x38e: {  	v20 =	vor.u32 v5, v19;
	v18 =	vld.idx.msk [tilespmem:v44+s20+$0x0], $0xffff  }
0x38f: {  	v45 =	vor.u32 v6, v17;
	_ =	sdelay $0x3  }
0x390: {  	[tilespmem:v20+s30+$0x0] =	vst.idx.msk $0xffff, v18  }
0x391: {  	v20 =	vor.u32 v7, v19;
	v18 =	vld.idx.msk [tilespmem:v45+s20+$0x0], $0xffff  }
0x392: {  	v46 =	vor.u32 v8, v17;
	_ =	sdelay $0x3  }
0x393: {  	[tilespmem:v20+s30+$0x0] =	vst.idx.msk $0xffff, v18  }
0x394: {  	v20 =	vor.u32 v9, v19;
	v18 =	vld.idx.msk [tilespmem:v46+s20+$0x0], $0xffff  }
0x395: {  	v47 =	vor.u32 v10, v17;
	_ =	sdelay $0x3  }
0x396: {  	[tilespmem:v20+s30+$0x0] =	vst.idx.msk $0xffff, v18  }
0x397: {  	v20 =	vor.u32 v11, v19;
	v18 =	vld.idx.msk [tilespmem:v47+s20+$0x0], $0xffff  }
0x398: {  	v48 =	vor.u32 v12, v17;
	_ =	sdelay $0x3  }
0x399: {  	[tilespmem:v20+s30+$0x0] =	vst.idx.msk $0xffff, v18  }
0x39a: {  	v20 =	vor.u32 v13, v19;
	v18 =	vld.idx.msk [tilespmem:v48+s20+$0x0], $0xffff  }
0x39b: {  	v49 =	vor.u32 v14, v17;
	_ =	sdelay $0x3  }
0x39c: {  	[tilespmem:v20+s30+$0x0] =	vst.idx.msk $0xffff, v18;
	v18 =	vor.u32 $0x10, v16  }
0x39d: {  	v19 =	vor.u32 v15, v19;
	v20 =	vld.idx.msk [tilespmem:v49+s20+$0x0], $0xffff;
	v50 =	vand.u32 $0x1F, v18  }
0x39e: {  	v51 =	vor.u32 v1, v50;
	_ =	sdelay $0x3  }
0x39f: {  	v18 =	vshll.u32 v18, $0x7;
	[tilespmem:v19+s30+$0x0] =	vst.idx.msk $0xffff, v20  }
0x3a0: {  	v20 =	vor.u32 v0, v18;
	v19 =	vld.idx.msk [tilespmem:v51+s20+$0x0], $0xffff  }
0x3a1: {  	v52 =	vor.u32 v2, v50;
	_ =	sdelay $0x3  }
0x3a2: {  	[tilespmem:v20+s30+$0x0] =	vst.idx.msk $0xffff, v19  }
0x3a3: {  	v20 =	vor.u32 v3, v18;
	v19 =	vld.idx.msk [tilespmem:v52+s20+$0x0], $0xffff  }
0x3a4: {  	v53 =	vor.u32 v4, v50;
	_ =	sdelay $0x3  }
0x3a5: {  	[tilespmem:v20+s30+$0x0] =	vst.idx.msk $0xffff, v19  }
0x3a6: {  	v20 =	vor.u32 v5, v18;
	v19 =	vld.idx.msk [tilespmem:v53+s20+$0x0], $0xffff  }
0x3a7: {  	v54 =	vor.u32 v6, v50;
	_ =	sdelay $0x3  }
0x3a8: {  	[tilespmem:v20+s30+$0x0] =	vst.idx.msk $0xffff, v19  }
0x3a9: {  	v20 =	vor.u32 v7, v18;
	v19 =	vld.idx.msk [tilespmem:v54+s20+$0x0], $0xffff  }
0x3aa: {  	v55 =	vor.u32 v8, v50;
	_ =	sdelay $0x3  }
0x3ab: {  	[tilespmem:v20+s30+$0x0] =	vst.idx.msk $0xffff, v19  }
0x3ac: {  	v20 =	vor.u32 v9, v18;
	v19 =	vld.idx.msk [tilespmem:v55+s20+$0x0], $0xffff  }
0x3ad: {  	v56 =	vor.u32 v10, v50;
	_ =	sdelay $0x3  }
0x3ae: {  	[tilespmem:v20+s30+$0x0] =	vst.idx.msk $0xffff, v19  }
0x3af: {  	v20 =	vor.u32 v11, v18;
	v19 =	vld.idx.msk [tilespmem:v56+s20+$0x0], $0xffff  }
0x3b0: {  	v57 =	vor.u32 v12, v50;
	_ =	sdelay $0x3  }
0x3b1: {  	[tilespmem:v20+s30+$0x0] =	vst.idx.msk $0xffff, v19  }
0x3b2: {  	v20 =	vor.u32 v13, v18;
	v19 =	vld.idx.msk [tilespmem:v57+s20+$0x0], $0xffff  }
0x3b3: {  	v21 =	vor.u32 v14, v50;
	_ =	sdelay $0x2  }
0x3b4: {  	v17 =	vor.u32 $0x20, v17  }
0x3b5: {  	[tilespmem:v20+s30+$0x0] =	vst.idx.msk $0xffff, v19;
	v19 =	vand.u32 $0x7, v16;
	v20 =	vand.u32 $0x28, v17  }
0x3b6: {  	v18 =	vor.u32 v15, v18;
	v21 =	vld.idx.msk [tilespmem:v21+s20+$0x0], $0xffff;
	v19 =	vor.u32 v19, v20  }
0x3b7: {  	v20 =	vor.u32 v1, v19;
	_ =	sdelay $0x3  }
0x3b8: {  	v17 =	vshll.u32 v17, $0x7;
	[tilespmem:v18+s30+$0x0] =	vst.idx.msk $0xffff, v21  }
0x3b9: {  	v18 =	vld.idx.msk [tilespmem:v20+s20+$0x0], $0xffff;
	v20 =	vor.u32 v0, v17  }
0x3ba: {  	v58 =	vor.u32 v2, v19;
	_ =	sdelay $0x3  }
0x3bb: {  	[tilespmem:v20+s30+$0x0] =	vst.idx.msk $0xffff, v18  }
0x3bc: {  	v20 =	vor.u32 v3, v17;
	v18 =	vld.idx.msk [tilespmem:v58+s20+$0x0], $0xffff  }
0x3bd: {  	v59 =	vor.u32 v4, v19;
	_ =	sdelay $0x3  }
0x3be: {  	[tilespmem:v20+s30+$0x0] =	vst.idx.msk $0xffff, v18  }
0x3bf: {  	v20 =	vor.u32 v5, v17;
	v18 =	vld.idx.msk [tilespmem:v59+s20+$0x0], $0xffff  }
0x3c0: {  	v60 =	vor.u32 v6, v19;
	_ =	sdelay $0x3  }
0x3c1: {  	[tilespmem:v20+s30+$0x0] =	vst.idx.msk $0xffff, v18  }
0x3c2: {  	v20 =	vor.u32 v7, v17;
	v18 =	vld.idx.msk [tilespmem:v60+s20+$0x0], $0xffff  }
0x3c3: {  	v61 =	vor.u32 v8, v19;
	_ =	sdelay $0x3  }
0x3c4: {  	[tilespmem:v20+s30+$0x0] =	vst.idx.msk $0xffff, v18  }
0x3c5: {  	v20 =	vor.u32 v9, v17;
	v18 =	vld.idx.msk [tilespmem:v61+s20+$0x0], $0xffff  }
0x3c6: {  	v62 =	vor.u32 v10, v19;
	_ =	sdelay $0x3  }
0x3c7: {  	[tilespmem:v20+s30+$0x0] =	vst.idx.msk $0xffff, v18  }
0x3c8: {  	v20 =	vor.u32 v11, v17;
	v18 =	vld.idx.msk [tilespmem:v62+s20+$0x0], $0xffff  }
0x3c9: {  	v63 =	vor.u32 v12, v19;
	_ =	sdelay $0x3  }
0x3ca: {  	[tilespmem:v20+s30+$0x0] =	vst.idx.msk $0xffff, v18  }
0x3cb: {  	v20 =	vor.u32 v13, v17;
	v18 =	vld.idx.msk [tilespmem:v63+s20+$0x0], $0xffff  }
0x3cc: {  	v19 =	vor.u32 v14, v19;
	_ =	sdelay $0x3  }
0x3cd: {  	v16 =	vor.u32 $0x30, v16;
	[tilespmem:v20+s30+$0x0] =	vst.idx.msk $0xffff, v18  }
0x3ce: {  	v17 =	vor.u32 v15, v17;
	v18 =	vld.idx.msk [tilespmem:v19+s20+$0x0], $0xffff;
	v19 =	vand.u32 $0x3F, v16  }
0x3cf: {  	v20 =	vor.u32 v1, v19;
	_ =	sdelay $0x3  }
0x3d0: {  	[tilespmem:v17+s30+$0x0] =	vst.idx.msk $0xffff, v18;
	v18 =	vshll.u32 v16, $0x7  }
0x3d1: {  	v16 =	vld.idx.msk [tilespmem:v20+s20+$0x0], $0xffff;
	v17 =	vor.u32 v0, v18  }
0x3d2: {  	v20 =	vor.u32 v2, v19;
	_ =	sdelay $0x3  }
0x3d3: {  	[tilespmem:v17+s30+$0x0] =	vst.idx.msk $0xffff, v16  }
0x3d4: {  	v17 =	vor.u32 v3, v18;
	v16 =	vld.idx.msk [tilespmem:v20+s20+$0x0], $0xffff  }
0x3d5: {  	v20 =	vor.u32 v4, v19;
	_ =	sdelay $0x3  }
0x3d6: {  	[tilespmem:v17+s30+$0x0] =	vst.idx.msk $0xffff, v16  }
0x3d7: {  	v17 =	vor.u32 v5, v18;
	v16 =	vld.idx.msk [tilespmem:v20+s20+$0x0], $0xffff  }
0x3d8: {  	v20 =	vor.u32 v6, v19;
	_ =	sdelay $0x3  }
0x3d9: {  	[tilespmem:v17+s30+$0x0] =	vst.idx.msk $0xffff, v16  }
0x3da: {  	v17 =	vor.u32 v7, v18;
	v16 =	vld.idx.msk [tilespmem:v20+s20+$0x0], $0xffff  }
0x3db: {  	v20 =	vor.u32 v8, v19;
	_ =	sdelay $0x3  }
0x3dc: {  	[tilespmem:v17+s30+$0x0] =	vst.idx.msk $0xffff, v16  }
0x3dd: {  	v17 =	vor.u32 v9, v18;
	v16 =	vld.idx.msk [tilespmem:v20+s20+$0x0], $0xffff  }
0x3de: {  	v20 =	vor.u32 v10, v19;
	_ =	sdelay $0x3  }
0x3df: {  	[tilespmem:v17+s30+$0x0] =	vst.idx.msk $0xffff, v16  }
0x3e0: {  	v17 =	vor.u32 v11, v18;
	v16 =	vld.idx.msk [tilespmem:v20+s20+$0x0], $0xffff  }
0x3e1: {  	v20 =	vor.u32 v12, v19;
	_ =	sdelay $0x3  }
0x3e2: {  	[tilespmem:v17+s30+$0x0] =	vst.idx.msk $0xffff, v16  }
0x3e3: {  	v17 =	vor.u32 v13, v18;
	v16 =	vld.idx.msk [tilespmem:v20+s20+$0x0], $0xffff  }
0x3e4: {  	v19 =	vor.u32 v14, v19;
	_ =	sdelay $0x3  }
0x3e5: {  	s15 =	simm.s32 $0x1;
	[tilespmem:v17+s30+$0x0] =	vst.idx.msk $0xffff, v16  }
0x3e6: {  	s14 =	simm.s32 $0x2;
	s6 =	sor.u32 $0x2, s1;
	v16 =	vadd.s32 s15, v0;
	v19 =	vld.idx.msk [tilespmem:v19+s20+$0x0], $0xffff  }
.LBB2_7:
0x3e7: {  	p2 =	sne.s32 s14, $0xF;
	v17 =	vand.u32 $0xF, v16;
	v18 =	vor.u32 v15, v18  }
0x3e8: {  	v20 =	vor.u32 v1, v17;
	_ =	sdelay $0x3  }
0x3e9: {  	[tilespmem:v18+s30+$0x0] =	vst.idx.msk $0xffff, v19  }
0x3ea: {  	v19 =	vshll.u32 v17, $0x7;
	v18 =	vld.idx.msk [tilespmem:v20+s20+$0x0], $0xffff  }
0x3eb: {  	v20 =	vor.u32 v0, v19  }
0x3ec: {  	v21 =	vor.u32 v2, v17;
	_ =	sdelay $0x3  }
0x3ed: {  	[tilespmem:v20+s30+$0x0] =	vst.idx.msk $0xffff, v18  }
0x3ee: {  	v18 =	vld.idx.msk [tilespmem:v21+s20+$0x0], $0xffff  }
0x3ef: {  	v20 =	vor.u32 v3, v19  }
0x3f0: {  	v21 =	vor.u32 v4, v17;
	_ =	sdelay $0x3  }
0x3f1: {  	[tilespmem:v20+s30+$0x0] =	vst.idx.msk $0xffff, v18  }
0x3f2: {  	v18 =	vld.idx.msk [tilespmem:v21+s20+$0x0], $0xffff  }
0x3f3: {  	v20 =	vor.u32 v5, v19  }
0x3f4: {  	v21 =	vor.u32 v6, v17;
	_ =	sdelay $0x3  }
0x3f5: {  	[tilespmem:v20+s30+$0x0] =	vst.idx.msk $0xffff, v18  }
0x3f6: {  	v18 =	vld.idx.msk [tilespmem:v21+s20+$0x0], $0xffff  }
0x3f7: {  	v20 =	vor.u32 v7, v19  }
0x3f8: {  	v21 =	vor.u32 v8, v17;
	_ =	sdelay $0x3  }
0x3f9: {  	[tilespmem:v20+s30+$0x0] =	vst.idx.msk $0xffff, v18  }
0x3fa: {  	v18 =	vld.idx.msk [tilespmem:v21+s20+$0x0], $0xffff  }
0x3fb: {  	v20 =	vor.u32 v9, v19  }
0x3fc: {  	v21 =	vor.u32 v10, v17;
	_ =	sdelay $0x3  }
0x3fd: {  	[tilespmem:v20+s30+$0x0] =	vst.idx.msk $0xffff, v18  }
0x3fe: {  	v18 =	vld.idx.msk [tilespmem:v21+s20+$0x0], $0xffff  }
0x3ff: {  	v20 =	vor.u32 v11, v19  }
0x400: {  	v21 =	vor.u32 v12, v17;
	_ =	sdelay $0x3  }
0x401: {  	[tilespmem:v20+s30+$0x0] =	vst.idx.msk $0xffff, v18  }
0x402: {  	v18 =	vld.idx.msk [tilespmem:v21+s20+$0x0], $0xffff  }
0x403: {  	v20 =	vor.u32 v13, v19  }
0x404: {  	v21 =	vor.u32 v14, v17;
	_ =	sdelay $0x3  }
0x405: {  	[tilespmem:v20+s30+$0x0] =	vst.idx.msk $0xffff, v18  }
0x406: {  	v18 =	vor.u32 $0x10, v16;
	v20 =	vld.idx.msk [tilespmem:v21+s20+$0x0], $0xffff  }
0x407: {  	v19 =	vor.u32 v15, v19;
	v21 =	vand.u32 $0x1F, v18  }
0x408: {  	v22 =	vor.u32 v1, v21;
	_ =	sdelay $0x3  }
0x409: {  	[tilespmem:v19+s30+$0x0] =	vst.idx.msk $0xffff, v20  }
0x40a: {  	v18 =	vshll.u32 v18, $0x7;
	v19 =	vld.idx.msk [tilespmem:v22+s20+$0x0], $0xffff  }
0x40b: {  	v20 =	vor.u32 v0, v18  }
0x40c: {  	v22 =	vor.u32 v2, v21;
	_ =	sdelay $0x3  }
0x40d: {  	[tilespmem:v20+s30+$0x0] =	vst.idx.msk $0xffff, v19  }
0x40e: {  	v19 =	vld.idx.msk [tilespmem:v22+s20+$0x0], $0xffff  }
0x40f: {  	v20 =	vor.u32 v3, v18  }
0x410: {  	v22 =	vor.u32 v4, v21;
	_ =	sdelay $0x3  }
0x411: {  	[tilespmem:v20+s30+$0x0] =	vst.idx.msk $0xffff, v19  }
0x412: {  	v19 =	vld.idx.msk [tilespmem:v22+s20+$0x0], $0xffff  }
0x413: {  	v20 =	vor.u32 v5, v18  }
0x414: {  	v22 =	vor.u32 v6, v21;
	_ =	sdelay $0x3  }
0x415: {  	[tilespmem:v20+s30+$0x0] =	vst.idx.msk $0xffff, v19  }
0x416: {  	v19 =	vld.idx.msk [tilespmem:v22+s20+$0x0], $0xffff  }
0x417: {  	v20 =	vor.u32 v7, v18  }
0x418: {  	v22 =	vor.u32 v8, v21;
	_ =	sdelay $0x3  }
0x419: {  	[tilespmem:v20+s30+$0x0] =	vst.idx.msk $0xffff, v19  }
0x41a: {  	v19 =	vld.idx.msk [tilespmem:v22+s20+$0x0], $0xffff  }
0x41b: {  	v20 =	vor.u32 v9, v18  }
0x41c: {  	v22 =	vor.u32 v10, v21;
	_ =	sdelay $0x3  }
0x41d: {  	[tilespmem:v20+s30+$0x0] =	vst.idx.msk $0xffff, v19  }
0x41e: {  	v19 =	vld.idx.msk [tilespmem:v22+s20+$0x0], $0xffff  }
0x41f: {  	v20 =	vor.u32 v11, v18  }
0x420: {  	v22 =	vor.u32 v12, v21;
	_ =	sdelay $0x3  }
0x421: {  	[tilespmem:v20+s30+$0x0] =	vst.idx.msk $0xffff, v19  }
0x422: {  	v19 =	vld.idx.msk [tilespmem:v22+s20+$0x0], $0xffff  }
0x423: {  	v20 =	vor.u32 v13, v18  }
0x424: {  	v21 =	vor.u32 v14, v21;
	_ =	sdelay $0x3  }
0x425: {  	v17 =	vor.u32 $0x20, v17;
	[tilespmem:v20+s30+$0x0] =	vst.idx.msk $0xffff, v19  }
0x426: {  	v19 =	vand.u32 $0x7, v16;
	v20 =	vld.idx.msk [tilespmem:v21+s20+$0x0], $0xffff;
	v21 =	vand.u32 $0x28, v17  }
0x427: {  	v18 =	vor.u32 v15, v18;
	v19 =	vor.u32 v19, v21  }
0x428: {  	v21 =	vor.u32 v1, v19;
	_ =	sdelay $0x3  }
0x429: {  	[tilespmem:v18+s30+$0x0] =	vst.idx.msk $0xffff, v20  }
0x42a: {  	v17 =	vshll.u32 v17, $0x7;
	v18 =	vld.idx.msk [tilespmem:v21+s20+$0x0], $0xffff  }
0x42b: {  	v20 =	vor.u32 v0, v17  }
0x42c: {  	v21 =	vor.u32 v2, v19;
	_ =	sdelay $0x3  }
0x42d: {  	[tilespmem:v20+s30+$0x0] =	vst.idx.msk $0xffff, v18  }
0x42e: {  	v18 =	vld.idx.msk [tilespmem:v21+s20+$0x0], $0xffff  }
0x42f: {  	v20 =	vor.u32 v3, v17  }
0x430: {  	v21 =	vor.u32 v4, v19;
	_ =	sdelay $0x3  }
0x431: {  	[tilespmem:v20+s30+$0x0] =	vst.idx.msk $0xffff, v18  }
0x432: {  	v18 =	vld.idx.msk [tilespmem:v21+s20+$0x0], $0xffff  }
0x433: {  	v20 =	vor.u32 v5, v17  }
0x434: {  	v21 =	vor.u32 v6, v19;
	_ =	sdelay $0x3  }
0x435: {  	[tilespmem:v20+s30+$0x0] =	vst.idx.msk $0xffff, v18  }
0x436: {  	v18 =	vld.idx.msk [tilespmem:v21+s20+$0x0], $0xffff  }
0x437: {  	v20 =	vor.u32 v7, v17  }
0x438: {  	v21 =	vor.u32 v8, v19;
	_ =	sdelay $0x3  }
0x439: {  	[tilespmem:v20+s30+$0x0] =	vst.idx.msk $0xffff, v18  }
0x43a: {  	v18 =	vld.idx.msk [tilespmem:v21+s20+$0x0], $0xffff  }
0x43b: {  	v20 =	vor.u32 v9, v17  }
0x43c: {  	v21 =	vor.u32 v10, v19;
	_ =	sdelay $0x3  }
0x43d: {  	[tilespmem:v20+s30+$0x0] =	vst.idx.msk $0xffff, v18  }
0x43e: {  	v18 =	vld.idx.msk [tilespmem:v21+s20+$0x0], $0xffff  }
0x43f: {  	v20 =	vor.u32 v11, v17  }
0x440: {  	v21 =	vor.u32 v12, v19;
	_ =	sdelay $0x3  }
0x441: {  	[tilespmem:v20+s30+$0x0] =	vst.idx.msk $0xffff, v18  }
0x442: {  	v18 =	vld.idx.msk [tilespmem:v21+s20+$0x0], $0xffff  }
0x443: {  	v20 =	vor.u32 v13, v17  }
0x444: {  	v19 =	vor.u32 v14, v19;
	_ =	sdelay $0x3  }
0x445: {  	[tilespmem:v20+s30+$0x0] =	vst.idx.msk $0xffff, v18  }
0x446: {  	v16 =	vor.u32 $0x30, v16;
	v18 =	vld.idx.msk [tilespmem:v19+s20+$0x0], $0xffff  }
0x447: {  	v17 =	vor.u32 v15, v17;
	v19 =	vand.u32 $0x3F, v16  }
0x448: {  	v20 =	vor.u32 v1, v19;
	_ =	sdelay $0x3  }
0x449: {  	[tilespmem:v17+s30+$0x0] =	vst.idx.msk $0xffff, v18  }
0x44a: {  	v18 =	vshll.u32 v16, $0x7;
	v17 =	vld.idx.msk [tilespmem:v20+s20+$0x0], $0xffff  }
0x44b: {  	v16 =	vor.u32 v0, v18  }
0x44c: {  	v20 =	vor.u32 v2, v19;
	_ =	sdelay $0x3  }
0x44d: {  	[tilespmem:v16+s30+$0x0] =	vst.idx.msk $0xffff, v17  }
0x44e: {  	v16 =	vld.idx.msk [tilespmem:v20+s20+$0x0], $0xffff  }
0x44f: {  	v17 =	vor.u32 v3, v18  }
0x450: {  	v20 =	vor.u32 v4, v19;
	_ =	sdelay $0x3  }
0x451: {  	[tilespmem:v17+s30+$0x0] =	vst.idx.msk $0xffff, v16  }
0x452: {  	v16 =	vld.idx.msk [tilespmem:v20+s20+$0x0], $0xffff  }
0x453: {  	v17 =	vor.u32 v5, v18  }
0x454: {  	v20 =	vor.u32 v6, v19;
	_ =	sdelay $0x3  }
0x455: {  	[tilespmem:v17+s30+$0x0] =	vst.idx.msk $0xffff, v16  }
0x456: {  	v16 =	vld.idx.msk [tilespmem:v20+s20+$0x0], $0xffff  }
0x457: {  	v17 =	vor.u32 v7, v18  }
0x458: {  	v20 =	vor.u32 v8, v19;
	_ =	sdelay $0x3  }
0x459: {  	[tilespmem:v17+s30+$0x0] =	vst.idx.msk $0xffff, v16  }
0x45a: {  	v16 =	vld.idx.msk [tilespmem:v20+s20+$0x0], $0xffff  }
0x45b: {  	v17 =	vor.u32 v9, v18  }
0x45c: {  	v20 =	vor.u32 v10, v19;
	_ =	sdelay $0x3  }
0x45d: {  	[tilespmem:v17+s30+$0x0] =	vst.idx.msk $0xffff, v16  }
0x45e: {  	v16 =	vld.idx.msk [tilespmem:v20+s20+$0x0], $0xffff  }
0x45f: {  	v17 =	vor.u32 v11, v18  }
0x460: {  	v20 =	vor.u32 v12, v19;
	_ =	sdelay $0x3  }
0x461: {  	[tilespmem:v17+s30+$0x0] =	vst.idx.msk $0xffff, v16  }
0x462: {  	v16 =	vld.idx.msk [tilespmem:v20+s20+$0x0], $0xffff  }
0x463: {  	v17 =	vor.u32 v13, v18  }
0x464: {  	v19 =	vor.u32 v14, v19  }
.Ltmp4:
0x465: {  	(pc) =	sbr.rel @p2 .LBB2_7-.Ltmp4, $3  }
0x466: {  	_ =	sdelay $0x1  }
0x467: {  	[tilespmem:v17+s30+$0x0] =	vst.idx.msk $0xffff, v16  }
0x468: {  	v16 =	vadd.s32 s14, v0;
	s14 =	sadd.s32 $0x1, s14;
	v19 =	vld.idx.msk [tilespmem:v19+s20+$0x0], $0xffff  }
0x469: {  	v17 =	vand.u32 $0xF, v16;
	v18 =	vor.u32 v15, v18  }
0x46a: {  	v20 =	vor.u32 v1, v17;
	_ =	sdelay $0x3  }
0x46b: {  	[tilespmem:v18+s30+$0x0] =	vst.idx.msk $0xffff, v19;
	v18 =	vshll.u32 v17, $0x7  }
0x46c: {  	v19 =	vld.idx.msk [tilespmem:v20+s20+$0x0], $0xffff;
	v20 =	vor.u32 v0, v18  }
0x46d: {  	v21 =	vor.u32 v2, v17;
	_ =	sdelay $0x3  }
0x46e: {  	[tilespmem:v20+s30+$0x0] =	vst.idx.msk $0xffff, v19  }
0x46f: {  	v20 =	vor.u32 v3, v18;
	v19 =	vld.idx.msk [tilespmem:v21+s20+$0x0], $0xffff  }
0x470: {  	v24 =	vor.u32 v4, v17;
	_ =	sdelay $0x3  }
0x471: {  	[tilespmem:v20+s30+$0x0] =	vst.idx.msk $0xffff, v19  }
0x472: {  	v20 =	vor.u32 v5, v18;
	v19 =	vld.idx.msk [tilespmem:v24+s20+$0x0], $0xffff  }
0x473: {  	v25 =	vor.u32 v6, v17;
	_ =	sdelay $0x3  }
0x474: {  	[tilespmem:v20+s30+$0x0] =	vst.idx.msk $0xffff, v19  }
0x475: {  	v20 =	vor.u32 v7, v18;
	v19 =	vld.idx.msk [tilespmem:v25+s20+$0x0], $0xffff  }
0x476: {  	v26 =	vor.u32 v8, v17;
	_ =	sdelay $0x3  }
0x477: {  	[tilespmem:v20+s30+$0x0] =	vst.idx.msk $0xffff, v19  }
0x478: {  	v20 =	vor.u32 v9, v18;
	v19 =	vld.idx.msk [tilespmem:v26+s20+$0x0], $0xffff  }
0x479: {  	v27 =	vor.u32 v10, v17;
	_ =	sdelay $0x3  }
0x47a: {  	[tilespmem:v20+s30+$0x0] =	vst.idx.msk $0xffff, v19  }
0x47b: {  	v20 =	vor.u32 v11, v18;
	v19 =	vld.idx.msk [tilespmem:v27+s20+$0x0], $0xffff  }
0x47c: {  	v28 =	vor.u32 v12, v17;
	_ =	sdelay $0x3  }
0x47d: {  	[tilespmem:v20+s30+$0x0] =	vst.idx.msk $0xffff, v19  }
0x47e: {  	v20 =	vor.u32 v13, v18;
	v19 =	vld.idx.msk [tilespmem:v28+s20+$0x0], $0xffff  }
0x47f: {  	v29 =	vor.u32 v14, v17;
	_ =	sdelay $0x3  }
0x480: {  	[tilespmem:v20+s30+$0x0] =	vst.idx.msk $0xffff, v19;
	v19 =	vor.u32 $0x10, v16  }
0x481: {  	v18 =	vor.u32 v15, v18;
	v20 =	vld.idx.msk [tilespmem:v29+s20+$0x0], $0xffff;
	v30 =	vand.u32 $0x1F, v19  }
0x482: {  	v22 =	vor.u32 v1, v30;
	_ =	sdelay $0x3  }
0x483: {  	[tilespmem:v18+s30+$0x0] =	vst.idx.msk $0xffff, v20;
	v18 =	vshll.u32 v19, $0x7  }
0x484: {  	v19 =	vld.idx.msk [tilespmem:v22+s20+$0x0], $0xffff;
	v20 =	vor.u32 v0, v18  }
0x485: {  	v31 =	vor.u32 v2, v30;
	_ =	sdelay $0x3  }
0x486: {  	[tilespmem:v20+s30+$0x0] =	vst.idx.msk $0xffff, v19  }
0x487: {  	v20 =	vor.u32 v3, v18;
	v19 =	vld.idx.msk [tilespmem:v31+s20+$0x0], $0xffff  }
0x488: {  	v32 =	vor.u32 v4, v30;
	_ =	sdelay $0x3  }
0x489: {  	[tilespmem:v20+s30+$0x0] =	vst.idx.msk $0xffff, v19  }
0x48a: {  	v20 =	vor.u32 v5, v18;
	v19 =	vld.idx.msk [tilespmem:v32+s20+$0x0], $0xffff  }
0x48b: {  	v33 =	vor.u32 v6, v30;
	_ =	sdelay $0x3  }
0x48c: {  	[tilespmem:v20+s30+$0x0] =	vst.idx.msk $0xffff, v19  }
0x48d: {  	v20 =	vor.u32 v7, v18;
	v19 =	vld.idx.msk [tilespmem:v33+s20+$0x0], $0xffff  }
0x48e: {  	v34 =	vor.u32 v8, v30;
	_ =	sdelay $0x3  }
0x48f: {  	[tilespmem:v20+s30+$0x0] =	vst.idx.msk $0xffff, v19  }
0x490: {  	v20 =	vor.u32 v9, v18;
	v19 =	vld.idx.msk [tilespmem:v34+s20+$0x0], $0xffff  }
0x491: {  	v35 =	vor.u32 v10, v30;
	_ =	sdelay $0x3  }
0x492: {  	[tilespmem:v20+s30+$0x0] =	vst.idx.msk $0xffff, v19  }
0x493: {  	v20 =	vor.u32 v11, v18;
	v19 =	vld.idx.msk [tilespmem:v35+s20+$0x0], $0xffff  }
0x494: {  	v36 =	vor.u32 v12, v30;
	_ =	sdelay $0x3  }
0x495: {  	[tilespmem:v20+s30+$0x0] =	vst.idx.msk $0xffff, v19  }
0x496: {  	v20 =	vor.u32 v13, v18;
	v19 =	vld.idx.msk [tilespmem:v36+s20+$0x0], $0xffff  }
0x497: {  	v21 =	vor.u32 v14, v30;
	_ =	sdelay $0x2  }
0x498: {  	v17 =	vor.u32 $0x20, v17  }
0x499: {  	[tilespmem:v20+s30+$0x0] =	vst.idx.msk $0xffff, v19;
	v19 =	vand.u32 $0x7, v16;
	v20 =	vand.u32 $0x28, v17  }
0x49a: {  	v18 =	vor.u32 v15, v18;
	v21 =	vld.idx.msk [tilespmem:v21+s20+$0x0], $0xffff;
	v19 =	vor.u32 v19, v20  }
0x49b: {  	v20 =	vor.u32 v1, v19;
	_ =	sdelay $0x3  }
0x49c: {  	v17 =	vshll.u32 v17, $0x7;
	[tilespmem:v18+s30+$0x0] =	vst.idx.msk $0xffff, v21  }
0x49d: {  	v18 =	vld.idx.msk [tilespmem:v20+s20+$0x0], $0xffff;
	v20 =	vor.u32 v0, v17  }
0x49e: {  	v37 =	vor.u32 v2, v19;
	_ =	sdelay $0x3  }
0x49f: {  	[tilespmem:v20+s30+$0x0] =	vst.idx.msk $0xffff, v18  }
0x4a0: {  	v20 =	vor.u32 v3, v17;
	v18 =	vld.idx.msk [tilespmem:v37+s20+$0x0], $0xffff  }
0x4a1: {  	v38 =	vor.u32 v4, v19;
	_ =	sdelay $0x3  }
0x4a2: {  	[tilespmem:v20+s30+$0x0] =	vst.idx.msk $0xffff, v18  }
0x4a3: {  	v20 =	vor.u32 v5, v17;
	v18 =	vld.idx.msk [tilespmem:v38+s20+$0x0], $0xffff  }
0x4a4: {  	v39 =	vor.u32 v6, v19;
	_ =	sdelay $0x3  }
0x4a5: {  	[tilespmem:v20+s30+$0x0] =	vst.idx.msk $0xffff, v18  }
0x4a6: {  	v20 =	vor.u32 v7, v17;
	v18 =	vld.idx.msk [tilespmem:v39+s20+$0x0], $0xffff  }
0x4a7: {  	v40 =	vor.u32 v8, v19;
	_ =	sdelay $0x3  }
0x4a8: {  	[tilespmem:v20+s30+$0x0] =	vst.idx.msk $0xffff, v18  }
0x4a9: {  	v20 =	vor.u32 v9, v17;
	v18 =	vld.idx.msk [tilespmem:v40+s20+$0x0], $0xffff  }
0x4aa: {  	v41 =	vor.u32 v10, v19;
	_ =	sdelay $0x3  }
0x4ab: {  	[tilespmem:v20+s30+$0x0] =	vst.idx.msk $0xffff, v18  }
0x4ac: {  	v20 =	vor.u32 v11, v17;
	v18 =	vld.idx.msk [tilespmem:v41+s20+$0x0], $0xffff  }
0x4ad: {  	v42 =	vor.u32 v12, v19;
	_ =	sdelay $0x3  }
0x4ae: {  	[tilespmem:v20+s30+$0x0] =	vst.idx.msk $0xffff, v18  }
0x4af: {  	v20 =	vor.u32 v13, v17;
	v18 =	vld.idx.msk [tilespmem:v42+s20+$0x0], $0xffff  }
0x4b0: {  	v19 =	vor.u32 v14, v19;
	_ =	sdelay $0x3  }
0x4b1: {  	v16 =	vor.u32 $0x30, v16;
	[tilespmem:v20+s30+$0x0] =	vst.idx.msk $0xffff, v18  }
0x4b2: {  	v17 =	vor.u32 v15, v17;
	v18 =	vld.idx.msk [tilespmem:v19+s20+$0x0], $0xffff;
	v19 =	vand.u32 $0x3F, v16  }
0x4b3: {  	v20 =	vor.u32 v1, v19;
	_ =	sdelay $0x3  }
0x4b4: {  	v16 =	vshll.u32 v16, $0x7;
	[tilespmem:v17+s30+$0x0] =	vst.idx.msk $0xffff, v18  }
0x4b5: {  	v18 =	vor.u32 v0, v16;
	v17 =	vld.idx.msk [tilespmem:v20+s20+$0x0], $0xffff  }
0x4b6: {  	v20 =	vor.u32 v2, v19;
	_ =	sdelay $0x3  }
0x4b7: {  	[tilespmem:v18+s30+$0x0] =	vst.idx.msk $0xffff, v17  }
0x4b8: {  	v18 =	vor.u32 v3, v16;
	v17 =	vld.idx.msk [tilespmem:v20+s20+$0x0], $0xffff  }
0x4b9: {  	v20 =	vor.u32 v4, v19;
	_ =	sdelay $0x3  }
0x4ba: {  	[tilespmem:v18+s30+$0x0] =	vst.idx.msk $0xffff, v17  }
0x4bb: {  	v18 =	vor.u32 v5, v16;
	v17 =	vld.idx.msk [tilespmem:v20+s20+$0x0], $0xffff  }
0x4bc: {  	v20 =	vor.u32 v6, v19;
	_ =	sdelay $0x3  }
0x4bd: {  	[tilespmem:v18+s30+$0x0] =	vst.idx.msk $0xffff, v17  }
0x4be: {  	v18 =	vor.u32 v7, v16;
	v17 =	vld.idx.msk [tilespmem:v20+s20+$0x0], $0xffff  }
0x4bf: {  	v20 =	vor.u32 v8, v19;
	_ =	sdelay $0x3  }
0x4c0: {  	[tilespmem:v18+s30+$0x0] =	vst.idx.msk $0xffff, v17  }
0x4c1: {  	v18 =	vor.u32 v9, v16;
	v17 =	vld.idx.msk [tilespmem:v20+s20+$0x0], $0xffff  }
0x4c2: {  	v20 =	vor.u32 v10, v19;
	_ =	sdelay $0x3  }
0x4c3: {  	[tilespmem:v18+s30+$0x0] =	vst.idx.msk $0xffff, v17  }
0x4c4: {  	v18 =	vor.u32 v11, v16;
	v17 =	vld.idx.msk [tilespmem:v20+s20+$0x0], $0xffff  }
0x4c5: {  	v20 =	vor.u32 v12, v19;
	_ =	sdelay $0x3  }
0x4c6: {  	[tilespmem:v18+s30+$0x0] =	vst.idx.msk $0xffff, v17  }
0x4c7: {  	v18 =	vor.u32 v13, v16;
	v17 =	vld.idx.msk [tilespmem:v20+s20+$0x0], $0xffff  }
0x4c8: {  	v19 =	vor.u32 v14, v19;
	_ =	sdelay $0x3  }
0x4c9: {  	[tilespmem:v18+s30+$0x0] =	vst.idx.msk $0xffff, v17  }
0x4ca: {  	v16 =	vor.u32 v15, v16;
	v17 =	vld.idx.msk [tilespmem:v19+s20+$0x0], $0xffff  }
0x4cb: {  	s6 =	sadd.s32 s5, s6  }
0x4cc: {  	s14 =	sshll.u32 s6, $0xA;
	s6 =	sshll.u32 s6, $0x7  }
0x4cd: {  	s14 =	sand.u32 $0xFFE0000, s14;
	s6 =	sand.u32 $0x3F00, s6  }
0x4ce: {  	s6 =	sor.u32 s6, s14  }
0x4cf: {  	s14 =	sadd.s32 s2, s6;
	[tilespmem:v16+s30+$0x0] =	vst.idx.msk $0xffff, v17  }
0x4d0: {  	[hbm4b:s14+s3] =	stream.linear.scatter [tilespmem:s30], [sflag:$0x7], $0x400, $0x38;
	[tilespmem:$0x1E400] =	vst v63  }
0x4d1: {  	s15 =	simm.s32 $0x1A800;
	s14 =	sadd.s32 s6, s7  }
0x4d2: {  	[hbm4b:s14+s3] =	stream.linear.scatter [tilespmem:s15], [sflag:$0x7], $0x400, $0x38;
	[tilespmem:$0x1E400] =	vst v63  }
0x4d3: {  	s14 =	sadd.s32 s6, s8;
	s15 =	simm.s32 $0x1AC00  }
0x4d4: {  	[hbm4b:s14+s3] =	stream.linear.scatter [tilespmem:s15], [sflag:$0x7], $0x400, $0x38;
	[tilespmem:$0x1E400] =	vst v63  }
0x4d5: {  	s14 =	sadd.s32 s6, s9;
	s15 =	simm.s32 $0x1B000  }
0x4d6: {  	[hbm4b:s14+s3] =	stream.linear.scatter [tilespmem:s15], [sflag:$0x7], $0x400, $0x38;
	[tilespmem:$0x1E400] =	vst v63  }
0x4d7: {  	s14 =	sadd.s32 s6, s10;
	s15 =	simm.s32 $0x1B400  }
0x4d8: {  	[hbm4b:s14+s3] =	stream.linear.scatter [tilespmem:s15], [sflag:$0x7], $0x400, $0x38;
	[tilespmem:$0x1E400] =	vst v63  }
0x4d9: {  	s14 =	sadd.s32 s6, s11;
	s15 =	simm.s32 $0x1B800  }
0x4da: {  	[hbm4b:s14+s3] =	stream.linear.scatter [tilespmem:s15], [sflag:$0x7], $0x400, $0x38;
	[tilespmem:$0x1E400] =	vst v63  }
0x4db: {  	s14 =	sadd.s32 s6, s12;
	s15 =	simm.s32 $0x1BC00  }
0x4dc: {  	[hbm4b:s14+s3] =	stream.linear.scatter [tilespmem:s15], [sflag:$0x7], $0x400, $0x38;
	[tilespmem:$0x1E400] =	vst v63  }
0x4dd: {  	s6 =	sadd.s32 s6, s13;
	s15 =	simm.s32 $0x1C000  }
0x4de: {  	[hbm4b:s6+s3] =	stream.linear.scatter [tilespmem:s15], [sflag:$0x7], $0x400, $0x38;
	[tilespmem:$0x1E400] =	vst v63  }
0x4df: {  	s14 =	simm.s32 @!p1 $0x80;
	s6 =	sadd.s32 @!p1 $0x300, s21;
	s15 =	simm.s32 @!p1 $0xE400  }
0x4e0: {  	[tilespmem:s15], [sflag:$0x3] =	stream.indirect.gather @!p1 [hbm4b:s4+s14], $0x80, s6, s14, $0xb8;
	[tilespmem:$0x1E400] =	vst v63  }
0x4e1: {  	_ =	swait.ge [sflag:s26], $0x4000  }
0x4e2: {  	[sflag:s26] =	ssyncset.done $0x0  }
0x4e3: {  	s6 =	simm.s32 @!p0 $0x8;
	[sflag:s26] =	ssyncadd.s32 $0xFFFFC000  }
0x4e4: {  	_ =	swait.ge @!p0 [sflag:s6], $0x400  }
0x4e5: {  	[sflag:s6] =	ssyncset.done @!p0 $0x0  }
0x4e6: {  	[sflag:s6] =	ssyncadd.s32 @!p0 $0xFFFFFC00  }
0x4e7: {  	_ =	swait.ge @!p0 [sflag:s6], $0x400  }
0x4e8: {  	[sflag:s6] =	ssyncset.done @!p0 $0x0  }
0x4e9: {  	[sflag:s6] =	ssyncadd.s32 @!p0 $0xFFFFFC00  }
0x4ea: {  	_ =	swait.ge @!p0 [sflag:s6], $0x400  }
0x4eb: {  	[sflag:s6] =	ssyncset.done @!p0 $0x0  }
0x4ec: {  	[sflag:s6] =	ssyncadd.s32 @!p0 $0xFFFFFC00  }
0x4ed: {  	_ =	swait.ge @!p0 [sflag:s6], $0x400  }
0x4ee: {  	[sflag:s6] =	ssyncset.done @!p0 $0x0  }
0x4ef: {  	[sflag:s6] =	ssyncadd.s32 @!p0 $0xFFFFFC00  }
0x4f0: {  	_ =	swait.ge @!p0 [sflag:s6], $0x400  }
0x4f1: {  	[sflag:s6] =	ssyncset.done @!p0 $0x0  }
0x4f2: {  	[sflag:s6] =	ssyncadd.s32 @!p0 $0xFFFFFC00  }
0x4f3: {  	_ =	swait.ge @!p0 [sflag:s6], $0x400  }
0x4f4: {  	s15 =	simm.s32 $0x0;
	[sflag:s6] =	ssyncset.done @!p0 $0x0  }
0x4f5: {  	v16 =	vadd.s32 s15, v0;
	[sflag:s6] =	ssyncadd.s32 @!p0 $0xFFFFFC00  }
0x4f6: {  	v17 =	vand.u32 $0xF, v16;
	_ =	swait.ge @!p0 [sflag:s6], $0x400  }
0x4f7: {  	v18 =	vor.u32 v1, v17;
	[sflag:s6] =	ssyncset.done @!p0 $0x0  }
0x4f8: {  	[sflag:s6] =	ssyncadd.s32 @!p0 $0xFFFFFC00  }
0x4f9: {  	_ =	swait.ge @!p0 [sflag:s6], $0x400  }
0x4fa: {  	[sflag:s6] =	ssyncset.done @!p0 $0x0  }
0x4fb: {  	v19 =	vshll.u32 v17, $0x7;
	[sflag:s6] =	ssyncadd.s32 @!p0 $0xFFFFFC00  }
0x4fc: {  	v20 =	vor.u32 v0, v19;
	v18 =	vld.idx.msk [tilespmem:v18+s22+$0x0], $0xffff  }
0x4fd: {  	v43 =	vor.u32 v2, v17;
	_ =	sdelay $0x3  }
0x4fe: {  	[tilespmem:v20+s28+$0x0] =	vst.idx.msk $0xffff, v18  }
0x4ff: {  	v20 =	vor.u32 v3, v19;
	v18 =	vld.idx.msk [tilespmem:v43+s22+$0x0], $0xffff  }
0x500: {  	v44 =	vor.u32 v4, v17;
	_ =	sdelay $0x3  }
0x501: {  	[tilespmem:v20+s28+$0x0] =	vst.idx.msk $0xffff, v18  }
0x502: {  	v20 =	vor.u32 v5, v19;
	v18 =	vld.idx.msk [tilespmem:v44+s22+$0x0], $0xffff  }
0x503: {  	v45 =	vor.u32 v6, v17;
	_ =	sdelay $0x3  }
0x504: {  	[tilespmem:v20+s28+$0x0] =	vst.idx.msk $0xffff, v18  }
0x505: {  	v20 =	vor.u32 v7, v19;
	v18 =	vld.idx.msk [tilespmem:v45+s22+$0x0], $0xffff  }
0x506: {  	v46 =	vor.u32 v8, v17;
	_ =	sdelay $0x3  }
0x507: {  	[tilespmem:v20+s28+$0x0] =	vst.idx.msk $0xffff, v18  }
0x508: {  	v20 =	vor.u32 v9, v19;
	v18 =	vld.idx.msk [tilespmem:v46+s22+$0x0], $0xffff  }
0x509: {  	v47 =	vor.u32 v10, v17;
	_ =	sdelay $0x3  }
0x50a: {  	[tilespmem:v20+s28+$0x0] =	vst.idx.msk $0xffff, v18  }
0x50b: {  	v20 =	vor.u32 v11, v19;
	v18 =	vld.idx.msk [tilespmem:v47+s22+$0x0], $0xffff  }
0x50c: {  	v48 =	vor.u32 v12, v17;
	_ =	sdelay $0x3  }
0x50d: {  	[tilespmem:v20+s28+$0x0] =	vst.idx.msk $0xffff, v18  }
0x50e: {  	v20 =	vor.u32 v13, v19;
	v18 =	vld.idx.msk [tilespmem:v48+s22+$0x0], $0xffff  }
0x50f: {  	v49 =	vor.u32 v14, v17;
	_ =	sdelay $0x3  }
0x510: {  	[tilespmem:v20+s28+$0x0] =	vst.idx.msk $0xffff, v18;
	v18 =	vor.u32 $0x10, v16  }
0x511: {  	v19 =	vor.u32 v15, v19;
	v20 =	vld.idx.msk [tilespmem:v49+s22+$0x0], $0xffff;
	v50 =	vand.u32 $0x1F, v18  }
0x512: {  	v51 =	vor.u32 v1, v50;
	_ =	sdelay $0x3  }
0x513: {  	v18 =	vshll.u32 v18, $0x7;
	[tilespmem:v19+s28+$0x0] =	vst.idx.msk $0xffff, v20  }
0x514: {  	v20 =	vor.u32 v0, v18;
	v19 =	vld.idx.msk [tilespmem:v51+s22+$0x0], $0xffff  }
0x515: {  	v52 =	vor.u32 v2, v50;
	_ =	sdelay $0x3  }
0x516: {  	[tilespmem:v20+s28+$0x0] =	vst.idx.msk $0xffff, v19  }
0x517: {  	v20 =	vor.u32 v3, v18;
	v19 =	vld.idx.msk [tilespmem:v52+s22+$0x0], $0xffff  }
0x518: {  	v53 =	vor.u32 v4, v50;
	_ =	sdelay $0x3  }
0x519: {  	[tilespmem:v20+s28+$0x0] =	vst.idx.msk $0xffff, v19  }
0x51a: {  	v20 =	vor.u32 v5, v18;
	v19 =	vld.idx.msk [tilespmem:v53+s22+$0x0], $0xffff  }
0x51b: {  	v54 =	vor.u32 v6, v50;
	_ =	sdelay $0x3  }
0x51c: {  	[tilespmem:v20+s28+$0x0] =	vst.idx.msk $0xffff, v19  }
0x51d: {  	v20 =	vor.u32 v7, v18;
	v19 =	vld.idx.msk [tilespmem:v54+s22+$0x0], $0xffff  }
0x51e: {  	v55 =	vor.u32 v8, v50;
	_ =	sdelay $0x3  }
0x51f: {  	[tilespmem:v20+s28+$0x0] =	vst.idx.msk $0xffff, v19  }
0x520: {  	v20 =	vor.u32 v9, v18;
	v19 =	vld.idx.msk [tilespmem:v55+s22+$0x0], $0xffff  }
0x521: {  	v56 =	vor.u32 v10, v50;
	_ =	sdelay $0x3  }
0x522: {  	[tilespmem:v20+s28+$0x0] =	vst.idx.msk $0xffff, v19  }
0x523: {  	v20 =	vor.u32 v11, v18;
	v19 =	vld.idx.msk [tilespmem:v56+s22+$0x0], $0xffff  }
0x524: {  	v57 =	vor.u32 v12, v50;
	_ =	sdelay $0x3  }
0x525: {  	[tilespmem:v20+s28+$0x0] =	vst.idx.msk $0xffff, v19  }
0x526: {  	v20 =	vor.u32 v13, v18;
	v19 =	vld.idx.msk [tilespmem:v57+s22+$0x0], $0xffff  }
0x527: {  	v21 =	vor.u32 v14, v50;
	_ =	sdelay $0x2  }
0x528: {  	v17 =	vor.u32 $0x20, v17  }
0x529: {  	[tilespmem:v20+s28+$0x0] =	vst.idx.msk $0xffff, v19;
	v19 =	vand.u32 $0x7, v16;
	v20 =	vand.u32 $0x28, v17  }
0x52a: {  	v18 =	vor.u32 v15, v18;
	v21 =	vld.idx.msk [tilespmem:v21+s22+$0x0], $0xffff;
	v19 =	vor.u32 v19, v20  }
0x52b: {  	v20 =	vor.u32 v1, v19;
	_ =	sdelay $0x3  }
0x52c: {  	v17 =	vshll.u32 v17, $0x7;
	[tilespmem:v18+s28+$0x0] =	vst.idx.msk $0xffff, v21  }
0x52d: {  	v18 =	vld.idx.msk [tilespmem:v20+s22+$0x0], $0xffff;
	v20 =	vor.u32 v0, v17  }
0x52e: {  	v58 =	vor.u32 v2, v19;
	_ =	sdelay $0x3  }
0x52f: {  	[tilespmem:v20+s28+$0x0] =	vst.idx.msk $0xffff, v18  }
0x530: {  	v20 =	vor.u32 v3, v17;
	v18 =	vld.idx.msk [tilespmem:v58+s22+$0x0], $0xffff  }
0x531: {  	v59 =	vor.u32 v4, v19;
	_ =	sdelay $0x3  }
0x532: {  	[tilespmem:v20+s28+$0x0] =	vst.idx.msk $0xffff, v18  }
0x533: {  	v20 =	vor.u32 v5, v17;
	v18 =	vld.idx.msk [tilespmem:v59+s22+$0x0], $0xffff  }
0x534: {  	v60 =	vor.u32 v6, v19;
	_ =	sdelay $0x3  }
0x535: {  	[tilespmem:v20+s28+$0x0] =	vst.idx.msk $0xffff, v18  }
0x536: {  	v20 =	vor.u32 v7, v17;
	v18 =	vld.idx.msk [tilespmem:v60+s22+$0x0], $0xffff  }
0x537: {  	v61 =	vor.u32 v8, v19;
	_ =	sdelay $0x3  }
0x538: {  	[tilespmem:v20+s28+$0x0] =	vst.idx.msk $0xffff, v18  }
0x539: {  	v20 =	vor.u32 v9, v17;
	v18 =	vld.idx.msk [tilespmem:v61+s22+$0x0], $0xffff  }
0x53a: {  	v62 =	vor.u32 v10, v19;
	_ =	sdelay $0x3  }
0x53b: {  	[tilespmem:v20+s28+$0x0] =	vst.idx.msk $0xffff, v18  }
0x53c: {  	v20 =	vor.u32 v11, v17;
	v18 =	vld.idx.msk [tilespmem:v62+s22+$0x0], $0xffff  }
0x53d: {  	v63 =	vor.u32 v12, v19;
	_ =	sdelay $0x3  }
0x53e: {  	[tilespmem:v20+s28+$0x0] =	vst.idx.msk $0xffff, v18  }
0x53f: {  	v20 =	vor.u32 v13, v17;
	v18 =	vld.idx.msk [tilespmem:v63+s22+$0x0], $0xffff  }
0x540: {  	v19 =	vor.u32 v14, v19;
	_ =	sdelay $0x3  }
0x541: {  	v16 =	vor.u32 $0x30, v16;
	[tilespmem:v20+s28+$0x0] =	vst.idx.msk $0xffff, v18  }
0x542: {  	v17 =	vor.u32 v15, v17;
	v18 =	vld.idx.msk [tilespmem:v19+s22+$0x0], $0xffff;
	v19 =	vand.u32 $0x3F, v16  }
0x543: {  	v20 =	vor.u32 v1, v19;
	_ =	sdelay $0x3  }
0x544: {  	[tilespmem:v17+s28+$0x0] =	vst.idx.msk $0xffff, v18;
	v18 =	vshll.u32 v16, $0x7  }
0x545: {  	v16 =	vld.idx.msk [tilespmem:v20+s22+$0x0], $0xffff;
	v17 =	vor.u32 v0, v18  }
0x546: {  	v20 =	vor.u32 v2, v19;
	_ =	sdelay $0x3  }
0x547: {  	[tilespmem:v17+s28+$0x0] =	vst.idx.msk $0xffff, v16  }
0x548: {  	v17 =	vor.u32 v3, v18;
	v16 =	vld.idx.msk [tilespmem:v20+s22+$0x0], $0xffff  }
0x549: {  	v20 =	vor.u32 v4, v19;
	_ =	sdelay $0x3  }
0x54a: {  	[tilespmem:v17+s28+$0x0] =	vst.idx.msk $0xffff, v16  }
0x54b: {  	v17 =	vor.u32 v5, v18;
	v16 =	vld.idx.msk [tilespmem:v20+s22+$0x0], $0xffff  }
0x54c: {  	v20 =	vor.u32 v6, v19;
	_ =	sdelay $0x3  }
0x54d: {  	[tilespmem:v17+s28+$0x0] =	vst.idx.msk $0xffff, v16  }
0x54e: {  	v17 =	vor.u32 v7, v18;
	v16 =	vld.idx.msk [tilespmem:v20+s22+$0x0], $0xffff  }
0x54f: {  	v20 =	vor.u32 v8, v19;
	_ =	sdelay $0x3  }
0x550: {  	[tilespmem:v17+s28+$0x0] =	vst.idx.msk $0xffff, v16  }
0x551: {  	v17 =	vor.u32 v9, v18;
	v16 =	vld.idx.msk [tilespmem:v20+s22+$0x0], $0xffff  }
0x552: {  	v20 =	vor.u32 v10, v19;
	_ =	sdelay $0x3  }
0x553: {  	[tilespmem:v17+s28+$0x0] =	vst.idx.msk $0xffff, v16  }
0x554: {  	v17 =	vor.u32 v11, v18;
	v16 =	vld.idx.msk [tilespmem:v20+s22+$0x0], $0xffff  }
0x555: {  	v20 =	vor.u32 v12, v19;
	_ =	sdelay $0x3  }
0x556: {  	[tilespmem:v17+s28+$0x0] =	vst.idx.msk $0xffff, v16  }
0x557: {  	v17 =	vor.u32 v13, v18;
	v16 =	vld.idx.msk [tilespmem:v20+s22+$0x0], $0xffff  }
0x558: {  	v19 =	vor.u32 v14, v19;
	_ =	sdelay $0x3  }
0x559: {  	s21 =	simm.s32 $0x1;
	[tilespmem:v17+s28+$0x0] =	vst.idx.msk $0xffff, v16  }
0x55a: {  	s1 =	sor.u32 $0x3, s1;
	s6 =	simm.s32 $0x2;
	v16 =	vadd.s32 s21, v0;
	v19 =	vld.idx.msk [tilespmem:v19+s22+$0x0], $0xffff  }
.LBB2_9:
0x55b: {  	p0 =	sne.s32 s6, $0xF;
	v17 =	vand.u32 $0xF, v16;
	v18 =	vor.u32 v15, v18  }
0x55c: {  	v20 =	vor.u32 v1, v17;
	_ =	sdelay $0x3  }
0x55d: {  	[tilespmem:v18+s28+$0x0] =	vst.idx.msk $0xffff, v19  }
0x55e: {  	v19 =	vshll.u32 v17, $0x7;
	v18 =	vld.idx.msk [tilespmem:v20+s22+$0x0], $0xffff  }
0x55f: {  	v20 =	vor.u32 v0, v19  }
0x560: {  	v21 =	vor.u32 v2, v17;
	_ =	sdelay $0x3  }
0x561: {  	[tilespmem:v20+s28+$0x0] =	vst.idx.msk $0xffff, v18  }
0x562: {  	v18 =	vld.idx.msk [tilespmem:v21+s22+$0x0], $0xffff  }
0x563: {  	v20 =	vor.u32 v3, v19  }
0x564: {  	v21 =	vor.u32 v4, v17;
	_ =	sdelay $0x3  }
0x565: {  	[tilespmem:v20+s28+$0x0] =	vst.idx.msk $0xffff, v18  }
0x566: {  	v18 =	vld.idx.msk [tilespmem:v21+s22+$0x0], $0xffff  }
0x567: {  	v20 =	vor.u32 v5, v19  }
0x568: {  	v21 =	vor.u32 v6, v17;
	_ =	sdelay $0x3  }
0x569: {  	[tilespmem:v20+s28+$0x0] =	vst.idx.msk $0xffff, v18  }
0x56a: {  	v18 =	vld.idx.msk [tilespmem:v21+s22+$0x0], $0xffff  }
0x56b: {  	v20 =	vor.u32 v7, v19  }
0x56c: {  	v21 =	vor.u32 v8, v17;
	_ =	sdelay $0x3  }
0x56d: {  	[tilespmem:v20+s28+$0x0] =	vst.idx.msk $0xffff, v18  }
0x56e: {  	v18 =	vld.idx.msk [tilespmem:v21+s22+$0x0], $0xffff  }
0x56f: {  	v20 =	vor.u32 v9, v19  }
0x570: {  	v21 =	vor.u32 v10, v17;
	_ =	sdelay $0x3  }
0x571: {  	[tilespmem:v20+s28+$0x0] =	vst.idx.msk $0xffff, v18  }
0x572: {  	v18 =	vld.idx.msk [tilespmem:v21+s22+$0x0], $0xffff  }
0x573: {  	v20 =	vor.u32 v11, v19  }
0x574: {  	v21 =	vor.u32 v12, v17;
	_ =	sdelay $0x3  }
0x575: {  	[tilespmem:v20+s28+$0x0] =	vst.idx.msk $0xffff, v18  }
0x576: {  	v18 =	vld.idx.msk [tilespmem:v21+s22+$0x0], $0xffff  }
0x577: {  	v20 =	vor.u32 v13, v19  }
0x578: {  	v21 =	vor.u32 v14, v17;
	_ =	sdelay $0x3  }
0x579: {  	[tilespmem:v20+s28+$0x0] =	vst.idx.msk $0xffff, v18  }
0x57a: {  	v18 =	vor.u32 $0x10, v16;
	v20 =	vld.idx.msk [tilespmem:v21+s22+$0x0], $0xffff  }
0x57b: {  	v19 =	vor.u32 v15, v19;
	v21 =	vand.u32 $0x1F, v18  }
0x57c: {  	v22 =	vor.u32 v1, v21;
	_ =	sdelay $0x3  }
0x57d: {  	[tilespmem:v19+s28+$0x0] =	vst.idx.msk $0xffff, v20  }
0x57e: {  	v18 =	vshll.u32 v18, $0x7;
	v19 =	vld.idx.msk [tilespmem:v22+s22+$0x0], $0xffff  }
0x57f: {  	v20 =	vor.u32 v0, v18  }
0x580: {  	v22 =	vor.u32 v2, v21;
	_ =	sdelay $0x3  }
0x581: {  	[tilespmem:v20+s28+$0x0] =	vst.idx.msk $0xffff, v19  }
0x582: {  	v19 =	vld.idx.msk [tilespmem:v22+s22+$0x0], $0xffff  }
0x583: {  	v20 =	vor.u32 v3, v18  }
0x584: {  	v22 =	vor.u32 v4, v21;
	_ =	sdelay $0x3  }
0x585: {  	[tilespmem:v20+s28+$0x0] =	vst.idx.msk $0xffff, v19  }
0x586: {  	v19 =	vld.idx.msk [tilespmem:v22+s22+$0x0], $0xffff  }
0x587: {  	v20 =	vor.u32 v5, v18  }
0x588: {  	v22 =	vor.u32 v6, v21;
	_ =	sdelay $0x3  }
0x589: {  	[tilespmem:v20+s28+$0x0] =	vst.idx.msk $0xffff, v19  }
0x58a: {  	v19 =	vld.idx.msk [tilespmem:v22+s22+$0x0], $0xffff  }
0x58b: {  	v20 =	vor.u32 v7, v18  }
0x58c: {  	v22 =	vor.u32 v8, v21;
	_ =	sdelay $0x3  }
0x58d: {  	[tilespmem:v20+s28+$0x0] =	vst.idx.msk $0xffff, v19  }
0x58e: {  	v19 =	vld.idx.msk [tilespmem:v22+s22+$0x0], $0xffff  }
0x58f: {  	v20 =	vor.u32 v9, v18  }
0x590: {  	v22 =	vor.u32 v10, v21;
	_ =	sdelay $0x3  }
0x591: {  	[tilespmem:v20+s28+$0x0] =	vst.idx.msk $0xffff, v19  }
0x592: {  	v19 =	vld.idx.msk [tilespmem:v22+s22+$0x0], $0xffff  }
0x593: {  	v20 =	vor.u32 v11, v18  }
0x594: {  	v22 =	vor.u32 v12, v21;
	_ =	sdelay $0x3  }
0x595: {  	[tilespmem:v20+s28+$0x0] =	vst.idx.msk $0xffff, v19  }
0x596: {  	v19 =	vld.idx.msk [tilespmem:v22+s22+$0x0], $0xffff  }
0x597: {  	v20 =	vor.u32 v13, v18  }
0x598: {  	v21 =	vor.u32 v14, v21;
	_ =	sdelay $0x3  }
0x599: {  	v17 =	vor.u32 $0x20, v17;
	[tilespmem:v20+s28+$0x0] =	vst.idx.msk $0xffff, v19  }
0x59a: {  	v19 =	vand.u32 $0x7, v16;
	v20 =	vld.idx.msk [tilespmem:v21+s22+$0x0], $0xffff;
	v21 =	vand.u32 $0x28, v17  }
0x59b: {  	v18 =	vor.u32 v15, v18;
	v19 =	vor.u32 v19, v21  }
0x59c: {  	v21 =	vor.u32 v1, v19;
	_ =	sdelay $0x3  }
0x59d: {  	[tilespmem:v18+s28+$0x0] =	vst.idx.msk $0xffff, v20  }
0x59e: {  	v17 =	vshll.u32 v17, $0x7;
	v18 =	vld.idx.msk [tilespmem:v21+s22+$0x0], $0xffff  }
0x59f: {  	v20 =	vor.u32 v0, v17  }
0x5a0: {  	v21 =	vor.u32 v2, v19;
	_ =	sdelay $0x3  }
0x5a1: {  	[tilespmem:v20+s28+$0x0] =	vst.idx.msk $0xffff, v18  }
0x5a2: {  	v18 =	vld.idx.msk [tilespmem:v21+s22+$0x0], $0xffff  }
0x5a3: {  	v20 =	vor.u32 v3, v17  }
0x5a4: {  	v21 =	vor.u32 v4, v19;
	_ =	sdelay $0x3  }
0x5a5: {  	[tilespmem:v20+s28+$0x0] =	vst.idx.msk $0xffff, v18  }
0x5a6: {  	v18 =	vld.idx.msk [tilespmem:v21+s22+$0x0], $0xffff  }
0x5a7: {  	v20 =	vor.u32 v5, v17  }
0x5a8: {  	v21 =	vor.u32 v6, v19;
	_ =	sdelay $0x3  }
0x5a9: {  	[tilespmem:v20+s28+$0x0] =	vst.idx.msk $0xffff, v18  }
0x5aa: {  	v18 =	vld.idx.msk [tilespmem:v21+s22+$0x0], $0xffff  }
0x5ab: {  	v20 =	vor.u32 v7, v17  }
0x5ac: {  	v21 =	vor.u32 v8, v19;
	_ =	sdelay $0x3  }
0x5ad: {  	[tilespmem:v20+s28+$0x0] =	vst.idx.msk $0xffff, v18  }
0x5ae: {  	v18 =	vld.idx.msk [tilespmem:v21+s22+$0x0], $0xffff  }
0x5af: {  	v20 =	vor.u32 v9, v17  }
0x5b0: {  	v21 =	vor.u32 v10, v19;
	_ =	sdelay $0x3  }
0x5b1: {  	[tilespmem:v20+s28+$0x0] =	vst.idx.msk $0xffff, v18  }
0x5b2: {  	v18 =	vld.idx.msk [tilespmem:v21+s22+$0x0], $0xffff  }
0x5b3: {  	v20 =	vor.u32 v11, v17  }
0x5b4: {  	v21 =	vor.u32 v12, v19;
	_ =	sdelay $0x3  }
0x5b5: {  	[tilespmem:v20+s28+$0x0] =	vst.idx.msk $0xffff, v18  }
0x5b6: {  	v18 =	vld.idx.msk [tilespmem:v21+s22+$0x0], $0xffff  }
0x5b7: {  	v20 =	vor.u32 v13, v17  }
0x5b8: {  	v19 =	vor.u32 v14, v19;
	_ =	sdelay $0x3  }
0x5b9: {  	[tilespmem:v20+s28+$0x0] =	vst.idx.msk $0xffff, v18  }
0x5ba: {  	v16 =	vor.u32 $0x30, v16;
	v18 =	vld.idx.msk [tilespmem:v19+s22+$0x0], $0xffff  }
0x5bb: {  	v17 =	vor.u32 v15, v17;
	v19 =	vand.u32 $0x3F, v16  }
0x5bc: {  	v20 =	vor.u32 v1, v19;
	_ =	sdelay $0x3  }
0x5bd: {  	[tilespmem:v17+s28+$0x0] =	vst.idx.msk $0xffff, v18  }
0x5be: {  	v18 =	vshll.u32 v16, $0x7;
	v17 =	vld.idx.msk [tilespmem:v20+s22+$0x0], $0xffff  }
0x5bf: {  	v16 =	vor.u32 v0, v18  }
0x5c0: {  	v20 =	vor.u32 v2, v19;
	_ =	sdelay $0x3  }
0x5c1: {  	[tilespmem:v16+s28+$0x0] =	vst.idx.msk $0xffff, v17  }
0x5c2: {  	v16 =	vld.idx.msk [tilespmem:v20+s22+$0x0], $0xffff  }
0x5c3: {  	v17 =	vor.u32 v3, v18  }
0x5c4: {  	v20 =	vor.u32 v4, v19;
	_ =	sdelay $0x3  }
0x5c5: {  	[tilespmem:v17+s28+$0x0] =	vst.idx.msk $0xffff, v16  }
0x5c6: {  	v16 =	vld.idx.msk [tilespmem:v20+s22+$0x0], $0xffff  }
0x5c7: {  	v17 =	vor.u32 v5, v18  }
0x5c8: {  	v20 =	vor.u32 v6, v19;
	_ =	sdelay $0x3  }
0x5c9: {  	[tilespmem:v17+s28+$0x0] =	vst.idx.msk $0xffff, v16  }
0x5ca: {  	v16 =	vld.idx.msk [tilespmem:v20+s22+$0x0], $0xffff  }
0x5cb: {  	v17 =	vor.u32 v7, v18  }
0x5cc: {  	v20 =	vor.u32 v8, v19;
	_ =	sdelay $0x3  }
0x5cd: {  	[tilespmem:v17+s28+$0x0] =	vst.idx.msk $0xffff, v16  }
0x5ce: {  	v16 =	vld.idx.msk [tilespmem:v20+s22+$0x0], $0xffff  }
0x5cf: {  	v17 =	vor.u32 v9, v18  }
0x5d0: {  	v20 =	vor.u32 v10, v19;
	_ =	sdelay $0x3  }
0x5d1: {  	[tilespmem:v17+s28+$0x0] =	vst.idx.msk $0xffff, v16  }
0x5d2: {  	v16 =	vld.idx.msk [tilespmem:v20+s22+$0x0], $0xffff  }
0x5d3: {  	v17 =	vor.u32 v11, v18  }
0x5d4: {  	v20 =	vor.u32 v12, v19;
	_ =	sdelay $0x3  }
0x5d5: {  	[tilespmem:v17+s28+$0x0] =	vst.idx.msk $0xffff, v16  }
0x5d6: {  	v16 =	vld.idx.msk [tilespmem:v20+s22+$0x0], $0xffff  }
0x5d7: {  	v17 =	vor.u32 v13, v18  }
0x5d8: {  	v19 =	vor.u32 v14, v19  }
.Ltmp5:
0x5d9: {  	(pc) =	sbr.rel @p0 .LBB2_9-.Ltmp5, $3  }
0x5da: {  	_ =	sdelay $0x1  }
0x5db: {  	[tilespmem:v17+s28+$0x0] =	vst.idx.msk $0xffff, v16  }
0x5dc: {  	v16 =	vadd.s32 s6, v0;
	s6 =	sadd.s32 $0x1, s6;
	v19 =	vld.idx.msk [tilespmem:v19+s22+$0x0], $0xffff  }
0x5dd: {  	v17 =	vand.u32 $0xF, v16;
	v18 =	vor.u32 v15, v18  }
0x5de: {  	v20 =	vor.u32 v1, v17;
	_ =	sdelay $0x3  }
0x5df: {  	v43 =	vshll.u32 v17, $0x7;
	[tilespmem:v18+s28+$0x0] =	vst.idx.msk $0xffff, v19  }
0x5e0: {  	v44 =	vor.u32 v0, v43;
	v19 =	vld.idx.msk [tilespmem:v20+s22+$0x0], $0xffff  }
0x5e1: {  	v21 =	vor.u32 v2, v17;
	_ =	sdelay $0x3  }
0x5e2: {  	[tilespmem:v44+s28+$0x0] =	vst.idx.msk $0xffff, v19  }
0x5e3: {  	v45 =	vor.u32 v3, v43;
	v19 =	vld.idx.msk [tilespmem:v21+s22+$0x0], $0xffff  }
0x5e4: {  	v46 =	vor.u32 v4, v17;
	_ =	sdelay $0x3  }
0x5e5: {  	[tilespmem:v45+s28+$0x0] =	vst.idx.msk $0xffff, v19  }
0x5e6: {  	v47 =	vor.u32 v5, v43;
	v19 =	vld.idx.msk [tilespmem:v46+s22+$0x0], $0xffff  }
0x5e7: {  	v48 =	vor.u32 v6, v17;
	_ =	sdelay $0x3  }
0x5e8: {  	[tilespmem:v47+s28+$0x0] =	vst.idx.msk $0xffff, v19  }
0x5e9: {  	v49 =	vor.u32 v7, v43;
	v19 =	vld.idx.msk [tilespmem:v48+s22+$0x0], $0xffff  }
0x5ea: {  	v50 =	vor.u32 v8, v17;
	_ =	sdelay $0x3  }
0x5eb: {  	[tilespmem:v49+s28+$0x0] =	vst.idx.msk $0xffff, v19  }
0x5ec: {  	v51 =	vor.u32 v9, v43;
	v19 =	vld.idx.msk [tilespmem:v50+s22+$0x0], $0xffff  }
0x5ed: {  	v52 =	vor.u32 v10, v17;
	_ =	sdelay $0x3  }
0x5ee: {  	[tilespmem:v51+s28+$0x0] =	vst.idx.msk $0xffff, v19  }
0x5ef: {  	v53 =	vor.u32 v11, v43;
	v19 =	vld.idx.msk [tilespmem:v52+s22+$0x0], $0xffff  }
0x5f0: {  	v54 =	vor.u32 v12, v17;
	_ =	sdelay $0x3  }
0x5f1: {  	[tilespmem:v53+s28+$0x0] =	vst.idx.msk $0xffff, v19  }
0x5f2: {  	v55 =	vor.u32 v13, v43;
	v19 =	vld.idx.msk [tilespmem:v54+s22+$0x0], $0xffff  }
0x5f3: {  	v56 =	vor.u32 v14, v17;
	_ =	sdelay $0x3  }
0x5f4: {  	v57 =	vor.u32 $0x10, v16;
	[tilespmem:v55+s28+$0x0] =	vst.idx.msk $0xffff, v19  }
0x5f5: {  	v58 =	vand.u32 $0x1F, v57;
	v18 =	vor.u32 v15, v43;
	v20 =	vld.idx.msk [tilespmem:v56+s22+$0x0], $0xffff  }
0x5f6: {  	v22 =	vor.u32 v1, v58;
	_ =	sdelay $0x3  }
0x5f7: {  	v59 =	vshll.u32 v57, $0x7;
	[tilespmem:v18+s28+$0x0] =	vst.idx.msk $0xffff, v20  }
0x5f8: {  	v61 =	vor.u32 v0, v59;
	v60 =	vld.idx.msk [tilespmem:v22+s22+$0x0], $0xffff  }
0x5f9: {  	v62 =	vor.u32 v2, v58;
	_ =	sdelay $0x3  }
0x5fa: {  	[tilespmem:v61+s28+$0x0] =	vst.idx.msk $0xffff, v60  }
0x5fb: {  	v63 =	vor.u32 v3, v59;
	v19 =	vld.idx.msk [tilespmem:v62+s22+$0x0], $0xffff  }
0x5fc: {  	v24 =	vor.u32 v4, v58;
	_ =	sdelay $0x3  }
0x5fd: {  	[tilespmem:v63+s28+$0x0] =	vst.idx.msk $0xffff, v19  }
0x5fe: {  	v25 =	vor.u32 v5, v59;
	v19 =	vld.idx.msk [tilespmem:v24+s22+$0x0], $0xffff  }
0x5ff: {  	v26 =	vor.u32 v6, v58;
	_ =	sdelay $0x3  }
0x600: {  	[tilespmem:v25+s28+$0x0] =	vst.idx.msk $0xffff, v19  }
0x601: {  	v27 =	vor.u32 v7, v59;
	v19 =	vld.idx.msk [tilespmem:v26+s22+$0x0], $0xffff  }
0x602: {  	v28 =	vor.u32 v8, v58;
	_ =	sdelay $0x3  }
0x603: {  	[tilespmem:v27+s28+$0x0] =	vst.idx.msk $0xffff, v19  }
0x604: {  	v29 =	vor.u32 v9, v59;
	v19 =	vld.idx.msk [tilespmem:v28+s22+$0x0], $0xffff  }
0x605: {  	v30 =	vor.u32 v10, v58;
	_ =	sdelay $0x3  }
0x606: {  	[tilespmem:v29+s28+$0x0] =	vst.idx.msk $0xffff, v19  }
0x607: {  	v31 =	vor.u32 v11, v59;
	v19 =	vld.idx.msk [tilespmem:v30+s22+$0x0], $0xffff  }
0x608: {  	v32 =	vor.u32 v12, v58;
	_ =	sdelay $0x3  }
0x609: {  	[tilespmem:v31+s28+$0x0] =	vst.idx.msk $0xffff, v19  }
0x60a: {  	v33 =	vor.u32 v13, v59;
	v19 =	vld.idx.msk [tilespmem:v32+s22+$0x0], $0xffff  }
0x60b: {  	v21 =	vor.u32 v14, v58;
	_ =	sdelay $0x2  }
0x60c: {  	v17 =	vor.u32 $0x20, v17  }
0x60d: {  	v34 =	vand.u32 $0x7, v16;
	v35 =	vand.u32 $0x28, v17;
	[tilespmem:v33+s28+$0x0] =	vst.idx.msk $0xffff, v19  }
0x60e: {  	v18 =	vor.u32 v15, v59;
	v19 =	vor.u32 v34, v35;
	v21 =	vld.idx.msk [tilespmem:v21+s22+$0x0], $0xffff  }
0x60f: {  	v20 =	vor.u32 v1, v19;
	_ =	sdelay $0x3  }
0x610: {  	v17 =	vshll.u32 v17, $0x7;
	[tilespmem:v18+s28+$0x0] =	vst.idx.msk $0xffff, v21  }
0x611: {  	v36 =	vor.u32 v0, v17;
	v18 =	vld.idx.msk [tilespmem:v20+s22+$0x0], $0xffff  }
0x612: {  	v37 =	vor.u32 v2, v19;
	_ =	sdelay $0x3  }
0x613: {  	[tilespmem:v36+s28+$0x0] =	vst.idx.msk $0xffff, v18  }
0x614: {  	v38 =	vor.u32 v3, v17;
	v18 =	vld.idx.msk [tilespmem:v37+s22+$0x0], $0xffff  }
0x615: {  	v39 =	vor.u32 v4, v19;
	_ =	sdelay $0x3  }
0x616: {  	[tilespmem:v38+s28+$0x0] =	vst.idx.msk $0xffff, v18  }
0x617: {  	v40 =	vor.u32 v5, v17;
	v18 =	vld.idx.msk [tilespmem:v39+s22+$0x0], $0xffff  }
0x618: {  	v41 =	vor.u32 v6, v19;
	_ =	sdelay $0x3  }
0x619: {  	[tilespmem:v40+s28+$0x0] =	vst.idx.msk $0xffff, v18  }
0x61a: {  	v42 =	vor.u32 v7, v17;
	v18 =	vld.idx.msk [tilespmem:v41+s22+$0x0], $0xffff  }
0x61b: {  	v43 =	vor.u32 v8, v19;
	_ =	sdelay $0x3  }
0x61c: {  	[tilespmem:v42+s28+$0x0] =	vst.idx.msk $0xffff, v18  }
0x61d: {  	v44 =	vor.u32 v9, v17;
	v18 =	vld.idx.msk [tilespmem:v43+s22+$0x0], $0xffff  }
0x61e: {  	v45 =	vor.u32 v10, v19;
	_ =	sdelay $0x3  }
0x61f: {  	[tilespmem:v44+s28+$0x0] =	vst.idx.msk $0xffff, v18  }
0x620: {  	v46 =	vor.u32 v11, v17;
	v18 =	vld.idx.msk [tilespmem:v45+s22+$0x0], $0xffff  }
0x621: {  	v47 =	vor.u32 v12, v19;
	_ =	sdelay $0x3  }
0x622: {  	[tilespmem:v46+s28+$0x0] =	vst.idx.msk $0xffff, v18  }
0x623: {  	v48 =	vor.u32 v13, v17;
	v18 =	vld.idx.msk [tilespmem:v47+s22+$0x0], $0xffff  }
0x624: {  	v19 =	vor.u32 v14, v19;
	_ =	sdelay $0x3  }
0x625: {  	v16 =	vor.u32 $0x30, v16;
	[tilespmem:v48+s28+$0x0] =	vst.idx.msk $0xffff, v18  }
0x626: {  	v17 =	vor.u32 v15, v17;
	v49 =	vand.u32 $0x3F, v16;
	v18 =	vld.idx.msk [tilespmem:v19+s22+$0x0], $0xffff  }
0x627: {  	v50 =	vor.u32 v1, v49;
	_ =	sdelay $0x3  }
0x628: {  	v16 =	vshll.u32 v16, $0x7;
	[tilespmem:v17+s28+$0x0] =	vst.idx.msk $0xffff, v18  }
0x629: {  	v51 =	vor.u32 v0, v16;
	v17 =	vld.idx.msk [tilespmem:v50+s22+$0x0], $0xffff  }
0x62a: {  	v52 =	vor.u32 v2, v49;
	_ =	sdelay $0x3  }
0x62b: {  	[tilespmem:v51+s28+$0x0] =	vst.idx.msk $0xffff, v17  }
0x62c: {  	v53 =	vor.u32 v3, v16;
	v17 =	vld.idx.msk [tilespmem:v52+s22+$0x0], $0xffff  }
0x62d: {  	v54 =	vor.u32 v4, v49;
	_ =	sdelay $0x3  }
0x62e: {  	[tilespmem:v53+s28+$0x0] =	vst.idx.msk $0xffff, v17  }
0x62f: {  	v55 =	vor.u32 v5, v16;
	v17 =	vld.idx.msk [tilespmem:v54+s22+$0x0], $0xffff  }
0x630: {  	v56 =	vor.u32 v6, v49;
	_ =	sdelay $0x3  }
0x631: {  	[tilespmem:v55+s28+$0x0] =	vst.idx.msk $0xffff, v17  }
0x632: {  	v57 =	vor.u32 v7, v16;
	v17 =	vld.idx.msk [tilespmem:v56+s22+$0x0], $0xffff  }
0x633: {  	v58 =	vor.u32 v8, v49;
	_ =	sdelay $0x3  }
0x634: {  	[tilespmem:v57+s28+$0x0] =	vst.idx.msk $0xffff, v17  }
0x635: {  	v59 =	vor.u32 v9, v16;
	v17 =	vld.idx.msk [tilespmem:v58+s22+$0x0], $0xffff  }
0x636: {  	v60 =	vor.u32 v10, v49;
	_ =	sdelay $0x3  }
0x637: {  	[tilespmem:v59+s28+$0x0] =	vst.idx.msk $0xffff, v17  }
0x638: {  	v61 =	vor.u32 v11, v16;
	v17 =	vld.idx.msk [tilespmem:v60+s22+$0x0], $0xffff  }
0x639: {  	v62 =	vor.u32 v12, v49;
	_ =	sdelay $0x3  }
0x63a: {  	[tilespmem:v61+s28+$0x0] =	vst.idx.msk $0xffff, v17  }
0x63b: {  	v63 =	vor.u32 v13, v16;
	v17 =	vld.idx.msk [tilespmem:v62+s22+$0x0], $0xffff  }
0x63c: {  	v19 =	vor.u32 v14, v49;
	_ =	sdelay $0x3  }
0x63d: {  	[tilespmem:v63+s28+$0x0] =	vst.idx.msk $0xffff, v17  }
0x63e: {  	v16 =	vor.u32 v15, v16;
	v17 =	vld.idx.msk [tilespmem:v19+s22+$0x0], $0xffff  }
0x63f: {  	s1 =	sadd.s32 s5, s1  }
0x640: {  	s6 =	sshll.u32 s1, $0xA;
	s1 =	sshll.u32 s1, $0x7  }
0x641: {  	s6 =	sand.u32 $0xFFE0000, s6;
	s1 =	sand.u32 $0x3F80, s1  }
0x642: {  	s1 =	sor.u32 s1, s6  }
0x643: {  	s6 =	sadd.s32 s2, s1;
	[tilespmem:v16+s28+$0x0] =	vst.idx.msk $0xffff, v17  }
0x644: {  	[hbm4b:s6+s3] =	stream.linear.scatter [tilespmem:s28], [sflag:$0x8], $0x400, $0x38;
	[tilespmem:$0x1E400] =	vst v63  }
0x645: {  	s14 =	simm.s32 $0x1C800;
	s21 =	sadd.s32 s1, s7  }
0x646: {  	[hbm4b:s21+s3] =	stream.linear.scatter [tilespmem:s14], [sflag:$0x8], $0x400, $0x38;
	[tilespmem:$0x1E400] =	vst v63  }
0x647: {  	s15 =	sadd.s32 s1, s8;
	s21 =	simm.s32 $0x1CC00  }
0x648: {  	[hbm4b:s15+s3] =	stream.linear.scatter [tilespmem:s21], [sflag:$0x8], $0x400, $0x38;
	[tilespmem:$0x1E400] =	vst v63  }
0x649: {  	s15 =	sadd.s32 s1, s9;
	s21 =	simm.s32 $0x1D000  }
0x64a: {  	[hbm4b:s15+s3] =	stream.linear.scatter [tilespmem:s21], [sflag:$0x8], $0x400, $0x38;
	[tilespmem:$0x1E400] =	vst v63  }
0x64b: {  	s15 =	sadd.s32 s1, s10;
	s21 =	simm.s32 $0x1D400  }
0x64c: {  	[hbm4b:s15+s3] =	stream.linear.scatter [tilespmem:s21], [sflag:$0x8], $0x400, $0x38;
	[tilespmem:$0x1E400] =	vst v63  }
0x64d: {  	s15 =	sadd.s32 s1, s11;
	s21 =	simm.s32 $0x1D800  }
0x64e: {  	[hbm4b:s15+s3] =	stream.linear.scatter [tilespmem:s21], [sflag:$0x8], $0x400, $0x38;
	[tilespmem:$0x1E400] =	vst v63  }
.Ltmp6:
0x64f: {  	_ = 	snop;
	(pc) =	sbr.rel @p1 .LBB2_12-.Ltmp6, $4  }
0x650: {  	s15 =	sadd.s32 s1, s12;
	s21 =	simm.s32 $0x1DC00  }
0x651: {  	[hbm4b:s15+s3] =	stream.linear.scatter [tilespmem:s21], [sflag:$0x8], $0x400, $0x38;
	[tilespmem:$0x1E400] =	vst v63  }
0x652: {  	s1 =	sadd.s32 s1, s13  }
0x653: {  	[hbm4b:s1+s3] =	stream.linear.scatter [tilespmem:s25], [sflag:$0x8], $0x400, $0x38;
	[tilespmem:$0x1E400] =	vst v63  }
.Ltmp7:
0x654: {  	(pc) =	sbr.rel .LBB2_2-.Ltmp7, $4  }
0x655: {  	s1 =	sshll.u32 s31, $0x9  }
0x656: {  	s1 =	sand.u32 $0x3FFFFE00, s1  }
0x657: {  	s31 =	sadd.s32 $0x1, s31;
	s1 =	sadd.s32 $0x380, s1  }
0x658: {  	[tilespmem:s22], [sflag:$0x4] =	stream.indirect.gather [hbm4b:s4+s16], $0x80, s1, s16, $0xb8;
	[tilespmem:$0x1E400] =	vst v63  }
.LBB2_13:
0x659: {  	_ =	sfence.sel $0x180000  }
0x65a: {  	[bflag:$0x0] =	sbarrier.arrive $0xFFFF  }
0x65b: {  	_ =	strace $0x90000047  }
0x65c: {  	s0 =	stileid.u32;
	[bflag:$0x2] =	sbarrier.arrive $0xFFFF  }
0x65d: {  	p0 =	sne.s32 s0, $0x0;
	s0 =	rddreg [dreg:$0x2]  }
0x65e: {  	s0 =	sadd.s32 @!p0 $0x100000, s0  }
0x65f: {  	[sflag:s0] =	ssyncadd.tile.s32 @!p0 $0x1;
	_ =	shalt  }
.Lfunc_end2:
_tile_overlayer_lowered:
.L_overlay_start_2:
0x660: {  	(tag) =	ssettag $0x2  }
0x661: {  	s0 =	rddreg [dreg:$0x0];
	s2 =	stileid.u32  }
0x662: {  	s1 =	rddreg [dreg:$0x1];
	p0 =	sne.s32 s2, $0x0  }
0x663: {  	s3 =	rddreg [dreg:$0x2];
	[bflag:$0x3] =	sbarrier.arrive $0xFFFF;
	s2 =	simm.s32 @!p0 $0x1C09  }
0x664: {  	[timem:s3], [sflag:s2] =	dma.local @!p0 [hbm:s0], s1  }
0x665: {  	s0 =	simm.s32 @!p0 $0x9  }
0x666: {  	_ =	swait.ge @!p0 [sflag:s0], s1  }
0x667: {  	s1 =	ssub.s32 @!p0 $0x0, s1;
	[sflag:s0] =	ssyncset.done @!p0 $0x0  }
0x668: {  	[sflag:s0] =	ssyncadd.s32 @!p0 s1  }
0x669: {  	[bflag:$0x3] =	sbarrier.arrive $0xFFFF  }
0x66a: {  	_ =	shalt  }

</sc_bundles>
